<compile_context>
chip_gen: v7x
topology: tpu7x:2x2x1
jax: 0.10.2.dev20260603
libtpu: 0.0.44.dev20260713+nightly
codegen_flags: <defaults>
</compile_context>

<pallas_src>
import functools

import jax
import jax.numpy as jnp
from jax import lax
from jax.experimental import pallas as pl
from jax.experimental.pallas import tpu as pltpu
from jax.experimental.pallas import tpu_sc as plsc

_N = 10000
_DEG = 32
_D = 128
_NC = 2
_NS = 16
_NW = _NC * _NS
_NPW = 320
_NPAD = _NW * _NPW
_CHUNKS = (128, 128, 64)
_OFFS = (0, 128, 256)
_CHMAX = 128
_NCH = len(_CHUNKS)


def _sc_gather_sum(x, nbrt):
    mesh = plsc.VectorSubcoreMesh(core_axis_name="c", subcore_axis_name="s")

    @functools.partial(
        pl.kernel,
        out_type=jax.ShapeDtypeStruct((_NPAD, _D), jnp.float32),
        mesh=mesh,
        scratch_types=[
            pltpu.VMEM((_DEG, _NPW), jnp.int32),
            pltpu.VMEM((_CHMAX, _D), jnp.float32),
            pltpu.VMEM((_CHMAX, _D), jnp.float32),
            pltpu.VMEM_SHARED((_N, _D), jnp.float32),
            pltpu.SemaphoreType.DMA,
            pltpu.SemaphoreType.DMA,
            pltpu.SemaphoreType.DMA,
        ],
    )
    def body(x_hbm, nbrt_hbm, out_hbm, idx_v, acc0, acc1, xs, g0, g1, osem):
        wid = lax.axis_index("s") * _NC + lax.axis_index("c")
        base = wid * _NPW
        sid = lax.axis_index("s")

        @pl.when(sid < _NS - 1)
        def _stage():
            pltpu.sync_copy(x_hbm.at[pl.ds(sid * 624, 624)],
                            xs.at[pl.ds(sid * 624, 624)])

        @pl.when(sid == _NS - 1)
        def _stage_last():
            pltpu.sync_copy(x_hbm.at[pl.ds(15 * 624, _N - 15 * 624)],
                            xs.at[pl.ds(15 * 624, _N - 15 * 624)])
        pltpu.sync_copy(nbrt_hbm.at[:, wid], idx_v)
        plsc.subcore_barrier()

        accs = (acc0, acc1)
        gsems = (g0, g1)
        zero = jnp.zeros((16,), jnp.float32)

        def zero_chunk(buf, rows):
            @pl.loop(0, rows * (_D // 16), unroll=8)
            def _z(i):
                buf[i // (_D // 16), pl.ds((i % (_D // 16)) * 16, 16)] = zero

        def fire(c):
            buf, n = accs[c % 2], _CHUNKS[c]
            dst = buf.at[pl.ds(0, n)] if n != _CHMAX else buf
            return [
                pltpu.async_copy(
                    xs.at[idx_v.at[j, pl.ds(_OFFS[c], n)]], dst,
                    gsems[c % 2], add=True)
                for j in range(_DEG)
            ]

        def writeout(c):
            buf, n = accs[c % 2], _CHUNKS[c]
            src = buf.at[pl.ds(0, n)] if n != _CHMAX else buf
            return pltpu.async_copy(
                src, out_hbm.at[pl.ds(base + _OFFS[c], n)], osem)

        outs = {}
        zero_chunk(accs[0], _CHUNKS[0])
        pend = fire(0)
        for c in range(1, _NCH):
            if c >= 2:
                outs[c - 2].wait()
            zero_chunk(accs[c % 2], _CHUNKS[c])
            nxt = fire(c)
            for cp in pend:
                cp.wait()
            outs[c - 1] = writeout(c - 1)
            pend = nxt
        for cp in pend:
            cp.wait()
        outs[_NCH - 1] = writeout(_NCH - 1)
        outs[_NCH - 2].wait()
        outs[_NCH - 1].wait()

    return body(x, nbrt)


def _tc_pre(x, Wg, Ws, bias):
    br = 1024
    grid = (_N + br - 1) // br

    def body(x_ref, wg_ref, ws_ref, b_ref, o_ref):
        wsum = (wg_ref[...] + ws_ref[...]).astype(jnp.bfloat16)
        a = lax.dot_general(x_ref[...].astype(jnp.bfloat16), wsum,
                            (((1,), (1,)), ((), ())),
                            preferred_element_type=jnp.float32)
        o_ref[...] = (a + b_ref[...]).astype(jnp.bfloat16)

    return pl.pallas_call(
        body,
        grid=(grid,),
        in_specs=[
            pl.BlockSpec((br, _D), lambda i: (i, 0)),
            pl.BlockSpec((_D, _D), lambda i: (0, 0)),
            pl.BlockSpec((_D, _D), lambda i: (0, 0)),
            pl.BlockSpec((1, _D), lambda i: (0, 0)),
        ],
        out_specs=pl.BlockSpec((br, _D), lambda i: (i, 0)),
        out_shape=jax.ShapeDtypeStruct((_N, _D), jnp.bfloat16),
    )(x, Wg, Ws, bias.reshape(1, _D))


def _tc_post(ns, y0, Wl):
    br = 1024
    grid = (_N + br - 1) // br

    def body(ns_ref, y0_ref, wl_ref, o_ref):
        nm = (ns_ref[...] * (1.0 / _DEG)).astype(jnp.bfloat16)
        a = y0_ref[...] + lax.dot_general(
            nm, wl_ref[...].astype(jnp.bfloat16), (((1,), (1,)), ((), ())),
            preferred_element_type=jnp.float32)
        o_ref[...] = jnp.where(a > 0, a, jnp.exp(a) - 1.0)

    return pl.pallas_call(
        body,
        grid=(grid,),
        in_specs=[
            pl.BlockSpec((br, _D), lambda i: (i, 0)),
            pl.BlockSpec((br, _D), lambda i: (i, 0)),
            pl.BlockSpec((_D, _D), lambda i: (0, 0)),
        ],
        out_specs=pl.BlockSpec((br, _D), lambda i: (i, 0)),
        out_shape=jax.ShapeDtypeStruct((_N, _D), jnp.float32),
    )(ns, y0, Wl)


def kernel(x, edge_index, neighbor_flat, Wg, Wl, Ws, bias):
    del edge_index
    nbr = neighbor_flat.astype(jnp.int32).reshape(_N, _DEG).T
    nbrt = jnp.pad(nbr, ((0, 0), (0, _NPAD - _N)))
    nbrt = nbrt.reshape(_DEG, _NW, _NPW)
    ns = _sc_gather_sum(x, nbrt)
    y0 = _tc_pre(x, Wg, Ws, bias)
    return _tc_post(ns, y0, Wl)

# --- scband reference (transcript-rebuilt; emitter-appended) ---
"""Pipeline reference for scband-demoweight-layer-3083786518799 (READ-ONLY COPY).

The authoritative reference and input builder live on the scoring server;
editing this copy changes nothing except your own understanding.
"""

import jax, jax.numpy as jnp
import numpy as np

N = 10000   # n_nodes
DEG = 32    # uniform degree (single degree group)
D = 128     # in_dim == out_dim


def setup_inputs(seed: int = 0) -> dict:
    key = jax.random.key(seed)
    k1, k2, k3, k4, k5, k6 = jax.random.split(key, 6)
    x = jax.random.normal(k1, (N, D), dtype=jnp.float32)
    edge_index = jax.random.randint(k2, (2, N * DEG), 0, N, dtype=jnp.int64 if jax.config.jax_enable_x64 else jnp.int32)
    # flat neighbor list for the single degree group (deg=DEG, ids=arange(N))
    neighbor_flat = jax.random.randint(k3, (N * DEG,), 0, N, dtype=jnp.int64 if jax.config.jax_enable_x64 else jnp.int32)
    scale = 1.0 / np.sqrt(D)
    Wg = jax.random.normal(k4, (D, D), dtype=jnp.float32) * scale  # global_lin weight
    Wl = jax.random.normal(k5, (D, D), dtype=jnp.float32) * scale  # local_lin weight
    Ws = jax.random.normal(k6, (D, D), dtype=jnp.float32) * scale  # self_lin weight
    bias = jnp.zeros((D,), dtype=jnp.float32)
    return {"x": x, "edge_index": edge_index, "neighbor_flat": neighbor_flat,
            "Wg": Wg, "Wl": Wl, "Ws": Ws, "bias": bias}


def reference(x, edge_index, neighbor_flat, Wg, Wl, Ws, bias):
    # DEMO-Net weight layer, single degree group (deg=DEG, ids = all nodes).
    global_out = x @ Wg.T
    # mean over each node's DEG neighbors (gather -> reshape -> mean)
    neigh_x = jnp.take(x, neighbor_flat, axis=0).reshape(N, DEG, D).mean(axis=1)
    local_out = neigh_x @ Wl.T
    self_out = x @ Ws.T
    out_all = local_out + self_out + global_out
    out_all = out_all + bias
    # dropout is identity in eval mode (training=False)
    return jax.nn.elu(out_all)

if __name__ == "__main__":
    import jax
    _d = setup_inputs()
    print(jax.jit(kernel)(*tuple(_d.values())))

</pallas_src>

<mosaic_0001>
#map = affine_map<(d0, d1) -> (0, 0)>
#map1 = affine_map<(d0, d1) -> (0, 0, 0)>
module attributes {stable_mosaic.version = 14 : i64} {
  func.func @body(%arg0: i32, %arg1: i32, %arg2: memref<10000x128xf32, #tpu.memory_space<hbm>>, %arg3: memref<32x32x320xi32, #tpu.memory_space<hbm>>, %arg4: memref<10240x128xf32, #tpu.memory_space<hbm>>, %arg5: memref<32x320xi32, #tpu.memory_space<vmem>>, %arg6: memref<128x128xf32, #tpu.memory_space<vmem>>, %arg7: memref<128x128xf32, #tpu.memory_space<vmem>>, %arg8: memref<10000x128xf32, #tpu.memory_space<vmem_shared>>, %arg9: memref<!tpu.dma_semaphore, #tpu.memory_space<semaphore_mem>>, %arg10: memref<!tpu.dma_semaphore, #tpu.memory_space<semaphore_mem>>, %arg11: memref<!tpu.dma_semaphore, #tpu.memory_space<semaphore_mem>>) attributes {dimension_semantics = [#tpu.dimension_semantics<core_parallel>, #tpu.dimension_semantics<subcore_parallel>], iteration_bounds = array<i64: 2, 16>, scalar_prefetch = 0 : i64, scratch_operands = 7 : i64, tpu.core_type = #tpu.core_type<sc_vector_subcore>, window_params = [{transform_indices = #map}, {transform_indices = #map1}, {transform_indices = #map}]} {
    %mul3A = arith.constant 2 : i32
    %mul3A_0 = arith.muli %arg1, %mul3A : i32
    %add3A = arith.addi %mul3A_0, %arg0 : i32
    %mul3A_1 = arith.constant 320 : i32
    %mul3A_2 = arith.muli %add3A, %mul3A_1 : i32
    %lt3A = arith.constant 15 : i32
    %lt3A_3 = arith.cmpi slt, %arg1, %lt3A : i32
    %convert_element_type3A = arith.extui %lt3A_3 : i1 to i32
    %cond3A = arith.constant 0 : i32
    %cond3A_4 = arith.cmpi ne, %convert_element_type3A, %cond3A : i32
    scf.if %cond3A_4 {
      %mul3A_1600 = arith.constant 624 : i32
      %mul3A_1601 = arith.muli %arg1, %mul3A_1600 : i32
      %mul3A_1602 = arith.constant 624 : i32
      %mul3A_1603 = arith.muli %arg1, %mul3A_1602 : i32
      "tpu.region"() ({
        %run_scoped3A = tpu.sem_alloc : memref<!tpu.dma_semaphore, #tpu.memory_space<semaphore_mem>>
        %dma_start3A_1604 = arith.constant 0 : i32
        %dma_start3A_1605 = tpu.memref_slice %arg8[%mul3A_1603, %dma_start3A_1604] : memref<10000x128xf32, #tpu.memory_space<vmem_shared>> -> memref<624x128xf32, #tpu.memory_space<vmem_shared>>
        %dma_start3A_1606 = arith.constant 0 : i32
        %dma_start3A_1607 = tpu.memref_slice %arg2[%mul3A_1601, %dma_start3A_1606] : memref<10000x128xf32, #tpu.memory_space<hbm>> -> memref<624x128xf32, #tpu.memory_space<hbm>>
        tpu.enqueue_dma source(%dma_start3A_1607 : memref<624x128xf32, #tpu.memory_space<hbm>>) target(%dma_start3A_1605 : memref<624x128xf32, #tpu.memory_space<vmem_shared>>) target_semaphore(%run_scoped3A : memref<!tpu.dma_semaphore, #tpu.memory_space<semaphore_mem>>)
        %dma_wait3A_1608 = arith.constant 0 : i32
        %dma_wait3A_1609 = tpu.memref_slice %arg8[%mul3A_1603, %dma_wait3A_1608] : memref<10000x128xf32, #tpu.memory_space<vmem_shared>> -> memref<624x128xf32, #tpu.memory_space<vmem_shared>>
        %dma_wait3A_1610 = arith.constant 0 : i32
        %dma_wait3A_1611 = tpu.memref_slice %arg2[%mul3A_1601, %dma_wait3A_1610] : memref<10000x128xf32, #tpu.memory_space<hbm>> -> memref<624x128xf32, #tpu.memory_space<hbm>>
        tpu.wait_dma2 semaphore(%run_scoped3A : memref<!tpu.dma_semaphore, #tpu.memory_space<semaphore_mem>>) src(%dma_wait3A_1611 : memref<624x128xf32, #tpu.memory_space<hbm>>) dst(%dma_wait3A_1609 : memref<624x128xf32, #tpu.memory_space<vmem_shared>>)
        tpu.yield
      }) : () -> ()
    } else {
    }
    %eq3A = arith.constant 15 : i32
    %eq3A_5 = arith.cmpi eq, %arg1, %eq3A : i32
    %convert_element_type3A_6 = arith.extui %eq3A_5 : i1 to i32
    %cond3A_7 = arith.constant 0 : i32
    %cond3A_8 = arith.cmpi ne, %convert_element_type3A_6, %cond3A_7 : i32
    scf.if %cond3A_8 {
      "tpu.region"() ({
        %run_scoped3A = tpu.sem_alloc : memref<!tpu.dma_semaphore, #tpu.memory_space<semaphore_mem>>
        %dma_start3A_1600 = arith.constant 9360 : i32
        %dma_start3A_1601 = arith.constant 0 : i32
        %dma_start3A_1602 = tpu.memref_slice %arg8[%dma_start3A_1600, %dma_start3A_1601] : memref<10000x128xf32, #tpu.memory_space<vmem_shared>> -> memref<640x128xf32, #tpu.memory_space<vmem_shared>>
        %dma_start3A_1603 = arith.constant 9360 : i32
        %dma_start3A_1604 = arith.constant 0 : i32
        %dma_start3A_1605 = tpu.memref_slice %arg2[%dma_start3A_1603, %dma_start3A_1604] : memref<10000x128xf32, #tpu.memory_space<hbm>> -> memref<640x128xf32, #tpu.memory_space<hbm>>
        tpu.enqueue_dma source(%dma_start3A_1605 : memref<640x128xf32, #tpu.memory_space<hbm>>) target(%dma_start3A_1602 : memref<640x128xf32, #tpu.memory_space<vmem_shared>>) target_semaphore(%run_scoped3A : memref<!tpu.dma_semaphore, #tpu.memory_space<semaphore_mem>>)
        %dma_wait3A_1606 = arith.constant 9360 : i32
        %dma_wait3A_1607 = arith.constant 0 : i32
        %dma_wait3A_1608 = tpu.memref_slice %arg8[%dma_wait3A_1606, %dma_wait3A_1607] : memref<10000x128xf32, #tpu.memory_space<vmem_shared>> -> memref<640x128xf32, #tpu.memory_space<vmem_shared>>
        %dma_wait3A_1609 = arith.constant 9360 : i32
        %dma_wait3A_1610 = arith.constant 0 : i32
        %dma_wait3A_1611 = tpu.memref_slice %arg2[%dma_wait3A_1609, %dma_wait3A_1610] : memref<10000x128xf32, #tpu.memory_space<hbm>> -> memref<640x128xf32, #tpu.memory_space<hbm>>
        tpu.wait_dma2 semaphore(%run_scoped3A : memref<!tpu.dma_semaphore, #tpu.memory_space<semaphore_mem>>) src(%dma_wait3A_1611 : memref<640x128xf32, #tpu.memory_space<hbm>>) dst(%dma_wait3A_1608 : memref<640x128xf32, #tpu.memory_space<vmem_shared>>)
        tpu.yield
      }) : () -> ()
    } else {
    }
    "tpu.region"() ({
      %run_scoped3A = tpu.sem_alloc : memref<!tpu.dma_semaphore, #tpu.memory_space<semaphore_mem>>
      %dma_start3A_1600 = arith.constant 0 : i32
      %dma_start3A_1601 = arith.constant 0 : i32
      %dma_start3A_1602 = tpu.memref_slice %arg3[%dma_start3A_1600, %add3A, %dma_start3A_1601] : memref<32x32x320xi32, #tpu.memory_space<hbm>> -> memref<32x1x320xi32, #tpu.memory_space<hbm>>
      %dma_start3A_1603 = tpu.memref_squeeze %dma_start3A_1602 : memref<32x1x320xi32, #tpu.memory_space<hbm>> -> memref<32x320xi32, #tpu.memory_space<hbm>>
      %dma_start3A_1604 = arith.constant 0 : i32
      %dma_start3A_1605 = arith.constant 0 : i32
      %dma_start3A_1606 = tpu.memref_slice %arg3[%dma_start3A_1604, %add3A, %dma_start3A_1605] : memref<32x32x320xi32, #tpu.memory_space<hbm>> -> memref<32x1x320xi32, #tpu.memory_space<hbm>>
      %dma_start3A_1607 = tpu.memref_squeeze %dma_start3A_1606 : memref<32x1x320xi32, #tpu.memory_space<hbm>> -> memref<32x320xi32, #tpu.memory_space<hbm>>
      tpu.enqueue_dma source(%dma_start3A_1607 : memref<32x320xi32, #tpu.memory_space<hbm>>) target(%arg5 : memref<32x320xi32, #tpu.memory_space<vmem>>) target_semaphore(%run_scoped3A : memref<!tpu.dma_semaphore, #tpu.memory_space<semaphore_mem>>)
      %dma_wait3A_1608 = arith.constant 0 : i32
      %dma_wait3A_1609 = arith.constant 0 : i32
      %dma_wait3A_1610 = tpu.memref_slice %arg3[%dma_wait3A_1608, %add3A, %dma_wait3A_1609] : memref<32x32x320xi32, #tpu.memory_space<hbm>> -> memref<32x1x320xi32, #tpu.memory_space<hbm>>
      %dma_wait3A_1611 = tpu.memref_squeeze %dma_wait3A_1610 : memref<32x1x320xi32, #tpu.memory_space<hbm>> -> memref<32x320xi32, #tpu.memory_space<hbm>>
      %dma_wait3A_1612 = arith.constant 0 : i32
      %dma_wait3A_1613 = arith.constant 0 : i32
      %dma_wait3A_1614 = tpu.memref_slice %arg3[%dma_wait3A_1612, %add3A, %dma_wait3A_1613] : memref<32x32x320xi32, #tpu.memory_space<hbm>> -> memref<32x1x320xi32, #tpu.memory_space<hbm>>
      %dma_wait3A_1615 = tpu.memref_squeeze %dma_wait3A_1614 : memref<32x1x320xi32, #tpu.memory_space<hbm>> -> memref<32x320xi32, #tpu.memory_space<hbm>>
      tpu.wait_dma2 semaphore(%run_scoped3A : memref<!tpu.dma_semaphore, #tpu.memory_space<semaphore_mem>>) src(%dma_wait3A_1615 : memref<32x320xi32, #tpu.memory_space<hbm>>) dst(%arg5 : memref<32x320xi32, #tpu.memory_space<vmem>>)
      tpu.yield
    }) : () -> ()
    %barrier3A = arith.constant 0 : index
    tpu.barrier barrier_id(%barrier3A)
    %broadcast_in_dim3A = arith.constant 0.000000e+00 : f32
    %broadcast_in_dim3A_9 = vector.broadcast %broadcast_in_dim3A : f32 to vector<16xf32>
    %scan3A = arith.constant 0 : i32
    %scan3A_10 = arith.constant 1024 : i32
    %scan3A_11 = arith.addi %scan3A, %scan3A_10 : i32
    %scan3A_12 = arith.constant 8 : i32
    scf.for %scan3A_1600 = %scan3A to %scan3A_11 step %scan3A_12  : i32 {
      %mul3A_1601 = arith.constant 1 : i32
      %mul3A_1602 = arith.muli %scan3A_1600, %mul3A_1601 : i32
      %add3A_1603 = arith.constant 0 : i32
      %add3A_1604 = arith.addi %add3A_1603, %mul3A_1602 : i32
      %jit3A = arith.constant 8 : i32
      %div3A = arith.divsi %add3A_1604, %jit3A : i32
      %sign3A = arith.constant 0 : i32
      %sign3A_1605 = arith.cmpi sgt, %add3A_1604, %sign3A : i32
      %sign3A_1606 = arith.extui %sign3A_1605 : i1 to i32
      %sign3A_1607 = arith.constant 0 : i32
      %sign3A_1608 = arith.cmpi slt, %add3A_1604, %sign3A_1607 : i32
      %sign3A_1609 = arith.extui %sign3A_1608 : i1 to i32
      %sign3A_1610 = arith.subi %sign3A_1606, %sign3A_1609 : i32
      %sign3A_1611 = arith.constant 0 : i32
      %sign3A_1612 = arith.cmpi sgt, %jit3A, %sign3A_1611 : i32
      %sign3A_1613 = arith.extui %sign3A_1612 : i1 to i32
      %sign3A_1614 = arith.constant 0 : i32
      %sign3A_1615 = arith.cmpi slt, %jit3A, %sign3A_1614 : i32
      %sign3A_1616 = arith.extui %sign3A_1615 : i1 to i32
      %sign3A_1617 = arith.subi %sign3A_1613, %sign3A_1616 : i32
      %ne3A = arith.cmpi ne, %sign3A_1610, %sign3A_1617 : i32
      %rem3A = arith.remsi %add3A_1604, %jit3A : i32
      %ne3A_1618 = arith.constant 0 : i32
      %ne3A_1619 = arith.cmpi ne, %rem3A, %ne3A_1618 : i32
      %and3A = arith.andi %ne3A, %ne3A_1619 : i1
      %sub3A = arith.constant 1 : i32
      %sub3A_1620 = arith.subi %div3A, %sub3A : i32
      %select_n3A = arith.select %and3A, %sub3A_1620, %div3A : i32
      %jit3A_1621 = arith.constant 8 : i32
      %eq3A_1622 = arith.constant 0 : i32
      %eq3A_1623 = arith.cmpi eq, %jit3A_1621, %eq3A_1622 : i32
      %jit3A_1624 = arith.constant 1 : i32
      %select_n3A_1625 = arith.select %eq3A_1623, %jit3A_1624, %jit3A_1621 : i32
      %rem3A_1626 = arith.remsi %add3A_1604, %select_n3A_1625 : i32
      %ne3A_1627 = arith.constant 0 : i32
      %ne3A_1628 = arith.cmpi ne, %rem3A_1626, %ne3A_1627 : i32
      %lt3A_1629 = arith.constant 0 : i32
      %lt3A_1630 = arith.cmpi slt, %rem3A_1626, %lt3A_1629 : i32
      %lt3A_1631 = arith.constant 0 : i32
      %lt3A_1632 = arith.cmpi slt, %select_n3A_1625, %lt3A_1631 : i32
      %ne3A_1633 = arith.xori %lt3A_1630, %lt3A_1632 : i1
      %and3A_1634 = arith.andi %ne3A_1633, %ne3A_1628 : i1
      %add3A_1635 = arith.addi %rem3A_1626, %select_n3A_1625 : i32
      %select_n3A_1636 = arith.select %and3A_1634, %add3A_1635, %rem3A_1626 : i32
      %mul3A_1637 = arith.constant 16 : i32
      %mul3A_1638 = arith.muli %select_n3A_1636, %mul3A_1637 : i32
      %swap3A = arith.index_cast %select_n3A : i32 to index
      %swap3A_1639 = arith.index_cast %mul3A_1638 : i32 to index
      %swap3A_1640 = tpu.vector_load %arg6[%swap3A, %swap3A_1639] {strides = array<i32>} : memref<128x128xf32, #tpu.memory_space<vmem>>, vector<1x16xf32>,
      %swap3A_1641 = vector.shape_cast %swap3A_1640 : vector<1x16xf32> to vector<16xf32>
      %swap3A_1642 = vector.shape_cast %broadcast_in_dim3A_9 : vector<16xf32> to vector<1x16xf32>
      tpu.vector_store %arg6[%swap3A, %swap3A_1639], %swap3A_1642 {strides = array<i32>} : memref<128x128xf32, #tpu.memory_space<vmem>>, vector<1x16xf32>,
      %scan3A_1643 = arith.constant 1 : i32
      %scan3A_1644 = arith.addi %scan3A_1600, %scan3A_1643 : i32
      %mul3A_1645 = arith.constant 1 : i32
      %mul3A_1646 = arith.muli %scan3A_1644, %mul3A_1645 : i32
      %add3A_1647 = arith.constant 0 : i32
      %add3A_1648 = arith.addi %add3A_1647, %mul3A_1646 : i32
      %jit3A_1649 = arith.constant 8 : i32
      %div3A_1650 = arith.divsi %add3A_1648, %jit3A_1649 : i32
      %sign3A_1651 = arith.constant 0 : i32
      %sign3A_1652 = arith.cmpi sgt, %add3A_1648, %sign3A_1651 : i32
      %sign3A_1653 = arith.extui %sign3A_1652 : i1 to i32
      %sign3A_1654 = arith.constant 0 : i32
      %sign3A_1655 = arith.cmpi slt, %add3A_1648, %sign3A_1654 : i32
      %sign3A_1656 = arith.extui %sign3A_1655 : i1 to i32
      %sign3A_1657 = arith.subi %sign3A_1653, %sign3A_1656 : i32
      %sign3A_1658 = arith.constant 0 : i32
      %sign3A_1659 = arith.cmpi sgt, %jit3A_1649, %sign3A_1658 : i32
      %sign3A_1660 = arith.extui %sign3A_1659 : i1 to i32
      %sign3A_1661 = arith.constant 0 : i32
      %sign3A_1662 = arith.cmpi slt, %jit3A_1649, %sign3A_1661 : i32
      %sign3A_1663 = arith.extui %sign3A_1662 : i1 to i32
      %sign3A_1664 = arith.subi %sign3A_1660, %sign3A_1663 : i32
      %ne3A_1665 = arith.cmpi ne, %sign3A_1657, %sign3A_1664 : i32
      %rem3A_1666 = arith.remsi %add3A_1648, %jit3A_1649 : i32
      %ne3A_1667 = arith.constant 0 : i32
      %ne3A_1668 = arith.cmpi ne, %rem3A_1666, %ne3A_1667 : i32
      %and3A_1669 = arith.andi %ne3A_1665, %ne3A_1668 : i1
      %sub3A_1670 = arith.constant 1 : i32
      %sub3A_1671 = arith.subi %div3A_1650, %sub3A_1670 : i32
      %select_n3A_1672 = arith.select %and3A_1669, %sub3A_1671, %div3A_1650 : i32
      %jit3A_1673 = arith.constant 8 : i32
      %eq3A_1674 = arith.constant 0 : i32
      %eq3A_1675 = arith.cmpi eq, %jit3A_1673, %eq3A_1674 : i32
      %jit3A_1676 = arith.constant 1 : i32
      %select_n3A_1677 = arith.select %eq3A_1675, %jit3A_1676, %jit3A_1673 : i32
      %rem3A_1678 = arith.remsi %add3A_1648, %select_n3A_1677 : i32
      %ne3A_1679 = arith.constant 0 : i32
      %ne3A_1680 = arith.cmpi ne, %rem3A_1678, %ne3A_1679 : i32
      %lt3A_1681 = arith.constant 0 : i32
      %lt3A_1682 = arith.cmpi slt, %rem3A_1678, %lt3A_1681 : i32
      %lt3A_1683 = arith.constant 0 : i32
      %lt3A_1684 = arith.cmpi slt, %select_n3A_1677, %lt3A_1683 : i32
      %ne3A_1685 = arith.xori %lt3A_1682, %lt3A_1684 : i1
      %and3A_1686 = arith.andi %ne3A_1685, %ne3A_1680 : i1
      %add3A_1687 = arith.addi %rem3A_1678, %select_n3A_1677 : i32
      %select_n3A_1688 = arith.select %and3A_1686, %add3A_1687, %rem3A_1678 : i32
      %mul3A_1689 = arith.constant 16 : i32
      %mul3A_1690 = arith.muli %select_n3A_1688, %mul3A_1689 : i32
      %swap3A_1691 = arith.index_cast %select_n3A_1672 : i32 to index
      %swap3A_1692 = arith.index_cast %mul3A_1690 : i32 to index
      %swap3A_1693 = tpu.vector_load %arg6[%swap3A_1691, %swap3A_1692] {strides = array<i32>} : memref<128x128xf32, #tpu.memory_space<vmem>>, vector<1x16xf32>,
      %swap3A_1694 = vector.shape_cast %swap3A_1693 : vector<1x16xf32> to vector<16xf32>
      %swap3A_1695 = vector.shape_cast %broadcast_in_dim3A_9 : vector<16xf32> to vector<1x16xf32>
      tpu.vector_store %arg6[%swap3A_1691, %swap3A_1692], %swap3A_1695 {strides = array<i32>} : memref<128x128xf32, #tpu.memory_space<vmem>>, vector<1x16xf32>,
      %scan3A_1696 = arith.constant 2 : i32
      %scan3A_1697 = arith.addi %scan3A_1600, %scan3A_1696 : i32
      %mul3A_1698 = arith.constant 1 : i32
      %mul3A_1699 = arith.muli %scan3A_1697, %mul3A_1698 : i32
      %add3A_1700 = arith.constant 0 : i32
      %add3A_1701 = arith.addi %add3A_1700, %mul3A_1699 : i32
      %jit3A_1702 = arith.constant 8 : i32
      %div3A_1703 = arith.divsi %add3A_1701, %jit3A_1702 : i32
      %sign3A_1704 = arith.constant 0 : i32
      %sign3A_1705 = arith.cmpi sgt, %add3A_1701, %sign3A_1704 : i32
      %sign3A_1706 = arith.extui %sign3A_1705 : i1 to i32
      %sign3A_1707 = arith.constant 0 : i32
      %sign3A_1708 = arith.cmpi slt, %add3A_1701, %sign3A_1707 : i32
      %sign3A_1709 = arith.extui %sign3A_1708 : i1 to i32
      %sign3A_1710 = arith.subi %sign3A_1706, %sign3A_1709 : i32
      %sign3A_1711 = arith.constant 0 : i32
      %sign3A_1712 = arith.cmpi sgt, %jit3A_1702, %sign3A_1711 : i32
      %sign3A_1713 = arith.extui %sign3A_1712 : i1 to i32
      %sign3A_1714 = arith.constant 0 : i32
      %sign3A_1715 = arith.cmpi slt, %jit3A_1702, %sign3A_1714 : i32
      %sign3A_1716 = arith.extui %sign3A_1715 : i1 to i32
      %sign3A_1717 = arith.subi %sign3A_1713, %sign3A_1716 : i32
      %ne3A_1718 = arith.cmpi ne, %sign3A_1710, %sign3A_1717 : i32
      %rem3A_1719 = arith.remsi %add3A_1701, %jit3A_1702 : i32
      %ne3A_1720 = arith.constant 0 : i32
      %ne3A_1721 = arith.cmpi ne, %rem3A_1719, %ne3A_1720 : i32
      %and3A_1722 = arith.andi %ne3A_1718, %ne3A_1721 : i1
      %sub3A_1723 = arith.constant 1 : i32
      %sub3A_1724 = arith.subi %div3A_1703, %sub3A_1723 : i32
      %select_n3A_1725 = arith.select %and3A_1722, %sub3A_1724, %div3A_1703 : i32
      %jit3A_1726 = arith.constant 8 : i32
      %eq3A_1727 = arith.constant 0 : i32
      %eq3A_1728 = arith.cmpi eq, %jit3A_1726, %eq3A_1727 : i32
      %jit3A_1729 = arith.constant 1 : i32
      %select_n3A_1730 = arith.select %eq3A_1728, %jit3A_1729, %jit3A_1726 : i32
      %rem3A_1731 = arith.remsi %add3A_1701, %select_n3A_1730 : i32
      %ne3A_1732 = arith.constant 0 : i32
      %ne3A_1733 = arith.cmpi ne, %rem3A_1731, %ne3A_1732 : i32
      %lt3A_1734 = arith.constant 0 : i32
      %lt3A_1735 = arith.cmpi slt, %rem3A_1731, %lt3A_1734 : i32
      %lt3A_1736 = arith.constant 0 : i32
      %lt3A_1737 = arith.cmpi slt, %select_n3A_1730, %lt3A_1736 : i32
      %ne3A_1738 = arith.xori %lt3A_1735, %lt3A_1737 : i1
      %and3A_1739 = arith.andi %ne3A_1738, %ne3A_1733 : i1
      %add3A_1740 = arith.addi %rem3A_1731, %select_n3A_1730 : i32
      %select_n3A_1741 = arith.select %and3A_1739, %add3A_1740, %rem3A_1731 : i32
      %mul3A_1742 = arith.constant 16 : i32
      %mul3A_1743 = arith.muli %select_n3A_1741, %mul3A_1742 : i32
      %swap3A_1744 = arith.index_cast %select_n3A_1725 : i32 to index
      %swap3A_1745 = arith.index_cast %mul3A_1743 : i32 to index
      %swap3A_1746 = tpu.vector_load %arg6[%swap3A_1744, %swap3A_1745] {strides = array<i32>} : memref<128x128xf32, #tpu.memory_space<vmem>>, vector<1x16xf32>,
      %swap3A_1747 = vector.shape_cast %swap3A_1746 : vector<1x16xf32> to vector<16xf32>
      %swap3A_1748 = vector.shape_cast %broadcast_in_dim3A_9 : vector<16xf32> to vector<1x16xf32>
      tpu.vector_store %arg6[%swap3A_1744, %swap3A_1745], %swap3A_1748 {strides = array<i32>} : memref<128x128xf32, #tpu.memory_space<vmem>>, vector<1x16xf32>,
      %scan3A_1749 = arith.constant 3 : i32
      %scan3A_1750 = arith.addi %scan3A_1600, %scan3A_1749 : i32
      %mul3A_1751 = arith.constant 1 : i32
      %mul3A_1752 = arith.muli %scan3A_1750, %mul3A_1751 : i32
      %add3A_1753 = arith.constant 0 : i32
      %add3A_1754 = arith.addi %add3A_1753, %mul3A_1752 : i32
      %jit3A_1755 = arith.constant 8 : i32
      %div3A_1756 = arith.divsi %add3A_1754, %jit3A_1755 : i32
      %sign3A_1757 = arith.constant 0 : i32
      %sign3A_1758 = arith.cmpi sgt, %add3A_1754, %sign3A_1757 : i32
      %sign3A_1759 = arith.extui %sign3A_1758 : i1 to i32
      %sign3A_1760 = arith.constant 0 : i32
      %sign3A_1761 = arith.cmpi slt, %add3A_1754, %sign3A_1760 : i32
      %sign3A_1762 = arith.extui %sign3A_1761 : i1 to i32
      %sign3A_1763 = arith.subi %sign3A_1759, %sign3A_1762 : i32
      %sign3A_1764 = arith.constant 0 : i32
      %sign3A_1765 = arith.cmpi sgt, %jit3A_1755, %sign3A_1764 : i32
      %sign3A_1766 = arith.extui %sign3A_1765 : i1 to i32
      %sign3A_1767 = arith.constant 0 : i32
      %sign3A_1768 = arith.cmpi slt, %jit3A_1755, %sign3A_1767 : i32
      %sign3A_1769 = arith.extui %sign3A_1768 : i1 to i32
      %sign3A_1770 = arith.subi %sign3A_1766, %sign3A_1769 : i32
      %ne3A_1771 = arith.cmpi ne, %sign3A_1763, %sign3A_1770 : i32
      %rem3A_1772 = arith.remsi %add3A_1754, %jit3A_1755 : i32
      %ne3A_1773 = arith.constant 0 : i32
      %ne3A_1774 = arith.cmpi ne, %rem3A_1772, %ne3A_1773 : i32
      %and3A_1775 = arith.andi %ne3A_1771, %ne3A_1774 : i1
      %sub3A_1776 = arith.constant 1 : i32
      %sub3A_1777 = arith.subi %div3A_1756, %sub3A_1776 : i32
      %select_n3A_1778 = arith.select %and3A_1775, %sub3A_1777, %div3A_1756 : i32
      %jit3A_1779 = arith.constant 8 : i32
      %eq3A_1780 = arith.constant 0 : i32
      %eq3A_1781 = arith.cmpi eq, %jit3A_1779, %eq3A_1780 : i32
      %jit3A_1782 = arith.constant 1 : i32
      %select_n3A_1783 = arith.select %eq3A_1781, %jit3A_1782, %jit3A_1779 : i32
      %rem3A_1784 = arith.remsi %add3A_1754, %select_n3A_1783 : i32
      %ne3A_1785 = arith.constant 0 : i32
      %ne3A_1786 = arith.cmpi ne, %rem3A_1784, %ne3A_1785 : i32
      %lt3A_1787 = arith.constant 0 : i32
      %lt3A_1788 = arith.cmpi slt, %rem3A_1784, %lt3A_1787 : i32
      %lt3A_1789 = arith.constant 0 : i32
      %lt3A_1790 = arith.cmpi slt, %select_n3A_1783, %lt3A_1789 : i32
      %ne3A_1791 = arith.xori %lt3A_1788, %lt3A_1790 : i1
      %and3A_1792 = arith.andi %ne3A_1791, %ne3A_1786 : i1
      %add3A_1793 = arith.addi %rem3A_1784, %select_n3A_1783 : i32
      %select_n3A_1794 = arith.select %and3A_1792, %add3A_1793, %rem3A_1784 : i32
      %mul3A_1795 = arith.constant 16 : i32
      %mul3A_1796 = arith.muli %select_n3A_1794, %mul3A_1795 : i32
      %swap3A_1797 = arith.index_cast %select_n3A_1778 : i32 to index
      %swap3A_1798 = arith.index_cast %mul3A_1796 : i32 to index
      %swap3A_1799 = tpu.vector_load %arg6[%swap3A_1797, %swap3A_1798] {strides = array<i32>} : memref<128x128xf32, #tpu.memory_space<vmem>>, vector<1x16xf32>,
      %swap3A_1800 = vector.shape_cast %swap3A_1799 : vector<1x16xf32> to vector<16xf32>
      %swap3A_1801 = vector.shape_cast %broadcast_in_dim3A_9 : vector<16xf32> to vector<1x16xf32>
      tpu.vector_store %arg6[%swap3A_1797, %swap3A_1798], %swap3A_1801 {strides = array<i32>} : memref<128x128xf32, #tpu.memory_space<vmem>>, vector<1x16xf32>,
      %scan3A_1802 = arith.constant 4 : i32
      %scan3A_1803 = arith.addi %scan3A_1600, %scan3A_1802 : i32
      %mul3A_1804 = arith.constant 1 : i32
      %mul3A_1805 = arith.muli %scan3A_1803, %mul3A_1804 : i32
      %add3A_1806 = arith.constant 0 : i32
      %add3A_1807 = arith.addi %add3A_1806, %mul3A_1805 : i32
      %jit3A_1808 = arith.constant 8 : i32
      %div3A_1809 = arith.divsi %add3A_1807, %jit3A_1808 : i32
      %sign3A_1810 = arith.constant 0 : i32
      %sign3A_1811 = arith.cmpi sgt, %add3A_1807, %sign3A_1810 : i32
      %sign3A_1812 = arith.extui %sign3A_1811 : i1 to i32
      %sign3A_1813 = arith.constant 0 : i32
      %sign3A_1814 = arith.cmpi slt, %add3A_1807, %sign3A_1813 : i32
      %sign3A_1815 = arith.extui %sign3A_1814 : i1 to i32
      %sign3A_1816 = arith.subi %sign3A_1812, %sign3A_1815 : i32
      %sign3A_1817 = arith.constant 0 : i32
      %sign3A_1818 = arith.cmpi sgt, %jit3A_1808, %sign3A_1817 : i32
      %sign3A_1819 = arith.extui %sign3A_1818 : i1 to i32
      %sign3A_1820 = arith.constant 0 : i32
      %sign3A_1821 = arith.cmpi slt, %jit3A_1808, %sign3A_1820 : i32
      %sign3A_1822 = arith.extui %sign3A_1821 : i1 to i32
      %sign3A_1823 = arith.subi %sign3A_1819, %sign3A_1822 : i32
      %ne3A_1824 = arith.cmpi ne, %sign3A_1816, %sign3A_1823 : i32
      %rem3A_1825 = arith.remsi %add3A_1807, %jit3A_1808 : i32
      %ne3A_1826 = arith.constant 0 : i32
      %ne3A_1827 = arith.cmpi ne, %rem3A_1825, %ne3A_1826 : i32
      %and3A_1828 = arith.andi %ne3A_1824, %ne3A_1827 : i1
      %sub3A_1829 = arith.constant 1 : i32
      %sub3A_1830 = arith.subi %div3A_1809, %sub3A_1829 : i32
      %select_n3A_1831 = arith.select %and3A_1828, %sub3A_1830, %div3A_1809 : i32
      %jit3A_1832 = arith.constant 8 : i32
      %eq3A_1833 = arith.constant 0 : i32
      %eq3A_1834 = arith.cmpi eq, %jit3A_1832, %eq3A_1833 : i32
      %jit3A_1835 = arith.constant 1 : i32
      %select_n3A_1836 = arith.select %eq3A_1834, %jit3A_1835, %jit3A_1832 : i32
      %rem3A_1837 = arith.remsi %add3A_1807, %select_n3A_1836 : i32
      %ne3A_1838 = arith.constant 0 : i32
      %ne3A_1839 = arith.cmpi ne, %rem3A_1837, %ne3A_1838 : i32
      %lt3A_1840 = arith.constant 0 : i32
      %lt3A_1841 = arith.cmpi slt, %rem3A_1837, %lt3A_1840 : i32
      %lt3A_1842 = arith.constant 0 : i32
      %lt3A_1843 = arith.cmpi slt, %select_n3A_1836, %lt3A_1842 : i32
      %ne3A_1844 = arith.xori %lt3A_1841, %lt3A_1843 : i1
      %and3A_1845 = arith.andi %ne3A_1844, %ne3A_1839 : i1
      %add3A_1846 = arith.addi %rem3A_1837, %select_n3A_1836 : i32
      %select_n3A_1847 = arith.select %and3A_1845, %add3A_1846, %rem3A_1837 : i32
      %mul3A_1848 = arith.constant 16 : i32
      %mul3A_1849 = arith.muli %select_n3A_1847, %mul3A_1848 : i32
      %swap3A_1850 = arith.index_cast %select_n3A_1831 : i32 to index
      %swap3A_1851 = arith.index_cast %mul3A_1849 : i32 to index
      %swap3A_1852 = tpu.vector_load %arg6[%swap3A_1850, %swap3A_1851] {strides = array<i32>} : memref<128x128xf32, #tpu.memory_space<vmem>>, vector<1x16xf32>,
      %swap3A_1853 = vector.shape_cast %swap3A_1852 : vector<1x16xf32> to vector<16xf32>
      %swap3A_1854 = vector.shape_cast %broadcast_in_dim3A_9 : vector<16xf32> to vector<1x16xf32>
      tpu.vector_store %arg6[%swap3A_1850, %swap3A_1851], %swap3A_1854 {strides = array<i32>} : memref<128x128xf32, #tpu.memory_space<vmem>>, vector<1x16xf32>,
      %scan3A_1855 = arith.constant 5 : i32
      %scan3A_1856 = arith.addi %scan3A_1600, %scan3A_1855 : i32
      %mul3A_1857 = arith.constant 1 : i32
      %mul3A_1858 = arith.muli %scan3A_1856, %mul3A_1857 : i32
      %add3A_1859 = arith.constant 0 : i32
      %add3A_1860 = arith.addi %add3A_1859, %mul3A_1858 : i32
      %jit3A_1861 = arith.constant 8 : i32
      %div3A_1862 = arith.divsi %add3A_1860, %jit3A_1861 : i32
      %sign3A_1863 = arith.constant 0 : i32
      %sign3A_1864 = arith.cmpi sgt, %add3A_1860, %sign3A_1863 : i32
      %sign3A_1865 = arith.extui %sign3A_1864 : i1 to i32
      %sign3A_1866 = arith.constant 0 : i32
      %sign3A_1867 = arith.cmpi slt, %add3A_1860, %sign3A_1866 : i32
      %sign3A_1868 = arith.extui %sign3A_1867 : i1 to i32
      %sign3A_1869 = arith.subi %sign3A_1865, %sign3A_1868 : i32
      %sign3A_1870 = arith.constant 0 : i32
      %sign3A_1871 = arith.cmpi sgt, %jit3A_1861, %sign3A_1870 : i32
      %sign3A_1872 = arith.extui %sign3A_1871 : i1 to i32
      %sign3A_1873 = arith.constant 0 : i32
      %sign3A_1874 = arith.cmpi slt, %jit3A_1861, %sign3A_1873 : i32
      %sign3A_1875 = arith.extui %sign3A_1874 : i1 to i32
      %sign3A_1876 = arith.subi %sign3A_1872, %sign3A_1875 : i32
      %ne3A_1877 = arith.cmpi ne, %sign3A_1869, %sign3A_1876 : i32
      %rem3A_1878 = arith.remsi %add3A_1860, %jit3A_1861 : i32
      %ne3A_1879 = arith.constant 0 : i32
      %ne3A_1880 = arith.cmpi ne, %rem3A_1878, %ne3A_1879 : i32
      %and3A_1881 = arith.andi %ne3A_1877, %ne3A_1880 : i1
      %sub3A_1882 = arith.constant 1 : i32
      %sub3A_1883 = arith.subi %div3A_1862, %sub3A_1882 : i32
      %select_n3A_1884 = arith.select %and3A_1881, %sub3A_1883, %div3A_1862 : i32
      %jit3A_1885 = arith.constant 8 : i32
      %eq3A_1886 = arith.constant 0 : i32
      %eq3A_1887 = arith.cmpi eq, %jit3A_1885, %eq3A_1886 : i32
      %jit3A_1888 = arith.constant 1 : i32
      %select_n3A_1889 = arith.select %eq3A_1887, %jit3A_1888, %jit3A_1885 : i32
      %rem3A_1890 = arith.remsi %add3A_1860, %select_n3A_1889 : i32
      %ne3A_1891 = arith.constant 0 : i32
      %ne3A_1892 = arith.cmpi ne, %rem3A_1890, %ne3A_1891 : i32
      %lt3A_1893 = arith.constant 0 : i32
      %lt3A_1894 = arith.cmpi slt, %rem3A_1890, %lt3A_1893 : i32
      %lt3A_1895 = arith.constant 0 : i32
      %lt3A_1896 = arith.cmpi slt, %select_n3A_1889, %lt3A_1895 : i32
      %ne3A_1897 = arith.xori %lt3A_1894, %lt3A_1896 : i1
      %and3A_1898 = arith.andi %ne3A_1897, %ne3A_1892 : i1
      %add3A_1899 = arith.addi %rem3A_1890, %select_n3A_1889 : i32
      %select_n3A_1900 = arith.select %and3A_1898, %add3A_1899, %rem3A_1890 : i32
      %mul3A_1901 = arith.constant 16 : i32
      %mul3A_1902 = arith.muli %select_n3A_1900, %mul3A_1901 : i32
      %swap3A_1903 = arith.index_cast %select_n3A_1884 : i32 to index
      %swap3A_1904 = arith.index_cast %mul3A_1902 : i32 to index
      %swap3A_1905 = tpu.vector_load %arg6[%swap3A_1903, %swap3A_1904] {strides = array<i32>} : memref<128x128xf32, #tpu.memory_space<vmem>>, vector<1x16xf32>,
      %swap3A_1906 = vector.shape_cast %swap3A_1905 : vector<1x16xf32> to vector<16xf32>
      %swap3A_1907 = vector.shape_cast %broadcast_in_dim3A_9 : vector<16xf32> to vector<1x16xf32>
      tpu.vector_store %arg6[%swap3A_1903, %swap3A_1904], %swap3A_1907 {strides = array<i32>} : memref<128x128xf32, #tpu.memory_space<vmem>>, vector<1x16xf32>,
      %scan3A_1908 = arith.constant 6 : i32
      %scan3A_1909 = arith.addi %scan3A_1600, %scan3A_1908 : i32
      %mul3A_1910 = arith.constant 1 : i32
      %mul3A_1911 = arith.muli %scan3A_1909, %mul3A_1910 : i32
      %add3A_1912 = arith.constant 0 : i32
      %add3A_1913 = arith.addi %add3A_1912, %mul3A_1911 : i32
      %jit3A_1914 = arith.constant 8 : i32
      %div3A_1915 = arith.divsi %add3A_1913, %jit3A_1914 : i32
      %sign3A_1916 = arith.constant 0 : i32
      %sign3A_1917 = arith.cmpi sgt, %add3A_1913, %sign3A_1916 : i32
      %sign3A_1918 = arith.extui %sign3A_1917 : i1 to i32
      %sign3A_1919 = arith.constant 0 : i32
      %sign3A_1920 = arith.cmpi slt, %add3A_1913, %sign3A_1919 : i32
      %sign3A_1921 = arith.extui %sign3A_1920 : i1 to i32
      %sign3A_1922 = arith.subi %sign3A_1918, %sign3A_1921 : i32
      %sign3A_1923 = arith.constant 0 : i32
      %sign3A_1924 = arith.cmpi sgt, %jit3A_1914, %sign3A_1923 : i32
      %sign3A_1925 = arith.extui %sign3A_1924 : i1 to i32
      %sign3A_1926 = arith.constant 0 : i32
      %sign3A_1927 = arith.cmpi slt, %jit3A_1914, %sign3A_1926 : i32
      %sign3A_1928 = arith.extui %sign3A_1927 : i1 to i32
      %sign3A_1929 = arith.subi %sign3A_1925, %sign3A_1928 : i32
      %ne3A_1930 = arith.cmpi ne, %sign3A_1922, %sign3A_1929 : i32
      %rem3A_1931 = arith.remsi %add3A_1913, %jit3A_1914 : i32
      %ne3A_1932 = arith.constant 0 : i32
      %ne3A_1933 = arith.cmpi ne, %rem3A_1931, %ne3A_1932 : i32
      %and3A_1934 = arith.andi %ne3A_1930, %ne3A_1933 : i1
      %sub3A_1935 = arith.constant 1 : i32
      %sub3A_1936 = arith.subi %div3A_1915, %sub3A_1935 : i32
      %select_n3A_1937 = arith.select %and3A_1934, %sub3A_1936, %div3A_1915 : i32
      %jit3A_1938 = arith.constant 8 : i32
      %eq3A_1939 = arith.constant 0 : i32
      %eq3A_1940 = arith.cmpi eq, %jit3A_1938, %eq3A_1939 : i32
      %jit3A_1941 = arith.constant 1 : i32
      %select_n3A_1942 = arith.select %eq3A_1940, %jit3A_1941, %jit3A_1938 : i32
      %rem3A_1943 = arith.remsi %add3A_1913, %select_n3A_1942 : i32
      %ne3A_1944 = arith.constant 0 : i32
      %ne3A_1945 = arith.cmpi ne, %rem3A_1943, %ne3A_1944 : i32
      %lt3A_1946 = arith.constant 0 : i32
      %lt3A_1947 = arith.cmpi slt, %rem3A_1943, %lt3A_1946 : i32
      %lt3A_1948 = arith.constant 0 : i32
      %lt3A_1949 = arith.cmpi slt, %select_n3A_1942, %lt3A_1948 : i32
      %ne3A_1950 = arith.xori %lt3A_1947, %lt3A_1949 : i1
      %and3A_1951 = arith.andi %ne3A_1950, %ne3A_1945 : i1
      %add3A_1952 = arith.addi %rem3A_1943, %select_n3A_1942 : i32
      %select_n3A_1953 = arith.select %and3A_1951, %add3A_1952, %rem3A_1943 : i32
      %mul3A_1954 = arith.constant 16 : i32
      %mul3A_1955 = arith.muli %select_n3A_1953, %mul3A_1954 : i32
      %swap3A_1956 = arith.index_cast %select_n3A_1937 : i32 to index
      %swap3A_1957 = arith.index_cast %mul3A_1955 : i32 to index
      %swap3A_1958 = tpu.vector_load %arg6[%swap3A_1956, %swap3A_1957] {strides = array<i32>} : memref<128x128xf32, #tpu.memory_space<vmem>>, vector<1x16xf32>,
      %swap3A_1959 = vector.shape_cast %swap3A_1958 : vector<1x16xf32> to vector<16xf32>
      %swap3A_1960 = vector.shape_cast %broadcast_in_dim3A_9 : vector<16xf32> to vector<1x16xf32>
      tpu.vector_store %arg6[%swap3A_1956, %swap3A_1957], %swap3A_1960 {strides = array<i32>} : memref<128x128xf32, #tpu.memory_space<vmem>>, vector<1x16xf32>,
      %scan3A_1961 = arith.constant 7 : i32
      %scan3A_1962 = arith.addi %scan3A_1600, %scan3A_1961 : i32
      %mul3A_1963 = arith.constant 1 : i32
      %mul3A_1964 = arith.muli %scan3A_1962, %mul3A_1963 : i32
      %add3A_1965 = arith.constant 0 : i32
      %add3A_1966 = arith.addi %add3A_1965, %mul3A_1964 : i32
      %jit3A_1967 = arith.constant 8 : i32
      %div3A_1968 = arith.divsi %add3A_1966, %jit3A_1967 : i32
      %sign3A_1969 = arith.constant 0 : i32
      %sign3A_1970 = arith.cmpi sgt, %add3A_1966, %sign3A_1969 : i32
      %sign3A_1971 = arith.extui %sign3A_1970 : i1 to i32
      %sign3A_1972 = arith.constant 0 : i32
      %sign3A_1973 = arith.cmpi slt, %add3A_1966, %sign3A_1972 : i32
      %sign3A_1974 = arith.extui %sign3A_1973 : i1 to i32
      %sign3A_1975 = arith.subi %sign3A_1971, %sign3A_1974 : i32
      %sign3A_1976 = arith.constant 0 : i32
      %sign3A_1977 = arith.cmpi sgt, %jit3A_1967, %sign3A_1976 : i32
      %sign3A_1978 = arith.extui %sign3A_1977 : i1 to i32
      %sign3A_1979 = arith.constant 0 : i32
      %sign3A_1980 = arith.cmpi slt, %jit3A_1967, %sign3A_1979 : i32
      %sign3A_1981 = arith.extui %sign3A_1980 : i1 to i32
      %sign3A_1982 = arith.subi %sign3A_1978, %sign3A_1981 : i32
      %ne3A_1983 = arith.cmpi ne, %sign3A_1975, %sign3A_1982 : i32
      %rem3A_1984 = arith.remsi %add3A_1966, %jit3A_1967 : i32
      %ne3A_1985 = arith.constant 0 : i32
      %ne3A_1986 = arith.cmpi ne, %rem3A_1984, %ne3A_1985 : i32
      %and3A_1987 = arith.andi %ne3A_1983, %ne3A_1986 : i1
      %sub3A_1988 = arith.constant 1 : i32
      %sub3A_1989 = arith.subi %div3A_1968, %sub3A_1988 : i32
      %select_n3A_1990 = arith.select %and3A_1987, %sub3A_1989, %div3A_1968 : i32
      %jit3A_1991 = arith.constant 8 : i32
      %eq3A_1992 = arith.constant 0 : i32
      %eq3A_1993 = arith.cmpi eq, %jit3A_1991, %eq3A_1992 : i32
      %jit3A_1994 = arith.constant 1 : i32
      %select_n3A_1995 = arith.select %eq3A_1993, %jit3A_1994, %jit3A_1991 : i32
      %rem3A_1996 = arith.remsi %add3A_1966, %select_n3A_1995 : i32
      %ne3A_1997 = arith.constant 0 : i32
      %ne3A_1998 = arith.cmpi ne, %rem3A_1996, %ne3A_1997 : i32
      %lt3A_1999 = arith.constant 0 : i32
      %lt3A_2000 = arith.cmpi slt, %rem3A_1996, %lt3A_1999 : i32
      %lt3A_2001 = arith.constant 0 : i32
      %lt3A_2002 = arith.cmpi slt, %select_n3A_1995, %lt3A_2001 : i32
      %ne3A_2003 = arith.xori %lt3A_2000, %lt3A_2002 : i1
      %and3A_2004 = arith.andi %ne3A_2003, %ne3A_1998 : i1
      %add3A_2005 = arith.addi %rem3A_1996, %select_n3A_1995 : i32
      %select_n3A_2006 = arith.select %and3A_2004, %add3A_2005, %rem3A_1996 : i32
      %mul3A_2007 = arith.constant 16 : i32
      %mul3A_2008 = arith.muli %select_n3A_2006, %mul3A_2007 : i32
      %swap3A_2009 = arith.index_cast %select_n3A_1990 : i32 to index
      %swap3A_2010 = arith.index_cast %mul3A_2008 : i32 to index
      %swap3A_2011 = tpu.vector_load %arg6[%swap3A_2009, %swap3A_2010] {strides = array<i32>} : memref<128x128xf32, #tpu.memory_space<vmem>>, vector<1x16xf32>,
      %swap3A_2012 = vector.shape_cast %swap3A_2011 : vector<1x16xf32> to vector<16xf32>
      %swap3A_2013 = vector.shape_cast %broadcast_in_dim3A_9 : vector<16xf32> to vector<1x16xf32>
      tpu.vector_store %arg6[%swap3A_2009, %swap3A_2010], %swap3A_2013 {strides = array<i32>} : memref<128x128xf32, #tpu.memory_space<vmem>>, vector<1x16xf32>,
    }
    %scan3A_13 = arith.constant 1024 : i32
    %dma_start3A = arith.constant 0 : i32
    %dma_start3A_14 = arith.constant 0 : i32
    %dma_start3A_15 = tpu.memref_slice %arg5[%dma_start3A, %dma_start3A_14] : memref<32x320xi32, #tpu.memory_space<vmem>> -> memref<1x128xi32, #tpu.memory_space<vmem>>
    %dma_start3A_16 = tpu.memref_squeeze %dma_start3A_15 : memref<1x128xi32, #tpu.memory_space<vmem>> -> memref<128xi32, #tpu.memory_space<vmem>>
    %dma_start3A_17 = arith.constant 0 : i32
    %dma_start3A_18 = arith.constant 0 : i32
    %dma_start3A_19 = tpu.memref_slice %arg8[%dma_start3A_17, %dma_start3A_18] : memref<10000x128xf32, #tpu.memory_space<vmem_shared>> -> memref<10000x128xf32, #tpu.memory_space<vmem_shared>>
    tpu.enqueue_indirect_dma source(%dma_start3A_19 : memref<10000x128xf32, #tpu.memory_space<vmem_shared>>) target(%arg6 : memref<128x128xf32, #tpu.memory_space<vmem>>) offsets(%dma_start3A_16 : memref<128xi32, #tpu.memory_space<vmem>>) semaphore(%arg9 : memref<!tpu.dma_semaphore, #tpu.memory_space<semaphore_mem>>) {add = true}
    %dma_start3A_20 = arith.constant 1 : i32
    %dma_start3A_21 = arith.constant 0 : i32
    %dma_start3A_22 = tpu.memref_slice %arg5[%dma_start3A_20, %dma_start3A_21] : memref<32x320xi32, #tpu.memory_space<vmem>> -> memref<1x128xi32, #tpu.memory_space<vmem>>
    %dma_start3A_23 = tpu.memref_squeeze %dma_start3A_22 : memref<1x128xi32, #tpu.memory_space<vmem>> -> memref<128xi32, #tpu.memory_space<vmem>>
    %dma_start3A_24 = arith.constant 0 : i32
    %dma_start3A_25 = arith.constant 0 : i32
    %dma_start3A_26 = tpu.memref_slice %arg8[%dma_start3A_24, %dma_start3A_25] : memref<10000x128xf32, #tpu.memory_space<vmem_shared>> -> memref<10000x128xf32, #tpu.memory_space<vmem_shared>>
    tpu.enqueue_indirect_dma source(%dma_start3A_26 : memref<10000x128xf32, #tpu.memory_space<vmem_shared>>) target(%arg6 : memref<128x128xf32, #tpu.memory_space<vmem>>) offsets(%dma_start3A_23 : memref<128xi32, #tpu.memory_space<vmem>>) semaphore(%arg9 : memref<!tpu.dma_semaphore, #tpu.memory_space<semaphore_mem>>) {add = true}
    %dma_start3A_27 = arith.constant 2 : i32
    %dma_start3A_28 = arith.constant 0 : i32
    %dma_start3A_29 = tpu.memref_slice %arg5[%dma_start3A_27, %dma_start3A_28] : memref<32x320xi32, #tpu.memory_space<vmem>> -> memref<1x128xi32, #tpu.memory_space<vmem>>
    %dma_start3A_30 = tpu.memref_squeeze %dma_start3A_29 : memref<1x128xi32, #tpu.memory_space<vmem>> -> memref<128xi32, #tpu.memory_space<vmem>>
    %dma_start3A_31 = arith.constant 0 : i32
    %dma_start3A_32 = arith.constant 0 : i32
    %dma_start3A_33 = tpu.memref_slice %arg8[%dma_start3A_31, %dma_start3A_32] : memref<10000x128xf32, #tpu.memory_space<vmem_shared>> -> memref<10000x128xf32, #tpu.memory_space<vmem_shared>>
    tpu.enqueue_indirect_dma source(%dma_start3A_33 : memref<10000x128xf32, #tpu.memory_space<vmem_shared>>) target(%arg6 : memref<128x128xf32, #tpu.memory_space<vmem>>) offsets(%dma_start3A_30 : memref<128xi32, #tpu.memory_space<vmem>>) semaphore(%arg9 : memref<!tpu.dma_semaphore, #tpu.memory_space<semaphore_mem>>) {add = true}
    %dma_start3A_34 = arith.constant 3 : i32
    %dma_start3A_35 = arith.constant 0 : i32
    %dma_start3A_36 = tpu.memref_slice %arg5[%dma_start3A_34, %dma_start3A_35] : memref<32x320xi32, #tpu.memory_space<vmem>> -> memref<1x128xi32, #tpu.memory_space<vmem>>
    %dma_start3A_37 = tpu.memref_squeeze %dma_start3A_36 : memref<1x128xi32, #tpu.memory_space<vmem>> -> memref<128xi32, #tpu.memory_space<vmem>>
    %dma_start3A_38 = arith.constant 0 : i32
    %dma_start3A_39 = arith.constant 0 : i32
    %dma_start3A_40 = tpu.memref_slice %arg8[%dma_start3A_38, %dma_start3A_39] : memref<10000x128xf32, #tpu.memory_space<vmem_shared>> -> memref<10000x128xf32, #tpu.memory_space<vmem_shared>>
    tpu.enqueue_indirect_dma source(%dma_start3A_40 : memref<10000x128xf32, #tpu.memory_space<vmem_shared>>) target(%arg6 : memref<128x128xf32, #tpu.memory_space<vmem>>) offsets(%dma_start3A_37 : memref<128xi32, #tpu.memory_space<vmem>>) semaphore(%arg9 : memref<!tpu.dma_semaphore, #tpu.memory_space<semaphore_mem>>) {add = true}
    %dma_start3A_41 = arith.constant 4 : i32
    %dma_start3A_42 = arith.constant 0 : i32
    %dma_start3A_43 = tpu.memref_slice %arg5[%dma_start3A_41, %dma_start3A_42] : memref<32x320xi32, #tpu.memory_space<vmem>> -> memref<1x128xi32, #tpu.memory_space<vmem>>
    %dma_start3A_44 = tpu.memref_squeeze %dma_start3A_43 : memref<1x128xi32, #tpu.memory_space<vmem>> -> memref<128xi32, #tpu.memory_space<vmem>>
    %dma_start3A_45 = arith.constant 0 : i32
    %dma_start3A_46 = arith.constant 0 : i32
    %dma_start3A_47 = tpu.memref_slice %arg8[%dma_start3A_45, %dma_start3A_46] : memref<10000x128xf32, #tpu.memory_space<vmem_shared>> -> memref<10000x128xf32, #tpu.memory_space<vmem_shared>>
    tpu.enqueue_indirect_dma source(%dma_start3A_47 : memref<10000x128xf32, #tpu.memory_space<vmem_shared>>) target(%arg6 : memref<128x128xf32, #tpu.memory_space<vmem>>) offsets(%dma_start3A_44 : memref<128xi32, #tpu.memory_space<vmem>>) semaphore(%arg9 : memref<!tpu.dma_semaphore, #tpu.memory_space<semaphore_mem>>) {add = true}
    %dma_start3A_48 = arith.constant 5 : i32
    %dma_start3A_49 = arith.constant 0 : i32
    %dma_start3A_50 = tpu.memref_slice %arg5[%dma_start3A_48, %dma_start3A_49] : memref<32x320xi32, #tpu.memory_space<vmem>> -> memref<1x128xi32, #tpu.memory_space<vmem>>
    %dma_start3A_51 = tpu.memref_squeeze %dma_start3A_50 : memref<1x128xi32, #tpu.memory_space<vmem>> -> memref<128xi32, #tpu.memory_space<vmem>>
    %dma_start3A_52 = arith.constant 0 : i32
    %dma_start3A_53 = arith.constant 0 : i32
    %dma_start3A_54 = tpu.memref_slice %arg8[%dma_start3A_52, %dma_start3A_53] : memref<10000x128xf32, #tpu.memory_space<vmem_shared>> -> memref<10000x128xf32, #tpu.memory_space<vmem_shared>>
    tpu.enqueue_indirect_dma source(%dma_start3A_54 : memref<10000x128xf32, #tpu.memory_space<vmem_shared>>) target(%arg6 : memref<128x128xf32, #tpu.memory_space<vmem>>) offsets(%dma_start3A_51 : memref<128xi32, #tpu.memory_space<vmem>>) semaphore(%arg9 : memref<!tpu.dma_semaphore, #tpu.memory_space<semaphore_mem>>) {add = true}
    %dma_start3A_55 = arith.constant 6 : i32
    %dma_start3A_56 = arith.constant 0 : i32
    %dma_start3A_57 = tpu.memref_slice %arg5[%dma_start3A_55, %dma_start3A_56] : memref<32x320xi32, #tpu.memory_space<vmem>> -> memref<1x128xi32, #tpu.memory_space<vmem>>
    %dma_start3A_58 = tpu.memref_squeeze %dma_start3A_57 : memref<1x128xi32, #tpu.memory_space<vmem>> -> memref<128xi32, #tpu.memory_space<vmem>>
    %dma_start3A_59 = arith.constant 0 : i32
    %dma_start3A_60 = arith.constant 0 : i32
    %dma_start3A_61 = tpu.memref_slice %arg8[%dma_start3A_59, %dma_start3A_60] : memref<10000x128xf32, #tpu.memory_space<vmem_shared>> -> memref<10000x128xf32, #tpu.memory_space<vmem_shared>>
    tpu.enqueue_indirect_dma source(%dma_start3A_61 : memref<10000x128xf32, #tpu.memory_space<vmem_shared>>) target(%arg6 : memref<128x128xf32, #tpu.memory_space<vmem>>) offsets(%dma_start3A_58 : memref<128xi32, #tpu.memory_space<vmem>>) semaphore(%arg9 : memref<!tpu.dma_semaphore, #tpu.memory_space<semaphore_mem>>) {add = true}
    %dma_start3A_62 = arith.constant 7 : i32
    %dma_start3A_63 = arith.constant 0 : i32
    %dma_start3A_64 = tpu.memref_slice %arg5[%dma_start3A_62, %dma_start3A_63] : memref<32x320xi32, #tpu.memory_space<vmem>> -> memref<1x128xi32, #tpu.memory_space<vmem>>
    %dma_start3A_65 = tpu.memref_squeeze %dma_start3A_64 : memref<1x128xi32, #tpu.memory_space<vmem>> -> memref<128xi32, #tpu.memory_space<vmem>>
    %dma_start3A_66 = arith.constant 0 : i32
    %dma_start3A_67 = arith.constant 0 : i32
    %dma_start3A_68 = tpu.memref_slice %arg8[%dma_start3A_66, %dma_start3A_67] : memref<10000x128xf32, #tpu.memory_space<vmem_shared>> -> memref<10000x128xf32, #tpu.memory_space<vmem_shared>>
    tpu.enqueue_indirect_dma source(%dma_start3A_68 : memref<10000x128xf32, #tpu.memory_space<vmem_shared>>) target(%arg6 : memref<128x128xf32, #tpu.memory_space<vmem>>) offsets(%dma_start3A_65 : memref<128xi32, #tpu.memory_space<vmem>>) semaphore(%arg9 : memref<!tpu.dma_semaphore, #tpu.memory_space<semaphore_mem>>) {add = true}
    %dma_start3A_69 = arith.constant 8 : i32
    %dma_start3A_70 = arith.constant 0 : i32
    %dma_start3A_71 = tpu.memref_slice %arg5[%dma_start3A_69, %dma_start3A_70] : memref<32x320xi32, #tpu.memory_space<vmem>> -> memref<1x128xi32, #tpu.memory_space<vmem>>
    %dma_start3A_72 = tpu.memref_squeeze %dma_start3A_71 : memref<1x128xi32, #tpu.memory_space<vmem>> -> memref<128xi32, #tpu.memory_space<vmem>>
    %dma_start3A_73 = arith.constant 0 : i32
    %dma_start3A_74 = arith.constant 0 : i32
    %dma_start3A_75 = tpu.memref_slice %arg8[%dma_start3A_73, %dma_start3A_74] : memref<10000x128xf32, #tpu.memory_space<vmem_shared>> -> memref<10000x128xf32, #tpu.memory_space<vmem_shared>>
    tpu.enqueue_indirect_dma source(%dma_start3A_75 : memref<10000x128xf32, #tpu.memory_space<vmem_shared>>) target(%arg6 : memref<128x128xf32, #tpu.memory_space<vmem>>) offsets(%dma_start3A_72 : memref<128xi32, #tpu.memory_space<vmem>>) semaphore(%arg9 : memref<!tpu.dma_semaphore, #tpu.memory_space<semaphore_mem>>) {add = true}
    %dma_start3A_76 = arith.constant 9 : i32
    %dma_start3A_77 = arith.constant 0 : i32
    %dma_start3A_78 = tpu.memref_slice %arg5[%dma_start3A_76, %dma_start3A_77] : memref<32x320xi32, #tpu.memory_space<vmem>> -> memref<1x128xi32, #tpu.memory_space<vmem>>
    %dma_start3A_79 = tpu.memref_squeeze %dma_start3A_78 : memref<1x128xi32, #tpu.memory_space<vmem>> -> memref<128xi32, #tpu.memory_space<vmem>>
    %dma_start3A_80 = arith.constant 0 : i32
    %dma_start3A_81 = arith.constant 0 : i32
    %dma_start3A_82 = tpu.memref_slice %arg8[%dma_start3A_80, %dma_start3A_81] : memref<10000x128xf32, #tpu.memory_space<vmem_shared>> -> memref<10000x128xf32, #tpu.memory_space<vmem_shared>>
    tpu.enqueue_indirect_dma source(%dma_start3A_82 : memref<10000x128xf32, #tpu.memory_space<vmem_shared>>) target(%arg6 : memref<128x128xf32, #tpu.memory_space<vmem>>) offsets(%dma_start3A_79 : memref<128xi32, #tpu.memory_space<vmem>>) semaphore(%arg9 : memref<!tpu.dma_semaphore, #tpu.memory_space<semaphore_mem>>) {add = true}
    %dma_start3A_83 = arith.constant 10 : i32
    %dma_start3A_84 = arith.constant 0 : i32
    %dma_start3A_85 = tpu.memref_slice %arg5[%dma_start3A_83, %dma_start3A_84] : memref<32x320xi32, #tpu.memory_space<vmem>> -> memref<1x128xi32, #tpu.memory_space<vmem>>
    %dma_start3A_86 = tpu.memref_squeeze %dma_start3A_85 : memref<1x128xi32, #tpu.memory_space<vmem>> -> memref<128xi32, #tpu.memory_space<vmem>>
    %dma_start3A_87 = arith.constant 0 : i32
    %dma_start3A_88 = arith.constant 0 : i32
    %dma_start3A_89 = tpu.memref_slice %arg8[%dma_start3A_87, %dma_start3A_88] : memref<10000x128xf32, #tpu.memory_space<vmem_shared>> -> memref<10000x128xf32, #tpu.memory_space<vmem_shared>>
    tpu.enqueue_indirect_dma source(%dma_start3A_89 : memref<10000x128xf32, #tpu.memory_space<vmem_shared>>) target(%arg6 : memref<128x128xf32, #tpu.memory_space<vmem>>) offsets(%dma_start3A_86 : memref<128xi32, #tpu.memory_space<vmem>>) semaphore(%arg9 : memref<!tpu.dma_semaphore, #tpu.memory_space<semaphore_mem>>) {add = true}
    %dma_start3A_90 = arith.constant 11 : i32
    %dma_start3A_91 = arith.constant 0 : i32
    %dma_start3A_92 = tpu.memref_slice %arg5[%dma_start3A_90, %dma_start3A_91] : memref<32x320xi32, #tpu.memory_space<vmem>> -> memref<1x128xi32, #tpu.memory_space<vmem>>
    %dma_start3A_93 = tpu.memref_squeeze %dma_start3A_92 : memref<1x128xi32, #tpu.memory_space<vmem>> -> memref<128xi32, #tpu.memory_space<vmem>>
    %dma_start3A_94 = arith.constant 0 : i32
    %dma_start3A_95 = arith.constant 0 : i32
    %dma_start3A_96 = tpu.memref_slice %arg8[%dma_start3A_94, %dma_start3A_95] : memref<10000x128xf32, #tpu.memory_space<vmem_shared>> -> memref<10000x128xf32, #tpu.memory_space<vmem_shared>>
    tpu.enqueue_indirect_dma source(%dma_start3A_96 : memref<10000x128xf32, #tpu.memory_space<vmem_shared>>) target(%arg6 : memref<128x128xf32, #tpu.memory_space<vmem>>) offsets(%dma_start3A_93 : memref<128xi32, #tpu.memory_space<vmem>>) semaphore(%arg9 : memref<!tpu.dma_semaphore, #tpu.memory_space<semaphore_mem>>) {add = true}
    %dma_start3A_97 = arith.constant 12 : i32
    %dma_start3A_98 = arith.constant 0 : i32
    %dma_start3A_99 = tpu.memref_slice %arg5[%dma_start3A_97, %dma_start3A_98] : memref<32x320xi32, #tpu.memory_space<vmem>> -> memref<1x128xi32, #tpu.memory_space<vmem>>
    %dma_start3A_100 = tpu.memref_squeeze %dma_start3A_99 : memref<1x128xi32, #tpu.memory_space<vmem>> -> memref<128xi32, #tpu.memory_space<vmem>>
    %dma_start3A_101 = arith.constant 0 : i32
    %dma_start3A_102 = arith.constant 0 : i32
    %dma_start3A_103 = tpu.memref_slice %arg8[%dma_start3A_101, %dma_start3A_102] : memref<10000x128xf32, #tpu.memory_space<vmem_shared>> -> memref<10000x128xf32, #tpu.memory_space<vmem_shared>>
    tpu.enqueue_indirect_dma source(%dma_start3A_103 : memref<10000x128xf32, #tpu.memory_space<vmem_shared>>) target(%arg6 : memref<128x128xf32, #tpu.memory_space<vmem>>) offsets(%dma_start3A_100 : memref<128xi32, #tpu.memory_space<vmem>>) semaphore(%arg9 : memref<!tpu.dma_semaphore, #tpu.memory_space<semaphore_mem>>) {add = true}
    %dma_start3A_104 = arith.constant 13 : i32
    %dma_start3A_105 = arith.constant 0 : i32
    %dma_start3A_106 = tpu.memref_slice %arg5[%dma_start3A_104, %dma_start3A_105] : memref<32x320xi32, #tpu.memory_space<vmem>> -> memref<1x128xi32, #tpu.memory_space<vmem>>
    %dma_start3A_107 = tpu.memref_squeeze %dma_start3A_106 : memref<1x128xi32, #tpu.memory_space<vmem>> -> memref<128xi32, #tpu.memory_space<vmem>>
    %dma_start3A_108 = arith.constant 0 : i32
    %dma_start3A_109 = arith.constant 0 : i32
    %dma_start3A_110 = tpu.memref_slice %arg8[%dma_start3A_108, %dma_start3A_109] : memref<10000x128xf32, #tpu.memory_space<vmem_shared>> -> memref<10000x128xf32, #tpu.memory_space<vmem_shared>>
    tpu.enqueue_indirect_dma source(%dma_start3A_110 : memref<10000x128xf32, #tpu.memory_space<vmem_shared>>) target(%arg6 : memref<128x128xf32, #tpu.memory_space<vmem>>) offsets(%dma_start3A_107 : memref<128xi32, #tpu.memory_space<vmem>>) semaphore(%arg9 : memref<!tpu.dma_semaphore, #tpu.memory_space<semaphore_mem>>) {add = true}
    %dma_start3A_111 = arith.constant 14 : i32
    %dma_start3A_112 = arith.constant 0 : i32
    %dma_start3A_113 = tpu.memref_slice %arg5[%dma_start3A_111, %dma_start3A_112] : memref<32x320xi32, #tpu.memory_space<vmem>> -> memref<1x128xi32, #tpu.memory_space<vmem>>
    %dma_start3A_114 = tpu.memref_squeeze %dma_start3A_113 : memref<1x128xi32, #tpu.memory_space<vmem>> -> memref<128xi32, #tpu.memory_space<vmem>>
    %dma_start3A_115 = arith.constant 0 : i32
    %dma_start3A_116 = arith.constant 0 : i32
    %dma_start3A_117 = tpu.memref_slice %arg8[%dma_start3A_115, %dma_start3A_116] : memref<10000x128xf32, #tpu.memory_space<vmem_shared>> -> memref<10000x128xf32, #tpu.memory_space<vmem_shared>>
    tpu.enqueue_indirect_dma source(%dma_start3A_117 : memref<10000x128xf32, #tpu.memory_space<vmem_shared>>) target(%arg6 : memref<128x128xf32, #tpu.memory_space<vmem>>) offsets(%dma_start3A_114 : memref<128xi32, #tpu.memory_space<vmem>>) semaphore(%arg9 : memref<!tpu.dma_semaphore, #tpu.memory_space<semaphore_mem>>) {add = true}
    %dma_start3A_118 = arith.constant 15 : i32
    %dma_start3A_119 = arith.constant 0 : i32
    %dma_start3A_120 = tpu.memref_slice %arg5[%dma_start3A_118, %dma_start3A_119] : memref<32x320xi32, #tpu.memory_space<vmem>> -> memref<1x128xi32, #tpu.memory_space<vmem>>
    %dma_start3A_121 = tpu.memref_squeeze %dma_start3A_120 : memref<1x128xi32, #tpu.memory_space<vmem>> -> memref<128xi32, #tpu.memory_space<vmem>>
    %dma_start3A_122 = arith.constant 0 : i32
    %dma_start3A_123 = arith.constant 0 : i32
    %dma_start3A_124 = tpu.memref_slice %arg8[%dma_start3A_122, %dma_start3A_123] : memref<10000x128xf32, #tpu.memory_space<vmem_shared>> -> memref<10000x128xf32, #tpu.memory_space<vmem_shared>>
    tpu.enqueue_indirect_dma source(%dma_start3A_124 : memref<10000x128xf32, #tpu.memory_space<vmem_shared>>) target(%arg6 : memref<128x128xf32, #tpu.memory_space<vmem>>) offsets(%dma_start3A_121 : memref<128xi32, #tpu.memory_space<vmem>>) semaphore(%arg9 : memref<!tpu.dma_semaphore, #tpu.memory_space<semaphore_mem>>) {add = true}
    %dma_start3A_125 = arith.constant 16 : i32
    %dma_start3A_126 = arith.constant 0 : i32
    %dma_start3A_127 = tpu.memref_slice %arg5[%dma_start3A_125, %dma_start3A_126] : memref<32x320xi32, #tpu.memory_space<vmem>> -> memref<1x128xi32, #tpu.memory_space<vmem>>
    %dma_start3A_128 = tpu.memref_squeeze %dma_start3A_127 : memref<1x128xi32, #tpu.memory_space<vmem>> -> memref<128xi32, #tpu.memory_space<vmem>>
    %dma_start3A_129 = arith.constant 0 : i32
    %dma_start3A_130 = arith.constant 0 : i32
    %dma_start3A_131 = tpu.memref_slice %arg8[%dma_start3A_129, %dma_start3A_130] : memref<10000x128xf32, #tpu.memory_space<vmem_shared>> -> memref<10000x128xf32, #tpu.memory_space<vmem_shared>>
    tpu.enqueue_indirect_dma source(%dma_start3A_131 : memref<10000x128xf32, #tpu.memory_space<vmem_shared>>) target(%arg6 : memref<128x128xf32, #tpu.memory_space<vmem>>) offsets(%dma_start3A_128 : memref<128xi32, #tpu.memory_space<vmem>>) semaphore(%arg9 : memref<!tpu.dma_semaphore, #tpu.memory_space<semaphore_mem>>) {add = true}
    %dma_start3A_132 = arith.constant 17 : i32
    %dma_start3A_133 = arith.constant 0 : i32
    %dma_start3A_134 = tpu.memref_slice %arg5[%dma_start3A_132, %dma_start3A_133] : memref<32x320xi32, #tpu.memory_space<vmem>> -> memref<1x128xi32, #tpu.memory_space<vmem>>
    %dma_start3A_135 = tpu.memref_squeeze %dma_start3A_134 : memref<1x128xi32, #tpu.memory_space<vmem>> -> memref<128xi32, #tpu.memory_space<vmem>>
    %dma_start3A_136 = arith.constant 0 : i32
    %dma_start3A_137 = arith.constant 0 : i32
    %dma_start3A_138 = tpu.memref_slice %arg8[%dma_start3A_136, %dma_start3A_137] : memref<10000x128xf32, #tpu.memory_space<vmem_shared>> -> memref<10000x128xf32, #tpu.memory_space<vmem_shared>>
    tpu.enqueue_indirect_dma source(%dma_start3A_138 : memref<10000x128xf32, #tpu.memory_space<vmem_shared>>) target(%arg6 : memref<128x128xf32, #tpu.memory_space<vmem>>) offsets(%dma_start3A_135 : memref<128xi32, #tpu.memory_space<vmem>>) semaphore(%arg9 : memref<!tpu.dma_semaphore, #tpu.memory_space<semaphore_mem>>) {add = true}
    %dma_start3A_139 = arith.constant 18 : i32
    %dma_start3A_140 = arith.constant 0 : i32
    %dma_start3A_141 = tpu.memref_slice %arg5[%dma_start3A_139, %dma_start3A_140] : memref<32x320xi32, #tpu.memory_space<vmem>> -> memref<1x128xi32, #tpu.memory_space<vmem>>
    %dma_start3A_142 = tpu.memref_squeeze %dma_start3A_141 : memref<1x128xi32, #tpu.memory_space<vmem>> -> memref<128xi32, #tpu.memory_space<vmem>>
    %dma_start3A_143 = arith.constant 0 : i32
    %dma_start3A_144 = arith.constant 0 : i32
    %dma_start3A_145 = tpu.memref_slice %arg8[%dma_start3A_143, %dma_start3A_144] : memref<10000x128xf32, #tpu.memory_space<vmem_shared>> -> memref<10000x128xf32, #tpu.memory_space<vmem_shared>>
    tpu.enqueue_indirect_dma source(%dma_start3A_145 : memref<10000x128xf32, #tpu.memory_space<vmem_shared>>) target(%arg6 : memref<128x128xf32, #tpu.memory_space<vmem>>) offsets(%dma_start3A_142 : memref<128xi32, #tpu.memory_space<vmem>>) semaphore(%arg9 : memref<!tpu.dma_semaphore, #tpu.memory_space<semaphore_mem>>) {add = true}
    %dma_start3A_146 = arith.constant 19 : i32
    %dma_start3A_147 = arith.constant 0 : i32
    %dma_start3A_148 = tpu.memref_slice %arg5[%dma_start3A_146, %dma_start3A_147] : memref<32x320xi32, #tpu.memory_space<vmem>> -> memref<1x128xi32, #tpu.memory_space<vmem>>
    %dma_start3A_149 = tpu.memref_squeeze %dma_start3A_148 : memref<1x128xi32, #tpu.memory_space<vmem>> -> memref<128xi32, #tpu.memory_space<vmem>>
    %dma_start3A_150 = arith.constant 0 : i32
    %dma_start3A_151 = arith.constant 0 : i32
    %dma_start3A_152 = tpu.memref_slice %arg8[%dma_start3A_150, %dma_start3A_151] : memref<10000x128xf32, #tpu.memory_space<vmem_shared>> -> memref<10000x128xf32, #tpu.memory_space<vmem_shared>>
    tpu.enqueue_indirect_dma source(%dma_start3A_152 : memref<10000x128xf32, #tpu.memory_space<vmem_shared>>) target(%arg6 : memref<128x128xf32, #tpu.memory_space<vmem>>) offsets(%dma_start3A_149 : memref<128xi32, #tpu.memory_space<vmem>>) semaphore(%arg9 : memref<!tpu.dma_semaphore, #tpu.memory_space<semaphore_mem>>) {add = true}
    %dma_start3A_153 = arith.constant 20 : i32
    %dma_start3A_154 = arith.constant 0 : i32
    %dma_start3A_155 = tpu.memref_slice %arg5[%dma_start3A_153, %dma_start3A_154] : memref<32x320xi32, #tpu.memory_space<vmem>> -> memref<1x128xi32, #tpu.memory_space<vmem>>
    %dma_start3A_156 = tpu.memref_squeeze %dma_start3A_155 : memref<1x128xi32, #tpu.memory_space<vmem>> -> memref<128xi32, #tpu.memory_space<vmem>>
    %dma_start3A_157 = arith.constant 0 : i32
    %dma_start3A_158 = arith.constant 0 : i32
    %dma_start3A_159 = tpu.memref_slice %arg8[%dma_start3A_157, %dma_start3A_158] : memref<10000x128xf32, #tpu.memory_space<vmem_shared>> -> memref<10000x128xf32, #tpu.memory_space<vmem_shared>>
    tpu.enqueue_indirect_dma source(%dma_start3A_159 : memref<10000x128xf32, #tpu.memory_space<vmem_shared>>) target(%arg6 : memref<128x128xf32, #tpu.memory_space<vmem>>) offsets(%dma_start3A_156 : memref<128xi32, #tpu.memory_space<vmem>>) semaphore(%arg9 : memref<!tpu.dma_semaphore, #tpu.memory_space<semaphore_mem>>) {add = true}
    %dma_start3A_160 = arith.constant 21 : i32
    %dma_start3A_161 = arith.constant 0 : i32
    %dma_start3A_162 = tpu.memref_slice %arg5[%dma_start3A_160, %dma_start3A_161] : memref<32x320xi32, #tpu.memory_space<vmem>> -> memref<1x128xi32, #tpu.memory_space<vmem>>
    %dma_start3A_163 = tpu.memref_squeeze %dma_start3A_162 : memref<1x128xi32, #tpu.memory_space<vmem>> -> memref<128xi32, #tpu.memory_space<vmem>>
    %dma_start3A_164 = arith.constant 0 : i32
    %dma_start3A_165 = arith.constant 0 : i32
    %dma_start3A_166 = tpu.memref_slice %arg8[%dma_start3A_164, %dma_start3A_165] : memref<10000x128xf32, #tpu.memory_space<vmem_shared>> -> memref<10000x128xf32, #tpu.memory_space<vmem_shared>>
    tpu.enqueue_indirect_dma source(%dma_start3A_166 : memref<10000x128xf32, #tpu.memory_space<vmem_shared>>) target(%arg6 : memref<128x128xf32, #tpu.memory_space<vmem>>) offsets(%dma_start3A_163 : memref<128xi32, #tpu.memory_space<vmem>>) semaphore(%arg9 : memref<!tpu.dma_semaphore, #tpu.memory_space<semaphore_mem>>) {add = true}
    %dma_start3A_167 = arith.constant 22 : i32
    %dma_start3A_168 = arith.constant 0 : i32
    %dma_start3A_169 = tpu.memref_slice %arg5[%dma_start3A_167, %dma_start3A_168] : memref<32x320xi32, #tpu.memory_space<vmem>> -> memref<1x128xi32, #tpu.memory_space<vmem>>
    %dma_start3A_170 = tpu.memref_squeeze %dma_start3A_169 : memref<1x128xi32, #tpu.memory_space<vmem>> -> memref<128xi32, #tpu.memory_space<vmem>>
    %dma_start3A_171 = arith.constant 0 : i32
    %dma_start3A_172 = arith.constant 0 : i32
    %dma_start3A_173 = tpu.memref_slice %arg8[%dma_start3A_171, %dma_start3A_172] : memref<10000x128xf32, #tpu.memory_space<vmem_shared>> -> memref<10000x128xf32, #tpu.memory_space<vmem_shared>>
    tpu.enqueue_indirect_dma source(%dma_start3A_173 : memref<10000x128xf32, #tpu.memory_space<vmem_shared>>) target(%arg6 : memref<128x128xf32, #tpu.memory_space<vmem>>) offsets(%dma_start3A_170 : memref<128xi32, #tpu.memory_space<vmem>>) semaphore(%arg9 : memref<!tpu.dma_semaphore, #tpu.memory_space<semaphore_mem>>) {add = true}
    %dma_start3A_174 = arith.constant 23 : i32
    %dma_start3A_175 = arith.constant 0 : i32
    %dma_start3A_176 = tpu.memref_slice %arg5[%dma_start3A_174, %dma_start3A_175] : memref<32x320xi32, #tpu.memory_space<vmem>> -> memref<1x128xi32, #tpu.memory_space<vmem>>
    %dma_start3A_177 = tpu.memref_squeeze %dma_start3A_176 : memref<1x128xi32, #tpu.memory_space<vmem>> -> memref<128xi32, #tpu.memory_space<vmem>>
    %dma_start3A_178 = arith.constant 0 : i32
    %dma_start3A_179 = arith.constant 0 : i32
    %dma_start3A_180 = tpu.memref_slice %arg8[%dma_start3A_178, %dma_start3A_179] : memref<10000x128xf32, #tpu.memory_space<vmem_shared>> -> memref<10000x128xf32, #tpu.memory_space<vmem_shared>>
    tpu.enqueue_indirect_dma source(%dma_start3A_180 : memref<10000x128xf32, #tpu.memory_space<vmem_shared>>) target(%arg6 : memref<128x128xf32, #tpu.memory_space<vmem>>) offsets(%dma_start3A_177 : memref<128xi32, #tpu.memory_space<vmem>>) semaphore(%arg9 : memref<!tpu.dma_semaphore, #tpu.memory_space<semaphore_mem>>) {add = true}
    %dma_start3A_181 = arith.constant 24 : i32
    %dma_start3A_182 = arith.constant 0 : i32
    %dma_start3A_183 = tpu.memref_slice %arg5[%dma_start3A_181, %dma_start3A_182] : memref<32x320xi32, #tpu.memory_space<vmem>> -> memref<1x128xi32, #tpu.memory_space<vmem>>
    %dma_start3A_184 = tpu.memref_squeeze %dma_start3A_183 : memref<1x128xi32, #tpu.memory_space<vmem>> -> memref<128xi32, #tpu.memory_space<vmem>>
    %dma_start3A_185 = arith.constant 0 : i32
    %dma_start3A_186 = arith.constant 0 : i32
    %dma_start3A_187 = tpu.memref_slice %arg8[%dma_start3A_185, %dma_start3A_186] : memref<10000x128xf32, #tpu.memory_space<vmem_shared>> -> memref<10000x128xf32, #tpu.memory_space<vmem_shared>>
    tpu.enqueue_indirect_dma source(%dma_start3A_187 : memref<10000x128xf32, #tpu.memory_space<vmem_shared>>) target(%arg6 : memref<128x128xf32, #tpu.memory_space<vmem>>) offsets(%dma_start3A_184 : memref<128xi32, #tpu.memory_space<vmem>>) semaphore(%arg9 : memref<!tpu.dma_semaphore, #tpu.memory_space<semaphore_mem>>) {add = true}
    %dma_start3A_188 = arith.constant 25 : i32
    %dma_start3A_189 = arith.constant 0 : i32
    %dma_start3A_190 = tpu.memref_slice %arg5[%dma_start3A_188, %dma_start3A_189] : memref<32x320xi32, #tpu.memory_space<vmem>> -> memref<1x128xi32, #tpu.memory_space<vmem>>
    %dma_start3A_191 = tpu.memref_squeeze %dma_start3A_190 : memref<1x128xi32, #tpu.memory_space<vmem>> -> memref<128xi32, #tpu.memory_space<vmem>>
    %dma_start3A_192 = arith.constant 0 : i32
    %dma_start3A_193 = arith.constant 0 : i32
    %dma_start3A_194 = tpu.memref_slice %arg8[%dma_start3A_192, %dma_start3A_193] : memref<10000x128xf32, #tpu.memory_space<vmem_shared>> -> memref<10000x128xf32, #tpu.memory_space<vmem_shared>>
    tpu.enqueue_indirect_dma source(%dma_start3A_194 : memref<10000x128xf32, #tpu.memory_space<vmem_shared>>) target(%arg6 : memref<128x128xf32, #tpu.memory_space<vmem>>) offsets(%dma_start3A_191 : memref<128xi32, #tpu.memory_space<vmem>>) semaphore(%arg9 : memref<!tpu.dma_semaphore, #tpu.memory_space<semaphore_mem>>) {add = true}
    %dma_start3A_195 = arith.constant 26 : i32
    %dma_start3A_196 = arith.constant 0 : i32
    %dma_start3A_197 = tpu.memref_slice %arg5[%dma_start3A_195, %dma_start3A_196] : memref<32x320xi32, #tpu.memory_space<vmem>> -> memref<1x128xi32, #tpu.memory_space<vmem>>
    %dma_start3A_198 = tpu.memref_squeeze %dma_start3A_197 : memref<1x128xi32, #tpu.memory_space<vmem>> -> memref<128xi32, #tpu.memory_space<vmem>>
    %dma_start3A_199 = arith.constant 0 : i32
    %dma_start3A_200 = arith.constant 0 : i32
    %dma_start3A_201 = tpu.memref_slice %arg8[%dma_start3A_199, %dma_start3A_200] : memref<10000x128xf32, #tpu.memory_space<vmem_shared>> -> memref<10000x128xf32, #tpu.memory_space<vmem_shared>>
    tpu.enqueue_indirect_dma source(%dma_start3A_201 : memref<10000x128xf32, #tpu.memory_space<vmem_shared>>) target(%arg6 : memref<128x128xf32, #tpu.memory_space<vmem>>) offsets(%dma_start3A_198 : memref<128xi32, #tpu.memory_space<vmem>>) semaphore(%arg9 : memref<!tpu.dma_semaphore, #tpu.memory_space<semaphore_mem>>) {add = true}
    %dma_start3A_202 = arith.constant 27 : i32
    %dma_start3A_203 = arith.constant 0 : i32
    %dma_start3A_204 = tpu.memref_slice %arg5[%dma_start3A_202, %dma_start3A_203] : memref<32x320xi32, #tpu.memory_space<vmem>> -> memref<1x128xi32, #tpu.memory_space<vmem>>
    %dma_start3A_205 = tpu.memref_squeeze %dma_start3A_204 : memref<1x128xi32, #tpu.memory_space<vmem>> -> memref<128xi32, #tpu.memory_space<vmem>>
    %dma_start3A_206 = arith.constant 0 : i32
    %dma_start3A_207 = arith.constant 0 : i32
    %dma_start3A_208 = tpu.memref_slice %arg8[%dma_start3A_206, %dma_start3A_207] : memref<10000x128xf32, #tpu.memory_space<vmem_shared>> -> memref<10000x128xf32, #tpu.memory_space<vmem_shared>>
    tpu.enqueue_indirect_dma source(%dma_start3A_208 : memref<10000x128xf32, #tpu.memory_space<vmem_shared>>) target(%arg6 : memref<128x128xf32, #tpu.memory_space<vmem>>) offsets(%dma_start3A_205 : memref<128xi32, #tpu.memory_space<vmem>>) semaphore(%arg9 : memref<!tpu.dma_semaphore, #tpu.memory_space<semaphore_mem>>) {add = true}
    %dma_start3A_209 = arith.constant 28 : i32
    %dma_start3A_210 = arith.constant 0 : i32
    %dma_start3A_211 = tpu.memref_slice %arg5[%dma_start3A_209, %dma_start3A_210] : memref<32x320xi32, #tpu.memory_space<vmem>> -> memref<1x128xi32, #tpu.memory_space<vmem>>
    %dma_start3A_212 = tpu.memref_squeeze %dma_start3A_211 : memref<1x128xi32, #tpu.memory_space<vmem>> -> memref<128xi32, #tpu.memory_space<vmem>>
    %dma_start3A_213 = arith.constant 0 : i32
    %dma_start3A_214 = arith.constant 0 : i32
    %dma_start3A_215 = tpu.memref_slice %arg8[%dma_start3A_213, %dma_start3A_214] : memref<10000x128xf32, #tpu.memory_space<vmem_shared>> -> memref<10000x128xf32, #tpu.memory_space<vmem_shared>>
    tpu.enqueue_indirect_dma source(%dma_start3A_215 : memref<10000x128xf32, #tpu.memory_space<vmem_shared>>) target(%arg6 : memref<128x128xf32, #tpu.memory_space<vmem>>) offsets(%dma_start3A_212 : memref<128xi32, #tpu.memory_space<vmem>>) semaphore(%arg9 : memref<!tpu.dma_semaphore, #tpu.memory_space<semaphore_mem>>) {add = true}
    %dma_start3A_216 = arith.constant 29 : i32
    %dma_start3A_217 = arith.constant 0 : i32
    %dma_start3A_218 = tpu.memref_slice %arg5[%dma_start3A_216, %dma_start3A_217] : memref<32x320xi32, #tpu.memory_space<vmem>> -> memref<1x128xi32, #tpu.memory_space<vmem>>
    %dma_start3A_219 = tpu.memref_squeeze %dma_start3A_218 : memref<1x128xi32, #tpu.memory_space<vmem>> -> memref<128xi32, #tpu.memory_space<vmem>>
    %dma_start3A_220 = arith.constant 0 : i32
    %dma_start3A_221 = arith.constant 0 : i32
    %dma_start3A_222 = tpu.memref_slice %arg8[%dma_start3A_220, %dma_start3A_221] : memref<10000x128xf32, #tpu.memory_space<vmem_shared>> -> memref<10000x128xf32, #tpu.memory_space<vmem_shared>>
    tpu.enqueue_indirect_dma source(%dma_start3A_222 : memref<10000x128xf32, #tpu.memory_space<vmem_shared>>) target(%arg6 : memref<128x128xf32, #tpu.memory_space<vmem>>) offsets(%dma_start3A_219 : memref<128xi32, #tpu.memory_space<vmem>>) semaphore(%arg9 : memref<!tpu.dma_semaphore, #tpu.memory_space<semaphore_mem>>) {add = true}
    %dma_start3A_223 = arith.constant 30 : i32
    %dma_start3A_224 = arith.constant 0 : i32
    %dma_start3A_225 = tpu.memref_slice %arg5[%dma_start3A_223, %dma_start3A_224] : memref<32x320xi32, #tpu.memory_space<vmem>> -> memref<1x128xi32, #tpu.memory_space<vmem>>
    %dma_start3A_226 = tpu.memref_squeeze %dma_start3A_225 : memref<1x128xi32, #tpu.memory_space<vmem>> -> memref<128xi32, #tpu.memory_space<vmem>>
    %dma_start3A_227 = arith.constant 0 : i32
    %dma_start3A_228 = arith.constant 0 : i32
    %dma_start3A_229 = tpu.memref_slice %arg8[%dma_start3A_227, %dma_start3A_228] : memref<10000x128xf32, #tpu.memory_space<vmem_shared>> -> memref<10000x128xf32, #tpu.memory_space<vmem_shared>>
    tpu.enqueue_indirect_dma source(%dma_start3A_229 : memref<10000x128xf32, #tpu.memory_space<vmem_shared>>) target(%arg6 : memref<128x128xf32, #tpu.memory_space<vmem>>) offsets(%dma_start3A_226 : memref<128xi32, #tpu.memory_space<vmem>>) semaphore(%arg9 : memref<!tpu.dma_semaphore, #tpu.memory_space<semaphore_mem>>) {add = true}
    %dma_start3A_230 = arith.constant 31 : i32
    %dma_start3A_231 = arith.constant 0 : i32
    %dma_start3A_232 = tpu.memref_slice %arg5[%dma_start3A_230, %dma_start3A_231] : memref<32x320xi32, #tpu.memory_space<vmem>> -> memref<1x128xi32, #tpu.memory_space<vmem>>
    %dma_start3A_233 = tpu.memref_squeeze %dma_start3A_232 : memref<1x128xi32, #tpu.memory_space<vmem>> -> memref<128xi32, #tpu.memory_space<vmem>>
    %dma_start3A_234 = arith.constant 0 : i32
    %dma_start3A_235 = arith.constant 0 : i32
    %dma_start3A_236 = tpu.memref_slice %arg8[%dma_start3A_234, %dma_start3A_235] : memref<10000x128xf32, #tpu.memory_space<vmem_shared>> -> memref<10000x128xf32, #tpu.memory_space<vmem_shared>>
    tpu.enqueue_indirect_dma source(%dma_start3A_236 : memref<10000x128xf32, #tpu.memory_space<vmem_shared>>) target(%arg6 : memref<128x128xf32, #tpu.memory_space<vmem>>) offsets(%dma_start3A_233 : memref<128xi32, #tpu.memory_space<vmem>>) semaphore(%arg9 : memref<!tpu.dma_semaphore, #tpu.memory_space<semaphore_mem>>) {add = true}
    %scan3A_237 = arith.constant 0 : i32
    %scan3A_238 = arith.constant 1024 : i32
    %scan3A_239 = arith.addi %scan3A_237, %scan3A_238 : i32
    %scan3A_240 = arith.constant 8 : i32
    scf.for %scan3A_1600 = %scan3A_237 to %scan3A_239 step %scan3A_240  : i32 {
      %mul3A_1601 = arith.constant 1 : i32
      %mul3A_1602 = arith.muli %scan3A_1600, %mul3A_1601 : i32
      %add3A_1603 = arith.constant 0 : i32
      %add3A_1604 = arith.addi %add3A_1603, %mul3A_1602 : i32
      %jit3A = arith.constant 8 : i32
      %div3A = arith.divsi %add3A_1604, %jit3A : i32
      %sign3A = arith.constant 0 : i32
      %sign3A_1605 = arith.cmpi sgt, %add3A_1604, %sign3A : i32
      %sign3A_1606 = arith.extui %sign3A_1605 : i1 to i32
      %sign3A_1607 = arith.constant 0 : i32
      %sign3A_1608 = arith.cmpi slt, %add3A_1604, %sign3A_1607 : i32
      %sign3A_1609 = arith.extui %sign3A_1608 : i1 to i32
      %sign3A_1610 = arith.subi %sign3A_1606, %sign3A_1609 : i32
      %sign3A_1611 = arith.constant 0 : i32
      %sign3A_1612 = arith.cmpi sgt, %jit3A, %sign3A_1611 : i32
      %sign3A_1613 = arith.extui %sign3A_1612 : i1 to i32
      %sign3A_1614 = arith.constant 0 : i32
      %sign3A_1615 = arith.cmpi slt, %jit3A, %sign3A_1614 : i32
      %sign3A_1616 = arith.extui %sign3A_1615 : i1 to i32
      %sign3A_1617 = arith.subi %sign3A_1613, %sign3A_1616 : i32
      %ne3A = arith.cmpi ne, %sign3A_1610, %sign3A_1617 : i32
      %rem3A = arith.remsi %add3A_1604, %jit3A : i32
      %ne3A_1618 = arith.constant 0 : i32
      %ne3A_1619 = arith.cmpi ne, %rem3A, %ne3A_1618 : i32
      %and3A = arith.andi %ne3A, %ne3A_1619 : i1
      %sub3A = arith.constant 1 : i32
      %sub3A_1620 = arith.subi %div3A, %sub3A : i32
      %select_n3A = arith.select %and3A, %sub3A_1620, %div3A : i32
      %jit3A_1621 = arith.constant 8 : i32
      %eq3A_1622 = arith.constant 0 : i32
      %eq3A_1623 = arith.cmpi eq, %jit3A_1621, %eq3A_1622 : i32
      %jit3A_1624 = arith.constant 1 : i32
      %select_n3A_1625 = arith.select %eq3A_1623, %jit3A_1624, %jit3A_1621 : i32
      %rem3A_1626 = arith.remsi %add3A_1604, %select_n3A_1625 : i32
      %ne3A_1627 = arith.constant 0 : i32
      %ne3A_1628 = arith.cmpi ne, %rem3A_1626, %ne3A_1627 : i32
      %lt3A_1629 = arith.constant 0 : i32
      %lt3A_1630 = arith.cmpi slt, %rem3A_1626, %lt3A_1629 : i32
      %lt3A_1631 = arith.constant 0 : i32
      %lt3A_1632 = arith.cmpi slt, %select_n3A_1625, %lt3A_1631 : i32
      %ne3A_1633 = arith.xori %lt3A_1630, %lt3A_1632 : i1
      %and3A_1634 = arith.andi %ne3A_1633, %ne3A_1628 : i1
      %add3A_1635 = arith.addi %rem3A_1626, %select_n3A_1625 : i32
      %select_n3A_1636 = arith.select %and3A_1634, %add3A_1635, %rem3A_1626 : i32
      %mul3A_1637 = arith.constant 16 : i32
      %mul3A_1638 = arith.muli %select_n3A_1636, %mul3A_1637 : i32
      %swap3A = arith.index_cast %select_n3A : i32 to index
      %swap3A_1639 = arith.index_cast %mul3A_1638 : i32 to index
      %swap3A_1640 = tpu.vector_load %arg7[%swap3A, %swap3A_1639] {strides = array<i32>} : memref<128x128xf32, #tpu.memory_space<vmem>>, vector<1x16xf32>,
      %swap3A_1641 = vector.shape_cast %swap3A_1640 : vector<1x16xf32> to vector<16xf32>
      %swap3A_1642 = vector.shape_cast %broadcast_in_dim3A_9 : vector<16xf32> to vector<1x16xf32>
      tpu.vector_store %arg7[%swap3A, %swap3A_1639], %swap3A_1642 {strides = array<i32>} : memref<128x128xf32, #tpu.memory_space<vmem>>, vector<1x16xf32>,
      %scan3A_1643 = arith.constant 1 : i32
      %scan3A_1644 = arith.addi %scan3A_1600, %scan3A_1643 : i32
      %mul3A_1645 = arith.constant 1 : i32
      %mul3A_1646 = arith.muli %scan3A_1644, %mul3A_1645 : i32
      %add3A_1647 = arith.constant 0 : i32
      %add3A_1648 = arith.addi %add3A_1647, %mul3A_1646 : i32
      %jit3A_1649 = arith.constant 8 : i32
      %div3A_1650 = arith.divsi %add3A_1648, %jit3A_1649 : i32
      %sign3A_1651 = arith.constant 0 : i32
      %sign3A_1652 = arith.cmpi sgt, %add3A_1648, %sign3A_1651 : i32
      %sign3A_1653 = arith.extui %sign3A_1652 : i1 to i32
      %sign3A_1654 = arith.constant 0 : i32
      %sign3A_1655 = arith.cmpi slt, %add3A_1648, %sign3A_1654 : i32
      %sign3A_1656 = arith.extui %sign3A_1655 : i1 to i32
      %sign3A_1657 = arith.subi %sign3A_1653, %sign3A_1656 : i32
      %sign3A_1658 = arith.constant 0 : i32
      %sign3A_1659 = arith.cmpi sgt, %jit3A_1649, %sign3A_1658 : i32
      %sign3A_1660 = arith.extui %sign3A_1659 : i1 to i32
      %sign3A_1661 = arith.constant 0 : i32
      %sign3A_1662 = arith.cmpi slt, %jit3A_1649, %sign3A_1661 : i32
      %sign3A_1663 = arith.extui %sign3A_1662 : i1 to i32
      %sign3A_1664 = arith.subi %sign3A_1660, %sign3A_1663 : i32
      %ne3A_1665 = arith.cmpi ne, %sign3A_1657, %sign3A_1664 : i32
      %rem3A_1666 = arith.remsi %add3A_1648, %jit3A_1649 : i32
      %ne3A_1667 = arith.constant 0 : i32
      %ne3A_1668 = arith.cmpi ne, %rem3A_1666, %ne3A_1667 : i32
      %and3A_1669 = arith.andi %ne3A_1665, %ne3A_1668 : i1
      %sub3A_1670 = arith.constant 1 : i32
      %sub3A_1671 = arith.subi %div3A_1650, %sub3A_1670 : i32
      %select_n3A_1672 = arith.select %and3A_1669, %sub3A_1671, %div3A_1650 : i32
      %jit3A_1673 = arith.constant 8 : i32
      %eq3A_1674 = arith.constant 0 : i32
      %eq3A_1675 = arith.cmpi eq, %jit3A_1673, %eq3A_1674 : i32
      %jit3A_1676 = arith.constant 1 : i32
      %select_n3A_1677 = arith.select %eq3A_1675, %jit3A_1676, %jit3A_1673 : i32
      %rem3A_1678 = arith.remsi %add3A_1648, %select_n3A_1677 : i32
      %ne3A_1679 = arith.constant 0 : i32
      %ne3A_1680 = arith.cmpi ne, %rem3A_1678, %ne3A_1679 : i32
      %lt3A_1681 = arith.constant 0 : i32
      %lt3A_1682 = arith.cmpi slt, %rem3A_1678, %lt3A_1681 : i32
      %lt3A_1683 = arith.constant 0 : i32
      %lt3A_1684 = arith.cmpi slt, %select_n3A_1677, %lt3A_1683 : i32
      %ne3A_1685 = arith.xori %lt3A_1682, %lt3A_1684 : i1
      %and3A_1686 = arith.andi %ne3A_1685, %ne3A_1680 : i1
      %add3A_1687 = arith.addi %rem3A_1678, %select_n3A_1677 : i32
      %select_n3A_1688 = arith.select %and3A_1686, %add3A_1687, %rem3A_1678 : i32
      %mul3A_1689 = arith.constant 16 : i32
      %mul3A_1690 = arith.muli %select_n3A_1688, %mul3A_1689 : i32
      %swap3A_1691 = arith.index_cast %select_n3A_1672 : i32 to index
      %swap3A_1692 = arith.index_cast %mul3A_1690 : i32 to index
      %swap3A_1693 = tpu.vector_load %arg7[%swap3A_1691, %swap3A_1692] {strides = array<i32>} : memref<128x128xf32, #tpu.memory_space<vmem>>, vector<1x16xf32>,
      %swap3A_1694 = vector.shape_cast %swap3A_1693 : vector<1x16xf32> to vector<16xf32>
      %swap3A_1695 = vector.shape_cast %broadcast_in_dim3A_9 : vector<16xf32> to vector<1x16xf32>
      tpu.vector_store %arg7[%swap3A_1691, %swap3A_1692], %swap3A_1695 {strides = array<i32>} : memref<128x128xf32, #tpu.memory_space<vmem>>, vector<1x16xf32>,
      %scan3A_1696 = arith.constant 2 : i32
      %scan3A_1697 = arith.addi %scan3A_1600, %scan3A_1696 : i32
      %mul3A_1698 = arith.constant 1 : i32
      %mul3A_1699 = arith.muli %scan3A_1697, %mul3A_1698 : i32
      %add3A_1700 = arith.constant 0 : i32
      %add3A_1701 = arith.addi %add3A_1700, %mul3A_1699 : i32
      %jit3A_1702 = arith.constant 8 : i32
      %div3A_1703 = arith.divsi %add3A_1701, %jit3A_1702 : i32
      %sign3A_1704 = arith.constant 0 : i32
      %sign3A_1705 = arith.cmpi sgt, %add3A_1701, %sign3A_1704 : i32
      %sign3A_1706 = arith.extui %sign3A_1705 : i1 to i32
      %sign3A_1707 = arith.constant 0 : i32
      %sign3A_1708 = arith.cmpi slt, %add3A_1701, %sign3A_1707 : i32
      %sign3A_1709 = arith.extui %sign3A_1708 : i1 to i32
      %sign3A_1710 = arith.subi %sign3A_1706, %sign3A_1709 : i32
      %sign3A_1711 = arith.constant 0 : i32
      %sign3A_1712 = arith.cmpi sgt, %jit3A_1702, %sign3A_1711 : i32
      %sign3A_1713 = arith.extui %sign3A_1712 : i1 to i32
      %sign3A_1714 = arith.constant 0 : i32
      %sign3A_1715 = arith.cmpi slt, %jit3A_1702, %sign3A_1714 : i32
      %sign3A_1716 = arith.extui %sign3A_1715 : i1 to i32
      %sign3A_1717 = arith.subi %sign3A_1713, %sign3A_1716 : i32
      %ne3A_1718 = arith.cmpi ne, %sign3A_1710, %sign3A_1717 : i32
      %rem3A_1719 = arith.remsi %add3A_1701, %jit3A_1702 : i32
      %ne3A_1720 = arith.constant 0 : i32
      %ne3A_1721 = arith.cmpi ne, %rem3A_1719, %ne3A_1720 : i32
      %and3A_1722 = arith.andi %ne3A_1718, %ne3A_1721 : i1
      %sub3A_1723 = arith.constant 1 : i32
      %sub3A_1724 = arith.subi %div3A_1703, %sub3A_1723 : i32
      %select_n3A_1725 = arith.select %and3A_1722, %sub3A_1724, %div3A_1703 : i32
      %jit3A_1726 = arith.constant 8 : i32
      %eq3A_1727 = arith.constant 0 : i32
      %eq3A_1728 = arith.cmpi eq, %jit3A_1726, %eq3A_1727 : i32
      %jit3A_1729 = arith.constant 1 : i32
      %select_n3A_1730 = arith.select %eq3A_1728, %jit3A_1729, %jit3A_1726 : i32
      %rem3A_1731 = arith.remsi %add3A_1701, %select_n3A_1730 : i32
      %ne3A_1732 = arith.constant 0 : i32
      %ne3A_1733 = arith.cmpi ne, %rem3A_1731, %ne3A_1732 : i32
      %lt3A_1734 = arith.constant 0 : i32
      %lt3A_1735 = arith.cmpi slt, %rem3A_1731, %lt3A_1734 : i32
      %lt3A_1736 = arith.constant 0 : i32
      %lt3A_1737 = arith.cmpi slt, %select_n3A_1730, %lt3A_1736 : i32
      %ne3A_1738 = arith.xori %lt3A_1735, %lt3A_1737 : i1
      %and3A_1739 = arith.andi %ne3A_1738, %ne3A_1733 : i1
      %add3A_1740 = arith.addi %rem3A_1731, %select_n3A_1730 : i32
      %select_n3A_1741 = arith.select %and3A_1739, %add3A_1740, %rem3A_1731 : i32
      %mul3A_1742 = arith.constant 16 : i32
      %mul3A_1743 = arith.muli %select_n3A_1741, %mul3A_1742 : i32
      %swap3A_1744 = arith.index_cast %select_n3A_1725 : i32 to index
      %swap3A_1745 = arith.index_cast %mul3A_1743 : i32 to index
      %swap3A_1746 = tpu.vector_load %arg7[%swap3A_1744, %swap3A_1745] {strides = array<i32>} : memref<128x128xf32, #tpu.memory_space<vmem>>, vector<1x16xf32>,
      %swap3A_1747 = vector.shape_cast %swap3A_1746 : vector<1x16xf32> to vector<16xf32>
      %swap3A_1748 = vector.shape_cast %broadcast_in_dim3A_9 : vector<16xf32> to vector<1x16xf32>
      tpu.vector_store %arg7[%swap3A_1744, %swap3A_1745], %swap3A_1748 {strides = array<i32>} : memref<128x128xf32, #tpu.memory_space<vmem>>, vector<1x16xf32>,
      %scan3A_1749 = arith.constant 3 : i32
      %scan3A_1750 = arith.addi %scan3A_1600, %scan3A_1749 : i32
      %mul3A_1751 = arith.constant 1 : i32
      %mul3A_1752 = arith.muli %scan3A_1750, %mul3A_1751 : i32
      %add3A_1753 = arith.constant 0 : i32
      %add3A_1754 = arith.addi %add3A_1753, %mul3A_1752 : i32
      %jit3A_1755 = arith.constant 8 : i32
      %div3A_1756 = arith.divsi %add3A_1754, %jit3A_1755 : i32
      %sign3A_1757 = arith.constant 0 : i32
      %sign3A_1758 = arith.cmpi sgt, %add3A_1754, %sign3A_1757 : i32
      %sign3A_1759 = arith.extui %sign3A_1758 : i1 to i32
      %sign3A_1760 = arith.constant 0 : i32
      %sign3A_1761 = arith.cmpi slt, %add3A_1754, %sign3A_1760 : i32
      %sign3A_1762 = arith.extui %sign3A_1761 : i1 to i32
      %sign3A_1763 = arith.subi %sign3A_1759, %sign3A_1762 : i32
      %sign3A_1764 = arith.constant 0 : i32
      %sign3A_1765 = arith.cmpi sgt, %jit3A_1755, %sign3A_1764 : i32
      %sign3A_1766 = arith.extui %sign3A_1765 : i1 to i32
      %sign3A_1767 = arith.constant 0 : i32
      %sign3A_1768 = arith.cmpi slt, %jit3A_1755, %sign3A_1767 : i32
      %sign3A_1769 = arith.extui %sign3A_1768 : i1 to i32
      %sign3A_1770 = arith.subi %sign3A_1766, %sign3A_1769 : i32
      %ne3A_1771 = arith.cmpi ne, %sign3A_1763, %sign3A_1770 : i32
      %rem3A_1772 = arith.remsi %add3A_1754, %jit3A_1755 : i32
      %ne3A_1773 = arith.constant 0 : i32
      %ne3A_1774 = arith.cmpi ne, %rem3A_1772, %ne3A_1773 : i32
      %and3A_1775 = arith.andi %ne3A_1771, %ne3A_1774 : i1
      %sub3A_1776 = arith.constant 1 : i32
      %sub3A_1777 = arith.subi %div3A_1756, %sub3A_1776 : i32
      %select_n3A_1778 = arith.select %and3A_1775, %sub3A_1777, %div3A_1756 : i32
      %jit3A_1779 = arith.constant 8 : i32
      %eq3A_1780 = arith.constant 0 : i32
      %eq3A_1781 = arith.cmpi eq, %jit3A_1779, %eq3A_1780 : i32
      %jit3A_1782 = arith.constant 1 : i32
      %select_n3A_1783 = arith.select %eq3A_1781, %jit3A_1782, %jit3A_1779 : i32
      %rem3A_1784 = arith.remsi %add3A_1754, %select_n3A_1783 : i32
      %ne3A_1785 = arith.constant 0 : i32
      %ne3A_1786 = arith.cmpi ne, %rem3A_1784, %ne3A_1785 : i32
      %lt3A_1787 = arith.constant 0 : i32
      %lt3A_1788 = arith.cmpi slt, %rem3A_1784, %lt3A_1787 : i32
      %lt3A_1789 = arith.constant 0 : i32
      %lt3A_1790 = arith.cmpi slt, %select_n3A_1783, %lt3A_1789 : i32
      %ne3A_1791 = arith.xori %lt3A_1788, %lt3A_1790 : i1
      %and3A_1792 = arith.andi %ne3A_1791, %ne3A_1786 : i1
      %add3A_1793 = arith.addi %rem3A_1784, %select_n3A_1783 : i32
      %select_n3A_1794 = arith.select %and3A_1792, %add3A_1793, %rem3A_1784 : i32
      %mul3A_1795 = arith.constant 16 : i32
      %mul3A_1796 = arith.muli %select_n3A_1794, %mul3A_1795 : i32
      %swap3A_1797 = arith.index_cast %select_n3A_1778 : i32 to index
      %swap3A_1798 = arith.index_cast %mul3A_1796 : i32 to index
      %swap3A_1799 = tpu.vector_load %arg7[%swap3A_1797, %swap3A_1798] {strides = array<i32>} : memref<128x128xf32, #tpu.memory_space<vmem>>, vector<1x16xf32>,
      %swap3A_1800 = vector.shape_cast %swap3A_1799 : vector<1x16xf32> to vector<16xf32>
      %swap3A_1801 = vector.shape_cast %broadcast_in_dim3A_9 : vector<16xf32> to vector<1x16xf32>
      tpu.vector_store %arg7[%swap3A_1797, %swap3A_1798], %swap3A_1801 {strides = array<i32>} : memref<128x128xf32, #tpu.memory_space<vmem>>, vector<1x16xf32>,
      %scan3A_1802 = arith.constant 4 : i32
      %scan3A_1803 = arith.addi %scan3A_1600, %scan3A_1802 : i32
      %mul3A_1804 = arith.constant 1 : i32
      %mul3A_1805 = arith.muli %scan3A_1803, %mul3A_1804 : i32
      %add3A_1806 = arith.constant 0 : i32
      %add3A_1807 = arith.addi %add3A_1806, %mul3A_1805 : i32
      %jit3A_1808 = arith.constant 8 : i32
      %div3A_1809 = arith.divsi %add3A_1807, %jit3A_1808 : i32
      %sign3A_1810 = arith.constant 0 : i32
      %sign3A_1811 = arith.cmpi sgt, %add3A_1807, %sign3A_1810 : i32
      %sign3A_1812 = arith.extui %sign3A_1811 : i1 to i32
      %sign3A_1813 = arith.constant 0 : i32
      %sign3A_1814 = arith.cmpi slt, %add3A_1807, %sign3A_1813 : i32
      %sign3A_1815 = arith.extui %sign3A_1814 : i1 to i32
      %sign3A_1816 = arith.subi %sign3A_1812, %sign3A_1815 : i32
      %sign3A_1817 = arith.constant 0 : i32
      %sign3A_1818 = arith.cmpi sgt, %jit3A_1808, %sign3A_1817 : i32
      %sign3A_1819 = arith.extui %sign3A_1818 : i1 to i32
      %sign3A_1820 = arith.constant 0 : i32
      %sign3A_1821 = arith.cmpi slt, %jit3A_1808, %sign3A_1820 : i32
      %sign3A_1822 = arith.extui %sign3A_1821 : i1 to i32
      %sign3A_1823 = arith.subi %sign3A_1819, %sign3A_1822 : i32
      %ne3A_1824 = arith.cmpi ne, %sign3A_1816, %sign3A_1823 : i32
      %rem3A_1825 = arith.remsi %add3A_1807, %jit3A_1808 : i32
      %ne3A_1826 = arith.constant 0 : i32
      %ne3A_1827 = arith.cmpi ne, %rem3A_1825, %ne3A_1826 : i32
      %and3A_1828 = arith.andi %ne3A_1824, %ne3A_1827 : i1
      %sub3A_1829 = arith.constant 1 : i32
      %sub3A_1830 = arith.subi %div3A_1809, %sub3A_1829 : i32
      %select_n3A_1831 = arith.select %and3A_1828, %sub3A_1830, %div3A_1809 : i32
      %jit3A_1832 = arith.constant 8 : i32
      %eq3A_1833 = arith.constant 0 : i32
      %eq3A_1834 = arith.cmpi eq, %jit3A_1832, %eq3A_1833 : i32
      %jit3A_1835 = arith.constant 1 : i32
      %select_n3A_1836 = arith.select %eq3A_1834, %jit3A_1835, %jit3A_1832 : i32
      %rem3A_1837 = arith.remsi %add3A_1807, %select_n3A_1836 : i32
      %ne3A_1838 = arith.constant 0 : i32
      %ne3A_1839 = arith.cmpi ne, %rem3A_1837, %ne3A_1838 : i32
      %lt3A_1840 = arith.constant 0 : i32
      %lt3A_1841 = arith.cmpi slt, %rem3A_1837, %lt3A_1840 : i32
      %lt3A_1842 = arith.constant 0 : i32
      %lt3A_1843 = arith.cmpi slt, %select_n3A_1836, %lt3A_1842 : i32
      %ne3A_1844 = arith.xori %lt3A_1841, %lt3A_1843 : i1
      %and3A_1845 = arith.andi %ne3A_1844, %ne3A_1839 : i1
      %add3A_1846 = arith.addi %rem3A_1837, %select_n3A_1836 : i32
      %select_n3A_1847 = arith.select %and3A_1845, %add3A_1846, %rem3A_1837 : i32
      %mul3A_1848 = arith.constant 16 : i32
      %mul3A_1849 = arith.muli %select_n3A_1847, %mul3A_1848 : i32
      %swap3A_1850 = arith.index_cast %select_n3A_1831 : i32 to index
      %swap3A_1851 = arith.index_cast %mul3A_1849 : i32 to index
      %swap3A_1852 = tpu.vector_load %arg7[%swap3A_1850, %swap3A_1851] {strides = array<i32>} : memref<128x128xf32, #tpu.memory_space<vmem>>, vector<1x16xf32>,
      %swap3A_1853 = vector.shape_cast %swap3A_1852 : vector<1x16xf32> to vector<16xf32>
      %swap3A_1854 = vector.shape_cast %broadcast_in_dim3A_9 : vector<16xf32> to vector<1x16xf32>
      tpu.vector_store %arg7[%swap3A_1850, %swap3A_1851], %swap3A_1854 {strides = array<i32>} : memref<128x128xf32, #tpu.memory_space<vmem>>, vector<1x16xf32>,
      %scan3A_1855 = arith.constant 5 : i32
      %scan3A_1856 = arith.addi %scan3A_1600, %scan3A_1855 : i32
      %mul3A_1857 = arith.constant 1 : i32
      %mul3A_1858 = arith.muli %scan3A_1856, %mul3A_1857 : i32
      %add3A_1859 = arith.constant 0 : i32
      %add3A_1860 = arith.addi %add3A_1859, %mul3A_1858 : i32
      %jit3A_1861 = arith.constant 8 : i32
      %div3A_1862 = arith.divsi %add3A_1860, %jit3A_1861 : i32
      %sign3A_1863 = arith.constant 0 : i32
      %sign3A_1864 = arith.cmpi sgt, %add3A_1860, %sign3A_1863 : i32
      %sign3A_1865 = arith.extui %sign3A_1864 : i1 to i32
      %sign3A_1866 = arith.constant 0 : i32
      %sign3A_1867 = arith.cmpi slt, %add3A_1860, %sign3A_1866 : i32
      %sign3A_1868 = arith.extui %sign3A_1867 : i1 to i32
      %sign3A_1869 = arith.subi %sign3A_1865, %sign3A_1868 : i32
      %sign3A_1870 = arith.constant 0 : i32
      %sign3A_1871 = arith.cmpi sgt, %jit3A_1861, %sign3A_1870 : i32
      %sign3A_1872 = arith.extui %sign3A_1871 : i1 to i32
      %sign3A_1873 = arith.constant 0 : i32
      %sign3A_1874 = arith.cmpi slt, %jit3A_1861, %sign3A_1873 : i32
      %sign3A_1875 = arith.extui %sign3A_1874 : i1 to i32
      %sign3A_1876 = arith.subi %sign3A_1872, %sign3A_1875 : i32
      %ne3A_1877 = arith.cmpi ne, %sign3A_1869, %sign3A_1876 : i32
      %rem3A_1878 = arith.remsi %add3A_1860, %jit3A_1861 : i32
      %ne3A_1879 = arith.constant 0 : i32
      %ne3A_1880 = arith.cmpi ne, %rem3A_1878, %ne3A_1879 : i32
      %and3A_1881 = arith.andi %ne3A_1877, %ne3A_1880 : i1
      %sub3A_1882 = arith.constant 1 : i32
      %sub3A_1883 = arith.subi %div3A_1862, %sub3A_1882 : i32
      %select_n3A_1884 = arith.select %and3A_1881, %sub3A_1883, %div3A_1862 : i32
      %jit3A_1885 = arith.constant 8 : i32
      %eq3A_1886 = arith.constant 0 : i32
      %eq3A_1887 = arith.cmpi eq, %jit3A_1885, %eq3A_1886 : i32
      %jit3A_1888 = arith.constant 1 : i32
      %select_n3A_1889 = arith.select %eq3A_1887, %jit3A_1888, %jit3A_1885 : i32
      %rem3A_1890 = arith.remsi %add3A_1860, %select_n3A_1889 : i32
      %ne3A_1891 = arith.constant 0 : i32
      %ne3A_1892 = arith.cmpi ne, %rem3A_1890, %ne3A_1891 : i32
      %lt3A_1893 = arith.constant 0 : i32
      %lt3A_1894 = arith.cmpi slt, %rem3A_1890, %lt3A_1893 : i32
      %lt3A_1895 = arith.constant 0 : i32
      %lt3A_1896 = arith.cmpi slt, %select_n3A_1889, %lt3A_1895 : i32
      %ne3A_1897 = arith.xori %lt3A_1894, %lt3A_1896 : i1
      %and3A_1898 = arith.andi %ne3A_1897, %ne3A_1892 : i1
      %add3A_1899 = arith.addi %rem3A_1890, %select_n3A_1889 : i32
      %select_n3A_1900 = arith.select %and3A_1898, %add3A_1899, %rem3A_1890 : i32
      %mul3A_1901 = arith.constant 16 : i32
      %mul3A_1902 = arith.muli %select_n3A_1900, %mul3A_1901 : i32
      %swap3A_1903 = arith.index_cast %select_n3A_1884 : i32 to index
      %swap3A_1904 = arith.index_cast %mul3A_1902 : i32 to index
      %swap3A_1905 = tpu.vector_load %arg7[%swap3A_1903, %swap3A_1904] {strides = array<i32>} : memref<128x128xf32, #tpu.memory_space<vmem>>, vector<1x16xf32>,
      %swap3A_1906 = vector.shape_cast %swap3A_1905 : vector<1x16xf32> to vector<16xf32>
      %swap3A_1907 = vector.shape_cast %broadcast_in_dim3A_9 : vector<16xf32> to vector<1x16xf32>
      tpu.vector_store %arg7[%swap3A_1903, %swap3A_1904], %swap3A_1907 {strides = array<i32>} : memref<128x128xf32, #tpu.memory_space<vmem>>, vector<1x16xf32>,
      %scan3A_1908 = arith.constant 6 : i32
      %scan3A_1909 = arith.addi %scan3A_1600, %scan3A_1908 : i32
      %mul3A_1910 = arith.constant 1 : i32
      %mul3A_1911 = arith.muli %scan3A_1909, %mul3A_1910 : i32
      %add3A_1912 = arith.constant 0 : i32
      %add3A_1913 = arith.addi %add3A_1912, %mul3A_1911 : i32
      %jit3A_1914 = arith.constant 8 : i32
      %div3A_1915 = arith.divsi %add3A_1913, %jit3A_1914 : i32
      %sign3A_1916 = arith.constant 0 : i32
      %sign3A_1917 = arith.cmpi sgt, %add3A_1913, %sign3A_1916 : i32
      %sign3A_1918 = arith.extui %sign3A_1917 : i1 to i32
      %sign3A_1919 = arith.constant 0 : i32
      %sign3A_1920 = arith.cmpi slt, %add3A_1913, %sign3A_1919 : i32
      %sign3A_1921 = arith.extui %sign3A_1920 : i1 to i32
      %sign3A_1922 = arith.subi %sign3A_1918, %sign3A_1921 : i32
      %sign3A_1923 = arith.constant 0 : i32
      %sign3A_1924 = arith.cmpi sgt, %jit3A_1914, %sign3A_1923 : i32
      %sign3A_1925 = arith.extui %sign3A_1924 : i1 to i32
      %sign3A_1926 = arith.constant 0 : i32
      %sign3A_1927 = arith.cmpi slt, %jit3A_1914, %sign3A_1926 : i32
      %sign3A_1928 = arith.extui %sign3A_1927 : i1 to i32
      %sign3A_1929 = arith.subi %sign3A_1925, %sign3A_1928 : i32
      %ne3A_1930 = arith.cmpi ne, %sign3A_1922, %sign3A_1929 : i32
      %rem3A_1931 = arith.remsi %add3A_1913, %jit3A_1914 : i32
      %ne3A_1932 = arith.constant 0 : i32
      %ne3A_1933 = arith.cmpi ne, %rem3A_1931, %ne3A_1932 : i32
      %and3A_1934 = arith.andi %ne3A_1930, %ne3A_1933 : i1
      %sub3A_1935 = arith.constant 1 : i32
      %sub3A_1936 = arith.subi %div3A_1915, %sub3A_1935 : i32
      %select_n3A_1937 = arith.select %and3A_1934, %sub3A_1936, %div3A_1915 : i32
      %jit3A_1938 = arith.constant 8 : i32
      %eq3A_1939 = arith.constant 0 : i32
      %eq3A_1940 = arith.cmpi eq, %jit3A_1938, %eq3A_1939 : i32
      %jit3A_1941 = arith.constant 1 : i32
      %select_n3A_1942 = arith.select %eq3A_1940, %jit3A_1941, %jit3A_1938 : i32
      %rem3A_1943 = arith.remsi %add3A_1913, %select_n3A_1942 : i32
      %ne3A_1944 = arith.constant 0 : i32
      %ne3A_1945 = arith.cmpi ne, %rem3A_1943, %ne3A_1944 : i32
      %lt3A_1946 = arith.constant 0 : i32
      %lt3A_1947 = arith.cmpi slt, %rem3A_1943, %lt3A_1946 : i32
      %lt3A_1948 = arith.constant 0 : i32
      %lt3A_1949 = arith.cmpi slt, %select_n3A_1942, %lt3A_1948 : i32
      %ne3A_1950 = arith.xori %lt3A_1947, %lt3A_1949 : i1
      %and3A_1951 = arith.andi %ne3A_1950, %ne3A_1945 : i1
      %add3A_1952 = arith.addi %rem3A_1943, %select_n3A_1942 : i32
      %select_n3A_1953 = arith.select %and3A_1951, %add3A_1952, %rem3A_1943 : i32
      %mul3A_1954 = arith.constant 16 : i32
      %mul3A_1955 = arith.muli %select_n3A_1953, %mul3A_1954 : i32
      %swap3A_1956 = arith.index_cast %select_n3A_1937 : i32 to index
      %swap3A_1957 = arith.index_cast %mul3A_1955 : i32 to index
      %swap3A_1958 = tpu.vector_load %arg7[%swap3A_1956, %swap3A_1957] {strides = array<i32>} : memref<128x128xf32, #tpu.memory_space<vmem>>, vector<1x16xf32>,
      %swap3A_1959 = vector.shape_cast %swap3A_1958 : vector<1x16xf32> to vector<16xf32>
      %swap3A_1960 = vector.shape_cast %broadcast_in_dim3A_9 : vector<16xf32> to vector<1x16xf32>
      tpu.vector_store %arg7[%swap3A_1956, %swap3A_1957], %swap3A_1960 {strides = array<i32>} : memref<128x128xf32, #tpu.memory_space<vmem>>, vector<1x16xf32>,
      %scan3A_1961 = arith.constant 7 : i32
      %scan3A_1962 = arith.addi %scan3A_1600, %scan3A_1961 : i32
      %mul3A_1963 = arith.constant 1 : i32
      %mul3A_1964 = arith.muli %scan3A_1962, %mul3A_1963 : i32
      %add3A_1965 = arith.constant 0 : i32
      %add3A_1966 = arith.addi %add3A_1965, %mul3A_1964 : i32
      %jit3A_1967 = arith.constant 8 : i32
      %div3A_1968 = arith.divsi %add3A_1966, %jit3A_1967 : i32
      %sign3A_1969 = arith.constant 0 : i32
      %sign3A_1970 = arith.cmpi sgt, %add3A_1966, %sign3A_1969 : i32
      %sign3A_1971 = arith.extui %sign3A_1970 : i1 to i32
      %sign3A_1972 = arith.constant 0 : i32
      %sign3A_1973 = arith.cmpi slt, %add3A_1966, %sign3A_1972 : i32
      %sign3A_1974 = arith.extui %sign3A_1973 : i1 to i32
      %sign3A_1975 = arith.subi %sign3A_1971, %sign3A_1974 : i32
      %sign3A_1976 = arith.constant 0 : i32
      %sign3A_1977 = arith.cmpi sgt, %jit3A_1967, %sign3A_1976 : i32
      %sign3A_1978 = arith.extui %sign3A_1977 : i1 to i32
      %sign3A_1979 = arith.constant 0 : i32
      %sign3A_1980 = arith.cmpi slt, %jit3A_1967, %sign3A_1979 : i32
      %sign3A_1981 = arith.extui %sign3A_1980 : i1 to i32
      %sign3A_1982 = arith.subi %sign3A_1978, %sign3A_1981 : i32
      %ne3A_1983 = arith.cmpi ne, %sign3A_1975, %sign3A_1982 : i32
      %rem3A_1984 = arith.remsi %add3A_1966, %jit3A_1967 : i32
      %ne3A_1985 = arith.constant 0 : i32
      %ne3A_1986 = arith.cmpi ne, %rem3A_1984, %ne3A_1985 : i32
      %and3A_1987 = arith.andi %ne3A_1983, %ne3A_1986 : i1
      %sub3A_1988 = arith.constant 1 : i32
      %sub3A_1989 = arith.subi %div3A_1968, %sub3A_1988 : i32
      %select_n3A_1990 = arith.select %and3A_1987, %sub3A_1989, %div3A_1968 : i32
      %jit3A_1991 = arith.constant 8 : i32
      %eq3A_1992 = arith.constant 0 : i32
      %eq3A_1993 = arith.cmpi eq, %jit3A_1991, %eq3A_1992 : i32
      %jit3A_1994 = arith.constant 1 : i32
      %select_n3A_1995 = arith.select %eq3A_1993, %jit3A_1994, %jit3A_1991 : i32
      %rem3A_1996 = arith.remsi %add3A_1966, %select_n3A_1995 : i32
      %ne3A_1997 = arith.constant 0 : i32
      %ne3A_1998 = arith.cmpi ne, %rem3A_1996, %ne3A_1997 : i32
      %lt3A_1999 = arith.constant 0 : i32
      %lt3A_2000 = arith.cmpi slt, %rem3A_1996, %lt3A_1999 : i32
      %lt3A_2001 = arith.constant 0 : i32
      %lt3A_2002 = arith.cmpi slt, %select_n3A_1995, %lt3A_2001 : i32
      %ne3A_2003 = arith.xori %lt3A_2000, %lt3A_2002 : i1
      %and3A_2004 = arith.andi %ne3A_2003, %ne3A_1998 : i1
      %add3A_2005 = arith.addi %rem3A_1996, %select_n3A_1995 : i32
      %select_n3A_2006 = arith.select %and3A_2004, %add3A_2005, %rem3A_1996 : i32
      %mul3A_2007 = arith.constant 16 : i32
      %mul3A_2008 = arith.muli %select_n3A_2006, %mul3A_2007 : i32
      %swap3A_2009 = arith.index_cast %select_n3A_1990 : i32 to index
      %swap3A_2010 = arith.index_cast %mul3A_2008 : i32 to index
      %swap3A_2011 = tpu.vector_load %arg7[%swap3A_2009, %swap3A_2010] {strides = array<i32>} : memref<128x128xf32, #tpu.memory_space<vmem>>, vector<1x16xf32>,
      %swap3A_2012 = vector.shape_cast %swap3A_2011 : vector<1x16xf32> to vector<16xf32>
      %swap3A_2013 = vector.shape_cast %broadcast_in_dim3A_9 : vector<16xf32> to vector<1x16xf32>
      tpu.vector_store %arg7[%swap3A_2009, %swap3A_2010], %swap3A_2013 {strides = array<i32>} : memref<128x128xf32, #tpu.memory_space<vmem>>, vector<1x16xf32>,
    }
    %scan3A_241 = arith.constant 1024 : i32
    %dma_start3A_242 = arith.constant 0 : i32
    %dma_start3A_243 = arith.constant 128 : i32
    %dma_start3A_244 = tpu.memref_slice %arg5[%dma_start3A_242, %dma_start3A_243] : memref<32x320xi32, #tpu.memory_space<vmem>> -> memref<1x128xi32, #tpu.memory_space<vmem>>
    %dma_start3A_245 = tpu.memref_squeeze %dma_start3A_244 : memref<1x128xi32, #tpu.memory_space<vmem>> -> memref<128xi32, #tpu.memory_space<vmem>>
    %dma_start3A_246 = arith.constant 0 : i32
    %dma_start3A_247 = arith.constant 0 : i32
    %dma_start3A_248 = tpu.memref_slice %arg8[%dma_start3A_246, %dma_start3A_247] : memref<10000x128xf32, #tpu.memory_space<vmem_shared>> -> memref<10000x128xf32, #tpu.memory_space<vmem_shared>>
    tpu.enqueue_indirect_dma source(%dma_start3A_248 : memref<10000x128xf32, #tpu.memory_space<vmem_shared>>) target(%arg7 : memref<128x128xf32, #tpu.memory_space<vmem>>) offsets(%dma_start3A_245 : memref<128xi32, #tpu.memory_space<vmem>>) semaphore(%arg10 : memref<!tpu.dma_semaphore, #tpu.memory_space<semaphore_mem>>) {add = true}
    %dma_start3A_249 = arith.constant 1 : i32
    %dma_start3A_250 = arith.constant 128 : i32
    %dma_start3A_251 = tpu.memref_slice %arg5[%dma_start3A_249, %dma_start3A_250] : memref<32x320xi32, #tpu.memory_space<vmem>> -> memref<1x128xi32, #tpu.memory_space<vmem>>
    %dma_start3A_252 = tpu.memref_squeeze %dma_start3A_251 : memref<1x128xi32, #tpu.memory_space<vmem>> -> memref<128xi32, #tpu.memory_space<vmem>>
    %dma_start3A_253 = arith.constant 0 : i32
    %dma_start3A_254 = arith.constant 0 : i32
    %dma_start3A_255 = tpu.memref_slice %arg8[%dma_start3A_253, %dma_start3A_254] : memref<10000x128xf32, #tpu.memory_space<vmem_shared>> -> memref<10000x128xf32, #tpu.memory_space<vmem_shared>>
    tpu.enqueue_indirect_dma source(%dma_start3A_255 : memref<10000x128xf32, #tpu.memory_space<vmem_shared>>) target(%arg7 : memref<128x128xf32, #tpu.memory_space<vmem>>) offsets(%dma_start3A_252 : memref<128xi32, #tpu.memory_space<vmem>>) semaphore(%arg10 : memref<!tpu.dma_semaphore, #tpu.memory_space<semaphore_mem>>) {add = true}
    %dma_start3A_256 = arith.constant 2 : i32
    %dma_start3A_257 = arith.constant 128 : i32
    %dma_start3A_258 = tpu.memref_slice %arg5[%dma_start3A_256, %dma_start3A_257] : memref<32x320xi32, #tpu.memory_space<vmem>> -> memref<1x128xi32, #tpu.memory_space<vmem>>
    %dma_start3A_259 = tpu.memref_squeeze %dma_start3A_258 : memref<1x128xi32, #tpu.memory_space<vmem>> -> memref<128xi32, #tpu.memory_space<vmem>>
    %dma_start3A_260 = arith.constant 0 : i32
    %dma_start3A_261 = arith.constant 0 : i32
    %dma_start3A_262 = tpu.memref_slice %arg8[%dma_start3A_260, %dma_start3A_261] : memref<10000x128xf32, #tpu.memory_space<vmem_shared>> -> memref<10000x128xf32, #tpu.memory_space<vmem_shared>>
    tpu.enqueue_indirect_dma source(%dma_start3A_262 : memref<10000x128xf32, #tpu.memory_space<vmem_shared>>) target(%arg7 : memref<128x128xf32, #tpu.memory_space<vmem>>) offsets(%dma_start3A_259 : memref<128xi32, #tpu.memory_space<vmem>>) semaphore(%arg10 : memref<!tpu.dma_semaphore, #tpu.memory_space<semaphore_mem>>) {add = true}
    %dma_start3A_263 = arith.constant 3 : i32
    %dma_start3A_264 = arith.constant 128 : i32
    %dma_start3A_265 = tpu.memref_slice %arg5[%dma_start3A_263, %dma_start3A_264] : memref<32x320xi32, #tpu.memory_space<vmem>> -> memref<1x128xi32, #tpu.memory_space<vmem>>
    %dma_start3A_266 = tpu.memref_squeeze %dma_start3A_265 : memref<1x128xi32, #tpu.memory_space<vmem>> -> memref<128xi32, #tpu.memory_space<vmem>>
    %dma_start3A_267 = arith.constant 0 : i32
    %dma_start3A_268 = arith.constant 0 : i32
    %dma_start3A_269 = tpu.memref_slice %arg8[%dma_start3A_267, %dma_start3A_268] : memref<10000x128xf32, #tpu.memory_space<vmem_shared>> -> memref<10000x128xf32, #tpu.memory_space<vmem_shared>>
    tpu.enqueue_indirect_dma source(%dma_start3A_269 : memref<10000x128xf32, #tpu.memory_space<vmem_shared>>) target(%arg7 : memref<128x128xf32, #tpu.memory_space<vmem>>) offsets(%dma_start3A_266 : memref<128xi32, #tpu.memory_space<vmem>>) semaphore(%arg10 : memref<!tpu.dma_semaphore, #tpu.memory_space<semaphore_mem>>) {add = true}
    %dma_start3A_270 = arith.constant 4 : i32
    %dma_start3A_271 = arith.constant 128 : i32
    %dma_start3A_272 = tpu.memref_slice %arg5[%dma_start3A_270, %dma_start3A_271] : memref<32x320xi32, #tpu.memory_space<vmem>> -> memref<1x128xi32, #tpu.memory_space<vmem>>
    %dma_start3A_273 = tpu.memref_squeeze %dma_start3A_272 : memref<1x128xi32, #tpu.memory_space<vmem>> -> memref<128xi32, #tpu.memory_space<vmem>>
    %dma_start3A_274 = arith.constant 0 : i32
    %dma_start3A_275 = arith.constant 0 : i32
    %dma_start3A_276 = tpu.memref_slice %arg8[%dma_start3A_274, %dma_start3A_275] : memref<10000x128xf32, #tpu.memory_space<vmem_shared>> -> memref<10000x128xf32, #tpu.memory_space<vmem_shared>>
    tpu.enqueue_indirect_dma source(%dma_start3A_276 : memref<10000x128xf32, #tpu.memory_space<vmem_shared>>) target(%arg7 : memref<128x128xf32, #tpu.memory_space<vmem>>) offsets(%dma_start3A_273 : memref<128xi32, #tpu.memory_space<vmem>>) semaphore(%arg10 : memref<!tpu.dma_semaphore, #tpu.memory_space<semaphore_mem>>) {add = true}
    %dma_start3A_277 = arith.constant 5 : i32
    %dma_start3A_278 = arith.constant 128 : i32
    %dma_start3A_279 = tpu.memref_slice %arg5[%dma_start3A_277, %dma_start3A_278] : memref<32x320xi32, #tpu.memory_space<vmem>> -> memref<1x128xi32, #tpu.memory_space<vmem>>
    %dma_start3A_280 = tpu.memref_squeeze %dma_start3A_279 : memref<1x128xi32, #tpu.memory_space<vmem>> -> memref<128xi32, #tpu.memory_space<vmem>>
    %dma_start3A_281 = arith.constant 0 : i32
    %dma_start3A_282 = arith.constant 0 : i32
    %dma_start3A_283 = tpu.memref_slice %arg8[%dma_start3A_281, %dma_start3A_282] : memref<10000x128xf32, #tpu.memory_space<vmem_shared>> -> memref<10000x128xf32, #tpu.memory_space<vmem_shared>>
    tpu.enqueue_indirect_dma source(%dma_start3A_283 : memref<10000x128xf32, #tpu.memory_space<vmem_shared>>) target(%arg7 : memref<128x128xf32, #tpu.memory_space<vmem>>) offsets(%dma_start3A_280 : memref<128xi32, #tpu.memory_space<vmem>>) semaphore(%arg10 : memref<!tpu.dma_semaphore, #tpu.memory_space<semaphore_mem>>) {add = true}
    %dma_start3A_284 = arith.constant 6 : i32
    %dma_start3A_285 = arith.constant 128 : i32
    %dma_start3A_286 = tpu.memref_slice %arg5[%dma_start3A_284, %dma_start3A_285] : memref<32x320xi32, #tpu.memory_space<vmem>> -> memref<1x128xi32, #tpu.memory_space<vmem>>
    %dma_start3A_287 = tpu.memref_squeeze %dma_start3A_286 : memref<1x128xi32, #tpu.memory_space<vmem>> -> memref<128xi32, #tpu.memory_space<vmem>>
    %dma_start3A_288 = arith.constant 0 : i32
    %dma_start3A_289 = arith.constant 0 : i32
    %dma_start3A_290 = tpu.memref_slice %arg8[%dma_start3A_288, %dma_start3A_289] : memref<10000x128xf32, #tpu.memory_space<vmem_shared>> -> memref<10000x128xf32, #tpu.memory_space<vmem_shared>>
    tpu.enqueue_indirect_dma source(%dma_start3A_290 : memref<10000x128xf32, #tpu.memory_space<vmem_shared>>) target(%arg7 : memref<128x128xf32, #tpu.memory_space<vmem>>) offsets(%dma_start3A_287 : memref<128xi32, #tpu.memory_space<vmem>>) semaphore(%arg10 : memref<!tpu.dma_semaphore, #tpu.memory_space<semaphore_mem>>) {add = true}
    %dma_start3A_291 = arith.constant 7 : i32
    %dma_start3A_292 = arith.constant 128 : i32
    %dma_start3A_293 = tpu.memref_slice %arg5[%dma_start3A_291, %dma_start3A_292] : memref<32x320xi32, #tpu.memory_space<vmem>> -> memref<1x128xi32, #tpu.memory_space<vmem>>
    %dma_start3A_294 = tpu.memref_squeeze %dma_start3A_293 : memref<1x128xi32, #tpu.memory_space<vmem>> -> memref<128xi32, #tpu.memory_space<vmem>>
    %dma_start3A_295 = arith.constant 0 : i32
    %dma_start3A_296 = arith.constant 0 : i32
    %dma_start3A_297 = tpu.memref_slice %arg8[%dma_start3A_295, %dma_start3A_296] : memref<10000x128xf32, #tpu.memory_space<vmem_shared>> -> memref<10000x128xf32, #tpu.memory_space<vmem_shared>>
    tpu.enqueue_indirect_dma source(%dma_start3A_297 : memref<10000x128xf32, #tpu.memory_space<vmem_shared>>) target(%arg7 : memref<128x128xf32, #tpu.memory_space<vmem>>) offsets(%dma_start3A_294 : memref<128xi32, #tpu.memory_space<vmem>>) semaphore(%arg10 : memref<!tpu.dma_semaphore, #tpu.memory_space<semaphore_mem>>) {add = true}
    %dma_start3A_298 = arith.constant 8 : i32
    %dma_start3A_299 = arith.constant 128 : i32
    %dma_start3A_300 = tpu.memref_slice %arg5[%dma_start3A_298, %dma_start3A_299] : memref<32x320xi32, #tpu.memory_space<vmem>> -> memref<1x128xi32, #tpu.memory_space<vmem>>
    %dma_start3A_301 = tpu.memref_squeeze %dma_start3A_300 : memref<1x128xi32, #tpu.memory_space<vmem>> -> memref<128xi32, #tpu.memory_space<vmem>>
    %dma_start3A_302 = arith.constant 0 : i32
    %dma_start3A_303 = arith.constant 0 : i32
    %dma_start3A_304 = tpu.memref_slice %arg8[%dma_start3A_302, %dma_start3A_303] : memref<10000x128xf32, #tpu.memory_space<vmem_shared>> -> memref<10000x128xf32, #tpu.memory_space<vmem_shared>>
    tpu.enqueue_indirect_dma source(%dma_start3A_304 : memref<10000x128xf32, #tpu.memory_space<vmem_shared>>) target(%arg7 : memref<128x128xf32, #tpu.memory_space<vmem>>) offsets(%dma_start3A_301 : memref<128xi32, #tpu.memory_space<vmem>>) semaphore(%arg10 : memref<!tpu.dma_semaphore, #tpu.memory_space<semaphore_mem>>) {add = true}
    %dma_start3A_305 = arith.constant 9 : i32
    %dma_start3A_306 = arith.constant 128 : i32
    %dma_start3A_307 = tpu.memref_slice %arg5[%dma_start3A_305, %dma_start3A_306] : memref<32x320xi32, #tpu.memory_space<vmem>> -> memref<1x128xi32, #tpu.memory_space<vmem>>
    %dma_start3A_308 = tpu.memref_squeeze %dma_start3A_307 : memref<1x128xi32, #tpu.memory_space<vmem>> -> memref<128xi32, #tpu.memory_space<vmem>>
    %dma_start3A_309 = arith.constant 0 : i32
    %dma_start3A_310 = arith.constant 0 : i32
    %dma_start3A_311 = tpu.memref_slice %arg8[%dma_start3A_309, %dma_start3A_310] : memref<10000x128xf32, #tpu.memory_space<vmem_shared>> -> memref<10000x128xf32, #tpu.memory_space<vmem_shared>>
    tpu.enqueue_indirect_dma source(%dma_start3A_311 : memref<10000x128xf32, #tpu.memory_space<vmem_shared>>) target(%arg7 : memref<128x128xf32, #tpu.memory_space<vmem>>) offsets(%dma_start3A_308 : memref<128xi32, #tpu.memory_space<vmem>>) semaphore(%arg10 : memref<!tpu.dma_semaphore, #tpu.memory_space<semaphore_mem>>) {add = true}
    %dma_start3A_312 = arith.constant 10 : i32
    %dma_start3A_313 = arith.constant 128 : i32
    %dma_start3A_314 = tpu.memref_slice %arg5[%dma_start3A_312, %dma_start3A_313] : memref<32x320xi32, #tpu.memory_space<vmem>> -> memref<1x128xi32, #tpu.memory_space<vmem>>
    %dma_start3A_315 = tpu.memref_squeeze %dma_start3A_314 : memref<1x128xi32, #tpu.memory_space<vmem>> -> memref<128xi32, #tpu.memory_space<vmem>>
    %dma_start3A_316 = arith.constant 0 : i32
    %dma_start3A_317 = arith.constant 0 : i32
    %dma_start3A_318 = tpu.memref_slice %arg8[%dma_start3A_316, %dma_start3A_317] : memref<10000x128xf32, #tpu.memory_space<vmem_shared>> -> memref<10000x128xf32, #tpu.memory_space<vmem_shared>>
    tpu.enqueue_indirect_dma source(%dma_start3A_318 : memref<10000x128xf32, #tpu.memory_space<vmem_shared>>) target(%arg7 : memref<128x128xf32, #tpu.memory_space<vmem>>) offsets(%dma_start3A_315 : memref<128xi32, #tpu.memory_space<vmem>>) semaphore(%arg10 : memref<!tpu.dma_semaphore, #tpu.memory_space<semaphore_mem>>) {add = true}
    %dma_start3A_319 = arith.constant 11 : i32
    %dma_start3A_320 = arith.constant 128 : i32
    %dma_start3A_321 = tpu.memref_slice %arg5[%dma_start3A_319, %dma_start3A_320] : memref<32x320xi32, #tpu.memory_space<vmem>> -> memref<1x128xi32, #tpu.memory_space<vmem>>
    %dma_start3A_322 = tpu.memref_squeeze %dma_start3A_321 : memref<1x128xi32, #tpu.memory_space<vmem>> -> memref<128xi32, #tpu.memory_space<vmem>>
    %dma_start3A_323 = arith.constant 0 : i32
    %dma_start3A_324 = arith.constant 0 : i32
    %dma_start3A_325 = tpu.memref_slice %arg8[%dma_start3A_323, %dma_start3A_324] : memref<10000x128xf32, #tpu.memory_space<vmem_shared>> -> memref<10000x128xf32, #tpu.memory_space<vmem_shared>>
    tpu.enqueue_indirect_dma source(%dma_start3A_325 : memref<10000x128xf32, #tpu.memory_space<vmem_shared>>) target(%arg7 : memref<128x128xf32, #tpu.memory_space<vmem>>) offsets(%dma_start3A_322 : memref<128xi32, #tpu.memory_space<vmem>>) semaphore(%arg10 : memref<!tpu.dma_semaphore, #tpu.memory_space<semaphore_mem>>) {add = true}
    %dma_start3A_326 = arith.constant 12 : i32
    %dma_start3A_327 = arith.constant 128 : i32
    %dma_start3A_328 = tpu.memref_slice %arg5[%dma_start3A_326, %dma_start3A_327] : memref<32x320xi32, #tpu.memory_space<vmem>> -> memref<1x128xi32, #tpu.memory_space<vmem>>
    %dma_start3A_329 = tpu.memref_squeeze %dma_start3A_328 : memref<1x128xi32, #tpu.memory_space<vmem>> -> memref<128xi32, #tpu.memory_space<vmem>>
    %dma_start3A_330 = arith.constant 0 : i32
    %dma_start3A_331 = arith.constant 0 : i32
    %dma_start3A_332 = tpu.memref_slice %arg8[%dma_start3A_330, %dma_start3A_331] : memref<10000x128xf32, #tpu.memory_space<vmem_shared>> -> memref<10000x128xf32, #tpu.memory_space<vmem_shared>>
    tpu.enqueue_indirect_dma source(%dma_start3A_332 : memref<10000x128xf32, #tpu.memory_space<vmem_shared>>) target(%arg7 : memref<128x128xf32, #tpu.memory_space<vmem>>) offsets(%dma_start3A_329 : memref<128xi32, #tpu.memory_space<vmem>>) semaphore(%arg10 : memref<!tpu.dma_semaphore, #tpu.memory_space<semaphore_mem>>) {add = true}
    %dma_start3A_333 = arith.constant 13 : i32
    %dma_start3A_334 = arith.constant 128 : i32
    %dma_start3A_335 = tpu.memref_slice %arg5[%dma_start3A_333, %dma_start3A_334] : memref<32x320xi32, #tpu.memory_space<vmem>> -> memref<1x128xi32, #tpu.memory_space<vmem>>
    %dma_start3A_336 = tpu.memref_squeeze %dma_start3A_335 : memref<1x128xi32, #tpu.memory_space<vmem>> -> memref<128xi32, #tpu.memory_space<vmem>>
    %dma_start3A_337 = arith.constant 0 : i32
    %dma_start3A_338 = arith.constant 0 : i32
    %dma_start3A_339 = tpu.memref_slice %arg8[%dma_start3A_337, %dma_start3A_338] : memref<10000x128xf32, #tpu.memory_space<vmem_shared>> -> memref<10000x128xf32, #tpu.memory_space<vmem_shared>>
    tpu.enqueue_indirect_dma source(%dma_start3A_339 : memref<10000x128xf32, #tpu.memory_space<vmem_shared>>) target(%arg7 : memref<128x128xf32, #tpu.memory_space<vmem>>) offsets(%dma_start3A_336 : memref<128xi32, #tpu.memory_space<vmem>>) semaphore(%arg10 : memref<!tpu.dma_semaphore, #tpu.memory_space<semaphore_mem>>) {add = true}
    %dma_start3A_340 = arith.constant 14 : i32
    %dma_start3A_341 = arith.constant 128 : i32
    %dma_start3A_342 = tpu.memref_slice %arg5[%dma_start3A_340, %dma_start3A_341] : memref<32x320xi32, #tpu.memory_space<vmem>> -> memref<1x128xi32, #tpu.memory_space<vmem>>
    %dma_start3A_343 = tpu.memref_squeeze %dma_start3A_342 : memref<1x128xi32, #tpu.memory_space<vmem>> -> memref<128xi32, #tpu.memory_space<vmem>>
    %dma_start3A_344 = arith.constant 0 : i32
    %dma_start3A_345 = arith.constant 0 : i32
    %dma_start3A_346 = tpu.memref_slice %arg8[%dma_start3A_344, %dma_start3A_345] : memref<10000x128xf32, #tpu.memory_space<vmem_shared>> -> memref<10000x128xf32, #tpu.memory_space<vmem_shared>>
    tpu.enqueue_indirect_dma source(%dma_start3A_346 : memref<10000x128xf32, #tpu.memory_space<vmem_shared>>) target(%arg7 : memref<128x128xf32, #tpu.memory_space<vmem>>) offsets(%dma_start3A_343 : memref<128xi32, #tpu.memory_space<vmem>>) semaphore(%arg10 : memref<!tpu.dma_semaphore, #tpu.memory_space<semaphore_mem>>) {add = true}
    %dma_start3A_347 = arith.constant 15 : i32
    %dma_start3A_348 = arith.constant 128 : i32
    %dma_start3A_349 = tpu.memref_slice %arg5[%dma_start3A_347, %dma_start3A_348] : memref<32x320xi32, #tpu.memory_space<vmem>> -> memref<1x128xi32, #tpu.memory_space<vmem>>
    %dma_start3A_350 = tpu.memref_squeeze %dma_start3A_349 : memref<1x128xi32, #tpu.memory_space<vmem>> -> memref<128xi32, #tpu.memory_space<vmem>>
    %dma_start3A_351 = arith.constant 0 : i32
    %dma_start3A_352 = arith.constant 0 : i32
    %dma_start3A_353 = tpu.memref_slice %arg8[%dma_start3A_351, %dma_start3A_352] : memref<10000x128xf32, #tpu.memory_space<vmem_shared>> -> memref<10000x128xf32, #tpu.memory_space<vmem_shared>>
    tpu.enqueue_indirect_dma source(%dma_start3A_353 : memref<10000x128xf32, #tpu.memory_space<vmem_shared>>) target(%arg7 : memref<128x128xf32, #tpu.memory_space<vmem>>) offsets(%dma_start3A_350 : memref<128xi32, #tpu.memory_space<vmem>>) semaphore(%arg10 : memref<!tpu.dma_semaphore, #tpu.memory_space<semaphore_mem>>) {add = true}
    %dma_start3A_354 = arith.constant 16 : i32
    %dma_start3A_355 = arith.constant 128 : i32
    %dma_start3A_356 = tpu.memref_slice %arg5[%dma_start3A_354, %dma_start3A_355] : memref<32x320xi32, #tpu.memory_space<vmem>> -> memref<1x128xi32, #tpu.memory_space<vmem>>
    %dma_start3A_357 = tpu.memref_squeeze %dma_start3A_356 : memref<1x128xi32, #tpu.memory_space<vmem>> -> memref<128xi32, #tpu.memory_space<vmem>>
    %dma_start3A_358 = arith.constant 0 : i32
    %dma_start3A_359 = arith.constant 0 : i32
    %dma_start3A_360 = tpu.memref_slice %arg8[%dma_start3A_358, %dma_start3A_359] : memref<10000x128xf32, #tpu.memory_space<vmem_shared>> -> memref<10000x128xf32, #tpu.memory_space<vmem_shared>>
    tpu.enqueue_indirect_dma source(%dma_start3A_360 : memref<10000x128xf32, #tpu.memory_space<vmem_shared>>) target(%arg7 : memref<128x128xf32, #tpu.memory_space<vmem>>) offsets(%dma_start3A_357 : memref<128xi32, #tpu.memory_space<vmem>>) semaphore(%arg10 : memref<!tpu.dma_semaphore, #tpu.memory_space<semaphore_mem>>) {add = true}
    %dma_start3A_361 = arith.constant 17 : i32
    %dma_start3A_362 = arith.constant 128 : i32
    %dma_start3A_363 = tpu.memref_slice %arg5[%dma_start3A_361, %dma_start3A_362] : memref<32x320xi32, #tpu.memory_space<vmem>> -> memref<1x128xi32, #tpu.memory_space<vmem>>
    %dma_start3A_364 = tpu.memref_squeeze %dma_start3A_363 : memref<1x128xi32, #tpu.memory_space<vmem>> -> memref<128xi32, #tpu.memory_space<vmem>>
    %dma_start3A_365 = arith.constant 0 : i32
    %dma_start3A_366 = arith.constant 0 : i32
    %dma_start3A_367 = tpu.memref_slice %arg8[%dma_start3A_365, %dma_start3A_366] : memref<10000x128xf32, #tpu.memory_space<vmem_shared>> -> memref<10000x128xf32, #tpu.memory_space<vmem_shared>>
    tpu.enqueue_indirect_dma source(%dma_start3A_367 : memref<10000x128xf32, #tpu.memory_space<vmem_shared>>) target(%arg7 : memref<128x128xf32, #tpu.memory_space<vmem>>) offsets(%dma_start3A_364 : memref<128xi32, #tpu.memory_space<vmem>>) semaphore(%arg10 : memref<!tpu.dma_semaphore, #tpu.memory_space<semaphore_mem>>) {add = true}
    %dma_start3A_368 = arith.constant 18 : i32
    %dma_start3A_369 = arith.constant 128 : i32
    %dma_start3A_370 = tpu.memref_slice %arg5[%dma_start3A_368, %dma_start3A_369] : memref<32x320xi32, #tpu.memory_space<vmem>> -> memref<1x128xi32, #tpu.memory_space<vmem>>
    %dma_start3A_371 = tpu.memref_squeeze %dma_start3A_370 : memref<1x128xi32, #tpu.memory_space<vmem>> -> memref<128xi32, #tpu.memory_space<vmem>>
    %dma_start3A_372 = arith.constant 0 : i32
    %dma_start3A_373 = arith.constant 0 : i32
    %dma_start3A_374 = tpu.memref_slice %arg8[%dma_start3A_372, %dma_start3A_373] : memref<10000x128xf32, #tpu.memory_space<vmem_shared>> -> memref<10000x128xf32, #tpu.memory_space<vmem_shared>>
    tpu.enqueue_indirect_dma source(%dma_start3A_374 : memref<10000x128xf32, #tpu.memory_space<vmem_shared>>) target(%arg7 : memref<128x128xf32, #tpu.memory_space<vmem>>) offsets(%dma_start3A_371 : memref<128xi32, #tpu.memory_space<vmem>>) semaphore(%arg10 : memref<!tpu.dma_semaphore, #tpu.memory_space<semaphore_mem>>) {add = true}
    %dma_start3A_375 = arith.constant 19 : i32
    %dma_start3A_376 = arith.constant 128 : i32
    %dma_start3A_377 = tpu.memref_slice %arg5[%dma_start3A_375, %dma_start3A_376] : memref<32x320xi32, #tpu.memory_space<vmem>> -> memref<1x128xi32, #tpu.memory_space<vmem>>
    %dma_start3A_378 = tpu.memref_squeeze %dma_start3A_377 : memref<1x128xi32, #tpu.memory_space<vmem>> -> memref<128xi32, #tpu.memory_space<vmem>>
    %dma_start3A_379 = arith.constant 0 : i32
    %dma_start3A_380 = arith.constant 0 : i32
    %dma_start3A_381 = tpu.memref_slice %arg8[%dma_start3A_379, %dma_start3A_380] : memref<10000x128xf32, #tpu.memory_space<vmem_shared>> -> memref<10000x128xf32, #tpu.memory_space<vmem_shared>>
    tpu.enqueue_indirect_dma source(%dma_start3A_381 : memref<10000x128xf32, #tpu.memory_space<vmem_shared>>) target(%arg7 : memref<128x128xf32, #tpu.memory_space<vmem>>) offsets(%dma_start3A_378 : memref<128xi32, #tpu.memory_space<vmem>>) semaphore(%arg10 : memref<!tpu.dma_semaphore, #tpu.memory_space<semaphore_mem>>) {add = true}
    %dma_start3A_382 = arith.constant 20 : i32
    %dma_start3A_383 = arith.constant 128 : i32
    %dma_start3A_384 = tpu.memref_slice %arg5[%dma_start3A_382, %dma_start3A_383] : memref<32x320xi32, #tpu.memory_space<vmem>> -> memref<1x128xi32, #tpu.memory_space<vmem>>
    %dma_start3A_385 = tpu.memref_squeeze %dma_start3A_384 : memref<1x128xi32, #tpu.memory_space<vmem>> -> memref<128xi32, #tpu.memory_space<vmem>>
    %dma_start3A_386 = arith.constant 0 : i32
    %dma_start3A_387 = arith.constant 0 : i32
    %dma_start3A_388 = tpu.memref_slice %arg8[%dma_start3A_386, %dma_start3A_387] : memref<10000x128xf32, #tpu.memory_space<vmem_shared>> -> memref<10000x128xf32, #tpu.memory_space<vmem_shared>>
    tpu.enqueue_indirect_dma source(%dma_start3A_388 : memref<10000x128xf32, #tpu.memory_space<vmem_shared>>) target(%arg7 : memref<128x128xf32, #tpu.memory_space<vmem>>) offsets(%dma_start3A_385 : memref<128xi32, #tpu.memory_space<vmem>>) semaphore(%arg10 : memref<!tpu.dma_semaphore, #tpu.memory_space<semaphore_mem>>) {add = true}
    %dma_start3A_389 = arith.constant 21 : i32
    %dma_start3A_390 = arith.constant 128 : i32
    %dma_start3A_391 = tpu.memref_slice %arg5[%dma_start3A_389, %dma_start3A_390] : memref<32x320xi32, #tpu.memory_space<vmem>> -> memref<1x128xi32, #tpu.memory_space<vmem>>
    %dma_start3A_392 = tpu.memref_squeeze %dma_start3A_391 : memref<1x128xi32, #tpu.memory_space<vmem>> -> memref<128xi32, #tpu.memory_space<vmem>>
    %dma_start3A_393 = arith.constant 0 : i32
    %dma_start3A_394 = arith.constant 0 : i32
    %dma_start3A_395 = tpu.memref_slice %arg8[%dma_start3A_393, %dma_start3A_394] : memref<10000x128xf32, #tpu.memory_space<vmem_shared>> -> memref<10000x128xf32, #tpu.memory_space<vmem_shared>>
    tpu.enqueue_indirect_dma source(%dma_start3A_395 : memref<10000x128xf32, #tpu.memory_space<vmem_shared>>) target(%arg7 : memref<128x128xf32, #tpu.memory_space<vmem>>) offsets(%dma_start3A_392 : memref<128xi32, #tpu.memory_space<vmem>>) semaphore(%arg10 : memref<!tpu.dma_semaphore, #tpu.memory_space<semaphore_mem>>) {add = true}
    %dma_start3A_396 = arith.constant 22 : i32
    %dma_start3A_397 = arith.constant 128 : i32
    %dma_start3A_398 = tpu.memref_slice %arg5[%dma_start3A_396, %dma_start3A_397] : memref<32x320xi32, #tpu.memory_space<vmem>> -> memref<1x128xi32, #tpu.memory_space<vmem>>
    %dma_start3A_399 = tpu.memref_squeeze %dma_start3A_398 : memref<1x128xi32, #tpu.memory_space<vmem>> -> memref<128xi32, #tpu.memory_space<vmem>>
    %dma_start3A_400 = arith.constant 0 : i32
    %dma_start3A_401 = arith.constant 0 : i32
    %dma_start3A_402 = tpu.memref_slice %arg8[%dma_start3A_400, %dma_start3A_401] : memref<10000x128xf32, #tpu.memory_space<vmem_shared>> -> memref<10000x128xf32, #tpu.memory_space<vmem_shared>>
    tpu.enqueue_indirect_dma source(%dma_start3A_402 : memref<10000x128xf32, #tpu.memory_space<vmem_shared>>) target(%arg7 : memref<128x128xf32, #tpu.memory_space<vmem>>) offsets(%dma_start3A_399 : memref<128xi32, #tpu.memory_space<vmem>>) semaphore(%arg10 : memref<!tpu.dma_semaphore, #tpu.memory_space<semaphore_mem>>) {add = true}
    %dma_start3A_403 = arith.constant 23 : i32
    %dma_start3A_404 = arith.constant 128 : i32
    %dma_start3A_405 = tpu.memref_slice %arg5[%dma_start3A_403, %dma_start3A_404] : memref<32x320xi32, #tpu.memory_space<vmem>> -> memref<1x128xi32, #tpu.memory_space<vmem>>
    %dma_start3A_406 = tpu.memref_squeeze %dma_start3A_405 : memref<1x128xi32, #tpu.memory_space<vmem>> -> memref<128xi32, #tpu.memory_space<vmem>>
    %dma_start3A_407 = arith.constant 0 : i32
    %dma_start3A_408 = arith.constant 0 : i32
    %dma_start3A_409 = tpu.memref_slice %arg8[%dma_start3A_407, %dma_start3A_408] : memref<10000x128xf32, #tpu.memory_space<vmem_shared>> -> memref<10000x128xf32, #tpu.memory_space<vmem_shared>>
    tpu.enqueue_indirect_dma source(%dma_start3A_409 : memref<10000x128xf32, #tpu.memory_space<vmem_shared>>) target(%arg7 : memref<128x128xf32, #tpu.memory_space<vmem>>) offsets(%dma_start3A_406 : memref<128xi32, #tpu.memory_space<vmem>>) semaphore(%arg10 : memref<!tpu.dma_semaphore, #tpu.memory_space<semaphore_mem>>) {add = true}
    %dma_start3A_410 = arith.constant 24 : i32
    %dma_start3A_411 = arith.constant 128 : i32
    %dma_start3A_412 = tpu.memref_slice %arg5[%dma_start3A_410, %dma_start3A_411] : memref<32x320xi32, #tpu.memory_space<vmem>> -> memref<1x128xi32, #tpu.memory_space<vmem>>
    %dma_start3A_413 = tpu.memref_squeeze %dma_start3A_412 : memref<1x128xi32, #tpu.memory_space<vmem>> -> memref<128xi32, #tpu.memory_space<vmem>>
    %dma_start3A_414 = arith.constant 0 : i32
    %dma_start3A_415 = arith.constant 0 : i32
    %dma_start3A_416 = tpu.memref_slice %arg8[%dma_start3A_414, %dma_start3A_415] : memref<10000x128xf32, #tpu.memory_space<vmem_shared>> -> memref<10000x128xf32, #tpu.memory_space<vmem_shared>>
    tpu.enqueue_indirect_dma source(%dma_start3A_416 : memref<10000x128xf32, #tpu.memory_space<vmem_shared>>) target(%arg7 : memref<128x128xf32, #tpu.memory_space<vmem>>) offsets(%dma_start3A_413 : memref<128xi32, #tpu.memory_space<vmem>>) semaphore(%arg10 : memref<!tpu.dma_semaphore, #tpu.memory_space<semaphore_mem>>) {add = true}
    %dma_start3A_417 = arith.constant 25 : i32
    %dma_start3A_418 = arith.constant 128 : i32
    %dma_start3A_419 = tpu.memref_slice %arg5[%dma_start3A_417, %dma_start3A_418] : memref<32x320xi32, #tpu.memory_space<vmem>> -> memref<1x128xi32, #tpu.memory_space<vmem>>
    %dma_start3A_420 = tpu.memref_squeeze %dma_start3A_419 : memref<1x128xi32, #tpu.memory_space<vmem>> -> memref<128xi32, #tpu.memory_space<vmem>>
    %dma_start3A_421 = arith.constant 0 : i32
    %dma_start3A_422 = arith.constant 0 : i32
    %dma_start3A_423 = tpu.memref_slice %arg8[%dma_start3A_421, %dma_start3A_422] : memref<10000x128xf32, #tpu.memory_space<vmem_shared>> -> memref<10000x128xf32, #tpu.memory_space<vmem_shared>>
    tpu.enqueue_indirect_dma source(%dma_start3A_423 : memref<10000x128xf32, #tpu.memory_space<vmem_shared>>) target(%arg7 : memref<128x128xf32, #tpu.memory_space<vmem>>) offsets(%dma_start3A_420 : memref<128xi32, #tpu.memory_space<vmem>>) semaphore(%arg10 : memref<!tpu.dma_semaphore, #tpu.memory_space<semaphore_mem>>) {add = true}
    %dma_start3A_424 = arith.constant 26 : i32
    %dma_start3A_425 = arith.constant 128 : i32
    %dma_start3A_426 = tpu.memref_slice %arg5[%dma_start3A_424, %dma_start3A_425] : memref<32x320xi32, #tpu.memory_space<vmem>> -> memref<1x128xi32, #tpu.memory_space<vmem>>
    %dma_start3A_427 = tpu.memref_squeeze %dma_start3A_426 : memref<1x128xi32, #tpu.memory_space<vmem>> -> memref<128xi32, #tpu.memory_space<vmem>>
    %dma_start3A_428 = arith.constant 0 : i32
    %dma_start3A_429 = arith.constant 0 : i32
    %dma_start3A_430 = tpu.memref_slice %arg8[%dma_start3A_428, %dma_start3A_429] : memref<10000x128xf32, #tpu.memory_space<vmem_shared>> -> memref<10000x128xf32, #tpu.memory_space<vmem_shared>>
    tpu.enqueue_indirect_dma source(%dma_start3A_430 : memref<10000x128xf32, #tpu.memory_space<vmem_shared>>) target(%arg7 : memref<128x128xf32, #tpu.memory_space<vmem>>) offsets(%dma_start3A_427 : memref<128xi32, #tpu.memory_space<vmem>>) semaphore(%arg10 : memref<!tpu.dma_semaphore, #tpu.memory_space<semaphore_mem>>) {add = true}
    %dma_start3A_431 = arith.constant 27 : i32
    %dma_start3A_432 = arith.constant 128 : i32
    %dma_start3A_433 = tpu.memref_slice %arg5[%dma_start3A_431, %dma_start3A_432] : memref<32x320xi32, #tpu.memory_space<vmem>> -> memref<1x128xi32, #tpu.memory_space<vmem>>
    %dma_start3A_434 = tpu.memref_squeeze %dma_start3A_433 : memref<1x128xi32, #tpu.memory_space<vmem>> -> memref<128xi32, #tpu.memory_space<vmem>>
    %dma_start3A_435 = arith.constant 0 : i32
    %dma_start3A_436 = arith.constant 0 : i32
    %dma_start3A_437 = tpu.memref_slice %arg8[%dma_start3A_435, %dma_start3A_436] : memref<10000x128xf32, #tpu.memory_space<vmem_shared>> -> memref<10000x128xf32, #tpu.memory_space<vmem_shared>>
    tpu.enqueue_indirect_dma source(%dma_start3A_437 : memref<10000x128xf32, #tpu.memory_space<vmem_shared>>) target(%arg7 : memref<128x128xf32, #tpu.memory_space<vmem>>) offsets(%dma_start3A_434 : memref<128xi32, #tpu.memory_space<vmem>>) semaphore(%arg10 : memref<!tpu.dma_semaphore, #tpu.memory_space<semaphore_mem>>) {add = true}
    %dma_start3A_438 = arith.constant 28 : i32
    %dma_start3A_439 = arith.constant 128 : i32
    %dma_start3A_440 = tpu.memref_slice %arg5[%dma_start3A_438, %dma_start3A_439] : memref<32x320xi32, #tpu.memory_space<vmem>> -> memref<1x128xi32, #tpu.memory_space<vmem>>
    %dma_start3A_441 = tpu.memref_squeeze %dma_start3A_440 : memref<1x128xi32, #tpu.memory_space<vmem>> -> memref<128xi32, #tpu.memory_space<vmem>>
    %dma_start3A_442 = arith.constant 0 : i32
    %dma_start3A_443 = arith.constant 0 : i32
    %dma_start3A_444 = tpu.memref_slice %arg8[%dma_start3A_442, %dma_start3A_443] : memref<10000x128xf32, #tpu.memory_space<vmem_shared>> -> memref<10000x128xf32, #tpu.memory_space<vmem_shared>>
    tpu.enqueue_indirect_dma source(%dma_start3A_444 : memref<10000x128xf32, #tpu.memory_space<vmem_shared>>) target(%arg7 : memref<128x128xf32, #tpu.memory_space<vmem>>) offsets(%dma_start3A_441 : memref<128xi32, #tpu.memory_space<vmem>>) semaphore(%arg10 : memref<!tpu.dma_semaphore, #tpu.memory_space<semaphore_mem>>) {add = true}
    %dma_start3A_445 = arith.constant 29 : i32
    %dma_start3A_446 = arith.constant 128 : i32
    %dma_start3A_447 = tpu.memref_slice %arg5[%dma_start3A_445, %dma_start3A_446] : memref<32x320xi32, #tpu.memory_space<vmem>> -> memref<1x128xi32, #tpu.memory_space<vmem>>
    %dma_start3A_448 = tpu.memref_squeeze %dma_start3A_447 : memref<1x128xi32, #tpu.memory_space<vmem>> -> memref<128xi32, #tpu.memory_space<vmem>>
    %dma_start3A_449 = arith.constant 0 : i32
    %dma_start3A_450 = arith.constant 0 : i32
    %dma_start3A_451 = tpu.memref_slice %arg8[%dma_start3A_449, %dma_start3A_450] : memref<10000x128xf32, #tpu.memory_space<vmem_shared>> -> memref<10000x128xf32, #tpu.memory_space<vmem_shared>>
    tpu.enqueue_indirect_dma source(%dma_start3A_451 : memref<10000x128xf32, #tpu.memory_space<vmem_shared>>) target(%arg7 : memref<128x128xf32, #tpu.memory_space<vmem>>) offsets(%dma_start3A_448 : memref<128xi32, #tpu.memory_space<vmem>>) semaphore(%arg10 : memref<!tpu.dma_semaphore, #tpu.memory_space<semaphore_mem>>) {add = true}
    %dma_start3A_452 = arith.constant 30 : i32
    %dma_start3A_453 = arith.constant 128 : i32
    %dma_start3A_454 = tpu.memref_slice %arg5[%dma_start3A_452, %dma_start3A_453] : memref<32x320xi32, #tpu.memory_space<vmem>> -> memref<1x128xi32, #tpu.memory_space<vmem>>
    %dma_start3A_455 = tpu.memref_squeeze %dma_start3A_454 : memref<1x128xi32, #tpu.memory_space<vmem>> -> memref<128xi32, #tpu.memory_space<vmem>>
    %dma_start3A_456 = arith.constant 0 : i32
    %dma_start3A_457 = arith.constant 0 : i32
    %dma_start3A_458 = tpu.memref_slice %arg8[%dma_start3A_456, %dma_start3A_457] : memref<10000x128xf32, #tpu.memory_space<vmem_shared>> -> memref<10000x128xf32, #tpu.memory_space<vmem_shared>>
    tpu.enqueue_indirect_dma source(%dma_start3A_458 : memref<10000x128xf32, #tpu.memory_space<vmem_shared>>) target(%arg7 : memref<128x128xf32, #tpu.memory_space<vmem>>) offsets(%dma_start3A_455 : memref<128xi32, #tpu.memory_space<vmem>>) semaphore(%arg10 : memref<!tpu.dma_semaphore, #tpu.memory_space<semaphore_mem>>) {add = true}
    %dma_start3A_459 = arith.constant 31 : i32
    %dma_start3A_460 = arith.constant 128 : i32
    %dma_start3A_461 = tpu.memref_slice %arg5[%dma_start3A_459, %dma_start3A_460] : memref<32x320xi32, #tpu.memory_space<vmem>> -> memref<1x128xi32, #tpu.memory_space<vmem>>
    %dma_start3A_462 = tpu.memref_squeeze %dma_start3A_461 : memref<1x128xi32, #tpu.memory_space<vmem>> -> memref<128xi32, #tpu.memory_space<vmem>>
    %dma_start3A_463 = arith.constant 0 : i32
    %dma_start3A_464 = arith.constant 0 : i32
    %dma_start3A_465 = tpu.memref_slice %arg8[%dma_start3A_463, %dma_start3A_464] : memref<10000x128xf32, #tpu.memory_space<vmem_shared>> -> memref<10000x128xf32, #tpu.memory_space<vmem_shared>>
    tpu.enqueue_indirect_dma source(%dma_start3A_465 : memref<10000x128xf32, #tpu.memory_space<vmem_shared>>) target(%arg7 : memref<128x128xf32, #tpu.memory_space<vmem>>) offsets(%dma_start3A_462 : memref<128xi32, #tpu.memory_space<vmem>>) semaphore(%arg10 : memref<!tpu.dma_semaphore, #tpu.memory_space<semaphore_mem>>) {add = true}
    %dma_wait3A = arith.constant 0 : i32
    %dma_wait3A_466 = arith.constant 0 : i32
    %dma_wait3A_467 = tpu.memref_slice %arg5[%dma_wait3A, %dma_wait3A_466] : memref<32x320xi32, #tpu.memory_space<vmem>> -> memref<1x128xi32, #tpu.memory_space<vmem>>
    %dma_wait3A_468 = tpu.memref_squeeze %dma_wait3A_467 : memref<1x128xi32, #tpu.memory_space<vmem>> -> memref<128xi32, #tpu.memory_space<vmem>>
    %dma_wait3A_469 = arith.constant 0 : i32
    %dma_wait3A_470 = arith.constant 0 : i32
    %dma_wait3A_471 = tpu.memref_slice %arg8[%dma_wait3A_469, %dma_wait3A_470] : memref<10000x128xf32, #tpu.memory_space<vmem_shared>> -> memref<10000x128xf32, #tpu.memory_space<vmem_shared>>
    tpu.wait_indirect_dma semaphore(%arg9 : memref<!tpu.dma_semaphore, #tpu.memory_space<semaphore_mem>>) src(%dma_wait3A_471 : memref<10000x128xf32, #tpu.memory_space<vmem_shared>>) dst(%arg6 : memref<128x128xf32, #tpu.memory_space<vmem>>)
    %dma_wait3A_472 = arith.constant 1 : i32
    %dma_wait3A_473 = arith.constant 0 : i32
    %dma_wait3A_474 = tpu.memref_slice %arg5[%dma_wait3A_472, %dma_wait3A_473] : memref<32x320xi32, #tpu.memory_space<vmem>> -> memref<1x128xi32, #tpu.memory_space<vmem>>
    %dma_wait3A_475 = tpu.memref_squeeze %dma_wait3A_474 : memref<1x128xi32, #tpu.memory_space<vmem>> -> memref<128xi32, #tpu.memory_space<vmem>>
    %dma_wait3A_476 = arith.constant 0 : i32
    %dma_wait3A_477 = arith.constant 0 : i32
    %dma_wait3A_478 = tpu.memref_slice %arg8[%dma_wait3A_476, %dma_wait3A_477] : memref<10000x128xf32, #tpu.memory_space<vmem_shared>> -> memref<10000x128xf32, #tpu.memory_space<vmem_shared>>
    tpu.wait_indirect_dma semaphore(%arg9 : memref<!tpu.dma_semaphore, #tpu.memory_space<semaphore_mem>>) src(%dma_wait3A_478 : memref<10000x128xf32, #tpu.memory_space<vmem_shared>>) dst(%arg6 : memref<128x128xf32, #tpu.memory_space<vmem>>)
    %dma_wait3A_479 = arith.constant 2 : i32
    %dma_wait3A_480 = arith.constant 0 : i32
    %dma_wait3A_481 = tpu.memref_slice %arg5[%dma_wait3A_479, %dma_wait3A_480] : memref<32x320xi32, #tpu.memory_space<vmem>> -> memref<1x128xi32, #tpu.memory_space<vmem>>
    %dma_wait3A_482 = tpu.memref_squeeze %dma_wait3A_481 : memref<1x128xi32, #tpu.memory_space<vmem>> -> memref<128xi32, #tpu.memory_space<vmem>>
    %dma_wait3A_483 = arith.constant 0 : i32
    %dma_wait3A_484 = arith.constant 0 : i32
    %dma_wait3A_485 = tpu.memref_slice %arg8[%dma_wait3A_483, %dma_wait3A_484] : memref<10000x128xf32, #tpu.memory_space<vmem_shared>> -> memref<10000x128xf32, #tpu.memory_space<vmem_shared>>
    tpu.wait_indirect_dma semaphore(%arg9 : memref<!tpu.dma_semaphore, #tpu.memory_space<semaphore_mem>>) src(%dma_wait3A_485 : memref<10000x128xf32, #tpu.memory_space<vmem_shared>>) dst(%arg6 : memref<128x128xf32, #tpu.memory_space<vmem>>)
    %dma_wait3A_486 = arith.constant 3 : i32
    %dma_wait3A_487 = arith.constant 0 : i32
    %dma_wait3A_488 = tpu.memref_slice %arg5[%dma_wait3A_486, %dma_wait3A_487] : memref<32x320xi32, #tpu.memory_space<vmem>> -> memref<1x128xi32, #tpu.memory_space<vmem>>
    %dma_wait3A_489 = tpu.memref_squeeze %dma_wait3A_488 : memref<1x128xi32, #tpu.memory_space<vmem>> -> memref<128xi32, #tpu.memory_space<vmem>>
    %dma_wait3A_490 = arith.constant 0 : i32
    %dma_wait3A_491 = arith.constant 0 : i32
    %dma_wait3A_492 = tpu.memref_slice %arg8[%dma_wait3A_490, %dma_wait3A_491] : memref<10000x128xf32, #tpu.memory_space<vmem_shared>> -> memref<10000x128xf32, #tpu.memory_space<vmem_shared>>
    tpu.wait_indirect_dma semaphore(%arg9 : memref<!tpu.dma_semaphore, #tpu.memory_space<semaphore_mem>>) src(%dma_wait3A_492 : memref<10000x128xf32, #tpu.memory_space<vmem_shared>>) dst(%arg6 : memref<128x128xf32, #tpu.memory_space<vmem>>)
    %dma_wait3A_493 = arith.constant 4 : i32
    %dma_wait3A_494 = arith.constant 0 : i32
    %dma_wait3A_495 = tpu.memref_slice %arg5[%dma_wait3A_493, %dma_wait3A_494] : memref<32x320xi32, #tpu.memory_space<vmem>> -> memref<1x128xi32, #tpu.memory_space<vmem>>
    %dma_wait3A_496 = tpu.memref_squeeze %dma_wait3A_495 : memref<1x128xi32, #tpu.memory_space<vmem>> -> memref<128xi32, #tpu.memory_space<vmem>>
    %dma_wait3A_497 = arith.constant 0 : i32
    %dma_wait3A_498 = arith.constant 0 : i32
    %dma_wait3A_499 = tpu.memref_slice %arg8[%dma_wait3A_497, %dma_wait3A_498] : memref<10000x128xf32, #tpu.memory_space<vmem_shared>> -> memref<10000x128xf32, #tpu.memory_space<vmem_shared>>
    tpu.wait_indirect_dma semaphore(%arg9 : memref<!tpu.dma_semaphore, #tpu.memory_space<semaphore_mem>>) src(%dma_wait3A_499 : memref<10000x128xf32, #tpu.memory_space<vmem_shared>>) dst(%arg6 : memref<128x128xf32, #tpu.memory_space<vmem>>)
    %dma_wait3A_500 = arith.constant 5 : i32
    %dma_wait3A_501 = arith.constant 0 : i32
    %dma_wait3A_502 = tpu.memref_slice %arg5[%dma_wait3A_500, %dma_wait3A_501] : memref<32x320xi32, #tpu.memory_space<vmem>> -> memref<1x128xi32, #tpu.memory_space<vmem>>
    %dma_wait3A_503 = tpu.memref_squeeze %dma_wait3A_502 : memref<1x128xi32, #tpu.memory_space<vmem>> -> memref<128xi32, #tpu.memory_space<vmem>>
    %dma_wait3A_504 = arith.constant 0 : i32
    %dma_wait3A_505 = arith.constant 0 : i32
    %dma_wait3A_506 = tpu.memref_slice %arg8[%dma_wait3A_504, %dma_wait3A_505] : memref<10000x128xf32, #tpu.memory_space<vmem_shared>> -> memref<10000x128xf32, #tpu.memory_space<vmem_shared>>
    tpu.wait_indirect_dma semaphore(%arg9 : memref<!tpu.dma_semaphore, #tpu.memory_space<semaphore_mem>>) src(%dma_wait3A_506 : memref<10000x128xf32, #tpu.memory_space<vmem_shared>>) dst(%arg6 : memref<128x128xf32, #tpu.memory_space<vmem>>)
    %dma_wait3A_507 = arith.constant 6 : i32
    %dma_wait3A_508 = arith.constant 0 : i32
    %dma_wait3A_509 = tpu.memref_slice %arg5[%dma_wait3A_507, %dma_wait3A_508] : memref<32x320xi32, #tpu.memory_space<vmem>> -> memref<1x128xi32, #tpu.memory_space<vmem>>
    %dma_wait3A_510 = tpu.memref_squeeze %dma_wait3A_509 : memref<1x128xi32, #tpu.memory_space<vmem>> -> memref<128xi32, #tpu.memory_space<vmem>>
    %dma_wait3A_511 = arith.constant 0 : i32
    %dma_wait3A_512 = arith.constant 0 : i32
    %dma_wait3A_513 = tpu.memref_slice %arg8[%dma_wait3A_511, %dma_wait3A_512] : memref<10000x128xf32, #tpu.memory_space<vmem_shared>> -> memref<10000x128xf32, #tpu.memory_space<vmem_shared>>
    tpu.wait_indirect_dma semaphore(%arg9 : memref<!tpu.dma_semaphore, #tpu.memory_space<semaphore_mem>>) src(%dma_wait3A_513 : memref<10000x128xf32, #tpu.memory_space<vmem_shared>>) dst(%arg6 : memref<128x128xf32, #tpu.memory_space<vmem>>)
    %dma_wait3A_514 = arith.constant 7 : i32
    %dma_wait3A_515 = arith.constant 0 : i32
    %dma_wait3A_516 = tpu.memref_slice %arg5[%dma_wait3A_514, %dma_wait3A_515] : memref<32x320xi32, #tpu.memory_space<vmem>> -> memref<1x128xi32, #tpu.memory_space<vmem>>
    %dma_wait3A_517 = tpu.memref_squeeze %dma_wait3A_516 : memref<1x128xi32, #tpu.memory_space<vmem>> -> memref<128xi32, #tpu.memory_space<vmem>>
    %dma_wait3A_518 = arith.constant 0 : i32
    %dma_wait3A_519 = arith.constant 0 : i32
    %dma_wait3A_520 = tpu.memref_slice %arg8[%dma_wait3A_518, %dma_wait3A_519] : memref<10000x128xf32, #tpu.memory_space<vmem_shared>> -> memref<10000x128xf32, #tpu.memory_space<vmem_shared>>
    tpu.wait_indirect_dma semaphore(%arg9 : memref<!tpu.dma_semaphore, #tpu.memory_space<semaphore_mem>>) src(%dma_wait3A_520 : memref<10000x128xf32, #tpu.memory_space<vmem_shared>>) dst(%arg6 : memref<128x128xf32, #tpu.memory_space<vmem>>)
    %dma_wait3A_521 = arith.constant 8 : i32
    %dma_wait3A_522 = arith.constant 0 : i32
    %dma_wait3A_523 = tpu.memref_slice %arg5[%dma_wait3A_521, %dma_wait3A_522] : memref<32x320xi32, #tpu.memory_space<vmem>> -> memref<1x128xi32, #tpu.memory_space<vmem>>
    %dma_wait3A_524 = tpu.memref_squeeze %dma_wait3A_523 : memref<1x128xi32, #tpu.memory_space<vmem>> -> memref<128xi32, #tpu.memory_space<vmem>>
    %dma_wait3A_525 = arith.constant 0 : i32
    %dma_wait3A_526 = arith.constant 0 : i32
    %dma_wait3A_527 = tpu.memref_slice %arg8[%dma_wait3A_525, %dma_wait3A_526] : memref<10000x128xf32, #tpu.memory_space<vmem_shared>> -> memref<10000x128xf32, #tpu.memory_space<vmem_shared>>
    tpu.wait_indirect_dma semaphore(%arg9 : memref<!tpu.dma_semaphore, #tpu.memory_space<semaphore_mem>>) src(%dma_wait3A_527 : memref<10000x128xf32, #tpu.memory_space<vmem_shared>>) dst(%arg6 : memref<128x128xf32, #tpu.memory_space<vmem>>)
    %dma_wait3A_528 = arith.constant 9 : i32
    %dma_wait3A_529 = arith.constant 0 : i32
    %dma_wait3A_530 = tpu.memref_slice %arg5[%dma_wait3A_528, %dma_wait3A_529] : memref<32x320xi32, #tpu.memory_space<vmem>> -> memref<1x128xi32, #tpu.memory_space<vmem>>
    %dma_wait3A_531 = tpu.memref_squeeze %dma_wait3A_530 : memref<1x128xi32, #tpu.memory_space<vmem>> -> memref<128xi32, #tpu.memory_space<vmem>>
    %dma_wait3A_532 = arith.constant 0 : i32
    %dma_wait3A_533 = arith.constant 0 : i32
    %dma_wait3A_534 = tpu.memref_slice %arg8[%dma_wait3A_532, %dma_wait3A_533] : memref<10000x128xf32, #tpu.memory_space<vmem_shared>> -> memref<10000x128xf32, #tpu.memory_space<vmem_shared>>
    tpu.wait_indirect_dma semaphore(%arg9 : memref<!tpu.dma_semaphore, #tpu.memory_space<semaphore_mem>>) src(%dma_wait3A_534 : memref<10000x128xf32, #tpu.memory_space<vmem_shared>>) dst(%arg6 : memref<128x128xf32, #tpu.memory_space<vmem>>)
    %dma_wait3A_535 = arith.constant 10 : i32
    %dma_wait3A_536 = arith.constant 0 : i32
    %dma_wait3A_537 = tpu.memref_slice %arg5[%dma_wait3A_535, %dma_wait3A_536] : memref<32x320xi32, #tpu.memory_space<vmem>> -> memref<1x128xi32, #tpu.memory_space<vmem>>
    %dma_wait3A_538 = tpu.memref_squeeze %dma_wait3A_537 : memref<1x128xi32, #tpu.memory_space<vmem>> -> memref<128xi32, #tpu.memory_space<vmem>>
    %dma_wait3A_539 = arith.constant 0 : i32
    %dma_wait3A_540 = arith.constant 0 : i32
    %dma_wait3A_541 = tpu.memref_slice %arg8[%dma_wait3A_539, %dma_wait3A_540] : memref<10000x128xf32, #tpu.memory_space<vmem_shared>> -> memref<10000x128xf32, #tpu.memory_space<vmem_shared>>
    tpu.wait_indirect_dma semaphore(%arg9 : memref<!tpu.dma_semaphore, #tpu.memory_space<semaphore_mem>>) src(%dma_wait3A_541 : memref<10000x128xf32, #tpu.memory_space<vmem_shared>>) dst(%arg6 : memref<128x128xf32, #tpu.memory_space<vmem>>)
    %dma_wait3A_542 = arith.constant 11 : i32
    %dma_wait3A_543 = arith.constant 0 : i32
    %dma_wait3A_544 = tpu.memref_slice %arg5[%dma_wait3A_542, %dma_wait3A_543] : memref<32x320xi32, #tpu.memory_space<vmem>> -> memref<1x128xi32, #tpu.memory_space<vmem>>
    %dma_wait3A_545 = tpu.memref_squeeze %dma_wait3A_544 : memref<1x128xi32, #tpu.memory_space<vmem>> -> memref<128xi32, #tpu.memory_space<vmem>>
    %dma_wait3A_546 = arith.constant 0 : i32
    %dma_wait3A_547 = arith.constant 0 : i32
    %dma_wait3A_548 = tpu.memref_slice %arg8[%dma_wait3A_546, %dma_wait3A_547] : memref<10000x128xf32, #tpu.memory_space<vmem_shared>> -> memref<10000x128xf32, #tpu.memory_space<vmem_shared>>
    tpu.wait_indirect_dma semaphore(%arg9 : memref<!tpu.dma_semaphore, #tpu.memory_space<semaphore_mem>>) src(%dma_wait3A_548 : memref<10000x128xf32, #tpu.memory_space<vmem_shared>>) dst(%arg6 : memref<128x128xf32, #tpu.memory_space<vmem>>)
    %dma_wait3A_549 = arith.constant 12 : i32
    %dma_wait3A_550 = arith.constant 0 : i32
    %dma_wait3A_551 = tpu.memref_slice %arg5[%dma_wait3A_549, %dma_wait3A_550] : memref<32x320xi32, #tpu.memory_space<vmem>> -> memref<1x128xi32, #tpu.memory_space<vmem>>
    %dma_wait3A_552 = tpu.memref_squeeze %dma_wait3A_551 : memref<1x128xi32, #tpu.memory_space<vmem>> -> memref<128xi32, #tpu.memory_space<vmem>>
    %dma_wait3A_553 = arith.constant 0 : i32
    %dma_wait3A_554 = arith.constant 0 : i32
    %dma_wait3A_555 = tpu.memref_slice %arg8[%dma_wait3A_553, %dma_wait3A_554] : memref<10000x128xf32, #tpu.memory_space<vmem_shared>> -> memref<10000x128xf32, #tpu.memory_space<vmem_shared>>
    tpu.wait_indirect_dma semaphore(%arg9 : memref<!tpu.dma_semaphore, #tpu.memory_space<semaphore_mem>>) src(%dma_wait3A_555 : memref<10000x128xf32, #tpu.memory_space<vmem_shared>>) dst(%arg6 : memref<128x128xf32, #tpu.memory_space<vmem>>)
    %dma_wait3A_556 = arith.constant 13 : i32
    %dma_wait3A_557 = arith.constant 0 : i32
    %dma_wait3A_558 = tpu.memref_slice %arg5[%dma_wait3A_556, %dma_wait3A_557] : memref<32x320xi32, #tpu.memory_space<vmem>> -> memref<1x128xi32, #tpu.memory_space<vmem>>
    %dma_wait3A_559 = tpu.memref_squeeze %dma_wait3A_558 : memref<1x128xi32, #tpu.memory_space<vmem>> -> memref<128xi32, #tpu.memory_space<vmem>>
    %dma_wait3A_560 = arith.constant 0 : i32
    %dma_wait3A_561 = arith.constant 0 : i32
    %dma_wait3A_562 = tpu.memref_slice %arg8[%dma_wait3A_560, %dma_wait3A_561] : memref<10000x128xf32, #tpu.memory_space<vmem_shared>> -> memref<10000x128xf32, #tpu.memory_space<vmem_shared>>
    tpu.wait_indirect_dma semaphore(%arg9 : memref<!tpu.dma_semaphore, #tpu.memory_space<semaphore_mem>>) src(%dma_wait3A_562 : memref<10000x128xf32, #tpu.memory_space<vmem_shared>>) dst(%arg6 : memref<128x128xf32, #tpu.memory_space<vmem>>)
    %dma_wait3A_563 = arith.constant 14 : i32
    %dma_wait3A_564 = arith.constant 0 : i32
    %dma_wait3A_565 = tpu.memref_slice %arg5[%dma_wait3A_563, %dma_wait3A_564] : memref<32x320xi32, #tpu.memory_space<vmem>> -> memref<1x128xi32, #tpu.memory_space<vmem>>
    %dma_wait3A_566 = tpu.memref_squeeze %dma_wait3A_565 : memref<1x128xi32, #tpu.memory_space<vmem>> -> memref<128xi32, #tpu.memory_space<vmem>>
    %dma_wait3A_567 = arith.constant 0 : i32
    %dma_wait3A_568 = arith.constant 0 : i32
    %dma_wait3A_569 = tpu.memref_slice %arg8[%dma_wait3A_567, %dma_wait3A_568] : memref<10000x128xf32, #tpu.memory_space<vmem_shared>> -> memref<10000x128xf32, #tpu.memory_space<vmem_shared>>
    tpu.wait_indirect_dma semaphore(%arg9 : memref<!tpu.dma_semaphore, #tpu.memory_space<semaphore_mem>>) src(%dma_wait3A_569 : memref<10000x128xf32, #tpu.memory_space<vmem_shared>>) dst(%arg6 : memref<128x128xf32, #tpu.memory_space<vmem>>)
    %dma_wait3A_570 = arith.constant 15 : i32
    %dma_wait3A_571 = arith.constant 0 : i32
    %dma_wait3A_572 = tpu.memref_slice %arg5[%dma_wait3A_570, %dma_wait3A_571] : memref<32x320xi32, #tpu.memory_space<vmem>> -> memref<1x128xi32, #tpu.memory_space<vmem>>
    %dma_wait3A_573 = tpu.memref_squeeze %dma_wait3A_572 : memref<1x128xi32, #tpu.memory_space<vmem>> -> memref<128xi32, #tpu.memory_space<vmem>>
    %dma_wait3A_574 = arith.constant 0 : i32
    %dma_wait3A_575 = arith.constant 0 : i32
    %dma_wait3A_576 = tpu.memref_slice %arg8[%dma_wait3A_574, %dma_wait3A_575] : memref<10000x128xf32, #tpu.memory_space<vmem_shared>> -> memref<10000x128xf32, #tpu.memory_space<vmem_shared>>
    tpu.wait_indirect_dma semaphore(%arg9 : memref<!tpu.dma_semaphore, #tpu.memory_space<semaphore_mem>>) src(%dma_wait3A_576 : memref<10000x128xf32, #tpu.memory_space<vmem_shared>>) dst(%arg6 : memref<128x128xf32, #tpu.memory_space<vmem>>)
    %dma_wait3A_577 = arith.constant 16 : i32
    %dma_wait3A_578 = arith.constant 0 : i32
    %dma_wait3A_579 = tpu.memref_slice %arg5[%dma_wait3A_577, %dma_wait3A_578] : memref<32x320xi32, #tpu.memory_space<vmem>> -> memref<1x128xi32, #tpu.memory_space<vmem>>
    %dma_wait3A_580 = tpu.memref_squeeze %dma_wait3A_579 : memref<1x128xi32, #tpu.memory_space<vmem>> -> memref<128xi32, #tpu.memory_space<vmem>>
    %dma_wait3A_581 = arith.constant 0 : i32
    %dma_wait3A_582 = arith.constant 0 : i32
    %dma_wait3A_583 = tpu.memref_slice %arg8[%dma_wait3A_581, %dma_wait3A_582] : memref<10000x128xf32, #tpu.memory_space<vmem_shared>> -> memref<10000x128xf32, #tpu.memory_space<vmem_shared>>
    tpu.wait_indirect_dma semaphore(%arg9 : memref<!tpu.dma_semaphore, #tpu.memory_space<semaphore_mem>>) src(%dma_wait3A_583 : memref<10000x128xf32, #tpu.memory_space<vmem_shared>>) dst(%arg6 : memref<128x128xf32, #tpu.memory_space<vmem>>)
    %dma_wait3A_584 = arith.constant 17 : i32
    %dma_wait3A_585 = arith.constant 0 : i32
    %dma_wait3A_586 = tpu.memref_slice %arg5[%dma_wait3A_584, %dma_wait3A_585] : memref<32x320xi32, #tpu.memory_space<vmem>> -> memref<1x128xi32, #tpu.memory_space<vmem>>
    %dma_wait3A_587 = tpu.memref_squeeze %dma_wait3A_586 : memref<1x128xi32, #tpu.memory_space<vmem>> -> memref<128xi32, #tpu.memory_space<vmem>>
    %dma_wait3A_588 = arith.constant 0 : i32
    %dma_wait3A_589 = arith.constant 0 : i32
    %dma_wait3A_590 = tpu.memref_slice %arg8[%dma_wait3A_588, %dma_wait3A_589] : memref<10000x128xf32, #tpu.memory_space<vmem_shared>> -> memref<10000x128xf32, #tpu.memory_space<vmem_shared>>
    tpu.wait_indirect_dma semaphore(%arg9 : memref<!tpu.dma_semaphore, #tpu.memory_space<semaphore_mem>>) src(%dma_wait3A_590 : memref<10000x128xf32, #tpu.memory_space<vmem_shared>>) dst(%arg6 : memref<128x128xf32, #tpu.memory_space<vmem>>)
    %dma_wait3A_591 = arith.constant 18 : i32
    %dma_wait3A_592 = arith.constant 0 : i32
    %dma_wait3A_593 = tpu.memref_slice %arg5[%dma_wait3A_591, %dma_wait3A_592] : memref<32x320xi32, #tpu.memory_space<vmem>> -> memref<1x128xi32, #tpu.memory_space<vmem>>
    %dma_wait3A_594 = tpu.memref_squeeze %dma_wait3A_593 : memref<1x128xi32, #tpu.memory_space<vmem>> -> memref<128xi32, #tpu.memory_space<vmem>>
    %dma_wait3A_595 = arith.constant 0 : i32
    %dma_wait3A_596 = arith.constant 0 : i32
    %dma_wait3A_597 = tpu.memref_slice %arg8[%dma_wait3A_595, %dma_wait3A_596] : memref<10000x128xf32, #tpu.memory_space<vmem_shared>> -> memref<10000x128xf32, #tpu.memory_space<vmem_shared>>
    tpu.wait_indirect_dma semaphore(%arg9 : memref<!tpu.dma_semaphore, #tpu.memory_space<semaphore_mem>>) src(%dma_wait3A_597 : memref<10000x128xf32, #tpu.memory_space<vmem_shared>>) dst(%arg6 : memref<128x128xf32, #tpu.memory_space<vmem>>)
    %dma_wait3A_598 = arith.constant 19 : i32
    %dma_wait3A_599 = arith.constant 0 : i32
    %dma_wait3A_600 = tpu.memref_slice %arg5[%dma_wait3A_598, %dma_wait3A_599] : memref<32x320xi32, #tpu.memory_space<vmem>> -> memref<1x128xi32, #tpu.memory_space<vmem>>
    %dma_wait3A_601 = tpu.memref_squeeze %dma_wait3A_600 : memref<1x128xi32, #tpu.memory_space<vmem>> -> memref<128xi32, #tpu.memory_space<vmem>>
    %dma_wait3A_602 = arith.constant 0 : i32
    %dma_wait3A_603 = arith.constant 0 : i32
    %dma_wait3A_604 = tpu.memref_slice %arg8[%dma_wait3A_602, %dma_wait3A_603] : memref<10000x128xf32, #tpu.memory_space<vmem_shared>> -> memref<10000x128xf32, #tpu.memory_space<vmem_shared>>
    tpu.wait_indirect_dma semaphore(%arg9 : memref<!tpu.dma_semaphore, #tpu.memory_space<semaphore_mem>>) src(%dma_wait3A_604 : memref<10000x128xf32, #tpu.memory_space<vmem_shared>>) dst(%arg6 : memref<128x128xf32, #tpu.memory_space<vmem>>)
    %dma_wait3A_605 = arith.constant 20 : i32
    %dma_wait3A_606 = arith.constant 0 : i32
    %dma_wait3A_607 = tpu.memref_slice %arg5[%dma_wait3A_605, %dma_wait3A_606] : memref<32x320xi32, #tpu.memory_space<vmem>> -> memref<1x128xi32, #tpu.memory_space<vmem>>
    %dma_wait3A_608 = tpu.memref_squeeze %dma_wait3A_607 : memref<1x128xi32, #tpu.memory_space<vmem>> -> memref<128xi32, #tpu.memory_space<vmem>>
    %dma_wait3A_609 = arith.constant 0 : i32
    %dma_wait3A_610 = arith.constant 0 : i32
    %dma_wait3A_611 = tpu.memref_slice %arg8[%dma_wait3A_609, %dma_wait3A_610] : memref<10000x128xf32, #tpu.memory_space<vmem_shared>> -> memref<10000x128xf32, #tpu.memory_space<vmem_shared>>
    tpu.wait_indirect_dma semaphore(%arg9 : memref<!tpu.dma_semaphore, #tpu.memory_space<semaphore_mem>>) src(%dma_wait3A_611 : memref<10000x128xf32, #tpu.memory_space<vmem_shared>>) dst(%arg6 : memref<128x128xf32, #tpu.memory_space<vmem>>)
    %dma_wait3A_612 = arith.constant 21 : i32
    %dma_wait3A_613 = arith.constant 0 : i32
    %dma_wait3A_614 = tpu.memref_slice %arg5[%dma_wait3A_612, %dma_wait3A_613] : memref<32x320xi32, #tpu.memory_space<vmem>> -> memref<1x128xi32, #tpu.memory_space<vmem>>
    %dma_wait3A_615 = tpu.memref_squeeze %dma_wait3A_614 : memref<1x128xi32, #tpu.memory_space<vmem>> -> memref<128xi32, #tpu.memory_space<vmem>>
    %dma_wait3A_616 = arith.constant 0 : i32
    %dma_wait3A_617 = arith.constant 0 : i32
    %dma_wait3A_618 = tpu.memref_slice %arg8[%dma_wait3A_616, %dma_wait3A_617] : memref<10000x128xf32, #tpu.memory_space<vmem_shared>> -> memref<10000x128xf32, #tpu.memory_space<vmem_shared>>
    tpu.wait_indirect_dma semaphore(%arg9 : memref<!tpu.dma_semaphore, #tpu.memory_space<semaphore_mem>>) src(%dma_wait3A_618 : memref<10000x128xf32, #tpu.memory_space<vmem_shared>>) dst(%arg6 : memref<128x128xf32, #tpu.memory_space<vmem>>)
    %dma_wait3A_619 = arith.constant 22 : i32
    %dma_wait3A_620 = arith.constant 0 : i32
    %dma_wait3A_621 = tpu.memref_slice %arg5[%dma_wait3A_619, %dma_wait3A_620] : memref<32x320xi32, #tpu.memory_space<vmem>> -> memref<1x128xi32, #tpu.memory_space<vmem>>
    %dma_wait3A_622 = tpu.memref_squeeze %dma_wait3A_621 : memref<1x128xi32, #tpu.memory_space<vmem>> -> memref<128xi32, #tpu.memory_space<vmem>>
    %dma_wait3A_623 = arith.constant 0 : i32
    %dma_wait3A_624 = arith.constant 0 : i32
    %dma_wait3A_625 = tpu.memref_slice %arg8[%dma_wait3A_623, %dma_wait3A_624] : memref<10000x128xf32, #tpu.memory_space<vmem_shared>> -> memref<10000x128xf32, #tpu.memory_space<vmem_shared>>
    tpu.wait_indirect_dma semaphore(%arg9 : memref<!tpu.dma_semaphore, #tpu.memory_space<semaphore_mem>>) src(%dma_wait3A_625 : memref<10000x128xf32, #tpu.memory_space<vmem_shared>>) dst(%arg6 : memref<128x128xf32, #tpu.memory_space<vmem>>)
    %dma_wait3A_626 = arith.constant 23 : i32
    %dma_wait3A_627 = arith.constant 0 : i32
    %dma_wait3A_628 = tpu.memref_slice %arg5[%dma_wait3A_626, %dma_wait3A_627] : memref<32x320xi32, #tpu.memory_space<vmem>> -> memref<1x128xi32, #tpu.memory_space<vmem>>
    %dma_wait3A_629 = tpu.memref_squeeze %dma_wait3A_628 : memref<1x128xi32, #tpu.memory_space<vmem>> -> memref<128xi32, #tpu.memory_space<vmem>>
    %dma_wait3A_630 = arith.constant 0 : i32
    %dma_wait3A_631 = arith.constant 0 : i32
    %dma_wait3A_632 = tpu.memref_slice %arg8[%dma_wait3A_630, %dma_wait3A_631] : memref<10000x128xf32, #tpu.memory_space<vmem_shared>> -> memref<10000x128xf32, #tpu.memory_space<vmem_shared>>
    tpu.wait_indirect_dma semaphore(%arg9 : memref<!tpu.dma_semaphore, #tpu.memory_space<semaphore_mem>>) src(%dma_wait3A_632 : memref<10000x128xf32, #tpu.memory_space<vmem_shared>>) dst(%arg6 : memref<128x128xf32, #tpu.memory_space<vmem>>)
    %dma_wait3A_633 = arith.constant 24 : i32
    %dma_wait3A_634 = arith.constant 0 : i32
    %dma_wait3A_635 = tpu.memref_slice %arg5[%dma_wait3A_633, %dma_wait3A_634] : memref<32x320xi32, #tpu.memory_space<vmem>> -> memref<1x128xi32, #tpu.memory_space<vmem>>
    %dma_wait3A_636 = tpu.memref_squeeze %dma_wait3A_635 : memref<1x128xi32, #tpu.memory_space<vmem>> -> memref<128xi32, #tpu.memory_space<vmem>>
    %dma_wait3A_637 = arith.constant 0 : i32
    %dma_wait3A_638 = arith.constant 0 : i32
    %dma_wait3A_639 = tpu.memref_slice %arg8[%dma_wait3A_637, %dma_wait3A_638] : memref<10000x128xf32, #tpu.memory_space<vmem_shared>> -> memref<10000x128xf32, #tpu.memory_space<vmem_shared>>
    tpu.wait_indirect_dma semaphore(%arg9 : memref<!tpu.dma_semaphore, #tpu.memory_space<semaphore_mem>>) src(%dma_wait3A_639 : memref<10000x128xf32, #tpu.memory_space<vmem_shared>>) dst(%arg6 : memref<128x128xf32, #tpu.memory_space<vmem>>)
    %dma_wait3A_640 = arith.constant 25 : i32
    %dma_wait3A_641 = arith.constant 0 : i32
    %dma_wait3A_642 = tpu.memref_slice %arg5[%dma_wait3A_640, %dma_wait3A_641] : memref<32x320xi32, #tpu.memory_space<vmem>> -> memref<1x128xi32, #tpu.memory_space<vmem>>
    %dma_wait3A_643 = tpu.memref_squeeze %dma_wait3A_642 : memref<1x128xi32, #tpu.memory_space<vmem>> -> memref<128xi32, #tpu.memory_space<vmem>>
    %dma_wait3A_644 = arith.constant 0 : i32
    %dma_wait3A_645 = arith.constant 0 : i32
    %dma_wait3A_646 = tpu.memref_slice %arg8[%dma_wait3A_644, %dma_wait3A_645] : memref<10000x128xf32, #tpu.memory_space<vmem_shared>> -> memref<10000x128xf32, #tpu.memory_space<vmem_shared>>
    tpu.wait_indirect_dma semaphore(%arg9 : memref<!tpu.dma_semaphore, #tpu.memory_space<semaphore_mem>>) src(%dma_wait3A_646 : memref<10000x128xf32, #tpu.memory_space<vmem_shared>>) dst(%arg6 : memref<128x128xf32, #tpu.memory_space<vmem>>)
    %dma_wait3A_647 = arith.constant 26 : i32
    %dma_wait3A_648 = arith.constant 0 : i32
    %dma_wait3A_649 = tpu.memref_slice %arg5[%dma_wait3A_647, %dma_wait3A_648] : memref<32x320xi32, #tpu.memory_space<vmem>> -> memref<1x128xi32, #tpu.memory_space<vmem>>
    %dma_wait3A_650 = tpu.memref_squeeze %dma_wait3A_649 : memref<1x128xi32, #tpu.memory_space<vmem>> -> memref<128xi32, #tpu.memory_space<vmem>>
    %dma_wait3A_651 = arith.constant 0 : i32
    %dma_wait3A_652 = arith.constant 0 : i32
    %dma_wait3A_653 = tpu.memref_slice %arg8[%dma_wait3A_651, %dma_wait3A_652] : memref<10000x128xf32, #tpu.memory_space<vmem_shared>> -> memref<10000x128xf32, #tpu.memory_space<vmem_shared>>
    tpu.wait_indirect_dma semaphore(%arg9 : memref<!tpu.dma_semaphore, #tpu.memory_space<semaphore_mem>>) src(%dma_wait3A_653 : memref<10000x128xf32, #tpu.memory_space<vmem_shared>>) dst(%arg6 : memref<128x128xf32, #tpu.memory_space<vmem>>)
    %dma_wait3A_654 = arith.constant 27 : i32
    %dma_wait3A_655 = arith.constant 0 : i32
    %dma_wait3A_656 = tpu.memref_slice %arg5[%dma_wait3A_654, %dma_wait3A_655] : memref<32x320xi32, #tpu.memory_space<vmem>> -> memref<1x128xi32, #tpu.memory_space<vmem>>
    %dma_wait3A_657 = tpu.memref_squeeze %dma_wait3A_656 : memref<1x128xi32, #tpu.memory_space<vmem>> -> memref<128xi32, #tpu.memory_space<vmem>>
    %dma_wait3A_658 = arith.constant 0 : i32
    %dma_wait3A_659 = arith.constant 0 : i32
    %dma_wait3A_660 = tpu.memref_slice %arg8[%dma_wait3A_658, %dma_wait3A_659] : memref<10000x128xf32, #tpu.memory_space<vmem_shared>> -> memref<10000x128xf32, #tpu.memory_space<vmem_shared>>
    tpu.wait_indirect_dma semaphore(%arg9 : memref<!tpu.dma_semaphore, #tpu.memory_space<semaphore_mem>>) src(%dma_wait3A_660 : memref<10000x128xf32, #tpu.memory_space<vmem_shared>>) dst(%arg6 : memref<128x128xf32, #tpu.memory_space<vmem>>)
    %dma_wait3A_661 = arith.constant 28 : i32
    %dma_wait3A_662 = arith.constant 0 : i32
    %dma_wait3A_663 = tpu.memref_slice %arg5[%dma_wait3A_661, %dma_wait3A_662] : memref<32x320xi32, #tpu.memory_space<vmem>> -> memref<1x128xi32, #tpu.memory_space<vmem>>
    %dma_wait3A_664 = tpu.memref_squeeze %dma_wait3A_663 : memref<1x128xi32, #tpu.memory_space<vmem>> -> memref<128xi32, #tpu.memory_space<vmem>>
    %dma_wait3A_665 = arith.constant 0 : i32
    %dma_wait3A_666 = arith.constant 0 : i32
    %dma_wait3A_667 = tpu.memref_slice %arg8[%dma_wait3A_665, %dma_wait3A_666] : memref<10000x128xf32, #tpu.memory_space<vmem_shared>> -> memref<10000x128xf32, #tpu.memory_space<vmem_shared>>
    tpu.wait_indirect_dma semaphore(%arg9 : memref<!tpu.dma_semaphore, #tpu.memory_space<semaphore_mem>>) src(%dma_wait3A_667 : memref<10000x128xf32, #tpu.memory_space<vmem_shared>>) dst(%arg6 : memref<128x128xf32, #tpu.memory_space<vmem>>)
    %dma_wait3A_668 = arith.constant 29 : i32
    %dma_wait3A_669 = arith.constant 0 : i32
    %dma_wait3A_670 = tpu.memref_slice %arg5[%dma_wait3A_668, %dma_wait3A_669] : memref<32x320xi32, #tpu.memory_space<vmem>> -> memref<1x128xi32, #tpu.memory_space<vmem>>
    %dma_wait3A_671 = tpu.memref_squeeze %dma_wait3A_670 : memref<1x128xi32, #tpu.memory_space<vmem>> -> memref<128xi32, #tpu.memory_space<vmem>>
    %dma_wait3A_672 = arith.constant 0 : i32
    %dma_wait3A_673 = arith.constant 0 : i32
    %dma_wait3A_674 = tpu.memref_slice %arg8[%dma_wait3A_672, %dma_wait3A_673] : memref<10000x128xf32, #tpu.memory_space<vmem_shared>> -> memref<10000x128xf32, #tpu.memory_space<vmem_shared>>
    tpu.wait_indirect_dma semaphore(%arg9 : memref<!tpu.dma_semaphore, #tpu.memory_space<semaphore_mem>>) src(%dma_wait3A_674 : memref<10000x128xf32, #tpu.memory_space<vmem_shared>>) dst(%arg6 : memref<128x128xf32, #tpu.memory_space<vmem>>)
    %dma_wait3A_675 = arith.constant 30 : i32
    %dma_wait3A_676 = arith.constant 0 : i32
    %dma_wait3A_677 = tpu.memref_slice %arg5[%dma_wait3A_675, %dma_wait3A_676] : memref<32x320xi32, #tpu.memory_space<vmem>> -> memref<1x128xi32, #tpu.memory_space<vmem>>
    %dma_wait3A_678 = tpu.memref_squeeze %dma_wait3A_677 : memref<1x128xi32, #tpu.memory_space<vmem>> -> memref<128xi32, #tpu.memory_space<vmem>>
    %dma_wait3A_679 = arith.constant 0 : i32
    %dma_wait3A_680 = arith.constant 0 : i32
    %dma_wait3A_681 = tpu.memref_slice %arg8[%dma_wait3A_679, %dma_wait3A_680] : memref<10000x128xf32, #tpu.memory_space<vmem_shared>> -> memref<10000x128xf32, #tpu.memory_space<vmem_shared>>
    tpu.wait_indirect_dma semaphore(%arg9 : memref<!tpu.dma_semaphore, #tpu.memory_space<semaphore_mem>>) src(%dma_wait3A_681 : memref<10000x128xf32, #tpu.memory_space<vmem_shared>>) dst(%arg6 : memref<128x128xf32, #tpu.memory_space<vmem>>)
    %dma_wait3A_682 = arith.constant 31 : i32
    %dma_wait3A_683 = arith.constant 0 : i32
    %dma_wait3A_684 = tpu.memref_slice %arg5[%dma_wait3A_682, %dma_wait3A_683] : memref<32x320xi32, #tpu.memory_space<vmem>> -> memref<1x128xi32, #tpu.memory_space<vmem>>
    %dma_wait3A_685 = tpu.memref_squeeze %dma_wait3A_684 : memref<1x128xi32, #tpu.memory_space<vmem>> -> memref<128xi32, #tpu.memory_space<vmem>>
    %dma_wait3A_686 = arith.constant 0 : i32
    %dma_wait3A_687 = arith.constant 0 : i32
    %dma_wait3A_688 = tpu.memref_slice %arg8[%dma_wait3A_686, %dma_wait3A_687] : memref<10000x128xf32, #tpu.memory_space<vmem_shared>> -> memref<10000x128xf32, #tpu.memory_space<vmem_shared>>
    tpu.wait_indirect_dma semaphore(%arg9 : memref<!tpu.dma_semaphore, #tpu.memory_space<semaphore_mem>>) src(%dma_wait3A_688 : memref<10000x128xf32, #tpu.memory_space<vmem_shared>>) dst(%arg6 : memref<128x128xf32, #tpu.memory_space<vmem>>)
    %add3A_689 = arith.constant 0 : i32
    %add3A_690 = arith.addi %mul3A_2, %add3A_689 : i32
    %dma_start3A_691 = arith.constant 0 : i32
    %dma_start3A_692 = tpu.memref_slice %arg4[%add3A_690, %dma_start3A_691] : memref<10240x128xf32, #tpu.memory_space<hbm>> -> memref<128x128xf32, #tpu.memory_space<hbm>>
    %dma_start3A_693 = arith.constant 0 : i32
    %dma_start3A_694 = tpu.memref_slice %arg4[%add3A_690, %dma_start3A_693] : memref<10240x128xf32, #tpu.memory_space<hbm>> -> memref<128x128xf32, #tpu.memory_space<hbm>>
    tpu.enqueue_dma source(%arg6 : memref<128x128xf32, #tpu.memory_space<vmem>>) target(%dma_start3A_694 : memref<128x128xf32, #tpu.memory_space<hbm>>) target_semaphore(%arg11 : memref<!tpu.dma_semaphore, #tpu.memory_space<semaphore_mem>>)
    %dma_wait3A_695 = arith.constant 0 : i32
    %dma_wait3A_696 = tpu.memref_slice %arg4[%add3A_690, %dma_wait3A_695] : memref<10240x128xf32, #tpu.memory_space<hbm>> -> memref<128x128xf32, #tpu.memory_space<hbm>>
    %dma_wait3A_697 = arith.constant 0 : i32
    %dma_wait3A_698 = tpu.memref_slice %arg4[%add3A_690, %dma_wait3A_697] : memref<10240x128xf32, #tpu.memory_space<hbm>> -> memref<128x128xf32, #tpu.memory_space<hbm>>
    tpu.wait_dma2 semaphore(%arg11 : memref<!tpu.dma_semaphore, #tpu.memory_space<semaphore_mem>>) src(%arg6 : memref<128x128xf32, #tpu.memory_space<vmem>>) dst(%dma_wait3A_698 : memref<128x128xf32, #tpu.memory_space<hbm>>)
    %scan3A_699 = arith.constant 0 : i32
    %scan3A_700 = arith.constant 512 : i32
    %scan3A_701 = arith.addi %scan3A_699, %scan3A_700 : i32
    %scan3A_702 = arith.constant 8 : i32
    scf.for %scan3A_1600 = %scan3A_699 to %scan3A_701 step %scan3A_702  : i32 {
      %mul3A_1601 = arith.constant 1 : i32
      %mul3A_1602 = arith.muli %scan3A_1600, %mul3A_1601 : i32
      %add3A_1603 = arith.constant 0 : i32
      %add3A_1604 = arith.addi %add3A_1603, %mul3A_1602 : i32
      %jit3A = arith.constant 8 : i32
      %div3A = arith.divsi %add3A_1604, %jit3A : i32
      %sign3A = arith.constant 0 : i32
      %sign3A_1605 = arith.cmpi sgt, %add3A_1604, %sign3A : i32
      %sign3A_1606 = arith.extui %sign3A_1605 : i1 to i32
      %sign3A_1607 = arith.constant 0 : i32
      %sign3A_1608 = arith.cmpi slt, %add3A_1604, %sign3A_1607 : i32
      %sign3A_1609 = arith.extui %sign3A_1608 : i1 to i32
      %sign3A_1610 = arith.subi %sign3A_1606, %sign3A_1609 : i32
      %sign3A_1611 = arith.constant 0 : i32
      %sign3A_1612 = arith.cmpi sgt, %jit3A, %sign3A_1611 : i32
      %sign3A_1613 = arith.extui %sign3A_1612 : i1 to i32
      %sign3A_1614 = arith.constant 0 : i32
      %sign3A_1615 = arith.cmpi slt, %jit3A, %sign3A_1614 : i32
      %sign3A_1616 = arith.extui %sign3A_1615 : i1 to i32
      %sign3A_1617 = arith.subi %sign3A_1613, %sign3A_1616 : i32
      %ne3A = arith.cmpi ne, %sign3A_1610, %sign3A_1617 : i32
      %rem3A = arith.remsi %add3A_1604, %jit3A : i32
      %ne3A_1618 = arith.constant 0 : i32
      %ne3A_1619 = arith.cmpi ne, %rem3A, %ne3A_1618 : i32
      %and3A = arith.andi %ne3A, %ne3A_1619 : i1
      %sub3A = arith.constant 1 : i32
      %sub3A_1620 = arith.subi %div3A, %sub3A : i32
      %select_n3A = arith.select %and3A, %sub3A_1620, %div3A : i32
      %jit3A_1621 = arith.constant 8 : i32
      %eq3A_1622 = arith.constant 0 : i32
      %eq3A_1623 = arith.cmpi eq, %jit3A_1621, %eq3A_1622 : i32
      %jit3A_1624 = arith.constant 1 : i32
      %select_n3A_1625 = arith.select %eq3A_1623, %jit3A_1624, %jit3A_1621 : i32
      %rem3A_1626 = arith.remsi %add3A_1604, %select_n3A_1625 : i32
      %ne3A_1627 = arith.constant 0 : i32
      %ne3A_1628 = arith.cmpi ne, %rem3A_1626, %ne3A_1627 : i32
      %lt3A_1629 = arith.constant 0 : i32
      %lt3A_1630 = arith.cmpi slt, %rem3A_1626, %lt3A_1629 : i32
      %lt3A_1631 = arith.constant 0 : i32
      %lt3A_1632 = arith.cmpi slt, %select_n3A_1625, %lt3A_1631 : i32
      %ne3A_1633 = arith.xori %lt3A_1630, %lt3A_1632 : i1
      %and3A_1634 = arith.andi %ne3A_1633, %ne3A_1628 : i1
      %add3A_1635 = arith.addi %rem3A_1626, %select_n3A_1625 : i32
      %select_n3A_1636 = arith.select %and3A_1634, %add3A_1635, %rem3A_1626 : i32
      %mul3A_1637 = arith.constant 16 : i32
      %mul3A_1638 = arith.muli %select_n3A_1636, %mul3A_1637 : i32
      %swap3A = arith.index_cast %select_n3A : i32 to index
      %swap3A_1639 = arith.index_cast %mul3A_1638 : i32 to index
      %swap3A_1640 = tpu.vector_load %arg6[%swap3A, %swap3A_1639] {strides = array<i32>} : memref<128x128xf32, #tpu.memory_space<vmem>>, vector<1x16xf32>,
      %swap3A_1641 = vector.shape_cast %swap3A_1640 : vector<1x16xf32> to vector<16xf32>
      %swap3A_1642 = vector.shape_cast %broadcast_in_dim3A_9 : vector<16xf32> to vector<1x16xf32>
      tpu.vector_store %arg6[%swap3A, %swap3A_1639], %swap3A_1642 {strides = array<i32>} : memref<128x128xf32, #tpu.memory_space<vmem>>, vector<1x16xf32>,
      %scan3A_1643 = arith.constant 1 : i32
      %scan3A_1644 = arith.addi %scan3A_1600, %scan3A_1643 : i32
      %mul3A_1645 = arith.constant 1 : i32
      %mul3A_1646 = arith.muli %scan3A_1644, %mul3A_1645 : i32
      %add3A_1647 = arith.constant 0 : i32
      %add3A_1648 = arith.addi %add3A_1647, %mul3A_1646 : i32
      %jit3A_1649 = arith.constant 8 : i32
      %div3A_1650 = arith.divsi %add3A_1648, %jit3A_1649 : i32
      %sign3A_1651 = arith.constant 0 : i32
      %sign3A_1652 = arith.cmpi sgt, %add3A_1648, %sign3A_1651 : i32
      %sign3A_1653 = arith.extui %sign3A_1652 : i1 to i32
      %sign3A_1654 = arith.constant 0 : i32
      %sign3A_1655 = arith.cmpi slt, %add3A_1648, %sign3A_1654 : i32
      %sign3A_1656 = arith.extui %sign3A_1655 : i1 to i32
      %sign3A_1657 = arith.subi %sign3A_1653, %sign3A_1656 : i32
      %sign3A_1658 = arith.constant 0 : i32
      %sign3A_1659 = arith.cmpi sgt, %jit3A_1649, %sign3A_1658 : i32
      %sign3A_1660 = arith.extui %sign3A_1659 : i1 to i32
      %sign3A_1661 = arith.constant 0 : i32
      %sign3A_1662 = arith.cmpi slt, %jit3A_1649, %sign3A_1661 : i32
      %sign3A_1663 = arith.extui %sign3A_1662 : i1 to i32
      %sign3A_1664 = arith.subi %sign3A_1660, %sign3A_1663 : i32
      %ne3A_1665 = arith.cmpi ne, %sign3A_1657, %sign3A_1664 : i32
      %rem3A_1666 = arith.remsi %add3A_1648, %jit3A_1649 : i32
      %ne3A_1667 = arith.constant 0 : i32
      %ne3A_1668 = arith.cmpi ne, %rem3A_1666, %ne3A_1667 : i32
      %and3A_1669 = arith.andi %ne3A_1665, %ne3A_1668 : i1
      %sub3A_1670 = arith.constant 1 : i32
      %sub3A_1671 = arith.subi %div3A_1650, %sub3A_1670 : i32
      %select_n3A_1672 = arith.select %and3A_1669, %sub3A_1671, %div3A_1650 : i32
      %jit3A_1673 = arith.constant 8 : i32
      %eq3A_1674 = arith.constant 0 : i32
      %eq3A_1675 = arith.cmpi eq, %jit3A_1673, %eq3A_1674 : i32
      %jit3A_1676 = arith.constant 1 : i32
      %select_n3A_1677 = arith.select %eq3A_1675, %jit3A_1676, %jit3A_1673 : i32
      %rem3A_1678 = arith.remsi %add3A_1648, %select_n3A_1677 : i32
      %ne3A_1679 = arith.constant 0 : i32
      %ne3A_1680 = arith.cmpi ne, %rem3A_1678, %ne3A_1679 : i32
      %lt3A_1681 = arith.constant 0 : i32
      %lt3A_1682 = arith.cmpi slt, %rem3A_1678, %lt3A_1681 : i32
      %lt3A_1683 = arith.constant 0 : i32
      %lt3A_1684 = arith.cmpi slt, %select_n3A_1677, %lt3A_1683 : i32
      %ne3A_1685 = arith.xori %lt3A_1682, %lt3A_1684 : i1
      %and3A_1686 = arith.andi %ne3A_1685, %ne3A_1680 : i1
      %add3A_1687 = arith.addi %rem3A_1678, %select_n3A_1677 : i32
      %select_n3A_1688 = arith.select %and3A_1686, %add3A_1687, %rem3A_1678 : i32
      %mul3A_1689 = arith.constant 16 : i32
      %mul3A_1690 = arith.muli %select_n3A_1688, %mul3A_1689 : i32
      %swap3A_1691 = arith.index_cast %select_n3A_1672 : i32 to index
      %swap3A_1692 = arith.index_cast %mul3A_1690 : i32 to index
      %swap3A_1693 = tpu.vector_load %arg6[%swap3A_1691, %swap3A_1692] {strides = array<i32>} : memref<128x128xf32, #tpu.memory_space<vmem>>, vector<1x16xf32>,
      %swap3A_1694 = vector.shape_cast %swap3A_1693 : vector<1x16xf32> to vector<16xf32>
      %swap3A_1695 = vector.shape_cast %broadcast_in_dim3A_9 : vector<16xf32> to vector<1x16xf32>
      tpu.vector_store %arg6[%swap3A_1691, %swap3A_1692], %swap3A_1695 {strides = array<i32>} : memref<128x128xf32, #tpu.memory_space<vmem>>, vector<1x16xf32>,
      %scan3A_1696 = arith.constant 2 : i32
      %scan3A_1697 = arith.addi %scan3A_1600, %scan3A_1696 : i32
      %mul3A_1698 = arith.constant 1 : i32
      %mul3A_1699 = arith.muli %scan3A_1697, %mul3A_1698 : i32
      %add3A_1700 = arith.constant 0 : i32
      %add3A_1701 = arith.addi %add3A_1700, %mul3A_1699 : i32
      %jit3A_1702 = arith.constant 8 : i32
      %div3A_1703 = arith.divsi %add3A_1701, %jit3A_1702 : i32
      %sign3A_1704 = arith.constant 0 : i32
      %sign3A_1705 = arith.cmpi sgt, %add3A_1701, %sign3A_1704 : i32
      %sign3A_1706 = arith.extui %sign3A_1705 : i1 to i32
      %sign3A_1707 = arith.constant 0 : i32
      %sign3A_1708 = arith.cmpi slt, %add3A_1701, %sign3A_1707 : i32
      %sign3A_1709 = arith.extui %sign3A_1708 : i1 to i32
      %sign3A_1710 = arith.subi %sign3A_1706, %sign3A_1709 : i32
      %sign3A_1711 = arith.constant 0 : i32
      %sign3A_1712 = arith.cmpi sgt, %jit3A_1702, %sign3A_1711 : i32
      %sign3A_1713 = arith.extui %sign3A_1712 : i1 to i32
      %sign3A_1714 = arith.constant 0 : i32
      %sign3A_1715 = arith.cmpi slt, %jit3A_1702, %sign3A_1714 : i32
      %sign3A_1716 = arith.extui %sign3A_1715 : i1 to i32
      %sign3A_1717 = arith.subi %sign3A_1713, %sign3A_1716 : i32
      %ne3A_1718 = arith.cmpi ne, %sign3A_1710, %sign3A_1717 : i32
      %rem3A_1719 = arith.remsi %add3A_1701, %jit3A_1702 : i32
      %ne3A_1720 = arith.constant 0 : i32
      %ne3A_1721 = arith.cmpi ne, %rem3A_1719, %ne3A_1720 : i32
      %and3A_1722 = arith.andi %ne3A_1718, %ne3A_1721 : i1
      %sub3A_1723 = arith.constant 1 : i32
      %sub3A_1724 = arith.subi %div3A_1703, %sub3A_1723 : i32
      %select_n3A_1725 = arith.select %and3A_1722, %sub3A_1724, %div3A_1703 : i32
      %jit3A_1726 = arith.constant 8 : i32
      %eq3A_1727 = arith.constant 0 : i32
      %eq3A_1728 = arith.cmpi eq, %jit3A_1726, %eq3A_1727 : i32
      %jit3A_1729 = arith.constant 1 : i32
      %select_n3A_1730 = arith.select %eq3A_1728, %jit3A_1729, %jit3A_1726 : i32
      %rem3A_1731 = arith.remsi %add3A_1701, %select_n3A_1730 : i32
      %ne3A_1732 = arith.constant 0 : i32
      %ne3A_1733 = arith.cmpi ne, %rem3A_1731, %ne3A_1732 : i32
      %lt3A_1734 = arith.constant 0 : i32
      %lt3A_1735 = arith.cmpi slt, %rem3A_1731, %lt3A_1734 : i32
      %lt3A_1736 = arith.constant 0 : i32
      %lt3A_1737 = arith.cmpi slt, %select_n3A_1730, %lt3A_1736 : i32
      %ne3A_1738 = arith.xori %lt3A_1735, %lt3A_1737 : i1
      %and3A_1739 = arith.andi %ne3A_1738, %ne3A_1733 : i1
      %add3A_1740 = arith.addi %rem3A_1731, %select_n3A_1730 : i32
      %select_n3A_1741 = arith.select %and3A_1739, %add3A_1740, %rem3A_1731 : i32
      %mul3A_1742 = arith.constant 16 : i32
      %mul3A_1743 = arith.muli %select_n3A_1741, %mul3A_1742 : i32
      %swap3A_1744 = arith.index_cast %select_n3A_1725 : i32 to index
      %swap3A_1745 = arith.index_cast %mul3A_1743 : i32 to index
      %swap3A_1746 = tpu.vector_load %arg6[%swap3A_1744, %swap3A_1745] {strides = array<i32>} : memref<128x128xf32, #tpu.memory_space<vmem>>, vector<1x16xf32>,
      %swap3A_1747 = vector.shape_cast %swap3A_1746 : vector<1x16xf32> to vector<16xf32>
      %swap3A_1748 = vector.shape_cast %broadcast_in_dim3A_9 : vector<16xf32> to vector<1x16xf32>
      tpu.vector_store %arg6[%swap3A_1744, %swap3A_1745], %swap3A_1748 {strides = array<i32>} : memref<128x128xf32, #tpu.memory_space<vmem>>, vector<1x16xf32>,
      %scan3A_1749 = arith.constant 3 : i32
      %scan3A_1750 = arith.addi %scan3A_1600, %scan3A_1749 : i32
      %mul3A_1751 = arith.constant 1 : i32
      %mul3A_1752 = arith.muli %scan3A_1750, %mul3A_1751 : i32
      %add3A_1753 = arith.constant 0 : i32
      %add3A_1754 = arith.addi %add3A_1753, %mul3A_1752 : i32
      %jit3A_1755 = arith.constant 8 : i32
      %div3A_1756 = arith.divsi %add3A_1754, %jit3A_1755 : i32
      %sign3A_1757 = arith.constant 0 : i32
      %sign3A_1758 = arith.cmpi sgt, %add3A_1754, %sign3A_1757 : i32
      %sign3A_1759 = arith.extui %sign3A_1758 : i1 to i32
      %sign3A_1760 = arith.constant 0 : i32
      %sign3A_1761 = arith.cmpi slt, %add3A_1754, %sign3A_1760 : i32
      %sign3A_1762 = arith.extui %sign3A_1761 : i1 to i32
      %sign3A_1763 = arith.subi %sign3A_1759, %sign3A_1762 : i32
      %sign3A_1764 = arith.constant 0 : i32
      %sign3A_1765 = arith.cmpi sgt, %jit3A_1755, %sign3A_1764 : i32
      %sign3A_1766 = arith.extui %sign3A_1765 : i1 to i32
      %sign3A_1767 = arith.constant 0 : i32
      %sign3A_1768 = arith.cmpi slt, %jit3A_1755, %sign3A_1767 : i32
      %sign3A_1769 = arith.extui %sign3A_1768 : i1 to i32
      %sign3A_1770 = arith.subi %sign3A_1766, %sign3A_1769 : i32
      %ne3A_1771 = arith.cmpi ne, %sign3A_1763, %sign3A_1770 : i32
      %rem3A_1772 = arith.remsi %add3A_1754, %jit3A_1755 : i32
      %ne3A_1773 = arith.constant 0 : i32
      %ne3A_1774 = arith.cmpi ne, %rem3A_1772, %ne3A_1773 : i32
      %and3A_1775 = arith.andi %ne3A_1771, %ne3A_1774 : i1
      %sub3A_1776 = arith.constant 1 : i32
      %sub3A_1777 = arith.subi %div3A_1756, %sub3A_1776 : i32
      %select_n3A_1778 = arith.select %and3A_1775, %sub3A_1777, %div3A_1756 : i32
      %jit3A_1779 = arith.constant 8 : i32
      %eq3A_1780 = arith.constant 0 : i32
      %eq3A_1781 = arith.cmpi eq, %jit3A_1779, %eq3A_1780 : i32
      %jit3A_1782 = arith.constant 1 : i32
      %select_n3A_1783 = arith.select %eq3A_1781, %jit3A_1782, %jit3A_1779 : i32
      %rem3A_1784 = arith.remsi %add3A_1754, %select_n3A_1783 : i32
      %ne3A_1785 = arith.constant 0 : i32
      %ne3A_1786 = arith.cmpi ne, %rem3A_1784, %ne3A_1785 : i32
      %lt3A_1787 = arith.constant 0 : i32
      %lt3A_1788 = arith.cmpi slt, %rem3A_1784, %lt3A_1787 : i32
      %lt3A_1789 = arith.constant 0 : i32
      %lt3A_1790 = arith.cmpi slt, %select_n3A_1783, %lt3A_1789 : i32
      %ne3A_1791 = arith.xori %lt3A_1788, %lt3A_1790 : i1
      %and3A_1792 = arith.andi %ne3A_1791, %ne3A_1786 : i1
      %add3A_1793 = arith.addi %rem3A_1784, %select_n3A_1783 : i32
      %select_n3A_1794 = arith.select %and3A_1792, %add3A_1793, %rem3A_1784 : i32
      %mul3A_1795 = arith.constant 16 : i32
      %mul3A_1796 = arith.muli %select_n3A_1794, %mul3A_1795 : i32
      %swap3A_1797 = arith.index_cast %select_n3A_1778 : i32 to index
      %swap3A_1798 = arith.index_cast %mul3A_1796 : i32 to index
      %swap3A_1799 = tpu.vector_load %arg6[%swap3A_1797, %swap3A_1798] {strides = array<i32>} : memref<128x128xf32, #tpu.memory_space<vmem>>, vector<1x16xf32>,
      %swap3A_1800 = vector.shape_cast %swap3A_1799 : vector<1x16xf32> to vector<16xf32>
      %swap3A_1801 = vector.shape_cast %broadcast_in_dim3A_9 : vector<16xf32> to vector<1x16xf32>
      tpu.vector_store %arg6[%swap3A_1797, %swap3A_1798], %swap3A_1801 {strides = array<i32>} : memref<128x128xf32, #tpu.memory_space<vmem>>, vector<1x16xf32>,
      %scan3A_1802 = arith.constant 4 : i32
      %scan3A_1803 = arith.addi %scan3A_1600, %scan3A_1802 : i32
      %mul3A_1804 = arith.constant 1 : i32
      %mul3A_1805 = arith.muli %scan3A_1803, %mul3A_1804 : i32
      %add3A_1806 = arith.constant 0 : i32
      %add3A_1807 = arith.addi %add3A_1806, %mul3A_1805 : i32
      %jit3A_1808 = arith.constant 8 : i32
      %div3A_1809 = arith.divsi %add3A_1807, %jit3A_1808 : i32
      %sign3A_1810 = arith.constant 0 : i32
      %sign3A_1811 = arith.cmpi sgt, %add3A_1807, %sign3A_1810 : i32
      %sign3A_1812 = arith.extui %sign3A_1811 : i1 to i32
      %sign3A_1813 = arith.constant 0 : i32
      %sign3A_1814 = arith.cmpi slt, %add3A_1807, %sign3A_1813 : i32
      %sign3A_1815 = arith.extui %sign3A_1814 : i1 to i32
      %sign3A_1816 = arith.subi %sign3A_1812, %sign3A_1815 : i32
      %sign3A_1817 = arith.constant 0 : i32
      %sign3A_1818 = arith.cmpi sgt, %jit3A_1808, %sign3A_1817 : i32
      %sign3A_1819 = arith.extui %sign3A_1818 : i1 to i32
      %sign3A_1820 = arith.constant 0 : i32
      %sign3A_1821 = arith.cmpi slt, %jit3A_1808, %sign3A_1820 : i32
      %sign3A_1822 = arith.extui %sign3A_1821 : i1 to i32
      %sign3A_1823 = arith.subi %sign3A_1819, %sign3A_1822 : i32
      %ne3A_1824 = arith.cmpi ne, %sign3A_1816, %sign3A_1823 : i32
      %rem3A_1825 = arith.remsi %add3A_1807, %jit3A_1808 : i32
      %ne3A_1826 = arith.constant 0 : i32
      %ne3A_1827 = arith.cmpi ne, %rem3A_1825, %ne3A_1826 : i32
      %and3A_1828 = arith.andi %ne3A_1824, %ne3A_1827 : i1
      %sub3A_1829 = arith.constant 1 : i32
      %sub3A_1830 = arith.subi %div3A_1809, %sub3A_1829 : i32
      %select_n3A_1831 = arith.select %and3A_1828, %sub3A_1830, %div3A_1809 : i32
      %jit3A_1832 = arith.constant 8 : i32
      %eq3A_1833 = arith.constant 0 : i32
      %eq3A_1834 = arith.cmpi eq, %jit3A_1832, %eq3A_1833 : i32
      %jit3A_1835 = arith.constant 1 : i32
      %select_n3A_1836 = arith.select %eq3A_1834, %jit3A_1835, %jit3A_1832 : i32
      %rem3A_1837 = arith.remsi %add3A_1807, %select_n3A_1836 : i32
      %ne3A_1838 = arith.constant 0 : i32
      %ne3A_1839 = arith.cmpi ne, %rem3A_1837, %ne3A_1838 : i32
      %lt3A_1840 = arith.constant 0 : i32
      %lt3A_1841 = arith.cmpi slt, %rem3A_1837, %lt3A_1840 : i32
      %lt3A_1842 = arith.constant 0 : i32
      %lt3A_1843 = arith.cmpi slt, %select_n3A_1836, %lt3A_1842 : i32
      %ne3A_1844 = arith.xori %lt3A_1841, %lt3A_1843 : i1
      %and3A_1845 = arith.andi %ne3A_1844, %ne3A_1839 : i1
      %add3A_1846 = arith.addi %rem3A_1837, %select_n3A_1836 : i32
      %select_n3A_1847 = arith.select %and3A_1845, %add3A_1846, %rem3A_1837 : i32
      %mul3A_1848 = arith.constant 16 : i32
      %mul3A_1849 = arith.muli %select_n3A_1847, %mul3A_1848 : i32
      %swap3A_1850 = arith.index_cast %select_n3A_1831 : i32 to index
      %swap3A_1851 = arith.index_cast %mul3A_1849 : i32 to index
      %swap3A_1852 = tpu.vector_load %arg6[%swap3A_1850, %swap3A_1851] {strides = array<i32>} : memref<128x128xf32, #tpu.memory_space<vmem>>, vector<1x16xf32>,
      %swap3A_1853 = vector.shape_cast %swap3A_1852 : vector<1x16xf32> to vector<16xf32>
      %swap3A_1854 = vector.shape_cast %broadcast_in_dim3A_9 : vector<16xf32> to vector<1x16xf32>
      tpu.vector_store %arg6[%swap3A_1850, %swap3A_1851], %swap3A_1854 {strides = array<i32>} : memref<128x128xf32, #tpu.memory_space<vmem>>, vector<1x16xf32>,
      %scan3A_1855 = arith.constant 5 : i32
      %scan3A_1856 = arith.addi %scan3A_1600, %scan3A_1855 : i32
      %mul3A_1857 = arith.constant 1 : i32
      %mul3A_1858 = arith.muli %scan3A_1856, %mul3A_1857 : i32
      %add3A_1859 = arith.constant 0 : i32
      %add3A_1860 = arith.addi %add3A_1859, %mul3A_1858 : i32
      %jit3A_1861 = arith.constant 8 : i32
      %div3A_1862 = arith.divsi %add3A_1860, %jit3A_1861 : i32
      %sign3A_1863 = arith.constant 0 : i32
      %sign3A_1864 = arith.cmpi sgt, %add3A_1860, %sign3A_1863 : i32
      %sign3A_1865 = arith.extui %sign3A_1864 : i1 to i32
      %sign3A_1866 = arith.constant 0 : i32
      %sign3A_1867 = arith.cmpi slt, %add3A_1860, %sign3A_1866 : i32
      %sign3A_1868 = arith.extui %sign3A_1867 : i1 to i32
      %sign3A_1869 = arith.subi %sign3A_1865, %sign3A_1868 : i32
      %sign3A_1870 = arith.constant 0 : i32
      %sign3A_1871 = arith.cmpi sgt, %jit3A_1861, %sign3A_1870 : i32
      %sign3A_1872 = arith.extui %sign3A_1871 : i1 to i32
      %sign3A_1873 = arith.constant 0 : i32
      %sign3A_1874 = arith.cmpi slt, %jit3A_1861, %sign3A_1873 : i32
      %sign3A_1875 = arith.extui %sign3A_1874 : i1 to i32
      %sign3A_1876 = arith.subi %sign3A_1872, %sign3A_1875 : i32
      %ne3A_1877 = arith.cmpi ne, %sign3A_1869, %sign3A_1876 : i32
      %rem3A_1878 = arith.remsi %add3A_1860, %jit3A_1861 : i32
      %ne3A_1879 = arith.constant 0 : i32
      %ne3A_1880 = arith.cmpi ne, %rem3A_1878, %ne3A_1879 : i32
      %and3A_1881 = arith.andi %ne3A_1877, %ne3A_1880 : i1
      %sub3A_1882 = arith.constant 1 : i32
      %sub3A_1883 = arith.subi %div3A_1862, %sub3A_1882 : i32
      %select_n3A_1884 = arith.select %and3A_1881, %sub3A_1883, %div3A_1862 : i32
      %jit3A_1885 = arith.constant 8 : i32
      %eq3A_1886 = arith.constant 0 : i32
      %eq3A_1887 = arith.cmpi eq, %jit3A_1885, %eq3A_1886 : i32
      %jit3A_1888 = arith.constant 1 : i32
      %select_n3A_1889 = arith.select %eq3A_1887, %jit3A_1888, %jit3A_1885 : i32
      %rem3A_1890 = arith.remsi %add3A_1860, %select_n3A_1889 : i32
      %ne3A_1891 = arith.constant 0 : i32
      %ne3A_1892 = arith.cmpi ne, %rem3A_1890, %ne3A_1891 : i32
      %lt3A_1893 = arith.constant 0 : i32
      %lt3A_1894 = arith.cmpi slt, %rem3A_1890, %lt3A_1893 : i32
      %lt3A_1895 = arith.constant 0 : i32
      %lt3A_1896 = arith.cmpi slt, %select_n3A_1889, %lt3A_1895 : i32
      %ne3A_1897 = arith.xori %lt3A_1894, %lt3A_1896 : i1
      %and3A_1898 = arith.andi %ne3A_1897, %ne3A_1892 : i1
      %add3A_1899 = arith.addi %rem3A_1890, %select_n3A_1889 : i32
      %select_n3A_1900 = arith.select %and3A_1898, %add3A_1899, %rem3A_1890 : i32
      %mul3A_1901 = arith.constant 16 : i32
      %mul3A_1902 = arith.muli %select_n3A_1900, %mul3A_1901 : i32
      %swap3A_1903 = arith.index_cast %select_n3A_1884 : i32 to index
      %swap3A_1904 = arith.index_cast %mul3A_1902 : i32 to index
      %swap3A_1905 = tpu.vector_load %arg6[%swap3A_1903, %swap3A_1904] {strides = array<i32>} : memref<128x128xf32, #tpu.memory_space<vmem>>, vector<1x16xf32>,
      %swap3A_1906 = vector.shape_cast %swap3A_1905 : vector<1x16xf32> to vector<16xf32>
      %swap3A_1907 = vector.shape_cast %broadcast_in_dim3A_9 : vector<16xf32> to vector<1x16xf32>
      tpu.vector_store %arg6[%swap3A_1903, %swap3A_1904], %swap3A_1907 {strides = array<i32>} : memref<128x128xf32, #tpu.memory_space<vmem>>, vector<1x16xf32>,
      %scan3A_1908 = arith.constant 6 : i32
      %scan3A_1909 = arith.addi %scan3A_1600, %scan3A_1908 : i32
      %mul3A_1910 = arith.constant 1 : i32
      %mul3A_1911 = arith.muli %scan3A_1909, %mul3A_1910 : i32
      %add3A_1912 = arith.constant 0 : i32
      %add3A_1913 = arith.addi %add3A_1912, %mul3A_1911 : i32
      %jit3A_1914 = arith.constant 8 : i32
      %div3A_1915 = arith.divsi %add3A_1913, %jit3A_1914 : i32
      %sign3A_1916 = arith.constant 0 : i32
      %sign3A_1917 = arith.cmpi sgt, %add3A_1913, %sign3A_1916 : i32
      %sign3A_1918 = arith.extui %sign3A_1917 : i1 to i32
      %sign3A_1919 = arith.constant 0 : i32
      %sign3A_1920 = arith.cmpi slt, %add3A_1913, %sign3A_1919 : i32
      %sign3A_1921 = arith.extui %sign3A_1920 : i1 to i32
      %sign3A_1922 = arith.subi %sign3A_1918, %sign3A_1921 : i32
      %sign3A_1923 = arith.constant 0 : i32
      %sign3A_1924 = arith.cmpi sgt, %jit3A_1914, %sign3A_1923 : i32
      %sign3A_1925 = arith.extui %sign3A_1924 : i1 to i32
      %sign3A_1926 = arith.constant 0 : i32
      %sign3A_1927 = arith.cmpi slt, %jit3A_1914, %sign3A_1926 : i32
      %sign3A_1928 = arith.extui %sign3A_1927 : i1 to i32
      %sign3A_1929 = arith.subi %sign3A_1925, %sign3A_1928 : i32
      %ne3A_1930 = arith.cmpi ne, %sign3A_1922, %sign3A_1929 : i32
      %rem3A_1931 = arith.remsi %add3A_1913, %jit3A_1914 : i32
      %ne3A_1932 = arith.constant 0 : i32
      %ne3A_1933 = arith.cmpi ne, %rem3A_1931, %ne3A_1932 : i32
      %and3A_1934 = arith.andi %ne3A_1930, %ne3A_1933 : i1
      %sub3A_1935 = arith.constant 1 : i32
      %sub3A_1936 = arith.subi %div3A_1915, %sub3A_1935 : i32
      %select_n3A_1937 = arith.select %and3A_1934, %sub3A_1936, %div3A_1915 : i32
      %jit3A_1938 = arith.constant 8 : i32
      %eq3A_1939 = arith.constant 0 : i32
      %eq3A_1940 = arith.cmpi eq, %jit3A_1938, %eq3A_1939 : i32
      %jit3A_1941 = arith.constant 1 : i32
      %select_n3A_1942 = arith.select %eq3A_1940, %jit3A_1941, %jit3A_1938 : i32
      %rem3A_1943 = arith.remsi %add3A_1913, %select_n3A_1942 : i32
      %ne3A_1944 = arith.constant 0 : i32
      %ne3A_1945 = arith.cmpi ne, %rem3A_1943, %ne3A_1944 : i32
      %lt3A_1946 = arith.constant 0 : i32
      %lt3A_1947 = arith.cmpi slt, %rem3A_1943, %lt3A_1946 : i32
      %lt3A_1948 = arith.constant 0 : i32
      %lt3A_1949 = arith.cmpi slt, %select_n3A_1942, %lt3A_1948 : i32
      %ne3A_1950 = arith.xori %lt3A_1947, %lt3A_1949 : i1
      %and3A_1951 = arith.andi %ne3A_1950, %ne3A_1945 : i1
      %add3A_1952 = arith.addi %rem3A_1943, %select_n3A_1942 : i32
      %select_n3A_1953 = arith.select %and3A_1951, %add3A_1952, %rem3A_1943 : i32
      %mul3A_1954 = arith.constant 16 : i32
      %mul3A_1955 = arith.muli %select_n3A_1953, %mul3A_1954 : i32
      %swap3A_1956 = arith.index_cast %select_n3A_1937 : i32 to index
      %swap3A_1957 = arith.index_cast %mul3A_1955 : i32 to index
      %swap3A_1958 = tpu.vector_load %arg6[%swap3A_1956, %swap3A_1957] {strides = array<i32>} : memref<128x128xf32, #tpu.memory_space<vmem>>, vector<1x16xf32>,
      %swap3A_1959 = vector.shape_cast %swap3A_1958 : vector<1x16xf32> to vector<16xf32>
      %swap3A_1960 = vector.shape_cast %broadcast_in_dim3A_9 : vector<16xf32> to vector<1x16xf32>
      tpu.vector_store %arg6[%swap3A_1956, %swap3A_1957], %swap3A_1960 {strides = array<i32>} : memref<128x128xf32, #tpu.memory_space<vmem>>, vector<1x16xf32>,
      %scan3A_1961 = arith.constant 7 : i32
      %scan3A_1962 = arith.addi %scan3A_1600, %scan3A_1961 : i32
      %mul3A_1963 = arith.constant 1 : i32
      %mul3A_1964 = arith.muli %scan3A_1962, %mul3A_1963 : i32
      %add3A_1965 = arith.constant 0 : i32
      %add3A_1966 = arith.addi %add3A_1965, %mul3A_1964 : i32
      %jit3A_1967 = arith.constant 8 : i32
      %div3A_1968 = arith.divsi %add3A_1966, %jit3A_1967 : i32
      %sign3A_1969 = arith.constant 0 : i32
      %sign3A_1970 = arith.cmpi sgt, %add3A_1966, %sign3A_1969 : i32
      %sign3A_1971 = arith.extui %sign3A_1970 : i1 to i32
      %sign3A_1972 = arith.constant 0 : i32
      %sign3A_1973 = arith.cmpi slt, %add3A_1966, %sign3A_1972 : i32
      %sign3A_1974 = arith.extui %sign3A_1973 : i1 to i32
      %sign3A_1975 = arith.subi %sign3A_1971, %sign3A_1974 : i32
      %sign3A_1976 = arith.constant 0 : i32
      %sign3A_1977 = arith.cmpi sgt, %jit3A_1967, %sign3A_1976 : i32
      %sign3A_1978 = arith.extui %sign3A_1977 : i1 to i32
      %sign3A_1979 = arith.constant 0 : i32
      %sign3A_1980 = arith.cmpi slt, %jit3A_1967, %sign3A_1979 : i32
      %sign3A_1981 = arith.extui %sign3A_1980 : i1 to i32
      %sign3A_1982 = arith.subi %sign3A_1978, %sign3A_1981 : i32
      %ne3A_1983 = arith.cmpi ne, %sign3A_1975, %sign3A_1982 : i32
      %rem3A_1984 = arith.remsi %add3A_1966, %jit3A_1967 : i32
      %ne3A_1985 = arith.constant 0 : i32
      %ne3A_1986 = arith.cmpi ne, %rem3A_1984, %ne3A_1985 : i32
      %and3A_1987 = arith.andi %ne3A_1983, %ne3A_1986 : i1
      %sub3A_1988 = arith.constant 1 : i32
      %sub3A_1989 = arith.subi %div3A_1968, %sub3A_1988 : i32
      %select_n3A_1990 = arith.select %and3A_1987, %sub3A_1989, %div3A_1968 : i32
      %jit3A_1991 = arith.constant 8 : i32
      %eq3A_1992 = arith.constant 0 : i32
      %eq3A_1993 = arith.cmpi eq, %jit3A_1991, %eq3A_1992 : i32
      %jit3A_1994 = arith.constant 1 : i32
      %select_n3A_1995 = arith.select %eq3A_1993, %jit3A_1994, %jit3A_1991 : i32
      %rem3A_1996 = arith.remsi %add3A_1966, %select_n3A_1995 : i32
      %ne3A_1997 = arith.constant 0 : i32
      %ne3A_1998 = arith.cmpi ne, %rem3A_1996, %ne3A_1997 : i32
      %lt3A_1999 = arith.constant 0 : i32
      %lt3A_2000 = arith.cmpi slt, %rem3A_1996, %lt3A_1999 : i32
      %lt3A_2001 = arith.constant 0 : i32
      %lt3A_2002 = arith.cmpi slt, %select_n3A_1995, %lt3A_2001 : i32
      %ne3A_2003 = arith.xori %lt3A_2000, %lt3A_2002 : i1
      %and3A_2004 = arith.andi %ne3A_2003, %ne3A_1998 : i1
      %add3A_2005 = arith.addi %rem3A_1996, %select_n3A_1995 : i32
      %select_n3A_2006 = arith.select %and3A_2004, %add3A_2005, %rem3A_1996 : i32
      %mul3A_2007 = arith.constant 16 : i32
      %mul3A_2008 = arith.muli %select_n3A_2006, %mul3A_2007 : i32
      %swap3A_2009 = arith.index_cast %select_n3A_1990 : i32 to index
      %swap3A_2010 = arith.index_cast %mul3A_2008 : i32 to index
      %swap3A_2011 = tpu.vector_load %arg6[%swap3A_2009, %swap3A_2010] {strides = array<i32>} : memref<128x128xf32, #tpu.memory_space<vmem>>, vector<1x16xf32>,
      %swap3A_2012 = vector.shape_cast %swap3A_2011 : vector<1x16xf32> to vector<16xf32>
      %swap3A_2013 = vector.shape_cast %broadcast_in_dim3A_9 : vector<16xf32> to vector<1x16xf32>
      tpu.vector_store %arg6[%swap3A_2009, %swap3A_2010], %swap3A_2013 {strides = array<i32>} : memref<128x128xf32, #tpu.memory_space<vmem>>, vector<1x16xf32>,
    }
    %scan3A_703 = arith.constant 512 : i32
    %dma_start3A_704 = arith.constant 0 : i32
    %dma_start3A_705 = arith.constant 0 : i32
    %dma_start3A_706 = arith.constant 0 : i32
    %dma_start3A_707 = tpu.memref_slice %arg6[%dma_start3A_705, %dma_start3A_706] : memref<128x128xf32, #tpu.memory_space<vmem>> -> memref<64x128xf32, #tpu.memory_space<vmem>>
    %dma_start3A_708 = arith.constant 256 : i32
    %dma_start3A_709 = tpu.memref_slice %arg5[%dma_start3A_704, %dma_start3A_708] : memref<32x320xi32, #tpu.memory_space<vmem>> -> memref<1x64xi32, #tpu.memory_space<vmem>>
    %dma_start3A_710 = tpu.memref_squeeze %dma_start3A_709 : memref<1x64xi32, #tpu.memory_space<vmem>> -> memref<64xi32, #tpu.memory_space<vmem>>
    %dma_start3A_711 = arith.constant 0 : i32
    %dma_start3A_712 = arith.constant 0 : i32
    %dma_start3A_713 = tpu.memref_slice %arg8[%dma_start3A_711, %dma_start3A_712] : memref<10000x128xf32, #tpu.memory_space<vmem_shared>> -> memref<10000x128xf32, #tpu.memory_space<vmem_shared>>
    tpu.enqueue_indirect_dma source(%dma_start3A_713 : memref<10000x128xf32, #tpu.memory_space<vmem_shared>>) target(%dma_start3A_707 : memref<64x128xf32, #tpu.memory_space<vmem>>) offsets(%dma_start3A_710 : memref<64xi32, #tpu.memory_space<vmem>>) semaphore(%arg9 : memref<!tpu.dma_semaphore, #tpu.memory_space<semaphore_mem>>) {add = true}
    %dma_start3A_714 = arith.constant 1 : i32
    %dma_start3A_715 = arith.constant 0 : i32
    %dma_start3A_716 = arith.constant 0 : i32
    %dma_start3A_717 = tpu.memref_slice %arg6[%dma_start3A_715, %dma_start3A_716] : memref<128x128xf32, #tpu.memory_space<vmem>> -> memref<64x128xf32, #tpu.memory_space<vmem>>
    %dma_start3A_718 = arith.constant 256 : i32
    %dma_start3A_719 = tpu.memref_slice %arg5[%dma_start3A_714, %dma_start3A_718] : memref<32x320xi32, #tpu.memory_space<vmem>> -> memref<1x64xi32, #tpu.memory_space<vmem>>
    %dma_start3A_720 = tpu.memref_squeeze %dma_start3A_719 : memref<1x64xi32, #tpu.memory_space<vmem>> -> memref<64xi32, #tpu.memory_space<vmem>>
    %dma_start3A_721 = arith.constant 0 : i32
    %dma_start3A_722 = arith.constant 0 : i32
    %dma_start3A_723 = tpu.memref_slice %arg8[%dma_start3A_721, %dma_start3A_722] : memref<10000x128xf32, #tpu.memory_space<vmem_shared>> -> memref<10000x128xf32, #tpu.memory_space<vmem_shared>>
    tpu.enqueue_indirect_dma source(%dma_start3A_723 : memref<10000x128xf32, #tpu.memory_space<vmem_shared>>) target(%dma_start3A_717 : memref<64x128xf32, #tpu.memory_space<vmem>>) offsets(%dma_start3A_720 : memref<64xi32, #tpu.memory_space<vmem>>) semaphore(%arg9 : memref<!tpu.dma_semaphore, #tpu.memory_space<semaphore_mem>>) {add = true}
    %dma_start3A_724 = arith.constant 2 : i32
    %dma_start3A_725 = arith.constant 0 : i32
    %dma_start3A_726 = arith.constant 0 : i32
    %dma_start3A_727 = tpu.memref_slice %arg6[%dma_start3A_725, %dma_start3A_726] : memref<128x128xf32, #tpu.memory_space<vmem>> -> memref<64x128xf32, #tpu.memory_space<vmem>>
    %dma_start3A_728 = arith.constant 256 : i32
    %dma_start3A_729 = tpu.memref_slice %arg5[%dma_start3A_724, %dma_start3A_728] : memref<32x320xi32, #tpu.memory_space<vmem>> -> memref<1x64xi32, #tpu.memory_space<vmem>>
    %dma_start3A_730 = tpu.memref_squeeze %dma_start3A_729 : memref<1x64xi32, #tpu.memory_space<vmem>> -> memref<64xi32, #tpu.memory_space<vmem>>
    %dma_start3A_731 = arith.constant 0 : i32
    %dma_start3A_732 = arith.constant 0 : i32
    %dma_start3A_733 = tpu.memref_slice %arg8[%dma_start3A_731, %dma_start3A_732] : memref<10000x128xf32, #tpu.memory_space<vmem_shared>> -> memref<10000x128xf32, #tpu.memory_space<vmem_shared>>
    tpu.enqueue_indirect_dma source(%dma_start3A_733 : memref<10000x128xf32, #tpu.memory_space<vmem_shared>>) target(%dma_start3A_727 : memref<64x128xf32, #tpu.memory_space<vmem>>) offsets(%dma_start3A_730 : memref<64xi32, #tpu.memory_space<vmem>>) semaphore(%arg9 : memref<!tpu.dma_semaphore, #tpu.memory_space<semaphore_mem>>) {add = true}
    %dma_start3A_734 = arith.constant 3 : i32
    %dma_start3A_735 = arith.constant 0 : i32
    %dma_start3A_736 = arith.constant 0 : i32
    %dma_start3A_737 = tpu.memref_slice %arg6[%dma_start3A_735, %dma_start3A_736] : memref<128x128xf32, #tpu.memory_space<vmem>> -> memref<64x128xf32, #tpu.memory_space<vmem>>
    %dma_start3A_738 = arith.constant 256 : i32
    %dma_start3A_739 = tpu.memref_slice %arg5[%dma_start3A_734, %dma_start3A_738] : memref<32x320xi32, #tpu.memory_space<vmem>> -> memref<1x64xi32, #tpu.memory_space<vmem>>
    %dma_start3A_740 = tpu.memref_squeeze %dma_start3A_739 : memref<1x64xi32, #tpu.memory_space<vmem>> -> memref<64xi32, #tpu.memory_space<vmem>>
    %dma_start3A_741 = arith.constant 0 : i32
    %dma_start3A_742 = arith.constant 0 : i32
    %dma_start3A_743 = tpu.memref_slice %arg8[%dma_start3A_741, %dma_start3A_742] : memref<10000x128xf32, #tpu.memory_space<vmem_shared>> -> memref<10000x128xf32, #tpu.memory_space<vmem_shared>>
    tpu.enqueue_indirect_dma source(%dma_start3A_743 : memref<10000x128xf32, #tpu.memory_space<vmem_shared>>) target(%dma_start3A_737 : memref<64x128xf32, #tpu.memory_space<vmem>>) offsets(%dma_start3A_740 : memref<64xi32, #tpu.memory_space<vmem>>) semaphore(%arg9 : memref<!tpu.dma_semaphore, #tpu.memory_space<semaphore_mem>>) {add = true}
    %dma_start3A_744 = arith.constant 4 : i32
    %dma_start3A_745 = arith.constant 0 : i32
    %dma_start3A_746 = arith.constant 0 : i32
    %dma_start3A_747 = tpu.memref_slice %arg6[%dma_start3A_745, %dma_start3A_746] : memref<128x128xf32, #tpu.memory_space<vmem>> -> memref<64x128xf32, #tpu.memory_space<vmem>>
    %dma_start3A_748 = arith.constant 256 : i32
    %dma_start3A_749 = tpu.memref_slice %arg5[%dma_start3A_744, %dma_start3A_748] : memref<32x320xi32, #tpu.memory_space<vmem>> -> memref<1x64xi32, #tpu.memory_space<vmem>>
    %dma_start3A_750 = tpu.memref_squeeze %dma_start3A_749 : memref<1x64xi32, #tpu.memory_space<vmem>> -> memref<64xi32, #tpu.memory_space<vmem>>
    %dma_start3A_751 = arith.constant 0 : i32
    %dma_start3A_752 = arith.constant 0 : i32
    %dma_start3A_753 = tpu.memref_slice %arg8[%dma_start3A_751, %dma_start3A_752] : memref<10000x128xf32, #tpu.memory_space<vmem_shared>> -> memref<10000x128xf32, #tpu.memory_space<vmem_shared>>
    tpu.enqueue_indirect_dma source(%dma_start3A_753 : memref<10000x128xf32, #tpu.memory_space<vmem_shared>>) target(%dma_start3A_747 : memref<64x128xf32, #tpu.memory_space<vmem>>) offsets(%dma_start3A_750 : memref<64xi32, #tpu.memory_space<vmem>>) semaphore(%arg9 : memref<!tpu.dma_semaphore, #tpu.memory_space<semaphore_mem>>) {add = true}
    %dma_start3A_754 = arith.constant 5 : i32
    %dma_start3A_755 = arith.constant 0 : i32
    %dma_start3A_756 = arith.constant 0 : i32
    %dma_start3A_757 = tpu.memref_slice %arg6[%dma_start3A_755, %dma_start3A_756] : memref<128x128xf32, #tpu.memory_space<vmem>> -> memref<64x128xf32, #tpu.memory_space<vmem>>
    %dma_start3A_758 = arith.constant 256 : i32
    %dma_start3A_759 = tpu.memref_slice %arg5[%dma_start3A_754, %dma_start3A_758] : memref<32x320xi32, #tpu.memory_space<vmem>> -> memref<1x64xi32, #tpu.memory_space<vmem>>
    %dma_start3A_760 = tpu.memref_squeeze %dma_start3A_759 : memref<1x64xi32, #tpu.memory_space<vmem>> -> memref<64xi32, #tpu.memory_space<vmem>>
    %dma_start3A_761 = arith.constant 0 : i32
    %dma_start3A_762 = arith.constant 0 : i32
    %dma_start3A_763 = tpu.memref_slice %arg8[%dma_start3A_761, %dma_start3A_762] : memref<10000x128xf32, #tpu.memory_space<vmem_shared>> -> memref<10000x128xf32, #tpu.memory_space<vmem_shared>>
    tpu.enqueue_indirect_dma source(%dma_start3A_763 : memref<10000x128xf32, #tpu.memory_space<vmem_shared>>) target(%dma_start3A_757 : memref<64x128xf32, #tpu.memory_space<vmem>>) offsets(%dma_start3A_760 : memref<64xi32, #tpu.memory_space<vmem>>) semaphore(%arg9 : memref<!tpu.dma_semaphore, #tpu.memory_space<semaphore_mem>>) {add = true}
    %dma_start3A_764 = arith.constant 6 : i32
    %dma_start3A_765 = arith.constant 0 : i32
    %dma_start3A_766 = arith.constant 0 : i32
    %dma_start3A_767 = tpu.memref_slice %arg6[%dma_start3A_765, %dma_start3A_766] : memref<128x128xf32, #tpu.memory_space<vmem>> -> memref<64x128xf32, #tpu.memory_space<vmem>>
    %dma_start3A_768 = arith.constant 256 : i32
    %dma_start3A_769 = tpu.memref_slice %arg5[%dma_start3A_764, %dma_start3A_768] : memref<32x320xi32, #tpu.memory_space<vmem>> -> memref<1x64xi32, #tpu.memory_space<vmem>>
    %dma_start3A_770 = tpu.memref_squeeze %dma_start3A_769 : memref<1x64xi32, #tpu.memory_space<vmem>> -> memref<64xi32, #tpu.memory_space<vmem>>
    %dma_start3A_771 = arith.constant 0 : i32
    %dma_start3A_772 = arith.constant 0 : i32
    %dma_start3A_773 = tpu.memref_slice %arg8[%dma_start3A_771, %dma_start3A_772] : memref<10000x128xf32, #tpu.memory_space<vmem_shared>> -> memref<10000x128xf32, #tpu.memory_space<vmem_shared>>
    tpu.enqueue_indirect_dma source(%dma_start3A_773 : memref<10000x128xf32, #tpu.memory_space<vmem_shared>>) target(%dma_start3A_767 : memref<64x128xf32, #tpu.memory_space<vmem>>) offsets(%dma_start3A_770 : memref<64xi32, #tpu.memory_space<vmem>>) semaphore(%arg9 : memref<!tpu.dma_semaphore, #tpu.memory_space<semaphore_mem>>) {add = true}
    %dma_start3A_774 = arith.constant 7 : i32
    %dma_start3A_775 = arith.constant 0 : i32
    %dma_start3A_776 = arith.constant 0 : i32
    %dma_start3A_777 = tpu.memref_slice %arg6[%dma_start3A_775, %dma_start3A_776] : memref<128x128xf32, #tpu.memory_space<vmem>> -> memref<64x128xf32, #tpu.memory_space<vmem>>
    %dma_start3A_778 = arith.constant 256 : i32
    %dma_start3A_779 = tpu.memref_slice %arg5[%dma_start3A_774, %dma_start3A_778] : memref<32x320xi32, #tpu.memory_space<vmem>> -> memref<1x64xi32, #tpu.memory_space<vmem>>
    %dma_start3A_780 = tpu.memref_squeeze %dma_start3A_779 : memref<1x64xi32, #tpu.memory_space<vmem>> -> memref<64xi32, #tpu.memory_space<vmem>>
    %dma_start3A_781 = arith.constant 0 : i32
    %dma_start3A_782 = arith.constant 0 : i32
    %dma_start3A_783 = tpu.memref_slice %arg8[%dma_start3A_781, %dma_start3A_782] : memref<10000x128xf32, #tpu.memory_space<vmem_shared>> -> memref<10000x128xf32, #tpu.memory_space<vmem_shared>>
    tpu.enqueue_indirect_dma source(%dma_start3A_783 : memref<10000x128xf32, #tpu.memory_space<vmem_shared>>) target(%dma_start3A_777 : memref<64x128xf32, #tpu.memory_space<vmem>>) offsets(%dma_start3A_780 : memref<64xi32, #tpu.memory_space<vmem>>) semaphore(%arg9 : memref<!tpu.dma_semaphore, #tpu.memory_space<semaphore_mem>>) {add = true}
    %dma_start3A_784 = arith.constant 8 : i32
    %dma_start3A_785 = arith.constant 0 : i32
    %dma_start3A_786 = arith.constant 0 : i32
    %dma_start3A_787 = tpu.memref_slice %arg6[%dma_start3A_785, %dma_start3A_786] : memref<128x128xf32, #tpu.memory_space<vmem>> -> memref<64x128xf32, #tpu.memory_space<vmem>>
    %dma_start3A_788 = arith.constant 256 : i32
    %dma_start3A_789 = tpu.memref_slice %arg5[%dma_start3A_784, %dma_start3A_788] : memref<32x320xi32, #tpu.memory_space<vmem>> -> memref<1x64xi32, #tpu.memory_space<vmem>>
    %dma_start3A_790 = tpu.memref_squeeze %dma_start3A_789 : memref<1x64xi32, #tpu.memory_space<vmem>> -> memref<64xi32, #tpu.memory_space<vmem>>
    %dma_start3A_791 = arith.constant 0 : i32
    %dma_start3A_792 = arith.constant 0 : i32
    %dma_start3A_793 = tpu.memref_slice %arg8[%dma_start3A_791, %dma_start3A_792] : memref<10000x128xf32, #tpu.memory_space<vmem_shared>> -> memref<10000x128xf32, #tpu.memory_space<vmem_shared>>
    tpu.enqueue_indirect_dma source(%dma_start3A_793 : memref<10000x128xf32, #tpu.memory_space<vmem_shared>>) target(%dma_start3A_787 : memref<64x128xf32, #tpu.memory_space<vmem>>) offsets(%dma_start3A_790 : memref<64xi32, #tpu.memory_space<vmem>>) semaphore(%arg9 : memref<!tpu.dma_semaphore, #tpu.memory_space<semaphore_mem>>) {add = true}
    %dma_start3A_794 = arith.constant 9 : i32
    %dma_start3A_795 = arith.constant 0 : i32
    %dma_start3A_796 = arith.constant 0 : i32
    %dma_start3A_797 = tpu.memref_slice %arg6[%dma_start3A_795, %dma_start3A_796] : memref<128x128xf32, #tpu.memory_space<vmem>> -> memref<64x128xf32, #tpu.memory_space<vmem>>
    %dma_start3A_798 = arith.constant 256 : i32
    %dma_start3A_799 = tpu.memref_slice %arg5[%dma_start3A_794, %dma_start3A_798] : memref<32x320xi32, #tpu.memory_space<vmem>> -> memref<1x64xi32, #tpu.memory_space<vmem>>
    %dma_start3A_800 = tpu.memref_squeeze %dma_start3A_799 : memref<1x64xi32, #tpu.memory_space<vmem>> -> memref<64xi32, #tpu.memory_space<vmem>>
    %dma_start3A_801 = arith.constant 0 : i32
    %dma_start3A_802 = arith.constant 0 : i32
    %dma_start3A_803 = tpu.memref_slice %arg8[%dma_start3A_801, %dma_start3A_802] : memref<10000x128xf32, #tpu.memory_space<vmem_shared>> -> memref<10000x128xf32, #tpu.memory_space<vmem_shared>>
    tpu.enqueue_indirect_dma source(%dma_start3A_803 : memref<10000x128xf32, #tpu.memory_space<vmem_shared>>) target(%dma_start3A_797 : memref<64x128xf32, #tpu.memory_space<vmem>>) offsets(%dma_start3A_800 : memref<64xi32, #tpu.memory_space<vmem>>) semaphore(%arg9 : memref<!tpu.dma_semaphore, #tpu.memory_space<semaphore_mem>>) {add = true}
    %dma_start3A_804 = arith.constant 10 : i32
    %dma_start3A_805 = arith.constant 0 : i32
    %dma_start3A_806 = arith.constant 0 : i32
    %dma_start3A_807 = tpu.memref_slice %arg6[%dma_start3A_805, %dma_start3A_806] : memref<128x128xf32, #tpu.memory_space<vmem>> -> memref<64x128xf32, #tpu.memory_space<vmem>>
    %dma_start3A_808 = arith.constant 256 : i32
    %dma_start3A_809 = tpu.memref_slice %arg5[%dma_start3A_804, %dma_start3A_808] : memref<32x320xi32, #tpu.memory_space<vmem>> -> memref<1x64xi32, #tpu.memory_space<vmem>>
    %dma_start3A_810 = tpu.memref_squeeze %dma_start3A_809 : memref<1x64xi32, #tpu.memory_space<vmem>> -> memref<64xi32, #tpu.memory_space<vmem>>
    %dma_start3A_811 = arith.constant 0 : i32
    %dma_start3A_812 = arith.constant 0 : i32
    %dma_start3A_813 = tpu.memref_slice %arg8[%dma_start3A_811, %dma_start3A_812] : memref<10000x128xf32, #tpu.memory_space<vmem_shared>> -> memref<10000x128xf32, #tpu.memory_space<vmem_shared>>
    tpu.enqueue_indirect_dma source(%dma_start3A_813 : memref<10000x128xf32, #tpu.memory_space<vmem_shared>>) target(%dma_start3A_807 : memref<64x128xf32, #tpu.memory_space<vmem>>) offsets(%dma_start3A_810 : memref<64xi32, #tpu.memory_space<vmem>>) semaphore(%arg9 : memref<!tpu.dma_semaphore, #tpu.memory_space<semaphore_mem>>) {add = true}
    %dma_start3A_814 = arith.constant 11 : i32
    %dma_start3A_815 = arith.constant 0 : i32
    %dma_start3A_816 = arith.constant 0 : i32
    %dma_start3A_817 = tpu.memref_slice %arg6[%dma_start3A_815, %dma_start3A_816] : memref<128x128xf32, #tpu.memory_space<vmem>> -> memref<64x128xf32, #tpu.memory_space<vmem>>
    %dma_start3A_818 = arith.constant 256 : i32
    %dma_start3A_819 = tpu.memref_slice %arg5[%dma_start3A_814, %dma_start3A_818] : memref<32x320xi32, #tpu.memory_space<vmem>> -> memref<1x64xi32, #tpu.memory_space<vmem>>
    %dma_start3A_820 = tpu.memref_squeeze %dma_start3A_819 : memref<1x64xi32, #tpu.memory_space<vmem>> -> memref<64xi32, #tpu.memory_space<vmem>>
    %dma_start3A_821 = arith.constant 0 : i32
    %dma_start3A_822 = arith.constant 0 : i32
    %dma_start3A_823 = tpu.memref_slice %arg8[%dma_start3A_821, %dma_start3A_822] : memref<10000x128xf32, #tpu.memory_space<vmem_shared>> -> memref<10000x128xf32, #tpu.memory_space<vmem_shared>>
    tpu.enqueue_indirect_dma source(%dma_start3A_823 : memref<10000x128xf32, #tpu.memory_space<vmem_shared>>) target(%dma_start3A_817 : memref<64x128xf32, #tpu.memory_space<vmem>>) offsets(%dma_start3A_820 : memref<64xi32, #tpu.memory_space<vmem>>) semaphore(%arg9 : memref<!tpu.dma_semaphore, #tpu.memory_space<semaphore_mem>>) {add = true}
    %dma_start3A_824 = arith.constant 12 : i32
    %dma_start3A_825 = arith.constant 0 : i32
    %dma_start3A_826 = arith.constant 0 : i32
    %dma_start3A_827 = tpu.memref_slice %arg6[%dma_start3A_825, %dma_start3A_826] : memref<128x128xf32, #tpu.memory_space<vmem>> -> memref<64x128xf32, #tpu.memory_space<vmem>>
    %dma_start3A_828 = arith.constant 256 : i32
    %dma_start3A_829 = tpu.memref_slice %arg5[%dma_start3A_824, %dma_start3A_828] : memref<32x320xi32, #tpu.memory_space<vmem>> -> memref<1x64xi32, #tpu.memory_space<vmem>>
    %dma_start3A_830 = tpu.memref_squeeze %dma_start3A_829 : memref<1x64xi32, #tpu.memory_space<vmem>> -> memref<64xi32, #tpu.memory_space<vmem>>
    %dma_start3A_831 = arith.constant 0 : i32
    %dma_start3A_832 = arith.constant 0 : i32
    %dma_start3A_833 = tpu.memref_slice %arg8[%dma_start3A_831, %dma_start3A_832] : memref<10000x128xf32, #tpu.memory_space<vmem_shared>> -> memref<10000x128xf32, #tpu.memory_space<vmem_shared>>
    tpu.enqueue_indirect_dma source(%dma_start3A_833 : memref<10000x128xf32, #tpu.memory_space<vmem_shared>>) target(%dma_start3A_827 : memref<64x128xf32, #tpu.memory_space<vmem>>) offsets(%dma_start3A_830 : memref<64xi32, #tpu.memory_space<vmem>>) semaphore(%arg9 : memref<!tpu.dma_semaphore, #tpu.memory_space<semaphore_mem>>) {add = true}
    %dma_start3A_834 = arith.constant 13 : i32
    %dma_start3A_835 = arith.constant 0 : i32
    %dma_start3A_836 = arith.constant 0 : i32
    %dma_start3A_837 = tpu.memref_slice %arg6[%dma_start3A_835, %dma_start3A_836] : memref<128x128xf32, #tpu.memory_space<vmem>> -> memref<64x128xf32, #tpu.memory_space<vmem>>
    %dma_start3A_838 = arith.constant 256 : i32
    %dma_start3A_839 = tpu.memref_slice %arg5[%dma_start3A_834, %dma_start3A_838] : memref<32x320xi32, #tpu.memory_space<vmem>> -> memref<1x64xi32, #tpu.memory_space<vmem>>
    %dma_start3A_840 = tpu.memref_squeeze %dma_start3A_839 : memref<1x64xi32, #tpu.memory_space<vmem>> -> memref<64xi32, #tpu.memory_space<vmem>>
    %dma_start3A_841 = arith.constant 0 : i32
    %dma_start3A_842 = arith.constant 0 : i32
    %dma_start3A_843 = tpu.memref_slice %arg8[%dma_start3A_841, %dma_start3A_842] : memref<10000x128xf32, #tpu.memory_space<vmem_shared>> -> memref<10000x128xf32, #tpu.memory_space<vmem_shared>>
    tpu.enqueue_indirect_dma source(%dma_start3A_843 : memref<10000x128xf32, #tpu.memory_space<vmem_shared>>) target(%dma_start3A_837 : memref<64x128xf32, #tpu.memory_space<vmem>>) offsets(%dma_start3A_840 : memref<64xi32, #tpu.memory_space<vmem>>) semaphore(%arg9 : memref<!tpu.dma_semaphore, #tpu.memory_space<semaphore_mem>>) {add = true}
    %dma_start3A_844 = arith.constant 14 : i32
    %dma_start3A_845 = arith.constant 0 : i32
    %dma_start3A_846 = arith.constant 0 : i32
    %dma_start3A_847 = tpu.memref_slice %arg6[%dma_start3A_845, %dma_start3A_846] : memref<128x128xf32, #tpu.memory_space<vmem>> -> memref<64x128xf32, #tpu.memory_space<vmem>>
    %dma_start3A_848 = arith.constant 256 : i32
    %dma_start3A_849 = tpu.memref_slice %arg5[%dma_start3A_844, %dma_start3A_848] : memref<32x320xi32, #tpu.memory_space<vmem>> -> memref<1x64xi32, #tpu.memory_space<vmem>>
    %dma_start3A_850 = tpu.memref_squeeze %dma_start3A_849 : memref<1x64xi32, #tpu.memory_space<vmem>> -> memref<64xi32, #tpu.memory_space<vmem>>
    %dma_start3A_851 = arith.constant 0 : i32
    %dma_start3A_852 = arith.constant 0 : i32
    %dma_start3A_853 = tpu.memref_slice %arg8[%dma_start3A_851, %dma_start3A_852] : memref<10000x128xf32, #tpu.memory_space<vmem_shared>> -> memref<10000x128xf32, #tpu.memory_space<vmem_shared>>
    tpu.enqueue_indirect_dma source(%dma_start3A_853 : memref<10000x128xf32, #tpu.memory_space<vmem_shared>>) target(%dma_start3A_847 : memref<64x128xf32, #tpu.memory_space<vmem>>) offsets(%dma_start3A_850 : memref<64xi32, #tpu.memory_space<vmem>>) semaphore(%arg9 : memref<!tpu.dma_semaphore, #tpu.memory_space<semaphore_mem>>) {add = true}
    %dma_start3A_854 = arith.constant 15 : i32
    %dma_start3A_855 = arith.constant 0 : i32
    %dma_start3A_856 = arith.constant 0 : i32
    %dma_start3A_857 = tpu.memref_slice %arg6[%dma_start3A_855, %dma_start3A_856] : memref<128x128xf32, #tpu.memory_space<vmem>> -> memref<64x128xf32, #tpu.memory_space<vmem>>
    %dma_start3A_858 = arith.constant 256 : i32
    %dma_start3A_859 = tpu.memref_slice %arg5[%dma_start3A_854, %dma_start3A_858] : memref<32x320xi32, #tpu.memory_space<vmem>> -> memref<1x64xi32, #tpu.memory_space<vmem>>
    %dma_start3A_860 = tpu.memref_squeeze %dma_start3A_859 : memref<1x64xi32, #tpu.memory_space<vmem>> -> memref<64xi32, #tpu.memory_space<vmem>>
    %dma_start3A_861 = arith.constant 0 : i32
    %dma_start3A_862 = arith.constant 0 : i32
    %dma_start3A_863 = tpu.memref_slice %arg8[%dma_start3A_861, %dma_start3A_862] : memref<10000x128xf32, #tpu.memory_space<vmem_shared>> -> memref<10000x128xf32, #tpu.memory_space<vmem_shared>>
    tpu.enqueue_indirect_dma source(%dma_start3A_863 : memref<10000x128xf32, #tpu.memory_space<vmem_shared>>) target(%dma_start3A_857 : memref<64x128xf32, #tpu.memory_space<vmem>>) offsets(%dma_start3A_860 : memref<64xi32, #tpu.memory_space<vmem>>) semaphore(%arg9 : memref<!tpu.dma_semaphore, #tpu.memory_space<semaphore_mem>>) {add = true}
    %dma_start3A_864 = arith.constant 16 : i32
    %dma_start3A_865 = arith.constant 0 : i32
    %dma_start3A_866 = arith.constant 0 : i32
    %dma_start3A_867 = tpu.memref_slice %arg6[%dma_start3A_865, %dma_start3A_866] : memref<128x128xf32, #tpu.memory_space<vmem>> -> memref<64x128xf32, #tpu.memory_space<vmem>>
    %dma_start3A_868 = arith.constant 256 : i32
    %dma_start3A_869 = tpu.memref_slice %arg5[%dma_start3A_864, %dma_start3A_868] : memref<32x320xi32, #tpu.memory_space<vmem>> -> memref<1x64xi32, #tpu.memory_space<vmem>>
    %dma_start3A_870 = tpu.memref_squeeze %dma_start3A_869 : memref<1x64xi32, #tpu.memory_space<vmem>> -> memref<64xi32, #tpu.memory_space<vmem>>
    %dma_start3A_871 = arith.constant 0 : i32
    %dma_start3A_872 = arith.constant 0 : i32
    %dma_start3A_873 = tpu.memref_slice %arg8[%dma_start3A_871, %dma_start3A_872] : memref<10000x128xf32, #tpu.memory_space<vmem_shared>> -> memref<10000x128xf32, #tpu.memory_space<vmem_shared>>
    tpu.enqueue_indirect_dma source(%dma_start3A_873 : memref<10000x128xf32, #tpu.memory_space<vmem_shared>>) target(%dma_start3A_867 : memref<64x128xf32, #tpu.memory_space<vmem>>) offsets(%dma_start3A_870 : memref<64xi32, #tpu.memory_space<vmem>>) semaphore(%arg9 : memref<!tpu.dma_semaphore, #tpu.memory_space<semaphore_mem>>) {add = true}
    %dma_start3A_874 = arith.constant 17 : i32
    %dma_start3A_875 = arith.constant 0 : i32
    %dma_start3A_876 = arith.constant 0 : i32
    %dma_start3A_877 = tpu.memref_slice %arg6[%dma_start3A_875, %dma_start3A_876] : memref<128x128xf32, #tpu.memory_space<vmem>> -> memref<64x128xf32, #tpu.memory_space<vmem>>
    %dma_start3A_878 = arith.constant 256 : i32
    %dma_start3A_879 = tpu.memref_slice %arg5[%dma_start3A_874, %dma_start3A_878] : memref<32x320xi32, #tpu.memory_space<vmem>> -> memref<1x64xi32, #tpu.memory_space<vmem>>
    %dma_start3A_880 = tpu.memref_squeeze %dma_start3A_879 : memref<1x64xi32, #tpu.memory_space<vmem>> -> memref<64xi32, #tpu.memory_space<vmem>>
    %dma_start3A_881 = arith.constant 0 : i32
    %dma_start3A_882 = arith.constant 0 : i32
    %dma_start3A_883 = tpu.memref_slice %arg8[%dma_start3A_881, %dma_start3A_882] : memref<10000x128xf32, #tpu.memory_space<vmem_shared>> -> memref<10000x128xf32, #tpu.memory_space<vmem_shared>>
    tpu.enqueue_indirect_dma source(%dma_start3A_883 : memref<10000x128xf32, #tpu.memory_space<vmem_shared>>) target(%dma_start3A_877 : memref<64x128xf32, #tpu.memory_space<vmem>>) offsets(%dma_start3A_880 : memref<64xi32, #tpu.memory_space<vmem>>) semaphore(%arg9 : memref<!tpu.dma_semaphore, #tpu.memory_space<semaphore_mem>>) {add = true}
    %dma_start3A_884 = arith.constant 18 : i32
    %dma_start3A_885 = arith.constant 0 : i32
    %dma_start3A_886 = arith.constant 0 : i32
    %dma_start3A_887 = tpu.memref_slice %arg6[%dma_start3A_885, %dma_start3A_886] : memref<128x128xf32, #tpu.memory_space<vmem>> -> memref<64x128xf32, #tpu.memory_space<vmem>>
    %dma_start3A_888 = arith.constant 256 : i32
    %dma_start3A_889 = tpu.memref_slice %arg5[%dma_start3A_884, %dma_start3A_888] : memref<32x320xi32, #tpu.memory_space<vmem>> -> memref<1x64xi32, #tpu.memory_space<vmem>>
    %dma_start3A_890 = tpu.memref_squeeze %dma_start3A_889 : memref<1x64xi32, #tpu.memory_space<vmem>> -> memref<64xi32, #tpu.memory_space<vmem>>
    %dma_start3A_891 = arith.constant 0 : i32
    %dma_start3A_892 = arith.constant 0 : i32
    %dma_start3A_893 = tpu.memref_slice %arg8[%dma_start3A_891, %dma_start3A_892] : memref<10000x128xf32, #tpu.memory_space<vmem_shared>> -> memref<10000x128xf32, #tpu.memory_space<vmem_shared>>
    tpu.enqueue_indirect_dma source(%dma_start3A_893 : memref<10000x128xf32, #tpu.memory_space<vmem_shared>>) target(%dma_start3A_887 : memref<64x128xf32, #tpu.memory_space<vmem>>) offsets(%dma_start3A_890 : memref<64xi32, #tpu.memory_space<vmem>>) semaphore(%arg9 : memref<!tpu.dma_semaphore, #tpu.memory_space<semaphore_mem>>) {add = true}
    %dma_start3A_894 = arith.constant 19 : i32
    %dma_start3A_895 = arith.constant 0 : i32
    %dma_start3A_896 = arith.constant 0 : i32
    %dma_start3A_897 = tpu.memref_slice %arg6[%dma_start3A_895, %dma_start3A_896] : memref<128x128xf32, #tpu.memory_space<vmem>> -> memref<64x128xf32, #tpu.memory_space<vmem>>
    %dma_start3A_898 = arith.constant 256 : i32
    %dma_start3A_899 = tpu.memref_slice %arg5[%dma_start3A_894, %dma_start3A_898] : memref<32x320xi32, #tpu.memory_space<vmem>> -> memref<1x64xi32, #tpu.memory_space<vmem>>
    %dma_start3A_900 = tpu.memref_squeeze %dma_start3A_899 : memref<1x64xi32, #tpu.memory_space<vmem>> -> memref<64xi32, #tpu.memory_space<vmem>>
    %dma_start3A_901 = arith.constant 0 : i32
    %dma_start3A_902 = arith.constant 0 : i32
    %dma_start3A_903 = tpu.memref_slice %arg8[%dma_start3A_901, %dma_start3A_902] : memref<10000x128xf32, #tpu.memory_space<vmem_shared>> -> memref<10000x128xf32, #tpu.memory_space<vmem_shared>>
    tpu.enqueue_indirect_dma source(%dma_start3A_903 : memref<10000x128xf32, #tpu.memory_space<vmem_shared>>) target(%dma_start3A_897 : memref<64x128xf32, #tpu.memory_space<vmem>>) offsets(%dma_start3A_900 : memref<64xi32, #tpu.memory_space<vmem>>) semaphore(%arg9 : memref<!tpu.dma_semaphore, #tpu.memory_space<semaphore_mem>>) {add = true}
    %dma_start3A_904 = arith.constant 20 : i32
    %dma_start3A_905 = arith.constant 0 : i32
    %dma_start3A_906 = arith.constant 0 : i32
    %dma_start3A_907 = tpu.memref_slice %arg6[%dma_start3A_905, %dma_start3A_906] : memref<128x128xf32, #tpu.memory_space<vmem>> -> memref<64x128xf32, #tpu.memory_space<vmem>>
    %dma_start3A_908 = arith.constant 256 : i32
    %dma_start3A_909 = tpu.memref_slice %arg5[%dma_start3A_904, %dma_start3A_908] : memref<32x320xi32, #tpu.memory_space<vmem>> -> memref<1x64xi32, #tpu.memory_space<vmem>>
    %dma_start3A_910 = tpu.memref_squeeze %dma_start3A_909 : memref<1x64xi32, #tpu.memory_space<vmem>> -> memref<64xi32, #tpu.memory_space<vmem>>
    %dma_start3A_911 = arith.constant 0 : i32
    %dma_start3A_912 = arith.constant 0 : i32
    %dma_start3A_913 = tpu.memref_slice %arg8[%dma_start3A_911, %dma_start3A_912] : memref<10000x128xf32, #tpu.memory_space<vmem_shared>> -> memref<10000x128xf32, #tpu.memory_space<vmem_shared>>
    tpu.enqueue_indirect_dma source(%dma_start3A_913 : memref<10000x128xf32, #tpu.memory_space<vmem_shared>>) target(%dma_start3A_907 : memref<64x128xf32, #tpu.memory_space<vmem>>) offsets(%dma_start3A_910 : memref<64xi32, #tpu.memory_space<vmem>>) semaphore(%arg9 : memref<!tpu.dma_semaphore, #tpu.memory_space<semaphore_mem>>) {add = true}
    %dma_start3A_914 = arith.constant 21 : i32
    %dma_start3A_915 = arith.constant 0 : i32
    %dma_start3A_916 = arith.constant 0 : i32
    %dma_start3A_917 = tpu.memref_slice %arg6[%dma_start3A_915, %dma_start3A_916] : memref<128x128xf32, #tpu.memory_space<vmem>> -> memref<64x128xf32, #tpu.memory_space<vmem>>
    %dma_start3A_918 = arith.constant 256 : i32
    %dma_start3A_919 = tpu.memref_slice %arg5[%dma_start3A_914, %dma_start3A_918] : memref<32x320xi32, #tpu.memory_space<vmem>> -> memref<1x64xi32, #tpu.memory_space<vmem>>
    %dma_start3A_920 = tpu.memref_squeeze %dma_start3A_919 : memref<1x64xi32, #tpu.memory_space<vmem>> -> memref<64xi32, #tpu.memory_space<vmem>>
    %dma_start3A_921 = arith.constant 0 : i32
    %dma_start3A_922 = arith.constant 0 : i32
    %dma_start3A_923 = tpu.memref_slice %arg8[%dma_start3A_921, %dma_start3A_922] : memref<10000x128xf32, #tpu.memory_space<vmem_shared>> -> memref<10000x128xf32, #tpu.memory_space<vmem_shared>>
    tpu.enqueue_indirect_dma source(%dma_start3A_923 : memref<10000x128xf32, #tpu.memory_space<vmem_shared>>) target(%dma_start3A_917 : memref<64x128xf32, #tpu.memory_space<vmem>>) offsets(%dma_start3A_920 : memref<64xi32, #tpu.memory_space<vmem>>) semaphore(%arg9 : memref<!tpu.dma_semaphore, #tpu.memory_space<semaphore_mem>>) {add = true}
    %dma_start3A_924 = arith.constant 22 : i32
    %dma_start3A_925 = arith.constant 0 : i32
    %dma_start3A_926 = arith.constant 0 : i32
    %dma_start3A_927 = tpu.memref_slice %arg6[%dma_start3A_925, %dma_start3A_926] : memref<128x128xf32, #tpu.memory_space<vmem>> -> memref<64x128xf32, #tpu.memory_space<vmem>>
    %dma_start3A_928 = arith.constant 256 : i32
    %dma_start3A_929 = tpu.memref_slice %arg5[%dma_start3A_924, %dma_start3A_928] : memref<32x320xi32, #tpu.memory_space<vmem>> -> memref<1x64xi32, #tpu.memory_space<vmem>>
    %dma_start3A_930 = tpu.memref_squeeze %dma_start3A_929 : memref<1x64xi32, #tpu.memory_space<vmem>> -> memref<64xi32, #tpu.memory_space<vmem>>
    %dma_start3A_931 = arith.constant 0 : i32
    %dma_start3A_932 = arith.constant 0 : i32
    %dma_start3A_933 = tpu.memref_slice %arg8[%dma_start3A_931, %dma_start3A_932] : memref<10000x128xf32, #tpu.memory_space<vmem_shared>> -> memref<10000x128xf32, #tpu.memory_space<vmem_shared>>
    tpu.enqueue_indirect_dma source(%dma_start3A_933 : memref<10000x128xf32, #tpu.memory_space<vmem_shared>>) target(%dma_start3A_927 : memref<64x128xf32, #tpu.memory_space<vmem>>) offsets(%dma_start3A_930 : memref<64xi32, #tpu.memory_space<vmem>>) semaphore(%arg9 : memref<!tpu.dma_semaphore, #tpu.memory_space<semaphore_mem>>) {add = true}
    %dma_start3A_934 = arith.constant 23 : i32
    %dma_start3A_935 = arith.constant 0 : i32
    %dma_start3A_936 = arith.constant 0 : i32
    %dma_start3A_937 = tpu.memref_slice %arg6[%dma_start3A_935, %dma_start3A_936] : memref<128x128xf32, #tpu.memory_space<vmem>> -> memref<64x128xf32, #tpu.memory_space<vmem>>
    %dma_start3A_938 = arith.constant 256 : i32
    %dma_start3A_939 = tpu.memref_slice %arg5[%dma_start3A_934, %dma_start3A_938] : memref<32x320xi32, #tpu.memory_space<vmem>> -> memref<1x64xi32, #tpu.memory_space<vmem>>
    %dma_start3A_940 = tpu.memref_squeeze %dma_start3A_939 : memref<1x64xi32, #tpu.memory_space<vmem>> -> memref<64xi32, #tpu.memory_space<vmem>>
    %dma_start3A_941 = arith.constant 0 : i32
    %dma_start3A_942 = arith.constant 0 : i32
    %dma_start3A_943 = tpu.memref_slice %arg8[%dma_start3A_941, %dma_start3A_942] : memref<10000x128xf32, #tpu.memory_space<vmem_shared>> -> memref<10000x128xf32, #tpu.memory_space<vmem_shared>>
    tpu.enqueue_indirect_dma source(%dma_start3A_943 : memref<10000x128xf32, #tpu.memory_space<vmem_shared>>) target(%dma_start3A_937 : memref<64x128xf32, #tpu.memory_space<vmem>>) offsets(%dma_start3A_940 : memref<64xi32, #tpu.memory_space<vmem>>) semaphore(%arg9 : memref<!tpu.dma_semaphore, #tpu.memory_space<semaphore_mem>>) {add = true}
    %dma_start3A_944 = arith.constant 24 : i32
    %dma_start3A_945 = arith.constant 0 : i32
    %dma_start3A_946 = arith.constant 0 : i32
    %dma_start3A_947 = tpu.memref_slice %arg6[%dma_start3A_945, %dma_start3A_946] : memref<128x128xf32, #tpu.memory_space<vmem>> -> memref<64x128xf32, #tpu.memory_space<vmem>>
    %dma_start3A_948 = arith.constant 256 : i32
    %dma_start3A_949 = tpu.memref_slice %arg5[%dma_start3A_944, %dma_start3A_948] : memref<32x320xi32, #tpu.memory_space<vmem>> -> memref<1x64xi32, #tpu.memory_space<vmem>>
    %dma_start3A_950 = tpu.memref_squeeze %dma_start3A_949 : memref<1x64xi32, #tpu.memory_space<vmem>> -> memref<64xi32, #tpu.memory_space<vmem>>
    %dma_start3A_951 = arith.constant 0 : i32
    %dma_start3A_952 = arith.constant 0 : i32
    %dma_start3A_953 = tpu.memref_slice %arg8[%dma_start3A_951, %dma_start3A_952] : memref<10000x128xf32, #tpu.memory_space<vmem_shared>> -> memref<10000x128xf32, #tpu.memory_space<vmem_shared>>
    tpu.enqueue_indirect_dma source(%dma_start3A_953 : memref<10000x128xf32, #tpu.memory_space<vmem_shared>>) target(%dma_start3A_947 : memref<64x128xf32, #tpu.memory_space<vmem>>) offsets(%dma_start3A_950 : memref<64xi32, #tpu.memory_space<vmem>>) semaphore(%arg9 : memref<!tpu.dma_semaphore, #tpu.memory_space<semaphore_mem>>) {add = true}
    %dma_start3A_954 = arith.constant 25 : i32
    %dma_start3A_955 = arith.constant 0 : i32
    %dma_start3A_956 = arith.constant 0 : i32
    %dma_start3A_957 = tpu.memref_slice %arg6[%dma_start3A_955, %dma_start3A_956] : memref<128x128xf32, #tpu.memory_space<vmem>> -> memref<64x128xf32, #tpu.memory_space<vmem>>
    %dma_start3A_958 = arith.constant 256 : i32
    %dma_start3A_959 = tpu.memref_slice %arg5[%dma_start3A_954, %dma_start3A_958] : memref<32x320xi32, #tpu.memory_space<vmem>> -> memref<1x64xi32, #tpu.memory_space<vmem>>
    %dma_start3A_960 = tpu.memref_squeeze %dma_start3A_959 : memref<1x64xi32, #tpu.memory_space<vmem>> -> memref<64xi32, #tpu.memory_space<vmem>>
    %dma_start3A_961 = arith.constant 0 : i32
    %dma_start3A_962 = arith.constant 0 : i32
    %dma_start3A_963 = tpu.memref_slice %arg8[%dma_start3A_961, %dma_start3A_962] : memref<10000x128xf32, #tpu.memory_space<vmem_shared>> -> memref<10000x128xf32, #tpu.memory_space<vmem_shared>>
    tpu.enqueue_indirect_dma source(%dma_start3A_963 : memref<10000x128xf32, #tpu.memory_space<vmem_shared>>) target(%dma_start3A_957 : memref<64x128xf32, #tpu.memory_space<vmem>>) offsets(%dma_start3A_960 : memref<64xi32, #tpu.memory_space<vmem>>) semaphore(%arg9 : memref<!tpu.dma_semaphore, #tpu.memory_space<semaphore_mem>>) {add = true}
    %dma_start3A_964 = arith.constant 26 : i32
    %dma_start3A_965 = arith.constant 0 : i32
    %dma_start3A_966 = arith.constant 0 : i32
    %dma_start3A_967 = tpu.memref_slice %arg6[%dma_start3A_965, %dma_start3A_966] : memref<128x128xf32, #tpu.memory_space<vmem>> -> memref<64x128xf32, #tpu.memory_space<vmem>>
    %dma_start3A_968 = arith.constant 256 : i32
    %dma_start3A_969 = tpu.memref_slice %arg5[%dma_start3A_964, %dma_start3A_968] : memref<32x320xi32, #tpu.memory_space<vmem>> -> memref<1x64xi32, #tpu.memory_space<vmem>>
    %dma_start3A_970 = tpu.memref_squeeze %dma_start3A_969 : memref<1x64xi32, #tpu.memory_space<vmem>> -> memref<64xi32, #tpu.memory_space<vmem>>
    %dma_start3A_971 = arith.constant 0 : i32
    %dma_start3A_972 = arith.constant 0 : i32
    %dma_start3A_973 = tpu.memref_slice %arg8[%dma_start3A_971, %dma_start3A_972] : memref<10000x128xf32, #tpu.memory_space<vmem_shared>> -> memref<10000x128xf32, #tpu.memory_space<vmem_shared>>
    tpu.enqueue_indirect_dma source(%dma_start3A_973 : memref<10000x128xf32, #tpu.memory_space<vmem_shared>>) target(%dma_start3A_967 : memref<64x128xf32, #tpu.memory_space<vmem>>) offsets(%dma_start3A_970 : memref<64xi32, #tpu.memory_space<vmem>>) semaphore(%arg9 : memref<!tpu.dma_semaphore, #tpu.memory_space<semaphore_mem>>) {add = true}
    %dma_start3A_974 = arith.constant 27 : i32
    %dma_start3A_975 = arith.constant 0 : i32
    %dma_start3A_976 = arith.constant 0 : i32
    %dma_start3A_977 = tpu.memref_slice %arg6[%dma_start3A_975, %dma_start3A_976] : memref<128x128xf32, #tpu.memory_space<vmem>> -> memref<64x128xf32, #tpu.memory_space<vmem>>
    %dma_start3A_978 = arith.constant 256 : i32
    %dma_start3A_979 = tpu.memref_slice %arg5[%dma_start3A_974, %dma_start3A_978] : memref<32x320xi32, #tpu.memory_space<vmem>> -> memref<1x64xi32, #tpu.memory_space<vmem>>
    %dma_start3A_980 = tpu.memref_squeeze %dma_start3A_979 : memref<1x64xi32, #tpu.memory_space<vmem>> -> memref<64xi32, #tpu.memory_space<vmem>>
    %dma_start3A_981 = arith.constant 0 : i32
    %dma_start3A_982 = arith.constant 0 : i32
    %dma_start3A_983 = tpu.memref_slice %arg8[%dma_start3A_981, %dma_start3A_982] : memref<10000x128xf32, #tpu.memory_space<vmem_shared>> -> memref<10000x128xf32, #tpu.memory_space<vmem_shared>>
    tpu.enqueue_indirect_dma source(%dma_start3A_983 : memref<10000x128xf32, #tpu.memory_space<vmem_shared>>) target(%dma_start3A_977 : memref<64x128xf32, #tpu.memory_space<vmem>>) offsets(%dma_start3A_980 : memref<64xi32, #tpu.memory_space<vmem>>) semaphore(%arg9 : memref<!tpu.dma_semaphore, #tpu.memory_space<semaphore_mem>>) {add = true}
    %dma_start3A_984 = arith.constant 28 : i32
    %dma_start3A_985 = arith.constant 0 : i32
    %dma_start3A_986 = arith.constant 0 : i32
    %dma_start3A_987 = tpu.memref_slice %arg6[%dma_start3A_985, %dma_start3A_986] : memref<128x128xf32, #tpu.memory_space<vmem>> -> memref<64x128xf32, #tpu.memory_space<vmem>>
    %dma_start3A_988 = arith.constant 256 : i32
    %dma_start3A_989 = tpu.memref_slice %arg5[%dma_start3A_984, %dma_start3A_988] : memref<32x320xi32, #tpu.memory_space<vmem>> -> memref<1x64xi32, #tpu.memory_space<vmem>>
    %dma_start3A_990 = tpu.memref_squeeze %dma_start3A_989 : memref<1x64xi32, #tpu.memory_space<vmem>> -> memref<64xi32, #tpu.memory_space<vmem>>
    %dma_start3A_991 = arith.constant 0 : i32
    %dma_start3A_992 = arith.constant 0 : i32
    %dma_start3A_993 = tpu.memref_slice %arg8[%dma_start3A_991, %dma_start3A_992] : memref<10000x128xf32, #tpu.memory_space<vmem_shared>> -> memref<10000x128xf32, #tpu.memory_space<vmem_shared>>
    tpu.enqueue_indirect_dma source(%dma_start3A_993 : memref<10000x128xf32, #tpu.memory_space<vmem_shared>>) target(%dma_start3A_987 : memref<64x128xf32, #tpu.memory_space<vmem>>) offsets(%dma_start3A_990 : memref<64xi32, #tpu.memory_space<vmem>>) semaphore(%arg9 : memref<!tpu.dma_semaphore, #tpu.memory_space<semaphore_mem>>) {add = true}
    %dma_start3A_994 = arith.constant 29 : i32
    %dma_start3A_995 = arith.constant 0 : i32
    %dma_start3A_996 = arith.constant 0 : i32
    %dma_start3A_997 = tpu.memref_slice %arg6[%dma_start3A_995, %dma_start3A_996] : memref<128x128xf32, #tpu.memory_space<vmem>> -> memref<64x128xf32, #tpu.memory_space<vmem>>
    %dma_start3A_998 = arith.constant 256 : i32
    %dma_start3A_999 = tpu.memref_slice %arg5[%dma_start3A_994, %dma_start3A_998] : memref<32x320xi32, #tpu.memory_space<vmem>> -> memref<1x64xi32, #tpu.memory_space<vmem>>
    %dma_start3A_1000 = tpu.memref_squeeze %dma_start3A_999 : memref<1x64xi32, #tpu.memory_space<vmem>> -> memref<64xi32, #tpu.memory_space<vmem>>
    %dma_start3A_1001 = arith.constant 0 : i32
    %dma_start3A_1002 = arith.constant 0 : i32
    %dma_start3A_1003 = tpu.memref_slice %arg8[%dma_start3A_1001, %dma_start3A_1002] : memref<10000x128xf32, #tpu.memory_space<vmem_shared>> -> memref<10000x128xf32, #tpu.memory_space<vmem_shared>>
    tpu.enqueue_indirect_dma source(%dma_start3A_1003 : memref<10000x128xf32, #tpu.memory_space<vmem_shared>>) target(%dma_start3A_997 : memref<64x128xf32, #tpu.memory_space<vmem>>) offsets(%dma_start3A_1000 : memref<64xi32, #tpu.memory_space<vmem>>) semaphore(%arg9 : memref<!tpu.dma_semaphore, #tpu.memory_space<semaphore_mem>>) {add = true}
    %dma_start3A_1004 = arith.constant 30 : i32
    %dma_start3A_1005 = arith.constant 0 : i32
    %dma_start3A_1006 = arith.constant 0 : i32
    %dma_start3A_1007 = tpu.memref_slice %arg6[%dma_start3A_1005, %dma_start3A_1006] : memref<128x128xf32, #tpu.memory_space<vmem>> -> memref<64x128xf32, #tpu.memory_space<vmem>>
    %dma_start3A_1008 = arith.constant 256 : i32
    %dma_start3A_1009 = tpu.memref_slice %arg5[%dma_start3A_1004, %dma_start3A_1008] : memref<32x320xi32, #tpu.memory_space<vmem>> -> memref<1x64xi32, #tpu.memory_space<vmem>>
    %dma_start3A_1010 = tpu.memref_squeeze %dma_start3A_1009 : memref<1x64xi32, #tpu.memory_space<vmem>> -> memref<64xi32, #tpu.memory_space<vmem>>
    %dma_start3A_1011 = arith.constant 0 : i32
    %dma_start3A_1012 = arith.constant 0 : i32
    %dma_start3A_1013 = tpu.memref_slice %arg8[%dma_start3A_1011, %dma_start3A_1012] : memref<10000x128xf32, #tpu.memory_space<vmem_shared>> -> memref<10000x128xf32, #tpu.memory_space<vmem_shared>>
    tpu.enqueue_indirect_dma source(%dma_start3A_1013 : memref<10000x128xf32, #tpu.memory_space<vmem_shared>>) target(%dma_start3A_1007 : memref<64x128xf32, #tpu.memory_space<vmem>>) offsets(%dma_start3A_1010 : memref<64xi32, #tpu.memory_space<vmem>>) semaphore(%arg9 : memref<!tpu.dma_semaphore, #tpu.memory_space<semaphore_mem>>) {add = true}
    %dma_start3A_1014 = arith.constant 31 : i32
    %dma_start3A_1015 = arith.constant 0 : i32
    %dma_start3A_1016 = arith.constant 0 : i32
    %dma_start3A_1017 = tpu.memref_slice %arg6[%dma_start3A_1015, %dma_start3A_1016] : memref<128x128xf32, #tpu.memory_space<vmem>> -> memref<64x128xf32, #tpu.memory_space<vmem>>
    %dma_start3A_1018 = arith.constant 256 : i32
    %dma_start3A_1019 = tpu.memref_slice %arg5[%dma_start3A_1014, %dma_start3A_1018] : memref<32x320xi32, #tpu.memory_space<vmem>> -> memref<1x64xi32, #tpu.memory_space<vmem>>
    %dma_start3A_1020 = tpu.memref_squeeze %dma_start3A_1019 : memref<1x64xi32, #tpu.memory_space<vmem>> -> memref<64xi32, #tpu.memory_space<vmem>>
    %dma_start3A_1021 = arith.constant 0 : i32
    %dma_start3A_1022 = arith.constant 0 : i32
    %dma_start3A_1023 = tpu.memref_slice %arg8[%dma_start3A_1021, %dma_start3A_1022] : memref<10000x128xf32, #tpu.memory_space<vmem_shared>> -> memref<10000x128xf32, #tpu.memory_space<vmem_shared>>
    tpu.enqueue_indirect_dma source(%dma_start3A_1023 : memref<10000x128xf32, #tpu.memory_space<vmem_shared>>) target(%dma_start3A_1017 : memref<64x128xf32, #tpu.memory_space<vmem>>) offsets(%dma_start3A_1020 : memref<64xi32, #tpu.memory_space<vmem>>) semaphore(%arg9 : memref<!tpu.dma_semaphore, #tpu.memory_space<semaphore_mem>>) {add = true}
    %dma_wait3A_1024 = arith.constant 0 : i32
    %dma_wait3A_1025 = arith.constant 128 : i32
    %dma_wait3A_1026 = tpu.memref_slice %arg5[%dma_wait3A_1024, %dma_wait3A_1025] : memref<32x320xi32, #tpu.memory_space<vmem>> -> memref<1x128xi32, #tpu.memory_space<vmem>>
    %dma_wait3A_1027 = tpu.memref_squeeze %dma_wait3A_1026 : memref<1x128xi32, #tpu.memory_space<vmem>> -> memref<128xi32, #tpu.memory_space<vmem>>
    %dma_wait3A_1028 = arith.constant 0 : i32
    %dma_wait3A_1029 = arith.constant 0 : i32
    %dma_wait3A_1030 = tpu.memref_slice %arg8[%dma_wait3A_1028, %dma_wait3A_1029] : memref<10000x128xf32, #tpu.memory_space<vmem_shared>> -> memref<10000x128xf32, #tpu.memory_space<vmem_shared>>
    tpu.wait_indirect_dma semaphore(%arg10 : memref<!tpu.dma_semaphore, #tpu.memory_space<semaphore_mem>>) src(%dma_wait3A_1030 : memref<10000x128xf32, #tpu.memory_space<vmem_shared>>) dst(%arg7 : memref<128x128xf32, #tpu.memory_space<vmem>>)
    %dma_wait3A_1031 = arith.constant 1 : i32
    %dma_wait3A_1032 = arith.constant 128 : i32
    %dma_wait3A_1033 = tpu.memref_slice %arg5[%dma_wait3A_1031, %dma_wait3A_1032] : memref<32x320xi32, #tpu.memory_space<vmem>> -> memref<1x128xi32, #tpu.memory_space<vmem>>
    %dma_wait3A_1034 = tpu.memref_squeeze %dma_wait3A_1033 : memref<1x128xi32, #tpu.memory_space<vmem>> -> memref<128xi32, #tpu.memory_space<vmem>>
    %dma_wait3A_1035 = arith.constant 0 : i32
    %dma_wait3A_1036 = arith.constant 0 : i32
    %dma_wait3A_1037 = tpu.memref_slice %arg8[%dma_wait3A_1035, %dma_wait3A_1036] : memref<10000x128xf32, #tpu.memory_space<vmem_shared>> -> memref<10000x128xf32, #tpu.memory_space<vmem_shared>>
    tpu.wait_indirect_dma semaphore(%arg10 : memref<!tpu.dma_semaphore, #tpu.memory_space<semaphore_mem>>) src(%dma_wait3A_1037 : memref<10000x128xf32, #tpu.memory_space<vmem_shared>>) dst(%arg7 : memref<128x128xf32, #tpu.memory_space<vmem>>)
    %dma_wait3A_1038 = arith.constant 2 : i32
    %dma_wait3A_1039 = arith.constant 128 : i32
    %dma_wait3A_1040 = tpu.memref_slice %arg5[%dma_wait3A_1038, %dma_wait3A_1039] : memref<32x320xi32, #tpu.memory_space<vmem>> -> memref<1x128xi32, #tpu.memory_space<vmem>>
    %dma_wait3A_1041 = tpu.memref_squeeze %dma_wait3A_1040 : memref<1x128xi32, #tpu.memory_space<vmem>> -> memref<128xi32, #tpu.memory_space<vmem>>
    %dma_wait3A_1042 = arith.constant 0 : i32
    %dma_wait3A_1043 = arith.constant 0 : i32
    %dma_wait3A_1044 = tpu.memref_slice %arg8[%dma_wait3A_1042, %dma_wait3A_1043] : memref<10000x128xf32, #tpu.memory_space<vmem_shared>> -> memref<10000x128xf32, #tpu.memory_space<vmem_shared>>
    tpu.wait_indirect_dma semaphore(%arg10 : memref<!tpu.dma_semaphore, #tpu.memory_space<semaphore_mem>>) src(%dma_wait3A_1044 : memref<10000x128xf32, #tpu.memory_space<vmem_shared>>) dst(%arg7 : memref<128x128xf32, #tpu.memory_space<vmem>>)
    %dma_wait3A_1045 = arith.constant 3 : i32
    %dma_wait3A_1046 = arith.constant 128 : i32
    %dma_wait3A_1047 = tpu.memref_slice %arg5[%dma_wait3A_1045, %dma_wait3A_1046] : memref<32x320xi32, #tpu.memory_space<vmem>> -> memref<1x128xi32, #tpu.memory_space<vmem>>
    %dma_wait3A_1048 = tpu.memref_squeeze %dma_wait3A_1047 : memref<1x128xi32, #tpu.memory_space<vmem>> -> memref<128xi32, #tpu.memory_space<vmem>>
    %dma_wait3A_1049 = arith.constant 0 : i32
    %dma_wait3A_1050 = arith.constant 0 : i32
    %dma_wait3A_1051 = tpu.memref_slice %arg8[%dma_wait3A_1049, %dma_wait3A_1050] : memref<10000x128xf32, #tpu.memory_space<vmem_shared>> -> memref<10000x128xf32, #tpu.memory_space<vmem_shared>>
    tpu.wait_indirect_dma semaphore(%arg10 : memref<!tpu.dma_semaphore, #tpu.memory_space<semaphore_mem>>) src(%dma_wait3A_1051 : memref<10000x128xf32, #tpu.memory_space<vmem_shared>>) dst(%arg7 : memref<128x128xf32, #tpu.memory_space<vmem>>)
    %dma_wait3A_1052 = arith.constant 4 : i32
    %dma_wait3A_1053 = arith.constant 128 : i32
    %dma_wait3A_1054 = tpu.memref_slice %arg5[%dma_wait3A_1052, %dma_wait3A_1053] : memref<32x320xi32, #tpu.memory_space<vmem>> -> memref<1x128xi32, #tpu.memory_space<vmem>>
    %dma_wait3A_1055 = tpu.memref_squeeze %dma_wait3A_1054 : memref<1x128xi32, #tpu.memory_space<vmem>> -> memref<128xi32, #tpu.memory_space<vmem>>
    %dma_wait3A_1056 = arith.constant 0 : i32
    %dma_wait3A_1057 = arith.constant 0 : i32
    %dma_wait3A_1058 = tpu.memref_slice %arg8[%dma_wait3A_1056, %dma_wait3A_1057] : memref<10000x128xf32, #tpu.memory_space<vmem_shared>> -> memref<10000x128xf32, #tpu.memory_space<vmem_shared>>
    tpu.wait_indirect_dma semaphore(%arg10 : memref<!tpu.dma_semaphore, #tpu.memory_space<semaphore_mem>>) src(%dma_wait3A_1058 : memref<10000x128xf32, #tpu.memory_space<vmem_shared>>) dst(%arg7 : memref<128x128xf32, #tpu.memory_space<vmem>>)
    %dma_wait3A_1059 = arith.constant 5 : i32
    %dma_wait3A_1060 = arith.constant 128 : i32
    %dma_wait3A_1061 = tpu.memref_slice %arg5[%dma_wait3A_1059, %dma_wait3A_1060] : memref<32x320xi32, #tpu.memory_space<vmem>> -> memref<1x128xi32, #tpu.memory_space<vmem>>
    %dma_wait3A_1062 = tpu.memref_squeeze %dma_wait3A_1061 : memref<1x128xi32, #tpu.memory_space<vmem>> -> memref<128xi32, #tpu.memory_space<vmem>>
    %dma_wait3A_1063 = arith.constant 0 : i32
    %dma_wait3A_1064 = arith.constant 0 : i32
    %dma_wait3A_1065 = tpu.memref_slice %arg8[%dma_wait3A_1063, %dma_wait3A_1064] : memref<10000x128xf32, #tpu.memory_space<vmem_shared>> -> memref<10000x128xf32, #tpu.memory_space<vmem_shared>>
    tpu.wait_indirect_dma semaphore(%arg10 : memref<!tpu.dma_semaphore, #tpu.memory_space<semaphore_mem>>) src(%dma_wait3A_1065 : memref<10000x128xf32, #tpu.memory_space<vmem_shared>>) dst(%arg7 : memref<128x128xf32, #tpu.memory_space<vmem>>)
    %dma_wait3A_1066 = arith.constant 6 : i32
    %dma_wait3A_1067 = arith.constant 128 : i32
    %dma_wait3A_1068 = tpu.memref_slice %arg5[%dma_wait3A_1066, %dma_wait3A_1067] : memref<32x320xi32, #tpu.memory_space<vmem>> -> memref<1x128xi32, #tpu.memory_space<vmem>>
    %dma_wait3A_1069 = tpu.memref_squeeze %dma_wait3A_1068 : memref<1x128xi32, #tpu.memory_space<vmem>> -> memref<128xi32, #tpu.memory_space<vmem>>
    %dma_wait3A_1070 = arith.constant 0 : i32
    %dma_wait3A_1071 = arith.constant 0 : i32
    %dma_wait3A_1072 = tpu.memref_slice %arg8[%dma_wait3A_1070, %dma_wait3A_1071] : memref<10000x128xf32, #tpu.memory_space<vmem_shared>> -> memref<10000x128xf32, #tpu.memory_space<vmem_shared>>
    tpu.wait_indirect_dma semaphore(%arg10 : memref<!tpu.dma_semaphore, #tpu.memory_space<semaphore_mem>>) src(%dma_wait3A_1072 : memref<10000x128xf32, #tpu.memory_space<vmem_shared>>) dst(%arg7 : memref<128x128xf32, #tpu.memory_space<vmem>>)
    %dma_wait3A_1073 = arith.constant 7 : i32
    %dma_wait3A_1074 = arith.constant 128 : i32
    %dma_wait3A_1075 = tpu.memref_slice %arg5[%dma_wait3A_1073, %dma_wait3A_1074] : memref<32x320xi32, #tpu.memory_space<vmem>> -> memref<1x128xi32, #tpu.memory_space<vmem>>
    %dma_wait3A_1076 = tpu.memref_squeeze %dma_wait3A_1075 : memref<1x128xi32, #tpu.memory_space<vmem>> -> memref<128xi32, #tpu.memory_space<vmem>>
    %dma_wait3A_1077 = arith.constant 0 : i32
    %dma_wait3A_1078 = arith.constant 0 : i32
    %dma_wait3A_1079 = tpu.memref_slice %arg8[%dma_wait3A_1077, %dma_wait3A_1078] : memref<10000x128xf32, #tpu.memory_space<vmem_shared>> -> memref<10000x128xf32, #tpu.memory_space<vmem_shared>>
    tpu.wait_indirect_dma semaphore(%arg10 : memref<!tpu.dma_semaphore, #tpu.memory_space<semaphore_mem>>) src(%dma_wait3A_1079 : memref<10000x128xf32, #tpu.memory_space<vmem_shared>>) dst(%arg7 : memref<128x128xf32, #tpu.memory_space<vmem>>)
    %dma_wait3A_1080 = arith.constant 8 : i32
    %dma_wait3A_1081 = arith.constant 128 : i32
    %dma_wait3A_1082 = tpu.memref_slice %arg5[%dma_wait3A_1080, %dma_wait3A_1081] : memref<32x320xi32, #tpu.memory_space<vmem>> -> memref<1x128xi32, #tpu.memory_space<vmem>>
    %dma_wait3A_1083 = tpu.memref_squeeze %dma_wait3A_1082 : memref<1x128xi32, #tpu.memory_space<vmem>> -> memref<128xi32, #tpu.memory_space<vmem>>
    %dma_wait3A_1084 = arith.constant 0 : i32
    %dma_wait3A_1085 = arith.constant 0 : i32
    %dma_wait3A_1086 = tpu.memref_slice %arg8[%dma_wait3A_1084, %dma_wait3A_1085] : memref<10000x128xf32, #tpu.memory_space<vmem_shared>> -> memref<10000x128xf32, #tpu.memory_space<vmem_shared>>
    tpu.wait_indirect_dma semaphore(%arg10 : memref<!tpu.dma_semaphore, #tpu.memory_space<semaphore_mem>>) src(%dma_wait3A_1086 : memref<10000x128xf32, #tpu.memory_space<vmem_shared>>) dst(%arg7 : memref<128x128xf32, #tpu.memory_space<vmem>>)
    %dma_wait3A_1087 = arith.constant 9 : i32
    %dma_wait3A_1088 = arith.constant 128 : i32
    %dma_wait3A_1089 = tpu.memref_slice %arg5[%dma_wait3A_1087, %dma_wait3A_1088] : memref<32x320xi32, #tpu.memory_space<vmem>> -> memref<1x128xi32, #tpu.memory_space<vmem>>
    %dma_wait3A_1090 = tpu.memref_squeeze %dma_wait3A_1089 : memref<1x128xi32, #tpu.memory_space<vmem>> -> memref<128xi32, #tpu.memory_space<vmem>>
    %dma_wait3A_1091 = arith.constant 0 : i32
    %dma_wait3A_1092 = arith.constant 0 : i32
    %dma_wait3A_1093 = tpu.memref_slice %arg8[%dma_wait3A_1091, %dma_wait3A_1092] : memref<10000x128xf32, #tpu.memory_space<vmem_shared>> -> memref<10000x128xf32, #tpu.memory_space<vmem_shared>>
    tpu.wait_indirect_dma semaphore(%arg10 : memref<!tpu.dma_semaphore, #tpu.memory_space<semaphore_mem>>) src(%dma_wait3A_1093 : memref<10000x128xf32, #tpu.memory_space<vmem_shared>>) dst(%arg7 : memref<128x128xf32, #tpu.memory_space<vmem>>)
    %dma_wait3A_1094 = arith.constant 10 : i32
    %dma_wait3A_1095 = arith.constant 128 : i32
    %dma_wait3A_1096 = tpu.memref_slice %arg5[%dma_wait3A_1094, %dma_wait3A_1095] : memref<32x320xi32, #tpu.memory_space<vmem>> -> memref<1x128xi32, #tpu.memory_space<vmem>>
    %dma_wait3A_1097 = tpu.memref_squeeze %dma_wait3A_1096 : memref<1x128xi32, #tpu.memory_space<vmem>> -> memref<128xi32, #tpu.memory_space<vmem>>
    %dma_wait3A_1098 = arith.constant 0 : i32
    %dma_wait3A_1099 = arith.constant 0 : i32
    %dma_wait3A_1100 = tpu.memref_slice %arg8[%dma_wait3A_1098, %dma_wait3A_1099] : memref<10000x128xf32, #tpu.memory_space<vmem_shared>> -> memref<10000x128xf32, #tpu.memory_space<vmem_shared>>
    tpu.wait_indirect_dma semaphore(%arg10 : memref<!tpu.dma_semaphore, #tpu.memory_space<semaphore_mem>>) src(%dma_wait3A_1100 : memref<10000x128xf32, #tpu.memory_space<vmem_shared>>) dst(%arg7 : memref<128x128xf32, #tpu.memory_space<vmem>>)
    %dma_wait3A_1101 = arith.constant 11 : i32
    %dma_wait3A_1102 = arith.constant 128 : i32
    %dma_wait3A_1103 = tpu.memref_slice %arg5[%dma_wait3A_1101, %dma_wait3A_1102] : memref<32x320xi32, #tpu.memory_space<vmem>> -> memref<1x128xi32, #tpu.memory_space<vmem>>
    %dma_wait3A_1104 = tpu.memref_squeeze %dma_wait3A_1103 : memref<1x128xi32, #tpu.memory_space<vmem>> -> memref<128xi32, #tpu.memory_space<vmem>>
    %dma_wait3A_1105 = arith.constant 0 : i32
    %dma_wait3A_1106 = arith.constant 0 : i32
    %dma_wait3A_1107 = tpu.memref_slice %arg8[%dma_wait3A_1105, %dma_wait3A_1106] : memref<10000x128xf32, #tpu.memory_space<vmem_shared>> -> memref<10000x128xf32, #tpu.memory_space<vmem_shared>>
    tpu.wait_indirect_dma semaphore(%arg10 : memref<!tpu.dma_semaphore, #tpu.memory_space<semaphore_mem>>) src(%dma_wait3A_1107 : memref<10000x128xf32, #tpu.memory_space<vmem_shared>>) dst(%arg7 : memref<128x128xf32, #tpu.memory_space<vmem>>)
    %dma_wait3A_1108 = arith.constant 12 : i32
    %dma_wait3A_1109 = arith.constant 128 : i32
    %dma_wait3A_1110 = tpu.memref_slice %arg5[%dma_wait3A_1108, %dma_wait3A_1109] : memref<32x320xi32, #tpu.memory_space<vmem>> -> memref<1x128xi32, #tpu.memory_space<vmem>>
    %dma_wait3A_1111 = tpu.memref_squeeze %dma_wait3A_1110 : memref<1x128xi32, #tpu.memory_space<vmem>> -> memref<128xi32, #tpu.memory_space<vmem>>
    %dma_wait3A_1112 = arith.constant 0 : i32
    %dma_wait3A_1113 = arith.constant 0 : i32
    %dma_wait3A_1114 = tpu.memref_slice %arg8[%dma_wait3A_1112, %dma_wait3A_1113] : memref<10000x128xf32, #tpu.memory_space<vmem_shared>> -> memref<10000x128xf32, #tpu.memory_space<vmem_shared>>
    tpu.wait_indirect_dma semaphore(%arg10 : memref<!tpu.dma_semaphore, #tpu.memory_space<semaphore_mem>>) src(%dma_wait3A_1114 : memref<10000x128xf32, #tpu.memory_space<vmem_shared>>) dst(%arg7 : memref<128x128xf32, #tpu.memory_space<vmem>>)
    %dma_wait3A_1115 = arith.constant 13 : i32
    %dma_wait3A_1116 = arith.constant 128 : i32
    %dma_wait3A_1117 = tpu.memref_slice %arg5[%dma_wait3A_1115, %dma_wait3A_1116] : memref<32x320xi32, #tpu.memory_space<vmem>> -> memref<1x128xi32, #tpu.memory_space<vmem>>
    %dma_wait3A_1118 = tpu.memref_squeeze %dma_wait3A_1117 : memref<1x128xi32, #tpu.memory_space<vmem>> -> memref<128xi32, #tpu.memory_space<vmem>>
    %dma_wait3A_1119 = arith.constant 0 : i32
    %dma_wait3A_1120 = arith.constant 0 : i32
    %dma_wait3A_1121 = tpu.memref_slice %arg8[%dma_wait3A_1119, %dma_wait3A_1120] : memref<10000x128xf32, #tpu.memory_space<vmem_shared>> -> memref<10000x128xf32, #tpu.memory_space<vmem_shared>>
    tpu.wait_indirect_dma semaphore(%arg10 : memref<!tpu.dma_semaphore, #tpu.memory_space<semaphore_mem>>) src(%dma_wait3A_1121 : memref<10000x128xf32, #tpu.memory_space<vmem_shared>>) dst(%arg7 : memref<128x128xf32, #tpu.memory_space<vmem>>)
    %dma_wait3A_1122 = arith.constant 14 : i32
    %dma_wait3A_1123 = arith.constant 128 : i32
    %dma_wait3A_1124 = tpu.memref_slice %arg5[%dma_wait3A_1122, %dma_wait3A_1123] : memref<32x320xi32, #tpu.memory_space<vmem>> -> memref<1x128xi32, #tpu.memory_space<vmem>>
    %dma_wait3A_1125 = tpu.memref_squeeze %dma_wait3A_1124 : memref<1x128xi32, #tpu.memory_space<vmem>> -> memref<128xi32, #tpu.memory_space<vmem>>
    %dma_wait3A_1126 = arith.constant 0 : i32
    %dma_wait3A_1127 = arith.constant 0 : i32
    %dma_wait3A_1128 = tpu.memref_slice %arg8[%dma_wait3A_1126, %dma_wait3A_1127] : memref<10000x128xf32, #tpu.memory_space<vmem_shared>> -> memref<10000x128xf32, #tpu.memory_space<vmem_shared>>
    tpu.wait_indirect_dma semaphore(%arg10 : memref<!tpu.dma_semaphore, #tpu.memory_space<semaphore_mem>>) src(%dma_wait3A_1128 : memref<10000x128xf32, #tpu.memory_space<vmem_shared>>) dst(%arg7 : memref<128x128xf32, #tpu.memory_space<vmem>>)
    %dma_wait3A_1129 = arith.constant 15 : i32
    %dma_wait3A_1130 = arith.constant 128 : i32
    %dma_wait3A_1131 = tpu.memref_slice %arg5[%dma_wait3A_1129, %dma_wait3A_1130] : memref<32x320xi32, #tpu.memory_space<vmem>> -> memref<1x128xi32, #tpu.memory_space<vmem>>
    %dma_wait3A_1132 = tpu.memref_squeeze %dma_wait3A_1131 : memref<1x128xi32, #tpu.memory_space<vmem>> -> memref<128xi32, #tpu.memory_space<vmem>>
    %dma_wait3A_1133 = arith.constant 0 : i32
    %dma_wait3A_1134 = arith.constant 0 : i32
    %dma_wait3A_1135 = tpu.memref_slice %arg8[%dma_wait3A_1133, %dma_wait3A_1134] : memref<10000x128xf32, #tpu.memory_space<vmem_shared>> -> memref<10000x128xf32, #tpu.memory_space<vmem_shared>>
    tpu.wait_indirect_dma semaphore(%arg10 : memref<!tpu.dma_semaphore, #tpu.memory_space<semaphore_mem>>) src(%dma_wait3A_1135 : memref<10000x128xf32, #tpu.memory_space<vmem_shared>>) dst(%arg7 : memref<128x128xf32, #tpu.memory_space<vmem>>)
    %dma_wait3A_1136 = arith.constant 16 : i32
    %dma_wait3A_1137 = arith.constant 128 : i32
    %dma_wait3A_1138 = tpu.memref_slice %arg5[%dma_wait3A_1136, %dma_wait3A_1137] : memref<32x320xi32, #tpu.memory_space<vmem>> -> memref<1x128xi32, #tpu.memory_space<vmem>>
    %dma_wait3A_1139 = tpu.memref_squeeze %dma_wait3A_1138 : memref<1x128xi32, #tpu.memory_space<vmem>> -> memref<128xi32, #tpu.memory_space<vmem>>
    %dma_wait3A_1140 = arith.constant 0 : i32
    %dma_wait3A_1141 = arith.constant 0 : i32
    %dma_wait3A_1142 = tpu.memref_slice %arg8[%dma_wait3A_1140, %dma_wait3A_1141] : memref<10000x128xf32, #tpu.memory_space<vmem_shared>> -> memref<10000x128xf32, #tpu.memory_space<vmem_shared>>
    tpu.wait_indirect_dma semaphore(%arg10 : memref<!tpu.dma_semaphore, #tpu.memory_space<semaphore_mem>>) src(%dma_wait3A_1142 : memref<10000x128xf32, #tpu.memory_space<vmem_shared>>) dst(%arg7 : memref<128x128xf32, #tpu.memory_space<vmem>>)
    %dma_wait3A_1143 = arith.constant 17 : i32
    %dma_wait3A_1144 = arith.constant 128 : i32
    %dma_wait3A_1145 = tpu.memref_slice %arg5[%dma_wait3A_1143, %dma_wait3A_1144] : memref<32x320xi32, #tpu.memory_space<vmem>> -> memref<1x128xi32, #tpu.memory_space<vmem>>
    %dma_wait3A_1146 = tpu.memref_squeeze %dma_wait3A_1145 : memref<1x128xi32, #tpu.memory_space<vmem>> -> memref<128xi32, #tpu.memory_space<vmem>>
    %dma_wait3A_1147 = arith.constant 0 : i32
    %dma_wait3A_1148 = arith.constant 0 : i32
    %dma_wait3A_1149 = tpu.memref_slice %arg8[%dma_wait3A_1147, %dma_wait3A_1148] : memref<10000x128xf32, #tpu.memory_space<vmem_shared>> -> memref<10000x128xf32, #tpu.memory_space<vmem_shared>>
    tpu.wait_indirect_dma semaphore(%arg10 : memref<!tpu.dma_semaphore, #tpu.memory_space<semaphore_mem>>) src(%dma_wait3A_1149 : memref<10000x128xf32, #tpu.memory_space<vmem_shared>>) dst(%arg7 : memref<128x128xf32, #tpu.memory_space<vmem>>)
    %dma_wait3A_1150 = arith.constant 18 : i32
    %dma_wait3A_1151 = arith.constant 128 : i32
    %dma_wait3A_1152 = tpu.memref_slice %arg5[%dma_wait3A_1150, %dma_wait3A_1151] : memref<32x320xi32, #tpu.memory_space<vmem>> -> memref<1x128xi32, #tpu.memory_space<vmem>>
    %dma_wait3A_1153 = tpu.memref_squeeze %dma_wait3A_1152 : memref<1x128xi32, #tpu.memory_space<vmem>> -> memref<128xi32, #tpu.memory_space<vmem>>
    %dma_wait3A_1154 = arith.constant 0 : i32
    %dma_wait3A_1155 = arith.constant 0 : i32
    %dma_wait3A_1156 = tpu.memref_slice %arg8[%dma_wait3A_1154, %dma_wait3A_1155] : memref<10000x128xf32, #tpu.memory_space<vmem_shared>> -> memref<10000x128xf32, #tpu.memory_space<vmem_shared>>
    tpu.wait_indirect_dma semaphore(%arg10 : memref<!tpu.dma_semaphore, #tpu.memory_space<semaphore_mem>>) src(%dma_wait3A_1156 : memref<10000x128xf32, #tpu.memory_space<vmem_shared>>) dst(%arg7 : memref<128x128xf32, #tpu.memory_space<vmem>>)
    %dma_wait3A_1157 = arith.constant 19 : i32
    %dma_wait3A_1158 = arith.constant 128 : i32
    %dma_wait3A_1159 = tpu.memref_slice %arg5[%dma_wait3A_1157, %dma_wait3A_1158] : memref<32x320xi32, #tpu.memory_space<vmem>> -> memref<1x128xi32, #tpu.memory_space<vmem>>
    %dma_wait3A_1160 = tpu.memref_squeeze %dma_wait3A_1159 : memref<1x128xi32, #tpu.memory_space<vmem>> -> memref<128xi32, #tpu.memory_space<vmem>>
    %dma_wait3A_1161 = arith.constant 0 : i32
    %dma_wait3A_1162 = arith.constant 0 : i32
    %dma_wait3A_1163 = tpu.memref_slice %arg8[%dma_wait3A_1161, %dma_wait3A_1162] : memref<10000x128xf32, #tpu.memory_space<vmem_shared>> -> memref<10000x128xf32, #tpu.memory_space<vmem_shared>>
    tpu.wait_indirect_dma semaphore(%arg10 : memref<!tpu.dma_semaphore, #tpu.memory_space<semaphore_mem>>) src(%dma_wait3A_1163 : memref<10000x128xf32, #tpu.memory_space<vmem_shared>>) dst(%arg7 : memref<128x128xf32, #tpu.memory_space<vmem>>)
    %dma_wait3A_1164 = arith.constant 20 : i32
    %dma_wait3A_1165 = arith.constant 128 : i32
    %dma_wait3A_1166 = tpu.memref_slice %arg5[%dma_wait3A_1164, %dma_wait3A_1165] : memref<32x320xi32, #tpu.memory_space<vmem>> -> memref<1x128xi32, #tpu.memory_space<vmem>>
    %dma_wait3A_1167 = tpu.memref_squeeze %dma_wait3A_1166 : memref<1x128xi32, #tpu.memory_space<vmem>> -> memref<128xi32, #tpu.memory_space<vmem>>
    %dma_wait3A_1168 = arith.constant 0 : i32
    %dma_wait3A_1169 = arith.constant 0 : i32
    %dma_wait3A_1170 = tpu.memref_slice %arg8[%dma_wait3A_1168, %dma_wait3A_1169] : memref<10000x128xf32, #tpu.memory_space<vmem_shared>> -> memref<10000x128xf32, #tpu.memory_space<vmem_shared>>
    tpu.wait_indirect_dma semaphore(%arg10 : memref<!tpu.dma_semaphore, #tpu.memory_space<semaphore_mem>>) src(%dma_wait3A_1170 : memref<10000x128xf32, #tpu.memory_space<vmem_shared>>) dst(%arg7 : memref<128x128xf32, #tpu.memory_space<vmem>>)
    %dma_wait3A_1171 = arith.constant 21 : i32
    %dma_wait3A_1172 = arith.constant 128 : i32
    %dma_wait3A_1173 = tpu.memref_slice %arg5[%dma_wait3A_1171, %dma_wait3A_1172] : memref<32x320xi32, #tpu.memory_space<vmem>> -> memref<1x128xi32, #tpu.memory_space<vmem>>
    %dma_wait3A_1174 = tpu.memref_squeeze %dma_wait3A_1173 : memref<1x128xi32, #tpu.memory_space<vmem>> -> memref<128xi32, #tpu.memory_space<vmem>>
    %dma_wait3A_1175 = arith.constant 0 : i32
    %dma_wait3A_1176 = arith.constant 0 : i32
    %dma_wait3A_1177 = tpu.memref_slice %arg8[%dma_wait3A_1175, %dma_wait3A_1176] : memref<10000x128xf32, #tpu.memory_space<vmem_shared>> -> memref<10000x128xf32, #tpu.memory_space<vmem_shared>>
    tpu.wait_indirect_dma semaphore(%arg10 : memref<!tpu.dma_semaphore, #tpu.memory_space<semaphore_mem>>) src(%dma_wait3A_1177 : memref<10000x128xf32, #tpu.memory_space<vmem_shared>>) dst(%arg7 : memref<128x128xf32, #tpu.memory_space<vmem>>)
    %dma_wait3A_1178 = arith.constant 22 : i32
    %dma_wait3A_1179 = arith.constant 128 : i32
    %dma_wait3A_1180 = tpu.memref_slice %arg5[%dma_wait3A_1178, %dma_wait3A_1179] : memref<32x320xi32, #tpu.memory_space<vmem>> -> memref<1x128xi32, #tpu.memory_space<vmem>>
    %dma_wait3A_1181 = tpu.memref_squeeze %dma_wait3A_1180 : memref<1x128xi32, #tpu.memory_space<vmem>> -> memref<128xi32, #tpu.memory_space<vmem>>
    %dma_wait3A_1182 = arith.constant 0 : i32
    %dma_wait3A_1183 = arith.constant 0 : i32
    %dma_wait3A_1184 = tpu.memref_slice %arg8[%dma_wait3A_1182, %dma_wait3A_1183] : memref<10000x128xf32, #tpu.memory_space<vmem_shared>> -> memref<10000x128xf32, #tpu.memory_space<vmem_shared>>
    tpu.wait_indirect_dma semaphore(%arg10 : memref<!tpu.dma_semaphore, #tpu.memory_space<semaphore_mem>>) src(%dma_wait3A_1184 : memref<10000x128xf32, #tpu.memory_space<vmem_shared>>) dst(%arg7 : memref<128x128xf32, #tpu.memory_space<vmem>>)
    %dma_wait3A_1185 = arith.constant 23 : i32
    %dma_wait3A_1186 = arith.constant 128 : i32
    %dma_wait3A_1187 = tpu.memref_slice %arg5[%dma_wait3A_1185, %dma_wait3A_1186] : memref<32x320xi32, #tpu.memory_space<vmem>> -> memref<1x128xi32, #tpu.memory_space<vmem>>
    %dma_wait3A_1188 = tpu.memref_squeeze %dma_wait3A_1187 : memref<1x128xi32, #tpu.memory_space<vmem>> -> memref<128xi32, #tpu.memory_space<vmem>>
    %dma_wait3A_1189 = arith.constant 0 : i32
    %dma_wait3A_1190 = arith.constant 0 : i32
    %dma_wait3A_1191 = tpu.memref_slice %arg8[%dma_wait3A_1189, %dma_wait3A_1190] : memref<10000x128xf32, #tpu.memory_space<vmem_shared>> -> memref<10000x128xf32, #tpu.memory_space<vmem_shared>>
    tpu.wait_indirect_dma semaphore(%arg10 : memref<!tpu.dma_semaphore, #tpu.memory_space<semaphore_mem>>) src(%dma_wait3A_1191 : memref<10000x128xf32, #tpu.memory_space<vmem_shared>>) dst(%arg7 : memref<128x128xf32, #tpu.memory_space<vmem>>)
    %dma_wait3A_1192 = arith.constant 24 : i32
    %dma_wait3A_1193 = arith.constant 128 : i32
    %dma_wait3A_1194 = tpu.memref_slice %arg5[%dma_wait3A_1192, %dma_wait3A_1193] : memref<32x320xi32, #tpu.memory_space<vmem>> -> memref<1x128xi32, #tpu.memory_space<vmem>>
    %dma_wait3A_1195 = tpu.memref_squeeze %dma_wait3A_1194 : memref<1x128xi32, #tpu.memory_space<vmem>> -> memref<128xi32, #tpu.memory_space<vmem>>
    %dma_wait3A_1196 = arith.constant 0 : i32
    %dma_wait3A_1197 = arith.constant 0 : i32
    %dma_wait3A_1198 = tpu.memref_slice %arg8[%dma_wait3A_1196, %dma_wait3A_1197] : memref<10000x128xf32, #tpu.memory_space<vmem_shared>> -> memref<10000x128xf32, #tpu.memory_space<vmem_shared>>
    tpu.wait_indirect_dma semaphore(%arg10 : memref<!tpu.dma_semaphore, #tpu.memory_space<semaphore_mem>>) src(%dma_wait3A_1198 : memref<10000x128xf32, #tpu.memory_space<vmem_shared>>) dst(%arg7 : memref<128x128xf32, #tpu.memory_space<vmem>>)
    %dma_wait3A_1199 = arith.constant 25 : i32
    %dma_wait3A_1200 = arith.constant 128 : i32
    %dma_wait3A_1201 = tpu.memref_slice %arg5[%dma_wait3A_1199, %dma_wait3A_1200] : memref<32x320xi32, #tpu.memory_space<vmem>> -> memref<1x128xi32, #tpu.memory_space<vmem>>
    %dma_wait3A_1202 = tpu.memref_squeeze %dma_wait3A_1201 : memref<1x128xi32, #tpu.memory_space<vmem>> -> memref<128xi32, #tpu.memory_space<vmem>>
    %dma_wait3A_1203 = arith.constant 0 : i32
    %dma_wait3A_1204 = arith.constant 0 : i32
    %dma_wait3A_1205 = tpu.memref_slice %arg8[%dma_wait3A_1203, %dma_wait3A_1204] : memref<10000x128xf32, #tpu.memory_space<vmem_shared>> -> memref<10000x128xf32, #tpu.memory_space<vmem_shared>>
    tpu.wait_indirect_dma semaphore(%arg10 : memref<!tpu.dma_semaphore, #tpu.memory_space<semaphore_mem>>) src(%dma_wait3A_1205 : memref<10000x128xf32, #tpu.memory_space<vmem_shared>>) dst(%arg7 : memref<128x128xf32, #tpu.memory_space<vmem>>)
    %dma_wait3A_1206 = arith.constant 26 : i32
    %dma_wait3A_1207 = arith.constant 128 : i32
    %dma_wait3A_1208 = tpu.memref_slice %arg5[%dma_wait3A_1206, %dma_wait3A_1207] : memref<32x320xi32, #tpu.memory_space<vmem>> -> memref<1x128xi32, #tpu.memory_space<vmem>>
    %dma_wait3A_1209 = tpu.memref_squeeze %dma_wait3A_1208 : memref<1x128xi32, #tpu.memory_space<vmem>> -> memref<128xi32, #tpu.memory_space<vmem>>
    %dma_wait3A_1210 = arith.constant 0 : i32
    %dma_wait3A_1211 = arith.constant 0 : i32
    %dma_wait3A_1212 = tpu.memref_slice %arg8[%dma_wait3A_1210, %dma_wait3A_1211] : memref<10000x128xf32, #tpu.memory_space<vmem_shared>> -> memref<10000x128xf32, #tpu.memory_space<vmem_shared>>
    tpu.wait_indirect_dma semaphore(%arg10 : memref<!tpu.dma_semaphore, #tpu.memory_space<semaphore_mem>>) src(%dma_wait3A_1212 : memref<10000x128xf32, #tpu.memory_space<vmem_shared>>) dst(%arg7 : memref<128x128xf32, #tpu.memory_space<vmem>>)
    %dma_wait3A_1213 = arith.constant 27 : i32
    %dma_wait3A_1214 = arith.constant 128 : i32
    %dma_wait3A_1215 = tpu.memref_slice %arg5[%dma_wait3A_1213, %dma_wait3A_1214] : memref<32x320xi32, #tpu.memory_space<vmem>> -> memref<1x128xi32, #tpu.memory_space<vmem>>
    %dma_wait3A_1216 = tpu.memref_squeeze %dma_wait3A_1215 : memref<1x128xi32, #tpu.memory_space<vmem>> -> memref<128xi32, #tpu.memory_space<vmem>>
    %dma_wait3A_1217 = arith.constant 0 : i32
    %dma_wait3A_1218 = arith.constant 0 : i32
    %dma_wait3A_1219 = tpu.memref_slice %arg8[%dma_wait3A_1217, %dma_wait3A_1218] : memref<10000x128xf32, #tpu.memory_space<vmem_shared>> -> memref<10000x128xf32, #tpu.memory_space<vmem_shared>>
    tpu.wait_indirect_dma semaphore(%arg10 : memref<!tpu.dma_semaphore, #tpu.memory_space<semaphore_mem>>) src(%dma_wait3A_1219 : memref<10000x128xf32, #tpu.memory_space<vmem_shared>>) dst(%arg7 : memref<128x128xf32, #tpu.memory_space<vmem>>)
    %dma_wait3A_1220 = arith.constant 28 : i32
    %dma_wait3A_1221 = arith.constant 128 : i32
    %dma_wait3A_1222 = tpu.memref_slice %arg5[%dma_wait3A_1220, %dma_wait3A_1221] : memref<32x320xi32, #tpu.memory_space<vmem>> -> memref<1x128xi32, #tpu.memory_space<vmem>>
    %dma_wait3A_1223 = tpu.memref_squeeze %dma_wait3A_1222 : memref<1x128xi32, #tpu.memory_space<vmem>> -> memref<128xi32, #tpu.memory_space<vmem>>
    %dma_wait3A_1224 = arith.constant 0 : i32
    %dma_wait3A_1225 = arith.constant 0 : i32
    %dma_wait3A_1226 = tpu.memref_slice %arg8[%dma_wait3A_1224, %dma_wait3A_1225] : memref<10000x128xf32, #tpu.memory_space<vmem_shared>> -> memref<10000x128xf32, #tpu.memory_space<vmem_shared>>
    tpu.wait_indirect_dma semaphore(%arg10 : memref<!tpu.dma_semaphore, #tpu.memory_space<semaphore_mem>>) src(%dma_wait3A_1226 : memref<10000x128xf32, #tpu.memory_space<vmem_shared>>) dst(%arg7 : memref<128x128xf32, #tpu.memory_space<vmem>>)
    %dma_wait3A_1227 = arith.constant 29 : i32
    %dma_wait3A_1228 = arith.constant 128 : i32
    %dma_wait3A_1229 = tpu.memref_slice %arg5[%dma_wait3A_1227, %dma_wait3A_1228] : memref<32x320xi32, #tpu.memory_space<vmem>> -> memref<1x128xi32, #tpu.memory_space<vmem>>
    %dma_wait3A_1230 = tpu.memref_squeeze %dma_wait3A_1229 : memref<1x128xi32, #tpu.memory_space<vmem>> -> memref<128xi32, #tpu.memory_space<vmem>>
    %dma_wait3A_1231 = arith.constant 0 : i32
    %dma_wait3A_1232 = arith.constant 0 : i32
    %dma_wait3A_1233 = tpu.memref_slice %arg8[%dma_wait3A_1231, %dma_wait3A_1232] : memref<10000x128xf32, #tpu.memory_space<vmem_shared>> -> memref<10000x128xf32, #tpu.memory_space<vmem_shared>>
    tpu.wait_indirect_dma semaphore(%arg10 : memref<!tpu.dma_semaphore, #tpu.memory_space<semaphore_mem>>) src(%dma_wait3A_1233 : memref<10000x128xf32, #tpu.memory_space<vmem_shared>>) dst(%arg7 : memref<128x128xf32, #tpu.memory_space<vmem>>)
    %dma_wait3A_1234 = arith.constant 30 : i32
    %dma_wait3A_1235 = arith.constant 128 : i32
    %dma_wait3A_1236 = tpu.memref_slice %arg5[%dma_wait3A_1234, %dma_wait3A_1235] : memref<32x320xi32, #tpu.memory_space<vmem>> -> memref<1x128xi32, #tpu.memory_space<vmem>>
    %dma_wait3A_1237 = tpu.memref_squeeze %dma_wait3A_1236 : memref<1x128xi32, #tpu.memory_space<vmem>> -> memref<128xi32, #tpu.memory_space<vmem>>
    %dma_wait3A_1238 = arith.constant 0 : i32
    %dma_wait3A_1239 = arith.constant 0 : i32
    %dma_wait3A_1240 = tpu.memref_slice %arg8[%dma_wait3A_1238, %dma_wait3A_1239] : memref<10000x128xf32, #tpu.memory_space<vmem_shared>> -> memref<10000x128xf32, #tpu.memory_space<vmem_shared>>
    tpu.wait_indirect_dma semaphore(%arg10 : memref<!tpu.dma_semaphore, #tpu.memory_space<semaphore_mem>>) src(%dma_wait3A_1240 : memref<10000x128xf32, #tpu.memory_space<vmem_shared>>) dst(%arg7 : memref<128x128xf32, #tpu.memory_space<vmem>>)
    %dma_wait3A_1241 = arith.constant 31 : i32
    %dma_wait3A_1242 = arith.constant 128 : i32
    %dma_wait3A_1243 = tpu.memref_slice %arg5[%dma_wait3A_1241, %dma_wait3A_1242] : memref<32x320xi32, #tpu.memory_space<vmem>> -> memref<1x128xi32, #tpu.memory_space<vmem>>
    %dma_wait3A_1244 = tpu.memref_squeeze %dma_wait3A_1243 : memref<1x128xi32, #tpu.memory_space<vmem>> -> memref<128xi32, #tpu.memory_space<vmem>>
    %dma_wait3A_1245 = arith.constant 0 : i32
    %dma_wait3A_1246 = arith.constant 0 : i32
    %dma_wait3A_1247 = tpu.memref_slice %arg8[%dma_wait3A_1245, %dma_wait3A_1246] : memref<10000x128xf32, #tpu.memory_space<vmem_shared>> -> memref<10000x128xf32, #tpu.memory_space<vmem_shared>>
    tpu.wait_indirect_dma semaphore(%arg10 : memref<!tpu.dma_semaphore, #tpu.memory_space<semaphore_mem>>) src(%dma_wait3A_1247 : memref<10000x128xf32, #tpu.memory_space<vmem_shared>>) dst(%arg7 : memref<128x128xf32, #tpu.memory_space<vmem>>)
    %add3A_1248 = arith.constant 128 : i32
    %add3A_1249 = arith.addi %mul3A_2, %add3A_1248 : i32
    %dma_start3A_1250 = arith.constant 0 : i32
    %dma_start3A_1251 = tpu.memref_slice %arg4[%add3A_1249, %dma_start3A_1250] : memref<10240x128xf32, #tpu.memory_space<hbm>> -> memref<128x128xf32, #tpu.memory_space<hbm>>
    %dma_start3A_1252 = arith.constant 0 : i32
    %dma_start3A_1253 = tpu.memref_slice %arg4[%add3A_1249, %dma_start3A_1252] : memref<10240x128xf32, #tpu.memory_space<hbm>> -> memref<128x128xf32, #tpu.memory_space<hbm>>
    tpu.enqueue_dma source(%arg7 : memref<128x128xf32, #tpu.memory_space<vmem>>) target(%dma_start3A_1253 : memref<128x128xf32, #tpu.memory_space<hbm>>) target_semaphore(%arg11 : memref<!tpu.dma_semaphore, #tpu.memory_space<semaphore_mem>>)
    %dma_wait3A_1254 = arith.constant 0 : i32
    %dma_wait3A_1255 = arith.constant 0 : i32
    %dma_wait3A_1256 = arith.constant 0 : i32
    %dma_wait3A_1257 = tpu.memref_slice %arg6[%dma_wait3A_1255, %dma_wait3A_1256] : memref<128x128xf32, #tpu.memory_space<vmem>> -> memref<64x128xf32, #tpu.memory_space<vmem>>
    %dma_wait3A_1258 = arith.constant 256 : i32
    %dma_wait3A_1259 = tpu.memref_slice %arg5[%dma_wait3A_1254, %dma_wait3A_1258] : memref<32x320xi32, #tpu.memory_space<vmem>> -> memref<1x64xi32, #tpu.memory_space<vmem>>
    %dma_wait3A_1260 = tpu.memref_squeeze %dma_wait3A_1259 : memref<1x64xi32, #tpu.memory_space<vmem>> -> memref<64xi32, #tpu.memory_space<vmem>>
    %dma_wait3A_1261 = arith.constant 0 : i32
    %dma_wait3A_1262 = arith.constant 0 : i32
    %dma_wait3A_1263 = tpu.memref_slice %arg8[%dma_wait3A_1261, %dma_wait3A_1262] : memref<10000x128xf32, #tpu.memory_space<vmem_shared>> -> memref<10000x128xf32, #tpu.memory_space<vmem_shared>>
    tpu.wait_indirect_dma semaphore(%arg9 : memref<!tpu.dma_semaphore, #tpu.memory_space<semaphore_mem>>) src(%dma_wait3A_1263 : memref<10000x128xf32, #tpu.memory_space<vmem_shared>>) dst(%dma_wait3A_1257 : memref<64x128xf32, #tpu.memory_space<vmem>>)
    %dma_wait3A_1264 = arith.constant 1 : i32
    %dma_wait3A_1265 = arith.constant 0 : i32
    %dma_wait3A_1266 = arith.constant 0 : i32
    %dma_wait3A_1267 = tpu.memref_slice %arg6[%dma_wait3A_1265, %dma_wait3A_1266] : memref<128x128xf32, #tpu.memory_space<vmem>> -> memref<64x128xf32, #tpu.memory_space<vmem>>
    %dma_wait3A_1268 = arith.constant 256 : i32
    %dma_wait3A_1269 = tpu.memref_slice %arg5[%dma_wait3A_1264, %dma_wait3A_1268] : memref<32x320xi32, #tpu.memory_space<vmem>> -> memref<1x64xi32, #tpu.memory_space<vmem>>
    %dma_wait3A_1270 = tpu.memref_squeeze %dma_wait3A_1269 : memref<1x64xi32, #tpu.memory_space<vmem>> -> memref<64xi32, #tpu.memory_space<vmem>>
    %dma_wait3A_1271 = arith.constant 0 : i32
    %dma_wait3A_1272 = arith.constant 0 : i32
    %dma_wait3A_1273 = tpu.memref_slice %arg8[%dma_wait3A_1271, %dma_wait3A_1272] : memref<10000x128xf32, #tpu.memory_space<vmem_shared>> -> memref<10000x128xf32, #tpu.memory_space<vmem_shared>>
    tpu.wait_indirect_dma semaphore(%arg9 : memref<!tpu.dma_semaphore, #tpu.memory_space<semaphore_mem>>) src(%dma_wait3A_1273 : memref<10000x128xf32, #tpu.memory_space<vmem_shared>>) dst(%dma_wait3A_1267 : memref<64x128xf32, #tpu.memory_space<vmem>>)
    %dma_wait3A_1274 = arith.constant 2 : i32
    %dma_wait3A_1275 = arith.constant 0 : i32
    %dma_wait3A_1276 = arith.constant 0 : i32
    %dma_wait3A_1277 = tpu.memref_slice %arg6[%dma_wait3A_1275, %dma_wait3A_1276] : memref<128x128xf32, #tpu.memory_space<vmem>> -> memref<64x128xf32, #tpu.memory_space<vmem>>
    %dma_wait3A_1278 = arith.constant 256 : i32
    %dma_wait3A_1279 = tpu.memref_slice %arg5[%dma_wait3A_1274, %dma_wait3A_1278] : memref<32x320xi32, #tpu.memory_space<vmem>> -> memref<1x64xi32, #tpu.memory_space<vmem>>
    %dma_wait3A_1280 = tpu.memref_squeeze %dma_wait3A_1279 : memref<1x64xi32, #tpu.memory_space<vmem>> -> memref<64xi32, #tpu.memory_space<vmem>>
    %dma_wait3A_1281 = arith.constant 0 : i32
    %dma_wait3A_1282 = arith.constant 0 : i32
    %dma_wait3A_1283 = tpu.memref_slice %arg8[%dma_wait3A_1281, %dma_wait3A_1282] : memref<10000x128xf32, #tpu.memory_space<vmem_shared>> -> memref<10000x128xf32, #tpu.memory_space<vmem_shared>>
    tpu.wait_indirect_dma semaphore(%arg9 : memref<!tpu.dma_semaphore, #tpu.memory_space<semaphore_mem>>) src(%dma_wait3A_1283 : memref<10000x128xf32, #tpu.memory_space<vmem_shared>>) dst(%dma_wait3A_1277 : memref<64x128xf32, #tpu.memory_space<vmem>>)
    %dma_wait3A_1284 = arith.constant 3 : i32
    %dma_wait3A_1285 = arith.constant 0 : i32
    %dma_wait3A_1286 = arith.constant 0 : i32
    %dma_wait3A_1287 = tpu.memref_slice %arg6[%dma_wait3A_1285, %dma_wait3A_1286] : memref<128x128xf32, #tpu.memory_space<vmem>> -> memref<64x128xf32, #tpu.memory_space<vmem>>
    %dma_wait3A_1288 = arith.constant 256 : i32
    %dma_wait3A_1289 = tpu.memref_slice %arg5[%dma_wait3A_1284, %dma_wait3A_1288] : memref<32x320xi32, #tpu.memory_space<vmem>> -> memref<1x64xi32, #tpu.memory_space<vmem>>
    %dma_wait3A_1290 = tpu.memref_squeeze %dma_wait3A_1289 : memref<1x64xi32, #tpu.memory_space<vmem>> -> memref<64xi32, #tpu.memory_space<vmem>>
    %dma_wait3A_1291 = arith.constant 0 : i32
    %dma_wait3A_1292 = arith.constant 0 : i32
    %dma_wait3A_1293 = tpu.memref_slice %arg8[%dma_wait3A_1291, %dma_wait3A_1292] : memref<10000x128xf32, #tpu.memory_space<vmem_shared>> -> memref<10000x128xf32, #tpu.memory_space<vmem_shared>>
    tpu.wait_indirect_dma semaphore(%arg9 : memref<!tpu.dma_semaphore, #tpu.memory_space<semaphore_mem>>) src(%dma_wait3A_1293 : memref<10000x128xf32, #tpu.memory_space<vmem_shared>>) dst(%dma_wait3A_1287 : memref<64x128xf32, #tpu.memory_space<vmem>>)
    %dma_wait3A_1294 = arith.constant 4 : i32
    %dma_wait3A_1295 = arith.constant 0 : i32
    %dma_wait3A_1296 = arith.constant 0 : i32
    %dma_wait3A_1297 = tpu.memref_slice %arg6[%dma_wait3A_1295, %dma_wait3A_1296] : memref<128x128xf32, #tpu.memory_space<vmem>> -> memref<64x128xf32, #tpu.memory_space<vmem>>
    %dma_wait3A_1298 = arith.constant 256 : i32
    %dma_wait3A_1299 = tpu.memref_slice %arg5[%dma_wait3A_1294, %dma_wait3A_1298] : memref<32x320xi32, #tpu.memory_space<vmem>> -> memref<1x64xi32, #tpu.memory_space<vmem>>
    %dma_wait3A_1300 = tpu.memref_squeeze %dma_wait3A_1299 : memref<1x64xi32, #tpu.memory_space<vmem>> -> memref<64xi32, #tpu.memory_space<vmem>>
    %dma_wait3A_1301 = arith.constant 0 : i32
    %dma_wait3A_1302 = arith.constant 0 : i32
    %dma_wait3A_1303 = tpu.memref_slice %arg8[%dma_wait3A_1301, %dma_wait3A_1302] : memref<10000x128xf32, #tpu.memory_space<vmem_shared>> -> memref<10000x128xf32, #tpu.memory_space<vmem_shared>>
    tpu.wait_indirect_dma semaphore(%arg9 : memref<!tpu.dma_semaphore, #tpu.memory_space<semaphore_mem>>) src(%dma_wait3A_1303 : memref<10000x128xf32, #tpu.memory_space<vmem_shared>>) dst(%dma_wait3A_1297 : memref<64x128xf32, #tpu.memory_space<vmem>>)
    %dma_wait3A_1304 = arith.constant 5 : i32
    %dma_wait3A_1305 = arith.constant 0 : i32
    %dma_wait3A_1306 = arith.constant 0 : i32
    %dma_wait3A_1307 = tpu.memref_slice %arg6[%dma_wait3A_1305, %dma_wait3A_1306] : memref<128x128xf32, #tpu.memory_space<vmem>> -> memref<64x128xf32, #tpu.memory_space<vmem>>
    %dma_wait3A_1308 = arith.constant 256 : i32
    %dma_wait3A_1309 = tpu.memref_slice %arg5[%dma_wait3A_1304, %dma_wait3A_1308] : memref<32x320xi32, #tpu.memory_space<vmem>> -> memref<1x64xi32, #tpu.memory_space<vmem>>
    %dma_wait3A_1310 = tpu.memref_squeeze %dma_wait3A_1309 : memref<1x64xi32, #tpu.memory_space<vmem>> -> memref<64xi32, #tpu.memory_space<vmem>>
    %dma_wait3A_1311 = arith.constant 0 : i32
    %dma_wait3A_1312 = arith.constant 0 : i32
    %dma_wait3A_1313 = tpu.memref_slice %arg8[%dma_wait3A_1311, %dma_wait3A_1312] : memref<10000x128xf32, #tpu.memory_space<vmem_shared>> -> memref<10000x128xf32, #tpu.memory_space<vmem_shared>>
    tpu.wait_indirect_dma semaphore(%arg9 : memref<!tpu.dma_semaphore, #tpu.memory_space<semaphore_mem>>) src(%dma_wait3A_1313 : memref<10000x128xf32, #tpu.memory_space<vmem_shared>>) dst(%dma_wait3A_1307 : memref<64x128xf32, #tpu.memory_space<vmem>>)
    %dma_wait3A_1314 = arith.constant 6 : i32
    %dma_wait3A_1315 = arith.constant 0 : i32
    %dma_wait3A_1316 = arith.constant 0 : i32
    %dma_wait3A_1317 = tpu.memref_slice %arg6[%dma_wait3A_1315, %dma_wait3A_1316] : memref<128x128xf32, #tpu.memory_space<vmem>> -> memref<64x128xf32, #tpu.memory_space<vmem>>
    %dma_wait3A_1318 = arith.constant 256 : i32
    %dma_wait3A_1319 = tpu.memref_slice %arg5[%dma_wait3A_1314, %dma_wait3A_1318] : memref<32x320xi32, #tpu.memory_space<vmem>> -> memref<1x64xi32, #tpu.memory_space<vmem>>
    %dma_wait3A_1320 = tpu.memref_squeeze %dma_wait3A_1319 : memref<1x64xi32, #tpu.memory_space<vmem>> -> memref<64xi32, #tpu.memory_space<vmem>>
    %dma_wait3A_1321 = arith.constant 0 : i32
    %dma_wait3A_1322 = arith.constant 0 : i32
    %dma_wait3A_1323 = tpu.memref_slice %arg8[%dma_wait3A_1321, %dma_wait3A_1322] : memref<10000x128xf32, #tpu.memory_space<vmem_shared>> -> memref<10000x128xf32, #tpu.memory_space<vmem_shared>>
    tpu.wait_indirect_dma semaphore(%arg9 : memref<!tpu.dma_semaphore, #tpu.memory_space<semaphore_mem>>) src(%dma_wait3A_1323 : memref<10000x128xf32, #tpu.memory_space<vmem_shared>>) dst(%dma_wait3A_1317 : memref<64x128xf32, #tpu.memory_space<vmem>>)
    %dma_wait3A_1324 = arith.constant 7 : i32
    %dma_wait3A_1325 = arith.constant 0 : i32
    %dma_wait3A_1326 = arith.constant 0 : i32
    %dma_wait3A_1327 = tpu.memref_slice %arg6[%dma_wait3A_1325, %dma_wait3A_1326] : memref<128x128xf32, #tpu.memory_space<vmem>> -> memref<64x128xf32, #tpu.memory_space<vmem>>
    %dma_wait3A_1328 = arith.constant 256 : i32
    %dma_wait3A_1329 = tpu.memref_slice %arg5[%dma_wait3A_1324, %dma_wait3A_1328] : memref<32x320xi32, #tpu.memory_space<vmem>> -> memref<1x64xi32, #tpu.memory_space<vmem>>
    %dma_wait3A_1330 = tpu.memref_squeeze %dma_wait3A_1329 : memref<1x64xi32, #tpu.memory_space<vmem>> -> memref<64xi32, #tpu.memory_space<vmem>>
    %dma_wait3A_1331 = arith.constant 0 : i32
    %dma_wait3A_1332 = arith.constant 0 : i32
    %dma_wait3A_1333 = tpu.memref_slice %arg8[%dma_wait3A_1331, %dma_wait3A_1332] : memref<10000x128xf32, #tpu.memory_space<vmem_shared>> -> memref<10000x128xf32, #tpu.memory_space<vmem_shared>>
    tpu.wait_indirect_dma semaphore(%arg9 : memref<!tpu.dma_semaphore, #tpu.memory_space<semaphore_mem>>) src(%dma_wait3A_1333 : memref<10000x128xf32, #tpu.memory_space<vmem_shared>>) dst(%dma_wait3A_1327 : memref<64x128xf32, #tpu.memory_space<vmem>>)
    %dma_wait3A_1334 = arith.constant 8 : i32
    %dma_wait3A_1335 = arith.constant 0 : i32
    %dma_wait3A_1336 = arith.constant 0 : i32
    %dma_wait3A_1337 = tpu.memref_slice %arg6[%dma_wait3A_1335, %dma_wait3A_1336] : memref<128x128xf32, #tpu.memory_space<vmem>> -> memref<64x128xf32, #tpu.memory_space<vmem>>
    %dma_wait3A_1338 = arith.constant 256 : i32
    %dma_wait3A_1339 = tpu.memref_slice %arg5[%dma_wait3A_1334, %dma_wait3A_1338] : memref<32x320xi32, #tpu.memory_space<vmem>> -> memref<1x64xi32, #tpu.memory_space<vmem>>
    %dma_wait3A_1340 = tpu.memref_squeeze %dma_wait3A_1339 : memref<1x64xi32, #tpu.memory_space<vmem>> -> memref<64xi32, #tpu.memory_space<vmem>>
    %dma_wait3A_1341 = arith.constant 0 : i32
    %dma_wait3A_1342 = arith.constant 0 : i32
    %dma_wait3A_1343 = tpu.memref_slice %arg8[%dma_wait3A_1341, %dma_wait3A_1342] : memref<10000x128xf32, #tpu.memory_space<vmem_shared>> -> memref<10000x128xf32, #tpu.memory_space<vmem_shared>>
    tpu.wait_indirect_dma semaphore(%arg9 : memref<!tpu.dma_semaphore, #tpu.memory_space<semaphore_mem>>) src(%dma_wait3A_1343 : memref<10000x128xf32, #tpu.memory_space<vmem_shared>>) dst(%dma_wait3A_1337 : memref<64x128xf32, #tpu.memory_space<vmem>>)
    %dma_wait3A_1344 = arith.constant 9 : i32
    %dma_wait3A_1345 = arith.constant 0 : i32
    %dma_wait3A_1346 = arith.constant 0 : i32
    %dma_wait3A_1347 = tpu.memref_slice %arg6[%dma_wait3A_1345, %dma_wait3A_1346] : memref<128x128xf32, #tpu.memory_space<vmem>> -> memref<64x128xf32, #tpu.memory_space<vmem>>
    %dma_wait3A_1348 = arith.constant 256 : i32
    %dma_wait3A_1349 = tpu.memref_slice %arg5[%dma_wait3A_1344, %dma_wait3A_1348] : memref<32x320xi32, #tpu.memory_space<vmem>> -> memref<1x64xi32, #tpu.memory_space<vmem>>
    %dma_wait3A_1350 = tpu.memref_squeeze %dma_wait3A_1349 : memref<1x64xi32, #tpu.memory_space<vmem>> -> memref<64xi32, #tpu.memory_space<vmem>>
    %dma_wait3A_1351 = arith.constant 0 : i32
    %dma_wait3A_1352 = arith.constant 0 : i32
    %dma_wait3A_1353 = tpu.memref_slice %arg8[%dma_wait3A_1351, %dma_wait3A_1352] : memref<10000x128xf32, #tpu.memory_space<vmem_shared>> -> memref<10000x128xf32, #tpu.memory_space<vmem_shared>>
    tpu.wait_indirect_dma semaphore(%arg9 : memref<!tpu.dma_semaphore, #tpu.memory_space<semaphore_mem>>) src(%dma_wait3A_1353 : memref<10000x128xf32, #tpu.memory_space<vmem_shared>>) dst(%dma_wait3A_1347 : memref<64x128xf32, #tpu.memory_space<vmem>>)
    %dma_wait3A_1354 = arith.constant 10 : i32
    %dma_wait3A_1355 = arith.constant 0 : i32
    %dma_wait3A_1356 = arith.constant 0 : i32
    %dma_wait3A_1357 = tpu.memref_slice %arg6[%dma_wait3A_1355, %dma_wait3A_1356] : memref<128x128xf32, #tpu.memory_space<vmem>> -> memref<64x128xf32, #tpu.memory_space<vmem>>
    %dma_wait3A_1358 = arith.constant 256 : i32
    %dma_wait3A_1359 = tpu.memref_slice %arg5[%dma_wait3A_1354, %dma_wait3A_1358] : memref<32x320xi32, #tpu.memory_space<vmem>> -> memref<1x64xi32, #tpu.memory_space<vmem>>
    %dma_wait3A_1360 = tpu.memref_squeeze %dma_wait3A_1359 : memref<1x64xi32, #tpu.memory_space<vmem>> -> memref<64xi32, #tpu.memory_space<vmem>>
    %dma_wait3A_1361 = arith.constant 0 : i32
    %dma_wait3A_1362 = arith.constant 0 : i32
    %dma_wait3A_1363 = tpu.memref_slice %arg8[%dma_wait3A_1361, %dma_wait3A_1362] : memref<10000x128xf32, #tpu.memory_space<vmem_shared>> -> memref<10000x128xf32, #tpu.memory_space<vmem_shared>>
    tpu.wait_indirect_dma semaphore(%arg9 : memref<!tpu.dma_semaphore, #tpu.memory_space<semaphore_mem>>) src(%dma_wait3A_1363 : memref<10000x128xf32, #tpu.memory_space<vmem_shared>>) dst(%dma_wait3A_1357 : memref<64x128xf32, #tpu.memory_space<vmem>>)
    %dma_wait3A_1364 = arith.constant 11 : i32
    %dma_wait3A_1365 = arith.constant 0 : i32
    %dma_wait3A_1366 = arith.constant 0 : i32
    %dma_wait3A_1367 = tpu.memref_slice %arg6[%dma_wait3A_1365, %dma_wait3A_1366] : memref<128x128xf32, #tpu.memory_space<vmem>> -> memref<64x128xf32, #tpu.memory_space<vmem>>
    %dma_wait3A_1368 = arith.constant 256 : i32
    %dma_wait3A_1369 = tpu.memref_slice %arg5[%dma_wait3A_1364, %dma_wait3A_1368] : memref<32x320xi32, #tpu.memory_space<vmem>> -> memref<1x64xi32, #tpu.memory_space<vmem>>
    %dma_wait3A_1370 = tpu.memref_squeeze %dma_wait3A_1369 : memref<1x64xi32, #tpu.memory_space<vmem>> -> memref<64xi32, #tpu.memory_space<vmem>>
    %dma_wait3A_1371 = arith.constant 0 : i32
    %dma_wait3A_1372 = arith.constant 0 : i32
    %dma_wait3A_1373 = tpu.memref_slice %arg8[%dma_wait3A_1371, %dma_wait3A_1372] : memref<10000x128xf32, #tpu.memory_space<vmem_shared>> -> memref<10000x128xf32, #tpu.memory_space<vmem_shared>>
    tpu.wait_indirect_dma semaphore(%arg9 : memref<!tpu.dma_semaphore, #tpu.memory_space<semaphore_mem>>) src(%dma_wait3A_1373 : memref<10000x128xf32, #tpu.memory_space<vmem_shared>>) dst(%dma_wait3A_1367 : memref<64x128xf32, #tpu.memory_space<vmem>>)
    %dma_wait3A_1374 = arith.constant 12 : i32
    %dma_wait3A_1375 = arith.constant 0 : i32
    %dma_wait3A_1376 = arith.constant 0 : i32
    %dma_wait3A_1377 = tpu.memref_slice %arg6[%dma_wait3A_1375, %dma_wait3A_1376] : memref<128x128xf32, #tpu.memory_space<vmem>> -> memref<64x128xf32, #tpu.memory_space<vmem>>
    %dma_wait3A_1378 = arith.constant 256 : i32
    %dma_wait3A_1379 = tpu.memref_slice %arg5[%dma_wait3A_1374, %dma_wait3A_1378] : memref<32x320xi32, #tpu.memory_space<vmem>> -> memref<1x64xi32, #tpu.memory_space<vmem>>
    %dma_wait3A_1380 = tpu.memref_squeeze %dma_wait3A_1379 : memref<1x64xi32, #tpu.memory_space<vmem>> -> memref<64xi32, #tpu.memory_space<vmem>>
    %dma_wait3A_1381 = arith.constant 0 : i32
    %dma_wait3A_1382 = arith.constant 0 : i32
    %dma_wait3A_1383 = tpu.memref_slice %arg8[%dma_wait3A_1381, %dma_wait3A_1382] : memref<10000x128xf32, #tpu.memory_space<vmem_shared>> -> memref<10000x128xf32, #tpu.memory_space<vmem_shared>>
    tpu.wait_indirect_dma semaphore(%arg9 : memref<!tpu.dma_semaphore, #tpu.memory_space<semaphore_mem>>) src(%dma_wait3A_1383 : memref<10000x128xf32, #tpu.memory_space<vmem_shared>>) dst(%dma_wait3A_1377 : memref<64x128xf32, #tpu.memory_space<vmem>>)
    %dma_wait3A_1384 = arith.constant 13 : i32
    %dma_wait3A_1385 = arith.constant 0 : i32
    %dma_wait3A_1386 = arith.constant 0 : i32
    %dma_wait3A_1387 = tpu.memref_slice %arg6[%dma_wait3A_1385, %dma_wait3A_1386] : memref<128x128xf32, #tpu.memory_space<vmem>> -> memref<64x128xf32, #tpu.memory_space<vmem>>
    %dma_wait3A_1388 = arith.constant 256 : i32
    %dma_wait3A_1389 = tpu.memref_slice %arg5[%dma_wait3A_1384, %dma_wait3A_1388] : memref<32x320xi32, #tpu.memory_space<vmem>> -> memref<1x64xi32, #tpu.memory_space<vmem>>
    %dma_wait3A_1390 = tpu.memref_squeeze %dma_wait3A_1389 : memref<1x64xi32, #tpu.memory_space<vmem>> -> memref<64xi32, #tpu.memory_space<vmem>>
    %dma_wait3A_1391 = arith.constant 0 : i32
    %dma_wait3A_1392 = arith.constant 0 : i32
    %dma_wait3A_1393 = tpu.memref_slice %arg8[%dma_wait3A_1391, %dma_wait3A_1392] : memref<10000x128xf32, #tpu.memory_space<vmem_shared>> -> memref<10000x128xf32, #tpu.memory_space<vmem_shared>>
    tpu.wait_indirect_dma semaphore(%arg9 : memref<!tpu.dma_semaphore, #tpu.memory_space<semaphore_mem>>) src(%dma_wait3A_1393 : memref<10000x128xf32, #tpu.memory_space<vmem_shared>>) dst(%dma_wait3A_1387 : memref<64x128xf32, #tpu.memory_space<vmem>>)
    %dma_wait3A_1394 = arith.constant 14 : i32
    %dma_wait3A_1395 = arith.constant 0 : i32
    %dma_wait3A_1396 = arith.constant 0 : i32
    %dma_wait3A_1397 = tpu.memref_slice %arg6[%dma_wait3A_1395, %dma_wait3A_1396] : memref<128x128xf32, #tpu.memory_space<vmem>> -> memref<64x128xf32, #tpu.memory_space<vmem>>
    %dma_wait3A_1398 = arith.constant 256 : i32
    %dma_wait3A_1399 = tpu.memref_slice %arg5[%dma_wait3A_1394, %dma_wait3A_1398] : memref<32x320xi32, #tpu.memory_space<vmem>> -> memref<1x64xi32, #tpu.memory_space<vmem>>
    %dma_wait3A_1400 = tpu.memref_squeeze %dma_wait3A_1399 : memref<1x64xi32, #tpu.memory_space<vmem>> -> memref<64xi32, #tpu.memory_space<vmem>>
    %dma_wait3A_1401 = arith.constant 0 : i32
    %dma_wait3A_1402 = arith.constant 0 : i32
    %dma_wait3A_1403 = tpu.memref_slice %arg8[%dma_wait3A_1401, %dma_wait3A_1402] : memref<10000x128xf32, #tpu.memory_space<vmem_shared>> -> memref<10000x128xf32, #tpu.memory_space<vmem_shared>>
    tpu.wait_indirect_dma semaphore(%arg9 : memref<!tpu.dma_semaphore, #tpu.memory_space<semaphore_mem>>) src(%dma_wait3A_1403 : memref<10000x128xf32, #tpu.memory_space<vmem_shared>>) dst(%dma_wait3A_1397 : memref<64x128xf32, #tpu.memory_space<vmem>>)
    %dma_wait3A_1404 = arith.constant 15 : i32
    %dma_wait3A_1405 = arith.constant 0 : i32
    %dma_wait3A_1406 = arith.constant 0 : i32
    %dma_wait3A_1407 = tpu.memref_slice %arg6[%dma_wait3A_1405, %dma_wait3A_1406] : memref<128x128xf32, #tpu.memory_space<vmem>> -> memref<64x128xf32, #tpu.memory_space<vmem>>
    %dma_wait3A_1408 = arith.constant 256 : i32
    %dma_wait3A_1409 = tpu.memref_slice %arg5[%dma_wait3A_1404, %dma_wait3A_1408] : memref<32x320xi32, #tpu.memory_space<vmem>> -> memref<1x64xi32, #tpu.memory_space<vmem>>
    %dma_wait3A_1410 = tpu.memref_squeeze %dma_wait3A_1409 : memref<1x64xi32, #tpu.memory_space<vmem>> -> memref<64xi32, #tpu.memory_space<vmem>>
    %dma_wait3A_1411 = arith.constant 0 : i32
    %dma_wait3A_1412 = arith.constant 0 : i32
    %dma_wait3A_1413 = tpu.memref_slice %arg8[%dma_wait3A_1411, %dma_wait3A_1412] : memref<10000x128xf32, #tpu.memory_space<vmem_shared>> -> memref<10000x128xf32, #tpu.memory_space<vmem_shared>>
    tpu.wait_indirect_dma semaphore(%arg9 : memref<!tpu.dma_semaphore, #tpu.memory_space<semaphore_mem>>) src(%dma_wait3A_1413 : memref<10000x128xf32, #tpu.memory_space<vmem_shared>>) dst(%dma_wait3A_1407 : memref<64x128xf32, #tpu.memory_space<vmem>>)
    %dma_wait3A_1414 = arith.constant 16 : i32
    %dma_wait3A_1415 = arith.constant 0 : i32
    %dma_wait3A_1416 = arith.constant 0 : i32
    %dma_wait3A_1417 = tpu.memref_slice %arg6[%dma_wait3A_1415, %dma_wait3A_1416] : memref<128x128xf32, #tpu.memory_space<vmem>> -> memref<64x128xf32, #tpu.memory_space<vmem>>
    %dma_wait3A_1418 = arith.constant 256 : i32
    %dma_wait3A_1419 = tpu.memref_slice %arg5[%dma_wait3A_1414, %dma_wait3A_1418] : memref<32x320xi32, #tpu.memory_space<vmem>> -> memref<1x64xi32, #tpu.memory_space<vmem>>
    %dma_wait3A_1420 = tpu.memref_squeeze %dma_wait3A_1419 : memref<1x64xi32, #tpu.memory_space<vmem>> -> memref<64xi32, #tpu.memory_space<vmem>>
    %dma_wait3A_1421 = arith.constant 0 : i32
    %dma_wait3A_1422 = arith.constant 0 : i32
    %dma_wait3A_1423 = tpu.memref_slice %arg8[%dma_wait3A_1421, %dma_wait3A_1422] : memref<10000x128xf32, #tpu.memory_space<vmem_shared>> -> memref<10000x128xf32, #tpu.memory_space<vmem_shared>>
    tpu.wait_indirect_dma semaphore(%arg9 : memref<!tpu.dma_semaphore, #tpu.memory_space<semaphore_mem>>) src(%dma_wait3A_1423 : memref<10000x128xf32, #tpu.memory_space<vmem_shared>>) dst(%dma_wait3A_1417 : memref<64x128xf32, #tpu.memory_space<vmem>>)
    %dma_wait3A_1424 = arith.constant 17 : i32
    %dma_wait3A_1425 = arith.constant 0 : i32
    %dma_wait3A_1426 = arith.constant 0 : i32
    %dma_wait3A_1427 = tpu.memref_slice %arg6[%dma_wait3A_1425, %dma_wait3A_1426] : memref<128x128xf32, #tpu.memory_space<vmem>> -> memref<64x128xf32, #tpu.memory_space<vmem>>
    %dma_wait3A_1428 = arith.constant 256 : i32
    %dma_wait3A_1429 = tpu.memref_slice %arg5[%dma_wait3A_1424, %dma_wait3A_1428] : memref<32x320xi32, #tpu.memory_space<vmem>> -> memref<1x64xi32, #tpu.memory_space<vmem>>
    %dma_wait3A_1430 = tpu.memref_squeeze %dma_wait3A_1429 : memref<1x64xi32, #tpu.memory_space<vmem>> -> memref<64xi32, #tpu.memory_space<vmem>>
    %dma_wait3A_1431 = arith.constant 0 : i32
    %dma_wait3A_1432 = arith.constant 0 : i32
    %dma_wait3A_1433 = tpu.memref_slice %arg8[%dma_wait3A_1431, %dma_wait3A_1432] : memref<10000x128xf32, #tpu.memory_space<vmem_shared>> -> memref<10000x128xf32, #tpu.memory_space<vmem_shared>>
    tpu.wait_indirect_dma semaphore(%arg9 : memref<!tpu.dma_semaphore, #tpu.memory_space<semaphore_mem>>) src(%dma_wait3A_1433 : memref<10000x128xf32, #tpu.memory_space<vmem_shared>>) dst(%dma_wait3A_1427 : memref<64x128xf32, #tpu.memory_space<vmem>>)
    %dma_wait3A_1434 = arith.constant 18 : i32
    %dma_wait3A_1435 = arith.constant 0 : i32
    %dma_wait3A_1436 = arith.constant 0 : i32
    %dma_wait3A_1437 = tpu.memref_slice %arg6[%dma_wait3A_1435, %dma_wait3A_1436] : memref<128x128xf32, #tpu.memory_space<vmem>> -> memref<64x128xf32, #tpu.memory_space<vmem>>
    %dma_wait3A_1438 = arith.constant 256 : i32
    %dma_wait3A_1439 = tpu.memref_slice %arg5[%dma_wait3A_1434, %dma_wait3A_1438] : memref<32x320xi32, #tpu.memory_space<vmem>> -> memref<1x64xi32, #tpu.memory_space<vmem>>
    %dma_wait3A_1440 = tpu.memref_squeeze %dma_wait3A_1439 : memref<1x64xi32, #tpu.memory_space<vmem>> -> memref<64xi32, #tpu.memory_space<vmem>>
    %dma_wait3A_1441 = arith.constant 0 : i32
    %dma_wait3A_1442 = arith.constant 0 : i32
    %dma_wait3A_1443 = tpu.memref_slice %arg8[%dma_wait3A_1441, %dma_wait3A_1442] : memref<10000x128xf32, #tpu.memory_space<vmem_shared>> -> memref<10000x128xf32, #tpu.memory_space<vmem_shared>>
    tpu.wait_indirect_dma semaphore(%arg9 : memref<!tpu.dma_semaphore, #tpu.memory_space<semaphore_mem>>) src(%dma_wait3A_1443 : memref<10000x128xf32, #tpu.memory_space<vmem_shared>>) dst(%dma_wait3A_1437 : memref<64x128xf32, #tpu.memory_space<vmem>>)
    %dma_wait3A_1444 = arith.constant 19 : i32
    %dma_wait3A_1445 = arith.constant 0 : i32
    %dma_wait3A_1446 = arith.constant 0 : i32
    %dma_wait3A_1447 = tpu.memref_slice %arg6[%dma_wait3A_1445, %dma_wait3A_1446] : memref<128x128xf32, #tpu.memory_space<vmem>> -> memref<64x128xf32, #tpu.memory_space<vmem>>
    %dma_wait3A_1448 = arith.constant 256 : i32
    %dma_wait3A_1449 = tpu.memref_slice %arg5[%dma_wait3A_1444, %dma_wait3A_1448] : memref<32x320xi32, #tpu.memory_space<vmem>> -> memref<1x64xi32, #tpu.memory_space<vmem>>
    %dma_wait3A_1450 = tpu.memref_squeeze %dma_wait3A_1449 : memref<1x64xi32, #tpu.memory_space<vmem>> -> memref<64xi32, #tpu.memory_space<vmem>>
    %dma_wait3A_1451 = arith.constant 0 : i32
    %dma_wait3A_1452 = arith.constant 0 : i32
    %dma_wait3A_1453 = tpu.memref_slice %arg8[%dma_wait3A_1451, %dma_wait3A_1452] : memref<10000x128xf32, #tpu.memory_space<vmem_shared>> -> memref<10000x128xf32, #tpu.memory_space<vmem_shared>>
    tpu.wait_indirect_dma semaphore(%arg9 : memref<!tpu.dma_semaphore, #tpu.memory_space<semaphore_mem>>) src(%dma_wait3A_1453 : memref<10000x128xf32, #tpu.memory_space<vmem_shared>>) dst(%dma_wait3A_1447 : memref<64x128xf32, #tpu.memory_space<vmem>>)
    %dma_wait3A_1454 = arith.constant 20 : i32
    %dma_wait3A_1455 = arith.constant 0 : i32
    %dma_wait3A_1456 = arith.constant 0 : i32
    %dma_wait3A_1457 = tpu.memref_slice %arg6[%dma_wait3A_1455, %dma_wait3A_1456] : memref<128x128xf32, #tpu.memory_space<vmem>> -> memref<64x128xf32, #tpu.memory_space<vmem>>
    %dma_wait3A_1458 = arith.constant 256 : i32
    %dma_wait3A_1459 = tpu.memref_slice %arg5[%dma_wait3A_1454, %dma_wait3A_1458] : memref<32x320xi32, #tpu.memory_space<vmem>> -> memref<1x64xi32, #tpu.memory_space<vmem>>
    %dma_wait3A_1460 = tpu.memref_squeeze %dma_wait3A_1459 : memref<1x64xi32, #tpu.memory_space<vmem>> -> memref<64xi32, #tpu.memory_space<vmem>>
    %dma_wait3A_1461 = arith.constant 0 : i32
    %dma_wait3A_1462 = arith.constant 0 : i32
    %dma_wait3A_1463 = tpu.memref_slice %arg8[%dma_wait3A_1461, %dma_wait3A_1462] : memref<10000x128xf32, #tpu.memory_space<vmem_shared>> -> memref<10000x128xf32, #tpu.memory_space<vmem_shared>>
    tpu.wait_indirect_dma semaphore(%arg9 : memref<!tpu.dma_semaphore, #tpu.memory_space<semaphore_mem>>) src(%dma_wait3A_1463 : memref<10000x128xf32, #tpu.memory_space<vmem_shared>>) dst(%dma_wait3A_1457 : memref<64x128xf32, #tpu.memory_space<vmem>>)
    %dma_wait3A_1464 = arith.constant 21 : i32
    %dma_wait3A_1465 = arith.constant 0 : i32
    %dma_wait3A_1466 = arith.constant 0 : i32
    %dma_wait3A_1467 = tpu.memref_slice %arg6[%dma_wait3A_1465, %dma_wait3A_1466] : memref<128x128xf32, #tpu.memory_space<vmem>> -> memref<64x128xf32, #tpu.memory_space<vmem>>
    %dma_wait3A_1468 = arith.constant 256 : i32
    %dma_wait3A_1469 = tpu.memref_slice %arg5[%dma_wait3A_1464, %dma_wait3A_1468] : memref<32x320xi32, #tpu.memory_space<vmem>> -> memref<1x64xi32, #tpu.memory_space<vmem>>
    %dma_wait3A_1470 = tpu.memref_squeeze %dma_wait3A_1469 : memref<1x64xi32, #tpu.memory_space<vmem>> -> memref<64xi32, #tpu.memory_space<vmem>>
    %dma_wait3A_1471 = arith.constant 0 : i32
    %dma_wait3A_1472 = arith.constant 0 : i32
    %dma_wait3A_1473 = tpu.memref_slice %arg8[%dma_wait3A_1471, %dma_wait3A_1472] : memref<10000x128xf32, #tpu.memory_space<vmem_shared>> -> memref<10000x128xf32, #tpu.memory_space<vmem_shared>>
    tpu.wait_indirect_dma semaphore(%arg9 : memref<!tpu.dma_semaphore, #tpu.memory_space<semaphore_mem>>) src(%dma_wait3A_1473 : memref<10000x128xf32, #tpu.memory_space<vmem_shared>>) dst(%dma_wait3A_1467 : memref<64x128xf32, #tpu.memory_space<vmem>>)
    %dma_wait3A_1474 = arith.constant 22 : i32
    %dma_wait3A_1475 = arith.constant 0 : i32
    %dma_wait3A_1476 = arith.constant 0 : i32
    %dma_wait3A_1477 = tpu.memref_slice %arg6[%dma_wait3A_1475, %dma_wait3A_1476] : memref<128x128xf32, #tpu.memory_space<vmem>> -> memref<64x128xf32, #tpu.memory_space<vmem>>
    %dma_wait3A_1478 = arith.constant 256 : i32
    %dma_wait3A_1479 = tpu.memref_slice %arg5[%dma_wait3A_1474, %dma_wait3A_1478] : memref<32x320xi32, #tpu.memory_space<vmem>> -> memref<1x64xi32, #tpu.memory_space<vmem>>
    %dma_wait3A_1480 = tpu.memref_squeeze %dma_wait3A_1479 : memref<1x64xi32, #tpu.memory_space<vmem>> -> memref<64xi32, #tpu.memory_space<vmem>>
    %dma_wait3A_1481 = arith.constant 0 : i32
    %dma_wait3A_1482 = arith.constant 0 : i32
    %dma_wait3A_1483 = tpu.memref_slice %arg8[%dma_wait3A_1481, %dma_wait3A_1482] : memref<10000x128xf32, #tpu.memory_space<vmem_shared>> -> memref<10000x128xf32, #tpu.memory_space<vmem_shared>>
    tpu.wait_indirect_dma semaphore(%arg9 : memref<!tpu.dma_semaphore, #tpu.memory_space<semaphore_mem>>) src(%dma_wait3A_1483 : memref<10000x128xf32, #tpu.memory_space<vmem_shared>>) dst(%dma_wait3A_1477 : memref<64x128xf32, #tpu.memory_space<vmem>>)
    %dma_wait3A_1484 = arith.constant 23 : i32
    %dma_wait3A_1485 = arith.constant 0 : i32
    %dma_wait3A_1486 = arith.constant 0 : i32
    %dma_wait3A_1487 = tpu.memref_slice %arg6[%dma_wait3A_1485, %dma_wait3A_1486] : memref<128x128xf32, #tpu.memory_space<vmem>> -> memref<64x128xf32, #tpu.memory_space<vmem>>
    %dma_wait3A_1488 = arith.constant 256 : i32
    %dma_wait3A_1489 = tpu.memref_slice %arg5[%dma_wait3A_1484, %dma_wait3A_1488] : memref<32x320xi32, #tpu.memory_space<vmem>> -> memref<1x64xi32, #tpu.memory_space<vmem>>
    %dma_wait3A_1490 = tpu.memref_squeeze %dma_wait3A_1489 : memref<1x64xi32, #tpu.memory_space<vmem>> -> memref<64xi32, #tpu.memory_space<vmem>>
    %dma_wait3A_1491 = arith.constant 0 : i32
    %dma_wait3A_1492 = arith.constant 0 : i32
    %dma_wait3A_1493 = tpu.memref_slice %arg8[%dma_wait3A_1491, %dma_wait3A_1492] : memref<10000x128xf32, #tpu.memory_space<vmem_shared>> -> memref<10000x128xf32, #tpu.memory_space<vmem_shared>>
    tpu.wait_indirect_dma semaphore(%arg9 : memref<!tpu.dma_semaphore, #tpu.memory_space<semaphore_mem>>) src(%dma_wait3A_1493 : memref<10000x128xf32, #tpu.memory_space<vmem_shared>>) dst(%dma_wait3A_1487 : memref<64x128xf32, #tpu.memory_space<vmem>>)
    %dma_wait3A_1494 = arith.constant 24 : i32
    %dma_wait3A_1495 = arith.constant 0 : i32
    %dma_wait3A_1496 = arith.constant 0 : i32
    %dma_wait3A_1497 = tpu.memref_slice %arg6[%dma_wait3A_1495, %dma_wait3A_1496] : memref<128x128xf32, #tpu.memory_space<vmem>> -> memref<64x128xf32, #tpu.memory_space<vmem>>
    %dma_wait3A_1498 = arith.constant 256 : i32
    %dma_wait3A_1499 = tpu.memref_slice %arg5[%dma_wait3A_1494, %dma_wait3A_1498] : memref<32x320xi32, #tpu.memory_space<vmem>> -> memref<1x64xi32, #tpu.memory_space<vmem>>
    %dma_wait3A_1500 = tpu.memref_squeeze %dma_wait3A_1499 : memref<1x64xi32, #tpu.memory_space<vmem>> -> memref<64xi32, #tpu.memory_space<vmem>>
    %dma_wait3A_1501 = arith.constant 0 : i32
    %dma_wait3A_1502 = arith.constant 0 : i32
    %dma_wait3A_1503 = tpu.memref_slice %arg8[%dma_wait3A_1501, %dma_wait3A_1502] : memref<10000x128xf32, #tpu.memory_space<vmem_shared>> -> memref<10000x128xf32, #tpu.memory_space<vmem_shared>>
    tpu.wait_indirect_dma semaphore(%arg9 : memref<!tpu.dma_semaphore, #tpu.memory_space<semaphore_mem>>) src(%dma_wait3A_1503 : memref<10000x128xf32, #tpu.memory_space<vmem_shared>>) dst(%dma_wait3A_1497 : memref<64x128xf32, #tpu.memory_space<vmem>>)
    %dma_wait3A_1504 = arith.constant 25 : i32
    %dma_wait3A_1505 = arith.constant 0 : i32
    %dma_wait3A_1506 = arith.constant 0 : i32
    %dma_wait3A_1507 = tpu.memref_slice %arg6[%dma_wait3A_1505, %dma_wait3A_1506] : memref<128x128xf32, #tpu.memory_space<vmem>> -> memref<64x128xf32, #tpu.memory_space<vmem>>
    %dma_wait3A_1508 = arith.constant 256 : i32
    %dma_wait3A_1509 = tpu.memref_slice %arg5[%dma_wait3A_1504, %dma_wait3A_1508] : memref<32x320xi32, #tpu.memory_space<vmem>> -> memref<1x64xi32, #tpu.memory_space<vmem>>
    %dma_wait3A_1510 = tpu.memref_squeeze %dma_wait3A_1509 : memref<1x64xi32, #tpu.memory_space<vmem>> -> memref<64xi32, #tpu.memory_space<vmem>>
    %dma_wait3A_1511 = arith.constant 0 : i32
    %dma_wait3A_1512 = arith.constant 0 : i32
    %dma_wait3A_1513 = tpu.memref_slice %arg8[%dma_wait3A_1511, %dma_wait3A_1512] : memref<10000x128xf32, #tpu.memory_space<vmem_shared>> -> memref<10000x128xf32, #tpu.memory_space<vmem_shared>>
    tpu.wait_indirect_dma semaphore(%arg9 : memref<!tpu.dma_semaphore, #tpu.memory_space<semaphore_mem>>) src(%dma_wait3A_1513 : memref<10000x128xf32, #tpu.memory_space<vmem_shared>>) dst(%dma_wait3A_1507 : memref<64x128xf32, #tpu.memory_space<vmem>>)
    %dma_wait3A_1514 = arith.constant 26 : i32
    %dma_wait3A_1515 = arith.constant 0 : i32
    %dma_wait3A_1516 = arith.constant 0 : i32
    %dma_wait3A_1517 = tpu.memref_slice %arg6[%dma_wait3A_1515, %dma_wait3A_1516] : memref<128x128xf32, #tpu.memory_space<vmem>> -> memref<64x128xf32, #tpu.memory_space<vmem>>
    %dma_wait3A_1518 = arith.constant 256 : i32
    %dma_wait3A_1519 = tpu.memref_slice %arg5[%dma_wait3A_1514, %dma_wait3A_1518] : memref<32x320xi32, #tpu.memory_space<vmem>> -> memref<1x64xi32, #tpu.memory_space<vmem>>
    %dma_wait3A_1520 = tpu.memref_squeeze %dma_wait3A_1519 : memref<1x64xi32, #tpu.memory_space<vmem>> -> memref<64xi32, #tpu.memory_space<vmem>>
    %dma_wait3A_1521 = arith.constant 0 : i32
    %dma_wait3A_1522 = arith.constant 0 : i32
    %dma_wait3A_1523 = tpu.memref_slice %arg8[%dma_wait3A_1521, %dma_wait3A_1522] : memref<10000x128xf32, #tpu.memory_space<vmem_shared>> -> memref<10000x128xf32, #tpu.memory_space<vmem_shared>>
    tpu.wait_indirect_dma semaphore(%arg9 : memref<!tpu.dma_semaphore, #tpu.memory_space<semaphore_mem>>) src(%dma_wait3A_1523 : memref<10000x128xf32, #tpu.memory_space<vmem_shared>>) dst(%dma_wait3A_1517 : memref<64x128xf32, #tpu.memory_space<vmem>>)
    %dma_wait3A_1524 = arith.constant 27 : i32
    %dma_wait3A_1525 = arith.constant 0 : i32
    %dma_wait3A_1526 = arith.constant 0 : i32
    %dma_wait3A_1527 = tpu.memref_slice %arg6[%dma_wait3A_1525, %dma_wait3A_1526] : memref<128x128xf32, #tpu.memory_space<vmem>> -> memref<64x128xf32, #tpu.memory_space<vmem>>
    %dma_wait3A_1528 = arith.constant 256 : i32
    %dma_wait3A_1529 = tpu.memref_slice %arg5[%dma_wait3A_1524, %dma_wait3A_1528] : memref<32x320xi32, #tpu.memory_space<vmem>> -> memref<1x64xi32, #tpu.memory_space<vmem>>
    %dma_wait3A_1530 = tpu.memref_squeeze %dma_wait3A_1529 : memref<1x64xi32, #tpu.memory_space<vmem>> -> memref<64xi32, #tpu.memory_space<vmem>>
    %dma_wait3A_1531 = arith.constant 0 : i32
    %dma_wait3A_1532 = arith.constant 0 : i32
    %dma_wait3A_1533 = tpu.memref_slice %arg8[%dma_wait3A_1531, %dma_wait3A_1532] : memref<10000x128xf32, #tpu.memory_space<vmem_shared>> -> memref<10000x128xf32, #tpu.memory_space<vmem_shared>>
    tpu.wait_indirect_dma semaphore(%arg9 : memref<!tpu.dma_semaphore, #tpu.memory_space<semaphore_mem>>) src(%dma_wait3A_1533 : memref<10000x128xf32, #tpu.memory_space<vmem_shared>>) dst(%dma_wait3A_1527 : memref<64x128xf32, #tpu.memory_space<vmem>>)
    %dma_wait3A_1534 = arith.constant 28 : i32
    %dma_wait3A_1535 = arith.constant 0 : i32
    %dma_wait3A_1536 = arith.constant 0 : i32
    %dma_wait3A_1537 = tpu.memref_slice %arg6[%dma_wait3A_1535, %dma_wait3A_1536] : memref<128x128xf32, #tpu.memory_space<vmem>> -> memref<64x128xf32, #tpu.memory_space<vmem>>
    %dma_wait3A_1538 = arith.constant 256 : i32
    %dma_wait3A_1539 = tpu.memref_slice %arg5[%dma_wait3A_1534, %dma_wait3A_1538] : memref<32x320xi32, #tpu.memory_space<vmem>> -> memref<1x64xi32, #tpu.memory_space<vmem>>
    %dma_wait3A_1540 = tpu.memref_squeeze %dma_wait3A_1539 : memref<1x64xi32, #tpu.memory_space<vmem>> -> memref<64xi32, #tpu.memory_space<vmem>>
    %dma_wait3A_1541 = arith.constant 0 : i32
    %dma_wait3A_1542 = arith.constant 0 : i32
    %dma_wait3A_1543 = tpu.memref_slice %arg8[%dma_wait3A_1541, %dma_wait3A_1542] : memref<10000x128xf32, #tpu.memory_space<vmem_shared>> -> memref<10000x128xf32, #tpu.memory_space<vmem_shared>>
    tpu.wait_indirect_dma semaphore(%arg9 : memref<!tpu.dma_semaphore, #tpu.memory_space<semaphore_mem>>) src(%dma_wait3A_1543 : memref<10000x128xf32, #tpu.memory_space<vmem_shared>>) dst(%dma_wait3A_1537 : memref<64x128xf32, #tpu.memory_space<vmem>>)
    %dma_wait3A_1544 = arith.constant 29 : i32
    %dma_wait3A_1545 = arith.constant 0 : i32
    %dma_wait3A_1546 = arith.constant 0 : i32
    %dma_wait3A_1547 = tpu.memref_slice %arg6[%dma_wait3A_1545, %dma_wait3A_1546] : memref<128x128xf32, #tpu.memory_space<vmem>> -> memref<64x128xf32, #tpu.memory_space<vmem>>
    %dma_wait3A_1548 = arith.constant 256 : i32
    %dma_wait3A_1549 = tpu.memref_slice %arg5[%dma_wait3A_1544, %dma_wait3A_1548] : memref<32x320xi32, #tpu.memory_space<vmem>> -> memref<1x64xi32, #tpu.memory_space<vmem>>
    %dma_wait3A_1550 = tpu.memref_squeeze %dma_wait3A_1549 : memref<1x64xi32, #tpu.memory_space<vmem>> -> memref<64xi32, #tpu.memory_space<vmem>>
    %dma_wait3A_1551 = arith.constant 0 : i32
    %dma_wait3A_1552 = arith.constant 0 : i32
    %dma_wait3A_1553 = tpu.memref_slice %arg8[%dma_wait3A_1551, %dma_wait3A_1552] : memref<10000x128xf32, #tpu.memory_space<vmem_shared>> -> memref<10000x128xf32, #tpu.memory_space<vmem_shared>>
    tpu.wait_indirect_dma semaphore(%arg9 : memref<!tpu.dma_semaphore, #tpu.memory_space<semaphore_mem>>) src(%dma_wait3A_1553 : memref<10000x128xf32, #tpu.memory_space<vmem_shared>>) dst(%dma_wait3A_1547 : memref<64x128xf32, #tpu.memory_space<vmem>>)
    %dma_wait3A_1554 = arith.constant 30 : i32
    %dma_wait3A_1555 = arith.constant 0 : i32
    %dma_wait3A_1556 = arith.constant 0 : i32
    %dma_wait3A_1557 = tpu.memref_slice %arg6[%dma_wait3A_1555, %dma_wait3A_1556] : memref<128x128xf32, #tpu.memory_space<vmem>> -> memref<64x128xf32, #tpu.memory_space<vmem>>
    %dma_wait3A_1558 = arith.constant 256 : i32
    %dma_wait3A_1559 = tpu.memref_slice %arg5[%dma_wait3A_1554, %dma_wait3A_1558] : memref<32x320xi32, #tpu.memory_space<vmem>> -> memref<1x64xi32, #tpu.memory_space<vmem>>
    %dma_wait3A_1560 = tpu.memref_squeeze %dma_wait3A_1559 : memref<1x64xi32, #tpu.memory_space<vmem>> -> memref<64xi32, #tpu.memory_space<vmem>>
    %dma_wait3A_1561 = arith.constant 0 : i32
    %dma_wait3A_1562 = arith.constant 0 : i32
    %dma_wait3A_1563 = tpu.memref_slice %arg8[%dma_wait3A_1561, %dma_wait3A_1562] : memref<10000x128xf32, #tpu.memory_space<vmem_shared>> -> memref<10000x128xf32, #tpu.memory_space<vmem_shared>>
    tpu.wait_indirect_dma semaphore(%arg9 : memref<!tpu.dma_semaphore, #tpu.memory_space<semaphore_mem>>) src(%dma_wait3A_1563 : memref<10000x128xf32, #tpu.memory_space<vmem_shared>>) dst(%dma_wait3A_1557 : memref<64x128xf32, #tpu.memory_space<vmem>>)
    %dma_wait3A_1564 = arith.constant 31 : i32
    %dma_wait3A_1565 = arith.constant 0 : i32
    %dma_wait3A_1566 = arith.constant 0 : i32
    %dma_wait3A_1567 = tpu.memref_slice %arg6[%dma_wait3A_1565, %dma_wait3A_1566] : memref<128x128xf32, #tpu.memory_space<vmem>> -> memref<64x128xf32, #tpu.memory_space<vmem>>
    %dma_wait3A_1568 = arith.constant 256 : i32
    %dma_wait3A_1569 = tpu.memref_slice %arg5[%dma_wait3A_1564, %dma_wait3A_1568] : memref<32x320xi32, #tpu.memory_space<vmem>> -> memref<1x64xi32, #tpu.memory_space<vmem>>
    %dma_wait3A_1570 = tpu.memref_squeeze %dma_wait3A_1569 : memref<1x64xi32, #tpu.memory_space<vmem>> -> memref<64xi32, #tpu.memory_space<vmem>>
    %dma_wait3A_1571 = arith.constant 0 : i32
    %dma_wait3A_1572 = arith.constant 0 : i32
    %dma_wait3A_1573 = tpu.memref_slice %arg8[%dma_wait3A_1571, %dma_wait3A_1572] : memref<10000x128xf32, #tpu.memory_space<vmem_shared>> -> memref<10000x128xf32, #tpu.memory_space<vmem_shared>>
    tpu.wait_indirect_dma semaphore(%arg9 : memref<!tpu.dma_semaphore, #tpu.memory_space<semaphore_mem>>) src(%dma_wait3A_1573 : memref<10000x128xf32, #tpu.memory_space<vmem_shared>>) dst(%dma_wait3A_1567 : memref<64x128xf32, #tpu.memory_space<vmem>>)
    %add3A_1574 = arith.constant 256 : i32
    %add3A_1575 = arith.addi %mul3A_2, %add3A_1574 : i32
    %dma_start3A_1576 = arith.constant 0 : i32
    %dma_start3A_1577 = arith.constant 0 : i32
    %dma_start3A_1578 = tpu.memref_slice %arg6[%dma_start3A_1576, %dma_start3A_1577] : memref<128x128xf32, #tpu.memory_space<vmem>> -> memref<64x128xf32, #tpu.memory_space<vmem>>
    %dma_start3A_1579 = arith.constant 0 : i32
    %dma_start3A_1580 = tpu.memref_slice %arg4[%add3A_1575, %dma_start3A_1579] : memref<10240x128xf32, #tpu.memory_space<hbm>> -> memref<64x128xf32, #tpu.memory_space<hbm>>
    %dma_start3A_1581 = arith.constant 0 : i32
    %dma_start3A_1582 = tpu.memref_slice %arg4[%add3A_1575, %dma_start3A_1581] : memref<10240x128xf32, #tpu.memory_space<hbm>> -> memref<64x128xf32, #tpu.memory_space<hbm>>
    %dma_start3A_1583 = arith.constant 0 : i32
    %dma_start3A_1584 = arith.constant 0 : i32
    %dma_start3A_1585 = tpu.memref_slice %arg6[%dma_start3A_1583, %dma_start3A_1584] : memref<128x128xf32, #tpu.memory_space<vmem>> -> memref<64x128xf32, #tpu.memory_space<vmem>>
    tpu.enqueue_dma source(%dma_start3A_1585 : memref<64x128xf32, #tpu.memory_space<vmem>>) target(%dma_start3A_1582 : memref<64x128xf32, #tpu.memory_space<hbm>>) target_semaphore(%arg11 : memref<!tpu.dma_semaphore, #tpu.memory_space<semaphore_mem>>)
    %dma_wait3A_1586 = arith.constant 0 : i32
    %dma_wait3A_1587 = tpu.memref_slice %arg4[%add3A_1249, %dma_wait3A_1586] : memref<10240x128xf32, #tpu.memory_space<hbm>> -> memref<128x128xf32, #tpu.memory_space<hbm>>
    %dma_wait3A_1588 = arith.constant 0 : i32
    %dma_wait3A_1589 = tpu.memref_slice %arg4[%add3A_1249, %dma_wait3A_1588] : memref<10240x128xf32, #tpu.memory_space<hbm>> -> memref<128x128xf32, #tpu.memory_space<hbm>>
    tpu.wait_dma2 semaphore(%arg11 : memref<!tpu.dma_semaphore, #tpu.memory_space<semaphore_mem>>) src(%arg7 : memref<128x128xf32, #tpu.memory_space<vmem>>) dst(%dma_wait3A_1589 : memref<128x128xf32, #tpu.memory_space<hbm>>)
    %dma_wait3A_1590 = arith.constant 0 : i32
    %dma_wait3A_1591 = arith.constant 0 : i32
    %dma_wait3A_1592 = tpu.memref_slice %arg6[%dma_wait3A_1590, %dma_wait3A_1591] : memref<128x128xf32, #tpu.memory_space<vmem>> -> memref<64x128xf32, #tpu.memory_space<vmem>>
    %dma_wait3A_1593 = arith.constant 0 : i32
    %dma_wait3A_1594 = tpu.memref_slice %arg4[%add3A_1575, %dma_wait3A_1593] : memref<10240x128xf32, #tpu.memory_space<hbm>> -> memref<64x128xf32, #tpu.memory_space<hbm>>
    %dma_wait3A_1595 = arith.constant 0 : i32
    %dma_wait3A_1596 = tpu.memref_slice %arg4[%add3A_1575, %dma_wait3A_1595] : memref<10240x128xf32, #tpu.memory_space<hbm>> -> memref<64x128xf32, #tpu.memory_space<hbm>>
    %dma_wait3A_1597 = arith.constant 0 : i32
    %dma_wait3A_1598 = arith.constant 0 : i32
    %dma_wait3A_1599 = tpu.memref_slice %arg6[%dma_wait3A_1597, %dma_wait3A_1598] : memref<128x128xf32, #tpu.memory_space<vmem>> -> memref<64x128xf32, #tpu.memory_space<vmem>>
    tpu.wait_dma2 semaphore(%arg11 : memref<!tpu.dma_semaphore, #tpu.memory_space<semaphore_mem>>) src(%dma_wait3A_1599 : memref<64x128xf32, #tpu.memory_space<vmem>>) dst(%dma_wait3A_1596 : memref<64x128xf32, #tpu.memory_space<hbm>>)
    return
  }
}

module attributes {stable_mosaic.version = 14 : i64} {
  func.func @body(%arg0: i32, %arg1: memref<1024x128xf32, #tpu.memory_space<vmem>>, %arg2: memref<128x128xf32, #tpu.memory_space<vmem>>, %arg3: memref<128x128xf32, #tpu.memory_space<vmem>>, %arg4: memref<1x128xf32, #tpu.memory_space<vmem>>, %arg5: memref<1024x128xbf16, #tpu.memory_space<vmem>>) attributes {dimension_semantics = [#tpu.dimension_semantics<arbitrary>], iteration_bounds = array<i64: 10>, scalar_prefetch = 0 : i64, scratch_operands = 0 : i64, tpu.core_type = #tpu.core_type<tc>, window_params = [{transform_indices = @transform_0, window_bounds = array<i64: 1024, 128>}, {pipeline_mode = #tpu.pipeline_mode<synchronous>, transform_indices = @transform_1, window_bounds = array<i64: 128, 128>}, {pipeline_mode = #tpu.pipeline_mode<synchronous>, transform_indices = @transform_2, window_bounds = array<i64: 128, 128>}, {pipeline_mode = #tpu.pipeline_mode<synchronous>, transform_indices = @transform_3, window_bounds = array<i64: 1, 128>}, {transform_indices = @transform_4, window_bounds = array<i64: 1024, 128>}]} {
    %get3A = arith.constant 0 : index
    %get3A_0 = arith.constant 0 : index
    %get3A_1 = vector.load %arg2[%get3A, %get3A_0] : memref<128x128xf32, #tpu.memory_space<vmem>>, vector<128x128xf32>
    %get3A_2 = arith.constant 0 : index
    %get3A_3 = arith.constant 0 : index
    %get3A_4 = vector.load %arg3[%get3A_2, %get3A_3] : memref<128x128xf32, #tpu.memory_space<vmem>>, vector<128x128xf32>
    %add3A = arith.addf %get3A_1, %get3A_4 : vector<128x128xf32>
    %convert_element_type3A = arith.truncf %add3A : vector<128x128xf32> to vector<128x128xbf16>
    %get3A_5 = arith.constant 0 : index
    %get3A_6 = arith.constant 0 : index
    %get3A_7 = vector.load %arg1[%get3A_5, %get3A_6] : memref<1024x128xf32, #tpu.memory_space<vmem>>, vector<1024x128xf32>
    %convert_element_type3A_8 = arith.truncf %get3A_7 : vector<1024x128xf32> to vector<1024x128xbf16>
    %dot_general3A = arith.constant dense<0.000000e+00> : vector<1024x128xf32>
    %dot_general3A_9 = tpu.matmul %convert_element_type3A_8, %convert_element_type3A, %dot_general3A {dimension_numbers = #tpu.dot_dimension_numbers<[1], [1], [0], [0], [0, 0, 1, 0], [], []>, transpose_lhs_hint = false} : vector<1024x128xbf16>, vector<128x128xbf16>, vector<1024x128xf32> -> vector<1024x128xf32>
    %get3A_10 = arith.constant 0 : index
    %get3A_11 = arith.constant 0 : index
    %get3A_12 = vector.load %arg4[%get3A_10, %get3A_11] : memref<1x128xf32, #tpu.memory_space<vmem>>, vector<1x128xf32>
    %add3A_13 = vector.broadcast %get3A_12 : vector<1x128xf32> to vector<1024x128xf32>
    %add3A_14 = arith.addf %dot_general3A_9, %add3A_13 : vector<1024x128xf32>
    %convert_element_type3A_15 = arith.truncf %add3A_14 : vector<1024x128xf32> to vector<1024x128xbf16>
    %swap3A = arith.constant 0 : index
    %swap3A_16 = arith.constant 0 : index
    %swap3A_17 = vector.load %arg5[%swap3A, %swap3A_16] : memref<1024x128xbf16, #tpu.memory_space<vmem>>, vector<1024x128xbf16>
    tpu.vector_store %arg5[%swap3A, %swap3A_16], %convert_element_type3A_15 {strides = array<i32>} : memref<1024x128xbf16, #tpu.memory_space<vmem>>, vector<1024x128xbf16>,
    return
  }
  func.func @transform_0(%arg0: i32) -> (i32, i32) {
    %c0_i32 = arith.constant 0 : i32
    %c0_i32_0 = arith.constant 0 : i32
    return %arg0, %c0_i32 : i32, i32
  }
  func.func @transform_1(%arg0: i32) -> (i32, i32) {
    %c0_i32 = arith.constant 0 : i32
    %c0_i32_0 = arith.constant 0 : i32
    %c0_i32_1 = arith.constant 0 : i32
    return %c0_i32, %c0_i32_0 : i32, i32
  }
  func.func @transform_2(%arg0: i32) -> (i32, i32) {
    %c0_i32 = arith.constant 0 : i32
    %c0_i32_0 = arith.constant 0 : i32
    %c0_i32_1 = arith.constant 0 : i32
    return %c0_i32, %c0_i32_0 : i32, i32
  }
  func.func @transform_3(%arg0: i32) -> (i32, i32) {
    %c0_i32 = arith.constant 0 : i32
    %c0_i32_0 = arith.constant 0 : i32
    %c0_i32_1 = arith.constant 0 : i32
    return %c0_i32, %c0_i32_0 : i32, i32
  }
  func.func @transform_4(%arg0: i32) -> (i32, i32) {
    %c0_i32 = arith.constant 0 : i32
    %c0_i32_0 = arith.constant 0 : i32
    return %arg0, %c0_i32 : i32, i32
  }
}

module attributes {stable_mosaic.version = 14 : i64} {
  func.func @body(%arg0: i32, %arg1: memref<1024x128xf32, #tpu.memory_space<vmem>>, %arg2: memref<1024x128xbf16, #tpu.memory_space<vmem>>, %arg3: memref<128x128xf32, #tpu.memory_space<vmem>>, %arg4: memref<1024x128xf32, #tpu.memory_space<vmem>>) attributes {dimension_semantics = [#tpu.dimension_semantics<arbitrary>], iteration_bounds = array<i64: 10>, scalar_prefetch = 0 : i64, scratch_operands = 0 : i64, tpu.core_type = #tpu.core_type<tc>, window_params = [{transform_indices = @transform_0, window_bounds = array<i64: 1024, 128>}, {transform_indices = @transform_1, window_bounds = array<i64: 1024, 128>}, {pipeline_mode = #tpu.pipeline_mode<synchronous>, transform_indices = @transform_2, window_bounds = array<i64: 128, 128>}, {transform_indices = @transform_3, window_bounds = array<i64: 1024, 128>}]} {
    %get3A = arith.constant 0 : index
    %get3A_0 = arith.constant 0 : index
    %get3A_1 = vector.load %arg1[%get3A, %get3A_0] : memref<1024x128xf32, #tpu.memory_space<vmem>>, vector<1024x128xf32>
    %mul3A = arith.constant 3.125000e-02 : f32
    %mul3A_2 = vector.broadcast %mul3A : f32 to vector<1024x128xf32>
    %mul3A_3 = arith.mulf %get3A_1, %mul3A_2 : vector<1024x128xf32>
    %convert_element_type3A = arith.truncf %mul3A_3 : vector<1024x128xf32> to vector<1024x128xbf16>
    %get3A_4 = arith.constant 0 : index
    %get3A_5 = arith.constant 0 : index
    %get3A_6 = vector.load %arg2[%get3A_4, %get3A_5] : memref<1024x128xbf16, #tpu.memory_space<vmem>>, vector<1024x128xbf16>
    %get3A_7 = arith.constant 0 : index
    %get3A_8 = arith.constant 0 : index
    %get3A_9 = vector.load %arg3[%get3A_7, %get3A_8] : memref<128x128xf32, #tpu.memory_space<vmem>>, vector<128x128xf32>
    %convert_element_type3A_10 = arith.truncf %get3A_9 : vector<128x128xf32> to vector<128x128xbf16>
    %dot_general3A = arith.constant dense<0.000000e+00> : vector<1024x128xf32>
    %dot_general3A_11 = tpu.matmul %convert_element_type3A, %convert_element_type3A_10, %dot_general3A {dimension_numbers = #tpu.dot_dimension_numbers<[1], [1], [0], [0], [0, 0, 1, 0], [], []>, transpose_lhs_hint = false} : vector<1024x128xbf16>, vector<128x128xbf16>, vector<1024x128xf32> -> vector<1024x128xf32>
    %convert_element_type3A_12 = arith.extf %get3A_6 : vector<1024x128xbf16> to vector<1024x128xf32>
    %add3A = arith.addf %convert_element_type3A_12, %dot_general3A_11 : vector<1024x128xf32>
    %gt3A = arith.constant 0.000000e+00 : f32
    %gt3A_13 = vector.broadcast %gt3A : f32 to vector<1024x128xf32>
    %gt3A_14 = arith.cmpf ogt, %add3A, %gt3A_13 : vector<1024x128xf32>
    %exp3A = math.exp %add3A : vector<1024x128xf32>
    %sub3A = arith.constant 1.000000e+00 : f32
    %sub3A_15 = vector.broadcast %sub3A : f32 to vector<1024x128xf32>
    %sub3A_16 = arith.subf %exp3A, %sub3A_15 : vector<1024x128xf32>
    %select_n3A = arith.select %gt3A_14, %add3A, %sub3A_16 : vector<1024x128xi1>, vector<1024x128xf32>
    %swap3A = arith.constant 0 : index
    %swap3A_17 = arith.constant 0 : index
    %swap3A_18 = vector.load %arg4[%swap3A, %swap3A_17] : memref<1024x128xf32, #tpu.memory_space<vmem>>, vector<1024x128xf32>
    tpu.vector_store %arg4[%swap3A, %swap3A_17], %select_n3A {strides = array<i32>} : memref<1024x128xf32, #tpu.memory_space<vmem>>, vector<1024x128xf32>,
    return
  }
  func.func @transform_0(%arg0: i32) -> (i32, i32) {
    %c0_i32 = arith.constant 0 : i32
    %c0_i32_0 = arith.constant 0 : i32
    return %arg0, %c0_i32 : i32, i32
  }
  func.func @transform_1(%arg0: i32) -> (i32, i32) {
    %c0_i32 = arith.constant 0 : i32
    %c0_i32_0 = arith.constant 0 : i32
    return %arg0, %c0_i32 : i32, i32
  }
  func.func @transform_2(%arg0: i32) -> (i32, i32) {
    %c0_i32 = arith.constant 0 : i32
    %c0_i32_0 = arith.constant 0 : i32
    %c0_i32_1 = arith.constant 0 : i32
    return %c0_i32, %c0_i32_0 : i32, i32
  }
  func.func @transform_3(%arg0: i32) -> (i32, i32) {
    %c0_i32 = arith.constant 0 : i32
    %c0_i32_0 = arith.constant 0 : i32
    return %arg0, %c0_i32 : i32, i32
  }
}

</mosaic_0001>

<sc_bundles>
// kernel: kernel.5.cloned.1.call-start
scs
__scs_entry_jumppad:
0x0: {  	(pc) =	sbr.rel $0x88, $3  }
0x1: {  	(tag) =	ssettag $0x0;
	lr =	simm.s32 $0x1  }
0x2: {  	[smem:$0x3F9B] =	sst lr;
	_ =	strace $0xD0000000  }
0x3: {  	_ = 	snop  }
0x4: {  	_ = 	snop  }
0x5: {  	_ = 	snop  }
0x6: {  	_ = 	snop  }
0x7: {  	_ = 	snop  }
__scs_overlays_trampoline_lowered:
0x8: {  	[smem:$0x3FAA] =	sst s0  }
0x9: {  	[smem:$0x3FAB] =	sst s1  }
0xa: {  	[smem:$0x3FAC] =	sst s2  }
0xb: {  	[smem:$0x3FAD] =	sst s3  }
0xc: {  	[smem:$0x3FAE] =	sst s4  }
0xd: {  	[smem:$0x3FAF] =	sst s5  }
0xe: {  	[smem:$0x3FB0] =	sst s6  }
0xf: {  	[smem:$0x3FB1] =	sst s7  }
0x10: {  	[smem:$0x3FB2] =	sst s8  }
0x11: {  	[smem:$0x3FB3] =	sst s9;
	s0 =	simm.s32 @!p0 $0x0  }
0x12: {  	s1 =	sld [smem:$0x3F99];
	s0 =	simm.s32 @p0 $0x1  }
0x13: {  	[smem:$0x3FB4] =	sst s0;
	s0 =	simm.s32 @!p1 $0x0  }
0x14: {  	s2 =	sld [smem:$0x3F98];
	s0 =	simm.s32 @p1 $0x1  }
0x15: {  	[smem:$0x3FB5] =	sst s0;
	s0 =	simm.s32 @!p2 $0x0  }
0x16: {  	s3 =	sld [smem:$0x3FDB];
	s0 =	simm.s32 @p2 $0x1  }
0x17: {  	s4 =	simm.s32 $0x1BF5;
	[smem:$0x3FB7] =	sst s0  }
0x18: {  	s0 =	sld [smem:$0x3F9A];
	_ =	swait.ge [sflag:s4], $0x0  }
0x19: {  	s7 =	sld [smem:$0x3F9B]  }
0x1a: {  	s8 =	sadd.s32 $0xFFFFE003, lr  }
0x1b: {  	s9 =	sadd.s32 $0xFFFFFEF7, lr;
	s5 =	simm.s32 $0xFFFFFFFF;
	p2 =	slt.u32 s8, $0xFFFFF086  }
0x1c: {  	p1 =	slt.u32 s9, $0xF7A;
	s5 =	simm.s32 @!p2 $0x0  }
0x1d: {  	s5 =	simm.s32 @p1 $0x1;
	p0 =	seq.s32 s7, s2  }
0x1e: {  	s7 =	smul.u32 @!p0 $0xF7A, s2;
	p2 =	seq.s32 @!p0 s5, $0x0  }
0x1f: {  	s9 =	smul.u32 $0xF7A, s1;
	s8 =	simm.s32 @!p0 $0x1BF5;
	p2 =	por !p2, p0  }
0x20: {  	[sflag:s8] =	ssyncset.s32 @!p0 $0xFFFFF086;
	s6 =	sadd.s32 @!p0 s3, s7;
	s7 =	simm.s32 @!p0 $0x108  }
0x21: {  	s3 =	sadd.s32 s3, s9;
	s6 =	sadd.s32 @!p0 $0x88, s6;
	s7 =	simm.s32 @p2 $0x1082  }
0x22: {  	[simem:s7], [sflag:s8] =	dma.local @!p0 [hbm:s6], $0xF7A  }
0x23: {  	s9 =	sor.u32 $0xD0000000, s2;
	s6 =	simm.s32 $0x108;
	_ =	swait.ge @!p0 [sflag:s8], $0x0  }
0x24: {  	s3 =	sadd.s32 $0x88, s3;
	s6 =	simm.s32 @!p1 $0x1082;
	[sflag:s4] =	ssyncset.s32 $0xFFFFF086  }
0x25: {  	[simem:s6], [sflag:s4] =	dma.local [hbm:s3], $0xF7A  }
0x26: {  	[smem:$0x3F9B] =	sst s1;
	(tag) =	ssettag s2;
	_ =	strace s9  }
0x27: {  	s1 =	sld [smem:$0x3FAB]  }
0x28: {  	s2 =	sld [smem:$0x3FAC]  }
0x29: {  	s4 =	sld [smem:$0x3FAE]  }
0x2a: {  	p0 =	seq.s32 s5, $0x0;
	s5 =	sld [smem:$0x3FAF]  }
0x2b: {  	s6 =	sld [smem:$0x3FB0]  }
0x2c: {  	s7 =	sld [smem:$0x3FB1]  }
0x2d: {  	s3 =	simm.s32 $0x108;
	s8 =	sld [smem:$0x3FB2]  }
0x2e: {  	s3 =	simm.s32 @!p0 $0x1082;
	s9 =	sld [smem:$0x3FB3]  }
0x2f: {  	lr =	sadd.s32 s0, s3;
	s0 =	sld [smem:$0x3FAA]  }
0x30: {  	s3 =	sld [smem:$0x3FAD]  }
0x31: {  	[smem:$0x3FB6] =	sst s10  }
0x32: {  	s10 =	sld [smem:$0x3FB4];
	_ =	sdelay $0x3  }
0x33: {  	p0 =	seq.s32 s10, $0x1;
	s10 =	sld [smem:$0x3FB6];
	_ =	sdelay $0x3  }
0x34: {  	[smem:$0x3FB6] =	sst s10  }
0x35: {  	s10 =	sld [smem:$0x3FB5];
	_ =	sdelay $0x3  }
0x36: {  	p1 =	seq.s32 s10, $0x1;
	s10 =	sld [smem:$0x3FB6];
	_ =	sdelay $0x3  }
0x37: {  	[smem:$0x3FB6] =	sst s10  }
0x38: {  	s10 =	sld [smem:$0x3FB7]  }
0x39: {  	_ = 	snop;
	(pc) =	sbr.ind lr, $3  }
0x3a: {  	_ = 	snop  }
0x3b: {  	_ = 	snop  }
0x3c: {  	p2 =	seq.s32 s10, $0x1;
	s10 =	sld [smem:$0x3FB6]  }
0x3d: {  	_ =	shalt  }
0x3e: {  	_ =	shalt  }
0x3f: {  	_ =	shalt  }
0x40: {  	_ =	shalt  }
0x41: {  	_ =	shalt  }
0x42: {  	_ =	shalt  }
0x43: {  	_ =	shalt  }
0x44: {  	_ =	shalt  }
0x45: {  	_ =	shalt  }
0x46: {  	_ =	shalt  }
0x47: {  	_ =	shalt  }
0x48: {  	_ =	shalt  }
0x49: {  	_ =	shalt  }
0x4a: {  	_ =	shalt  }
0x4b: {  	_ =	shalt  }
0x4c: {  	_ =	shalt  }
0x4d: {  	_ =	shalt  }
0x4e: {  	_ =	shalt  }
0x4f: {  	_ =	shalt  }
0x50: {  	_ =	shalt  }
0x51: {  	_ =	shalt  }
0x52: {  	_ =	shalt  }
0x53: {  	_ =	shalt  }
0x54: {  	_ =	shalt  }
0x55: {  	_ =	shalt  }
0x56: {  	_ =	shalt  }
0x57: {  	_ =	shalt  }
0x58: {  	_ =	shalt  }
0x59: {  	_ =	shalt  }
0x5a: {  	_ =	shalt  }
0x5b: {  	_ =	shalt  }
0x5c: {  	_ =	shalt  }
0x5d: {  	_ =	shalt  }
0x5e: {  	_ =	shalt  }
0x5f: {  	_ =	shalt  }
0x60: {  	_ =	shalt  }
0x61: {  	_ =	shalt  }
0x62: {  	_ =	shalt  }
0x63: {  	_ =	shalt  }
0x64: {  	_ =	shalt  }
0x65: {  	_ =	shalt  }
0x66: {  	_ =	shalt  }
0x67: {  	_ =	shalt  }
0x68: {  	_ =	shalt  }
0x69: {  	_ =	shalt  }
0x6a: {  	_ =	shalt  }
0x6b: {  	_ =	shalt  }
0x6c: {  	_ =	shalt  }
0x6d: {  	_ =	shalt  }
0x6e: {  	_ =	shalt  }
0x6f: {  	_ =	shalt  }
0x70: {  	_ =	shalt  }
0x71: {  	_ =	shalt  }
0x72: {  	_ =	shalt  }
0x73: {  	_ =	shalt  }
0x74: {  	_ =	shalt  }
0x75: {  	_ =	shalt  }
0x76: {  	_ =	shalt  }
0x77: {  	_ =	shalt  }
0x78: {  	_ =	shalt  }
0x79: {  	_ =	shalt  }
0x7a: {  	_ =	shalt  }
0x7b: {  	_ =	shalt  }
0x7c: {  	_ =	shalt  }
0x7d: {  	_ =	shalt  }
0x7e: {  	_ =	shalt  }
0x7f: {  	_ =	shalt  }
0x80: {  	_ =	shalt  }
0x81: {  	_ =	shalt  }
0x82: {  	_ =	shalt  }
0x83: {  	_ =	shalt  }
0x84: {  	_ =	shalt  }
0x85: {  	_ =	shalt  }
0x86: {  	_ =	shalt  }
0x87: {  	_ =	shalt  }
.Lfunc_end0:
.L_simem_size_0:
called_computation_lowered:
.L_overlay_start_0:
0x88: {  	s2 =	sld [smem:$0x3FD9]  }
0x89: {  	s3 =	sld [smem:$0x3FFE];
	_ =	sdelay $0x1  }
0x8a: {  	s1 =	srdreg.scid  }
0x8b: {  	s0 =	sand.u32 $0x1, s1  }
0x8c: {  	s17 =	sshll.u32 s0, $0xA;
	s2 =	sadd.s32 s3, s2  }
0x8d: {  	s2 =	sadd.s32 s2, s17  }
0x8e: {  	[smem:$0x3FC2] =	sst s2  }
0x8f: {  	_ = 	snop  }
0x90: {  	s2 =	sld [smem:$0x3FC9]  }
0x91: {  	s18 =	sld [smem:$0x3FD0];
	(tm) =	ssettm $0x1  }
0x92: {  	s4 =	sld [smem:$0x3FFB];
	_ =	sdelay $0x3  }
0x93: {  	_ =	strace s4  }
0x94: {  	s4 =	sld [smem:$0x3FFC];
	_ =	sdelay $0x3  }
0x95: {  	_ =	strace s4  }
0x96: {  	s4 =	sld [smem:$0x3FFD];
	_ =	sdelay $0x3  }
0x97: {  	_ =	strace s4  }
0x98: {  	_ =	strace $0x8FFFFFFF  }
0x99: {  	s19 =	sld [smem:$0x3FDB];
	_ =	sdelay $0x1  }
0x9a: {  	s5 =	simm.s32 $_scs_section_size  }
0x9b: {  	s6 =	simm.s32 $_size__tile_overlayer_lowered;
	s7 =	simm.s32 $_tile_overlayer_lowered  }
0x9c: {  	s22 =	simm.s32 $0x1BFF;
	s21 =	sshll.u32 s7, $0x1;
	s4 =	sadd.s32 s5, s19  }
0x9d: {  	s8 =	simm.s32 $0x0;
	s20 =	sshll.u32 s6, $0x1;
	s6 =	sadd.s32 s21, s4  }
0x9e: {  	[timem:s8], [sflag:s22] =	dma.local [hbm:s6], s20  }
0x9f: {  	_ =	swait.ge [sflag:s22], s20  }
0xa0: {  	s5 =	ssub.s32 $0x0, s20;
	[sflag:s22] =	ssyncset.done $0x0  }
0xa1: {  	[sflag:s22] =	ssyncadd.s32 s5;
	_ =	sdelay $0x1  }
0xa2: {  	s23 =	simm.s32 $0x1B8B  }
0xa3: {  	_ =	swait.ge [sflag:s23], $0x1  }
0xa4: {  	[sflag:s23] =	ssyncset.done $0x0  }
0xa5: {  	s25 =	simm.s32 $0x1B8E;
	s24 =	sld [smem:$0x3FFE];
	[sflag:s23] =	ssyncadd.s32 $0xFFFFFFFF  }
0xa6: {  	s26 =	simm.s32 $execute0_lowered;
	[smem:$0x3FD2] =	sst s25  }
0xa7: {  	s6 =	sshll.u32 s26, $0x1;
	_ =	strace $0x80000046;
	[dreg:$0x1] =	wrdreg $0xFFFFFFFF  }
0xa8: {  	s28 =	simm.s32 $_size_execute0_lowered;
	s4 =	sadd.s32 s4, s6;
	[dreg:$0x0] =	wrdreg $0x0  }
0xa9: {  	s6 =	sshll.u32 s28, $0x1;
	[dreg:$0x2] =	wrdreg s4  }
0xaa: {  	[dreg:$0x3] =	wrdreg s6  }
0xab: {  	[dreg:$0x4] =	wrdreg $0xC0  }
0xac: {  	_ =	task [dreg:s8], $0x5FFFF  }
0xad: {  	[dreg:$0x1] =	wrdreg $0xFFFFFFFF  }
0xae: {  	[dreg:$0x0] =	wrdreg $0x60  }
0xaf: {  	[dreg:$0x2] =	wrdreg s2  }
0xb0: {  	[dreg:$0x3] =	wrdreg s18  }
0xb1: {  	[dreg:$0x4] =	wrdreg s24  }
0xb2: {  	[dreg:$0x5] =	wrdreg $0xB0000  }
0xb3: {  	[dreg:$0x6] =	wrdreg $0x9  }
0xb4: {  	_ =	task.clear_ibuf [dreg:s8], $0x7FFFF;
	_ =	strace $0x90000046  }
0xb5: {  	s29 =	simm.s32 $0x9;
	_ =	strace $0x80000048  }
0xb6: {  	_ =	swait.ge [sflag:s29], $0x1  }
0xb7: {  	[sflag:s29] =	ssyncadd.s32 $0xFFFFFFFF  }
0xb8: {  	_ =	strace $0x90000048  }
0xb9: {  	_ =	sfence  }
0xba: {  	s30 =	sld [smem:$0x0];
	_ =	sdelay $0x2  }
0xbb: {  	s31 =	sshll.u32 s1, $0xD;
	s1 =	sshrl.u32 s1, $0x2  }
0xbc: {  	s3 =	sand.u32 $0x4000, s31;
	s1 =	sadd.s32 s1, s30  }
0xbd: {  	s0 =	sor.u32 s3, s0;
	s1 =	sshll.u32 s1, $0x11  }
0xbe: {  	s0 =	sor.u32 s1, s0  }
0xbf: {  	s0 =	sadd.s32 $0x8F2B, s0  }
0xc0: {  	[sflag:s0] =	ssyncadd.remote.s32 $0x1  }
0xc1: {  	_ =	sfence.sel $0xFFFF  }
0xc2: {  	[dreg:$0x0] =	wrdreg $0xFFFFFFFF;
	(pc) =	sbr.abs _section_cstart, $3  }
0xc3: {  	[dreg:$0x1] =	wrdreg $0xFFFFFFFF  }
0xc4: {  	_ =	task.clear_ibuf [dreg:s8], $0x2FFFF;
	_ =	strace $0x9FFFFFFF  }
0xc5: {  	(tm) =	ssettm $0x7FFFFFFF  }
tec
execute0_lowered:
.L_overlay_start_1:
0x0: {  	(tag) =	ssettag $0x1  }
0x1: {  	s0 =	rddreg [dreg:$0x0]  }
0x2: {  	s3 =	rddreg [dreg:$0x1]  }
0x3: {  	s4 =	rddreg [dreg:$0x2]  }
0x4: {  	s1 =	rddreg [dreg:$0x3];
	s2 =	simm.s32 $0x0  }
0x5: {  	s5 =	srdreg.scid;
	s13 =	stileid.u32;
	s14 =	simm.s32 $0x80  }
0x6: {  	s15 =	simm.s32 $0x3000;
	s28 =	simm.s32 $0x1C00;
	s29 =	simm.s32 $0x2000  }
0x7: {  	s30 =	simm.s32 $0x2400;
	s31 =	simm.s32 $0x2800;
	s17 =	simm.s32 $0x2  }
0x8: {  	[smem:$0x7FF] =	sst s2;
	s5 =	sand.u32 $0x1, s5;
	s8 =	smul.u32 $0x4E000, s13  }
0x9: {  	s4 =	sadd.s32 $0x1600, s4;
	s19 =	sshll.u32 s13, $0x1;
	s20 =	smul.u32 $0x2700, s13  }
0xa: {  	s9 =	sshrl.u32 s13, $0x2;
	s12 =	sadd.s32 $0x124800, s1;
	p0 =	seq.s32 s13, $0xF  }
0xb: {  	s6 =	ssub.s32 $0x2, s5;
	s5 =	sor.u32 s5, s19;
	s9 =	smul.u32 $0xC00, s9  }
0xc: {  	_ =	strace $0x80000047;
	s7 =	sshrl.u32 s6, $0x1;
	s11 =	smul.u32 $0xA000, s5  }
0xd: {  	s8 =	sshrl.u32 s8, $0x2;
	s10 =	sshll.u32 s5, $0x7;
	s5 =	smul.u32 $0x1400, s5  }
0xe: {  	s7 =	ssub.s32 s6, s7;
	s8 =	sadd.s32 s8, s1;
	s6 =	sadd.s32 s0, s20  }
0xf: {  	s10 =	sand.u32 $0x380, s10;
	s0 =	sadd.s32 $0x24900, s0;
	[dreg:$0x5] =	wrdreg s6  }
0x10: {  	s21 =	sor.u32 s9, s10;
	s22 =	sshrl.u32 s11, $0x3;
	[dreg:$0x6] =	wrdreg s0  }
0x11: {  	s24 =	sadd.s32 s4, s5;
	s26 =	smax.u32 s7, $0x1;
	s11 =	sshrl.u32 @p0 s12, $0x3  }
0x12: {  	s5 =	simm.s32 $0x1;
	s7 =	simm.s32 $0x3;
	s9 =	simm.s32 $0x0  }
0x13: {  	s6 =	sshrl.u32 s21, $0x3;
	s23 =	sadd.s32 s4, s22;
	[dreg:$0x7] =	wrdreg s24  }
0x14: {  	[dreg:$0xa] =	wrdreg s26;
	s26 =	simm.s32 $0x1800;
	s4 =	simm.s32 $0x7000  }
0x15: {  	s6 =	sadd.s32 s3, s6;
	s25 =	sadd.s32 $0x800, s23;
	s0 =	sadd.s32 $0x1000, s23  }
0x16: {  	s23 =	simm.s32 $0x1000;
	s3 =	simm.s32 $0x4;
	[dreg:$0x8] =	wrdreg s25  }
0x17: {  	[dreg:$0x9] =	wrdreg s0;
	s0 =	sshll.u32 @!p0 s13, $0x6;
	s13 =	sshrl.u32 @!p0 s8, $0x3  }
0x18: {  	s16 =	sadd.s32 $0x80, s6;
	s18 =	sadd.s32 $0x100, s6;
	s20 =	sadd.s32 $0x3000, s6  }
0x19: {  	s22 =	sadd.s32 $0x3080, s6;
	s24 =	sadd.s32 $0x3100, s6;
	s25 =	simm.s32 $0x1400  }
0x1a: {  	v0 =	vimm.f32 $0.0e+00;
	s8 =	simm.s32 $0x40;
	s12 =	sor.u32 @!p0 $0x1C04, s0;
	s0 =	simm.s32 $0x2C00  }
.LBB2_1:
0x1b: {  	s10 =	simm.s32 @p0 $0x1FC4;
	s19 =	rddreg [dreg:$0x6]  }
0x1c: {  	[spmem:s11], [sflag:s10] =	dma.local @p0 [hbm:s19], $0x2800  }
0x1d: {  	s10 =	simm.s32 @p0 $0x4  }
0x1e: {  	_ =	swait.ge @p0 [sflag:s10], $0x2800  }
0x1f: {  	[sflag:s10] =	ssyncset.done @p0 $0x0  }
0x20: {  	[sflag:s10] =	ssyncadd.s32 @p0 $0xFFFFD800;
	s10 =	rddreg [dreg:$0x5]  }
0x21: {  	[spmem:s13], [sflag:s12] =	dma.local @!p0 [hbm:s10], $0x2700  }
0x22: {  	s10 =	simm.s32 @!p0 $0x4  }
0x23: {  	_ =	swait.ge @!p0 [sflag:s10], $0x2700  }
0x24: {  	[sflag:s10] =	ssyncset.done @!p0 $0x0  }
0x25: {  	[sflag:s10] =	ssyncadd.s32 @!p0 $0xFFFFD900  }
0x26: {  	[tilespmem:s2], [sflag:$0x4] =	stream.strided.gather [hbm4b:s6+s14], $0x400, s15, s14, $0x38;
	[tilespmem:$0x1E880] =	vst v63  }
0x27: {  	s19 =	simm.s32 $0x400  }
0x28: {  	[tilespmem:s19], [sflag:$0x4] =	stream.strided.gather [hbm4b:s16+s14], $0x400, s15, s14, $0x38;
	[tilespmem:$0x1E880] =	vst v63  }
0x29: {  	s21 =	simm.s32 $0x800  }
0x2a: {  	[tilespmem:s21], [sflag:$0x4] =	stream.strided.gather [hbm4b:s18+s14], $0x400, s15, s14, $0x38;
	[tilespmem:$0x1E880] =	vst v63  }
0x2b: {  	s21 =	simm.s32 $0xC00  }
0x2c: {  	[tilespmem:s21], [sflag:$0x4] =	stream.strided.gather [hbm4b:s20+s14], $0x400, s15, s14, $0x38;
	[tilespmem:$0x1E880] =	vst v63  }
0x2d: {  	_ = 	snop  }
0x2e: {  	[tilespmem:s23], [sflag:$0x4] =	stream.strided.gather [hbm4b:s22+s14], $0x400, s15, s14, $0x38;
	[tilespmem:$0x1E880] =	vst v63  }
0x2f: {  	_ = 	snop  }
0x30: {  	[tilespmem:s25], [sflag:$0x4] =	stream.strided.gather [hbm4b:s24+s14], $0x400, s15, s14, $0x38;
	[tilespmem:$0x1E880] =	vst v63  }
0x31: {  	s19 =	sadd.s32 $0x6000, s6  }
0x32: {  	[tilespmem:s26], [sflag:$0x4] =	stream.strided.gather [hbm4b:s19+s14], $0x400, s15, s14, $0x38;
	[tilespmem:$0x1E880] =	vst v63  }
0x33: {  	s19 =	sadd.s32 $0x6080, s6  }
0x34: {  	[tilespmem:s28], [sflag:$0x4] =	stream.strided.gather [hbm4b:s19+s14], $0x400, s15, s14, $0x38;
	[tilespmem:$0x1E880] =	vst v63  }
0x35: {  	s19 =	sadd.s32 $0x6100, s6  }
0x36: {  	[tilespmem:s29], [sflag:$0x4] =	stream.strided.gather [hbm4b:s19+s14], $0x400, s15, s14, $0x38;
	[tilespmem:$0x1E880] =	vst v63  }
0x37: {  	s19 =	sadd.s32 $0x9000, s6  }
0x38: {  	[tilespmem:s30], [sflag:$0x4] =	stream.strided.gather [hbm4b:s19+s14], $0x400, s15, s14, $0x38;
	[tilespmem:$0x1E880] =	vst v63  }
0x39: {  	s19 =	sadd.s32 $0x9080, s6  }
0x3a: {  	[tilespmem:s31], [sflag:$0x4] =	stream.strided.gather [hbm4b:s19+s14], $0x400, s15, s14, $0x38;
	[tilespmem:$0x1E880] =	vst v63  }
0x3b: {  	s19 =	sadd.s32 $0x9100, s6  }
0x3c: {  	[tilespmem:s0], [sflag:$0x4] =	stream.strided.gather [hbm4b:s19+s14], $0x400, s15, s14, $0x38;
	[tilespmem:$0x1E880] =	vst v63  }
0x3d: {  	_ =	swait.ge [sflag:s3], $0x3000  }
0x3e: {  	[sflag:s3] =	ssyncset.done $0x0  }
0x3f: {  	[sflag:s3] =	ssyncadd.s32 $0xFFFFD000  }
0x40: {  	s19 =	simm.s32 $0x3040;
	[bflag:$0x0] =	sbarrier.arrive $0xFFFF  }
0x41: {  	[tilespmem:s19+$0xFFFFFFC0] =	vst v0  }
0x42: {  	[tilespmem:s19+$0x30] =	vst v0  }
0x43: {  	[tilespmem:s19+$0x20] =	vst v0  }
0x44: {  	[tilespmem:s19+$0x10] =	vst v0  }
0x45: {  	[tilespmem:s19+$0x0] =	vst v0  }
0x46: {  	[tilespmem:s19+$0xFFFFFFF0] =	vst v0  }
0x47: {  	s10 =	simm.s32 $0x0;
	[tilespmem:s19+$0xFFFFFFE0] =	vst v0  }
.LBB2_2:
0x48: {  	s10 =	sadd.s32 $0x8, s10;
	[tilespmem:s19+$0xFFFFFFD0] =	vst v0;
	s19 =	sadd.s32 $0x80, s19  }
0x49: {  	[tilespmem:s19+$0xFFFFFFC0] =	vst v0;
	p1 =	slt.u32 s10, $0x3F8  }
0x4a: {  	[tilespmem:s19+$0x30] =	vst v0  }
.Ltmp0:
0x4b: {  	[tilespmem:s19+$0x20] =	vst v0;
	(pc) =	sbr.rel @p1 .LBB2_2-.Ltmp0, $4  }
0x4c: {  	[tilespmem:s19+$0x10] =	vst v0  }
0x4d: {  	[tilespmem:s19+$0x0] =	vst v0  }
0x4e: {  	[tilespmem:s19+$0xFFFFFFF0] =	vst v0  }
0x4f: {  	[tilespmem:s19+$0xFFFFFFE0] =	vst v0  }
0x50: {  	[tilespmem:s19+$0xFFFFFFD0] =	vst v0  }
0x51: {  	[tilespmem:s15], [sflag:$0x1] =	stream.indirect.gather.add.f32 [spmem:s1], $0x80, s2, s14, $0xb8;
	[tilespmem:$0x1E880] =	vst v63  }
0x52: {  	_ = 	snop  }
0x53: {  	[tilespmem:s15], [sflag:$0x1] =	stream.indirect.gather.add.f32 [spmem:s1], $0x80, s14, s14, $0xb8;
	[tilespmem:$0x1E880] =	vst v63  }
0x54: {  	s10 =	simm.s32 $0x100  }
0x55: {  	[tilespmem:s15], [sflag:$0x1] =	stream.indirect.gather.add.f32 [spmem:s1], $0x80, s10, s14, $0xb8;
	[tilespmem:$0x1E880] =	vst v63  }
0x56: {  	s19 =	simm.s32 $0x180  }
0x57: {  	[tilespmem:s15], [sflag:$0x1] =	stream.indirect.gather.add.f32 [spmem:s1], $0x80, s19, s14, $0xb8;
	[tilespmem:$0x1E880] =	vst v63  }
0x58: {  	s19 =	simm.s32 $0x200  }
0x59: {  	[tilespmem:s15], [sflag:$0x1] =	stream.indirect.gather.add.f32 [spmem:s1], $0x80, s19, s14, $0xb8;
	[tilespmem:$0x1E880] =	vst v63  }
0x5a: {  	s19 =	simm.s32 $0x280  }
0x5b: {  	[tilespmem:s15], [sflag:$0x1] =	stream.indirect.gather.add.f32 [spmem:s1], $0x80, s19, s14, $0xb8;
	[tilespmem:$0x1E880] =	vst v63  }
0x5c: {  	s19 =	simm.s32 $0x300  }
0x5d: {  	[tilespmem:s15], [sflag:$0x1] =	stream.indirect.gather.add.f32 [spmem:s1], $0x80, s19, s14, $0xb8;
	[tilespmem:$0x1E880] =	vst v63  }
0x5e: {  	s19 =	simm.s32 $0x380  }
0x5f: {  	[tilespmem:s15], [sflag:$0x1] =	stream.indirect.gather.add.f32 [spmem:s1], $0x80, s19, s14, $0xb8;
	[tilespmem:$0x1E880] =	vst v63  }
0x60: {  	_ = 	snop  }
0x61: {  	[tilespmem:s15], [sflag:$0x1] =	stream.indirect.gather.add.f32 [spmem:s1], $0x80, s21, s14, $0xb8;
	[tilespmem:$0x1E880] =	vst v63  }
0x62: {  	s21 =	simm.s32 $0xC80  }
0x63: {  	[tilespmem:s15], [sflag:$0x1] =	stream.indirect.gather.add.f32 [spmem:s1], $0x80, s21, s14, $0xb8;
	[tilespmem:$0x1E880] =	vst v63  }
0x64: {  	s19 =	simm.s32 $0xD00  }
0x65: {  	[tilespmem:s15], [sflag:$0x1] =	stream.indirect.gather.add.f32 [spmem:s1], $0x80, s19, s14, $0xb8;
	[tilespmem:$0x1E880] =	vst v63  }
0x66: {  	s21 =	simm.s32 $0xD80  }
0x67: {  	[tilespmem:s15], [sflag:$0x1] =	stream.indirect.gather.add.f32 [spmem:s1], $0x80, s21, s14, $0xb8;
	[tilespmem:$0x1E880] =	vst v63  }
0x68: {  	s19 =	simm.s32 $0xE00  }
0x69: {  	[tilespmem:s15], [sflag:$0x1] =	stream.indirect.gather.add.f32 [spmem:s1], $0x80, s19, s14, $0xb8;
	[tilespmem:$0x1E880] =	vst v63  }
0x6a: {  	s21 =	simm.s32 $0xE80  }
0x6b: {  	[tilespmem:s15], [sflag:$0x1] =	stream.indirect.gather.add.f32 [spmem:s1], $0x80, s21, s14, $0xb8;
	[tilespmem:$0x1E880] =	vst v63  }
0x6c: {  	s19 =	simm.s32 $0xF00  }
0x6d: {  	[tilespmem:s15], [sflag:$0x1] =	stream.indirect.gather.add.f32 [spmem:s1], $0x80, s19, s14, $0xb8;
	[tilespmem:$0x1E880] =	vst v63  }
0x6e: {  	s21 =	simm.s32 $0xF80  }
0x6f: {  	[tilespmem:s15], [sflag:$0x1] =	stream.indirect.gather.add.f32 [spmem:s1], $0x80, s21, s14, $0xb8;
	[tilespmem:$0x1E880] =	vst v63  }
0x70: {  	_ = 	snop  }
0x71: {  	[tilespmem:s15], [sflag:$0x1] =	stream.indirect.gather.add.f32 [spmem:s1], $0x80, s26, s14, $0xb8;
	[tilespmem:$0x1E880] =	vst v63  }
0x72: {  	s19 =	simm.s32 $0x1880  }
0x73: {  	[tilespmem:s15], [sflag:$0x1] =	stream.indirect.gather.add.f32 [spmem:s1], $0x80, s19, s14, $0xb8;
	[tilespmem:$0x1E880] =	vst v63  }
0x74: {  	s21 =	simm.s32 $0x1900  }
0x75: {  	[tilespmem:s15], [sflag:$0x1] =	stream.indirect.gather.add.f32 [spmem:s1], $0x80, s21, s14, $0xb8;
	[tilespmem:$0x1E880] =	vst v63  }
0x76: {  	s19 =	simm.s32 $0x1980  }
0x77: {  	[tilespmem:s15], [sflag:$0x1] =	stream.indirect.gather.add.f32 [spmem:s1], $0x80, s19, s14, $0xb8;
	[tilespmem:$0x1E880] =	vst v63  }
0x78: {  	s21 =	simm.s32 $0x1A00  }
0x79: {  	[tilespmem:s15], [sflag:$0x1] =	stream.indirect.gather.add.f32 [spmem:s1], $0x80, s21, s14, $0xb8;
	[tilespmem:$0x1E880] =	vst v63  }
0x7a: {  	s19 =	simm.s32 $0x1A80  }
0x7b: {  	[tilespmem:s15], [sflag:$0x1] =	stream.indirect.gather.add.f32 [spmem:s1], $0x80, s19, s14, $0xb8;
	[tilespmem:$0x1E880] =	vst v63  }
0x7c: {  	s21 =	simm.s32 $0x1B00  }
0x7d: {  	[tilespmem:s15], [sflag:$0x1] =	stream.indirect.gather.add.f32 [spmem:s1], $0x80, s21, s14, $0xb8;
	[tilespmem:$0x1E880] =	vst v63  }
0x7e: {  	s19 =	simm.s32 $0x1B80  }
0x7f: {  	[tilespmem:s15], [sflag:$0x1] =	stream.indirect.gather.add.f32 [spmem:s1], $0x80, s19, s14, $0xb8;
	[tilespmem:$0x1E880] =	vst v63  }
0x80: {  	_ = 	snop  }
0x81: {  	[tilespmem:s15], [sflag:$0x1] =	stream.indirect.gather.add.f32 [spmem:s1], $0x80, s30, s14, $0xb8;
	[tilespmem:$0x1E880] =	vst v63  }
0x82: {  	s21 =	simm.s32 $0x2480  }
0x83: {  	[tilespmem:s15], [sflag:$0x1] =	stream.indirect.gather.add.f32 [spmem:s1], $0x80, s21, s14, $0xb8;
	[tilespmem:$0x1E880] =	vst v63  }
0x84: {  	s19 =	simm.s32 $0x2500  }
0x85: {  	[tilespmem:s15], [sflag:$0x1] =	stream.indirect.gather.add.f32 [spmem:s1], $0x80, s19, s14, $0xb8;
	[tilespmem:$0x1E880] =	vst v63  }
0x86: {  	s21 =	simm.s32 $0x2580  }
0x87: {  	[tilespmem:s15], [sflag:$0x1] =	stream.indirect.gather.add.f32 [spmem:s1], $0x80, s21, s14, $0xb8;
	[tilespmem:$0x1E880] =	vst v63  }
0x88: {  	s19 =	simm.s32 $0x2600  }
0x89: {  	[tilespmem:s15], [sflag:$0x1] =	stream.indirect.gather.add.f32 [spmem:s1], $0x80, s19, s14, $0xb8;
	[tilespmem:$0x1E880] =	vst v63  }
0x8a: {  	s21 =	simm.s32 $0x2680  }
0x8b: {  	[tilespmem:s15], [sflag:$0x1] =	stream.indirect.gather.add.f32 [spmem:s1], $0x80, s21, s14, $0xb8;
	[tilespmem:$0x1E880] =	vst v63  }
0x8c: {  	s19 =	simm.s32 $0x2700  }
0x8d: {  	[tilespmem:s15], [sflag:$0x1] =	stream.indirect.gather.add.f32 [spmem:s1], $0x80, s19, s14, $0xb8;
	[tilespmem:$0x1E880] =	vst v63  }
0x8e: {  	s21 =	simm.s32 $0x2780;
	s19 =	simm.s32 $0x7040  }
0x8f: {  	[tilespmem:s15], [sflag:$0x1] =	stream.indirect.gather.add.f32 [spmem:s1], $0x80, s21, s14, $0xb8;
	[tilespmem:$0x1E880] =	vst v63  }
0x90: {  	[tilespmem:s19+$0xFFFFFFC0] =	vst v0  }
0x91: {  	[tilespmem:s19+$0x30] =	vst v0  }
0x92: {  	[tilespmem:s19+$0x20] =	vst v0  }
0x93: {  	[tilespmem:s19+$0x10] =	vst v0  }
0x94: {  	[tilespmem:s19+$0x0] =	vst v0  }
0x95: {  	[tilespmem:s19+$0xFFFFFFF0] =	vst v0  }
0x96: {  	s10 =	simm.s32 $0x0;
	[tilespmem:s19+$0xFFFFFFE0] =	vst v0  }
.LBB2_4:
0x97: {  	s10 =	sadd.s32 $0x8, s10;
	[tilespmem:s19+$0xFFFFFFD0] =	vst v0;
	s19 =	sadd.s32 $0x80, s19  }
0x98: {  	[tilespmem:s19+$0xFFFFFFC0] =	vst v0;
	p1 =	slt.u32 s10, $0x3F8  }
0x99: {  	[tilespmem:s19+$0x30] =	vst v0  }
.Ltmp1:
0x9a: {  	[tilespmem:s19+$0x20] =	vst v0;
	(pc) =	sbr.rel @p1 .LBB2_4-.Ltmp1, $4  }
0x9b: {  	[tilespmem:s19+$0x10] =	vst v0  }
0x9c: {  	[tilespmem:s19+$0x0] =	vst v0  }
0x9d: {  	[tilespmem:s19+$0xFFFFFFF0] =	vst v0  }
0x9e: {  	[tilespmem:s19+$0xFFFFFFE0] =	vst v0  }
0x9f: {  	[tilespmem:s19+$0xFFFFFFD0] =	vst v0;
	s10 =	simm.s32 $0x400  }
0xa0: {  	[tilespmem:s4], [sflag:$0x2] =	stream.indirect.gather.add.f32 [spmem:s1], $0x80, s10, s14, $0xb8;
	[tilespmem:$0x1E880] =	vst v63  }
0xa1: {  	s21 =	simm.s32 $0x480  }
0xa2: {  	[tilespmem:s4], [sflag:$0x2] =	stream.indirect.gather.add.f32 [spmem:s1], $0x80, s21, s14, $0xb8;
	[tilespmem:$0x1E880] =	vst v63  }
0xa3: {  	s19 =	simm.s32 $0x500  }
0xa4: {  	[tilespmem:s4], [sflag:$0x2] =	stream.indirect.gather.add.f32 [spmem:s1], $0x80, s19, s14, $0xb8;
	[tilespmem:$0x1E880] =	vst v63  }
0xa5: {  	s21 =	simm.s32 $0x580  }
0xa6: {  	[tilespmem:s4], [sflag:$0x2] =	stream.indirect.gather.add.f32 [spmem:s1], $0x80, s21, s14, $0xb8;
	[tilespmem:$0x1E880] =	vst v63  }
0xa7: {  	s19 =	simm.s32 $0x600  }
0xa8: {  	[tilespmem:s4], [sflag:$0x2] =	stream.indirect.gather.add.f32 [spmem:s1], $0x80, s19, s14, $0xb8;
	[tilespmem:$0x1E880] =	vst v63  }
0xa9: {  	s21 =	simm.s32 $0x680  }
0xaa: {  	[tilespmem:s4], [sflag:$0x2] =	stream.indirect.gather.add.f32 [spmem:s1], $0x80, s21, s14, $0xb8;
	[tilespmem:$0x1E880] =	vst v63  }
0xab: {  	s19 =	simm.s32 $0x700  }
0xac: {  	[tilespmem:s4], [sflag:$0x2] =	stream.indirect.gather.add.f32 [spmem:s1], $0x80, s19, s14, $0xb8;
	[tilespmem:$0x1E880] =	vst v63  }
0xad: {  	s21 =	simm.s32 $0x780  }
0xae: {  	[tilespmem:s4], [sflag:$0x2] =	stream.indirect.gather.add.f32 [spmem:s1], $0x80, s21, s14, $0xb8;
	[tilespmem:$0x1E880] =	vst v63  }
0xaf: {  	_ = 	snop  }
0xb0: {  	[tilespmem:s4], [sflag:$0x2] =	stream.indirect.gather.add.f32 [spmem:s1], $0x80, s23, s14, $0xb8;
	[tilespmem:$0x1E880] =	vst v63  }
0xb1: {  	s19 =	simm.s32 $0x1080  }
0xb2: {  	[tilespmem:s4], [sflag:$0x2] =	stream.indirect.gather.add.f32 [spmem:s1], $0x80, s19, s14, $0xb8;
	[tilespmem:$0x1E880] =	vst v63  }
0xb3: {  	s21 =	simm.s32 $0x1100  }
0xb4: {  	[tilespmem:s4], [sflag:$0x2] =	stream.indirect.gather.add.f32 [spmem:s1], $0x80, s21, s14, $0xb8;
	[tilespmem:$0x1E880] =	vst v63  }
0xb5: {  	s19 =	simm.s32 $0x1180  }
0xb6: {  	[tilespmem:s4], [sflag:$0x2] =	stream.indirect.gather.add.f32 [spmem:s1], $0x80, s19, s14, $0xb8;
	[tilespmem:$0x1E880] =	vst v63  }
0xb7: {  	s21 =	simm.s32 $0x1200  }
0xb8: {  	[tilespmem:s4], [sflag:$0x2] =	stream.indirect.gather.add.f32 [spmem:s1], $0x80, s21, s14, $0xb8;
	[tilespmem:$0x1E880] =	vst v63  }
0xb9: {  	s19 =	simm.s32 $0x1280  }
0xba: {  	[tilespmem:s4], [sflag:$0x2] =	stream.indirect.gather.add.f32 [spmem:s1], $0x80, s19, s14, $0xb8;
	[tilespmem:$0x1E880] =	vst v63  }
0xbb: {  	s21 =	simm.s32 $0x1300  }
0xbc: {  	[tilespmem:s4], [sflag:$0x2] =	stream.indirect.gather.add.f32 [spmem:s1], $0x80, s21, s14, $0xb8;
	[tilespmem:$0x1E880] =	vst v63  }
0xbd: {  	s19 =	simm.s32 $0x1380  }
0xbe: {  	[tilespmem:s4], [sflag:$0x2] =	stream.indirect.gather.add.f32 [spmem:s1], $0x80, s19, s14, $0xb8;
	[tilespmem:$0x1E880] =	vst v63  }
0xbf: {  	_ = 	snop  }
0xc0: {  	[tilespmem:s4], [sflag:$0x2] =	stream.indirect.gather.add.f32 [spmem:s1], $0x80, s28, s14, $0xb8;
	[tilespmem:$0x1E880] =	vst v63  }
0xc1: {  	s21 =	simm.s32 $0x1C80  }
0xc2: {  	[tilespmem:s4], [sflag:$0x2] =	stream.indirect.gather.add.f32 [spmem:s1], $0x80, s21, s14, $0xb8;
	[tilespmem:$0x1E880] =	vst v63  }
0xc3: {  	s19 =	simm.s32 $0x1D00  }
0xc4: {  	[tilespmem:s4], [sflag:$0x2] =	stream.indirect.gather.add.f32 [spmem:s1], $0x80, s19, s14, $0xb8;
	[tilespmem:$0x1E880] =	vst v63  }
0xc5: {  	s21 =	simm.s32 $0x1D80  }
0xc6: {  	[tilespmem:s4], [sflag:$0x2] =	stream.indirect.gather.add.f32 [spmem:s1], $0x80, s21, s14, $0xb8;
	[tilespmem:$0x1E880] =	vst v63  }
0xc7: {  	s19 =	simm.s32 $0x1E00  }
0xc8: {  	[tilespmem:s4], [sflag:$0x2] =	stream.indirect.gather.add.f32 [spmem:s1], $0x80, s19, s14, $0xb8;
	[tilespmem:$0x1E880] =	vst v63  }
0xc9: {  	s21 =	simm.s32 $0x1E80  }
0xca: {  	[tilespmem:s4], [sflag:$0x2] =	stream.indirect.gather.add.f32 [spmem:s1], $0x80, s21, s14, $0xb8;
	[tilespmem:$0x1E880] =	vst v63  }
0xcb: {  	s19 =	simm.s32 $0x1F00  }
0xcc: {  	[tilespmem:s4], [sflag:$0x2] =	stream.indirect.gather.add.f32 [spmem:s1], $0x80, s19, s14, $0xb8;
	[tilespmem:$0x1E880] =	vst v63  }
0xcd: {  	s21 =	simm.s32 $0x1F80  }
0xce: {  	[tilespmem:s4], [sflag:$0x2] =	stream.indirect.gather.add.f32 [spmem:s1], $0x80, s21, s14, $0xb8;
	[tilespmem:$0x1E880] =	vst v63  }
0xcf: {  	_ = 	snop  }
0xd0: {  	[tilespmem:s4], [sflag:$0x2] =	stream.indirect.gather.add.f32 [spmem:s1], $0x80, s31, s14, $0xb8;
	[tilespmem:$0x1E880] =	vst v63  }
0xd1: {  	s19 =	simm.s32 $0x2880  }
0xd2: {  	[tilespmem:s4], [sflag:$0x2] =	stream.indirect.gather.add.f32 [spmem:s1], $0x80, s19, s14, $0xb8;
	[tilespmem:$0x1E880] =	vst v63  }
0xd3: {  	s21 =	simm.s32 $0x2900  }
0xd4: {  	[tilespmem:s4], [sflag:$0x2] =	stream.indirect.gather.add.f32 [spmem:s1], $0x80, s21, s14, $0xb8;
	[tilespmem:$0x1E880] =	vst v63  }
0xd5: {  	s19 =	simm.s32 $0x2980  }
0xd6: {  	[tilespmem:s4], [sflag:$0x2] =	stream.indirect.gather.add.f32 [spmem:s1], $0x80, s19, s14, $0xb8;
	[tilespmem:$0x1E880] =	vst v63  }
0xd7: {  	s21 =	simm.s32 $0x2A00  }
0xd8: {  	[tilespmem:s4], [sflag:$0x2] =	stream.indirect.gather.add.f32 [spmem:s1], $0x80, s21, s14, $0xb8;
	[tilespmem:$0x1E880] =	vst v63  }
0xd9: {  	s19 =	simm.s32 $0x2A80  }
0xda: {  	[tilespmem:s4], [sflag:$0x2] =	stream.indirect.gather.add.f32 [spmem:s1], $0x80, s19, s14, $0xb8;
	[tilespmem:$0x1E880] =	vst v63  }
0xdb: {  	s21 =	simm.s32 $0x2B00  }
0xdc: {  	[tilespmem:s4], [sflag:$0x2] =	stream.indirect.gather.add.f32 [spmem:s1], $0x80, s21, s14, $0xb8;
	[tilespmem:$0x1E880] =	vst v63  }
0xdd: {  	s19 =	simm.s32 $0x2B80  }
0xde: {  	[tilespmem:s4], [sflag:$0x2] =	stream.indirect.gather.add.f32 [spmem:s1], $0x80, s19, s14, $0xb8;
	[tilespmem:$0x1E880] =	vst v63  }
0xdf: {  	_ =	swait.ge [sflag:s5], $0x4000  }
0xe0: {  	[sflag:s5] =	ssyncset.done $0x0  }
0xe1: {  	[sflag:s5] =	ssyncadd.s32 $0xFFFFC000  }
0xe2: {  	_ =	swait.ge [sflag:s5], $0x4000  }
0xe3: {  	[sflag:s5] =	ssyncset.done $0x0  }
0xe4: {  	[sflag:s5] =	ssyncadd.s32 $0xFFFFC000  }
0xe5: {  	_ =	swait.ge [sflag:s5], $0x4000  }
0xe6: {  	[sflag:s5] =	ssyncset.done $0x0  }
0xe7: {  	[sflag:s5] =	ssyncadd.s32 $0xFFFFC000  }
0xe8: {  	_ =	swait.ge [sflag:s5], $0x4000  }
0xe9: {  	[sflag:s5] =	ssyncset.done $0x0  }
0xea: {  	[sflag:s5] =	ssyncadd.s32 $0xFFFFC000  }
0xeb: {  	_ =	swait.ge [sflag:s5], $0x4000  }
0xec: {  	[sflag:s5] =	ssyncset.done $0x0  }
0xed: {  	[sflag:s5] =	ssyncadd.s32 $0xFFFFC000  }
0xee: {  	_ =	swait.ge [sflag:s5], $0x4000  }
0xef: {  	[sflag:s5] =	ssyncset.done $0x0  }
0xf0: {  	[sflag:s5] =	ssyncadd.s32 $0xFFFFC000  }
0xf1: {  	_ =	swait.ge [sflag:s5], $0x4000  }
0xf2: {  	[sflag:s5] =	ssyncset.done $0x0  }
0xf3: {  	[sflag:s5] =	ssyncadd.s32 $0xFFFFC000  }
0xf4: {  	_ =	swait.ge [sflag:s5], $0x4000  }
0xf5: {  	[sflag:s5] =	ssyncset.done $0x0  }
0xf6: {  	[sflag:s5] =	ssyncadd.s32 $0xFFFFC000  }
0xf7: {  	_ =	swait.ge [sflag:s5], $0x4000  }
0xf8: {  	[sflag:s5] =	ssyncset.done $0x0  }
0xf9: {  	[sflag:s5] =	ssyncadd.s32 $0xFFFFC000  }
0xfa: {  	_ =	swait.ge [sflag:s5], $0x4000  }
0xfb: {  	[sflag:s5] =	ssyncset.done $0x0  }
0xfc: {  	[sflag:s5] =	ssyncadd.s32 $0xFFFFC000  }
0xfd: {  	_ =	swait.ge [sflag:s5], $0x4000  }
0xfe: {  	[sflag:s5] =	ssyncset.done $0x0  }
0xff: {  	[sflag:s5] =	ssyncadd.s32 $0xFFFFC000  }
0x100: {  	_ =	swait.ge [sflag:s5], $0x4000  }
0x101: {  	[sflag:s5] =	ssyncset.done $0x0  }
0x102: {  	[sflag:s5] =	ssyncadd.s32 $0xFFFFC000  }
0x103: {  	_ =	swait.ge [sflag:s5], $0x4000  }
0x104: {  	[sflag:s5] =	ssyncset.done $0x0  }
0x105: {  	[sflag:s5] =	ssyncadd.s32 $0xFFFFC000  }
0x106: {  	_ =	swait.ge [sflag:s5], $0x4000  }
0x107: {  	[sflag:s5] =	ssyncset.done $0x0  }
0x108: {  	[sflag:s5] =	ssyncadd.s32 $0xFFFFC000  }
0x109: {  	_ =	swait.ge [sflag:s5], $0x4000  }
0x10a: {  	[sflag:s5] =	ssyncset.done $0x0  }
0x10b: {  	[sflag:s5] =	ssyncadd.s32 $0xFFFFC000  }
0x10c: {  	_ =	swait.ge [sflag:s5], $0x4000  }
0x10d: {  	[sflag:s5] =	ssyncset.done $0x0  }
0x10e: {  	[sflag:s5] =	ssyncadd.s32 $0xFFFFC000  }
0x10f: {  	_ =	swait.ge [sflag:s5], $0x4000  }
0x110: {  	[sflag:s5] =	ssyncset.done $0x0  }
0x111: {  	[sflag:s5] =	ssyncadd.s32 $0xFFFFC000  }
0x112: {  	_ =	swait.ge [sflag:s5], $0x4000  }
0x113: {  	[sflag:s5] =	ssyncset.done $0x0  }
0x114: {  	[sflag:s5] =	ssyncadd.s32 $0xFFFFC000  }
0x115: {  	_ =	swait.ge [sflag:s5], $0x4000  }
0x116: {  	[sflag:s5] =	ssyncset.done $0x0  }
0x117: {  	[sflag:s5] =	ssyncadd.s32 $0xFFFFC000  }
0x118: {  	_ =	swait.ge [sflag:s5], $0x4000  }
0x119: {  	[sflag:s5] =	ssyncset.done $0x0  }
0x11a: {  	[sflag:s5] =	ssyncadd.s32 $0xFFFFC000  }
0x11b: {  	_ =	swait.ge [sflag:s5], $0x4000  }
0x11c: {  	[sflag:s5] =	ssyncset.done $0x0  }
0x11d: {  	[sflag:s5] =	ssyncadd.s32 $0xFFFFC000  }
0x11e: {  	_ =	swait.ge [sflag:s5], $0x4000  }
0x11f: {  	[sflag:s5] =	ssyncset.done $0x0  }
0x120: {  	[sflag:s5] =	ssyncadd.s32 $0xFFFFC000  }
0x121: {  	_ =	swait.ge [sflag:s5], $0x4000  }
0x122: {  	[sflag:s5] =	ssyncset.done $0x0  }
0x123: {  	[sflag:s5] =	ssyncadd.s32 $0xFFFFC000  }
0x124: {  	_ =	swait.ge [sflag:s5], $0x4000  }
0x125: {  	[sflag:s5] =	ssyncset.done $0x0  }
0x126: {  	[sflag:s5] =	ssyncadd.s32 $0xFFFFC000  }
0x127: {  	_ =	swait.ge [sflag:s5], $0x4000  }
0x128: {  	[sflag:s5] =	ssyncset.done $0x0  }
0x129: {  	[sflag:s5] =	ssyncadd.s32 $0xFFFFC000  }
0x12a: {  	_ =	swait.ge [sflag:s5], $0x4000  }
0x12b: {  	[sflag:s5] =	ssyncset.done $0x0  }
0x12c: {  	[sflag:s5] =	ssyncadd.s32 $0xFFFFC000  }
0x12d: {  	_ =	swait.ge [sflag:s5], $0x4000  }
0x12e: {  	[sflag:s5] =	ssyncset.done $0x0  }
0x12f: {  	[sflag:s5] =	ssyncadd.s32 $0xFFFFC000  }
0x130: {  	_ =	swait.ge [sflag:s5], $0x4000  }
0x131: {  	[sflag:s5] =	ssyncset.done $0x0  }
0x132: {  	[sflag:s5] =	ssyncadd.s32 $0xFFFFC000  }
0x133: {  	_ =	swait.ge [sflag:s5], $0x4000  }
0x134: {  	[sflag:s5] =	ssyncset.done $0x0  }
0x135: {  	[sflag:s5] =	ssyncadd.s32 $0xFFFFC000  }
0x136: {  	_ =	swait.ge [sflag:s5], $0x4000  }
0x137: {  	[sflag:s5] =	ssyncset.done $0x0  }
0x138: {  	[sflag:s5] =	ssyncadd.s32 $0xFFFFC000  }
0x139: {  	_ =	swait.ge [sflag:s5], $0x4000  }
0x13a: {  	[sflag:s5] =	ssyncset.done $0x0  }
0x13b: {  	[sflag:s5] =	ssyncadd.s32 $0xFFFFC000  }
0x13c: {  	_ =	swait.ge [sflag:s5], $0x4000  }
0x13d: {  	[sflag:s5] =	ssyncset.done $0x0  }
0x13e: {  	s21 =	rddreg [dreg:$0x7];
	[sflag:s5] =	ssyncadd.s32 $0xFFFFC000  }
0x13f: {  	[hbm4b:s21+s2] =	stream.linear.scatter [tilespmem:s15], [sflag:$0x3], $0x4000, $0x38;
	[tilespmem:$0x1E880] =	vst v63  }
0x140: {  	_ =	swait.ge [sflag:s7], $0x4000  }
0x141: {  	[sflag:s7] =	ssyncset.done $0x0  }
0x142: {  	s19 =	simm.s32 $0x3040;
	[sflag:s7] =	ssyncadd.s32 $0xFFFFC000  }
0x143: {  	[tilespmem:s19+$0xFFFFFFC0] =	vst v0  }
0x144: {  	[tilespmem:s19+$0x30] =	vst v0  }
0x145: {  	[tilespmem:s19+$0x20] =	vst v0  }
0x146: {  	[tilespmem:s19+$0x10] =	vst v0  }
0x147: {  	[tilespmem:s19+$0x0] =	vst v0  }
0x148: {  	[tilespmem:s19+$0xFFFFFFF0] =	vst v0  }
0x149: {  	s10 =	simm.s32 $0x0;
	[tilespmem:s19+$0xFFFFFFE0] =	vst v0  }
.LBB2_6:
0x14a: {  	s10 =	sadd.s32 $0x8, s10;
	[tilespmem:s19+$0xFFFFFFD0] =	vst v0;
	s19 =	sadd.s32 $0x80, s19  }
0x14b: {  	[tilespmem:s19+$0xFFFFFFC0] =	vst v0;
	p1 =	slt.u32 s10, $0x1F8  }
0x14c: {  	[tilespmem:s19+$0x30] =	vst v0  }
.Ltmp2:
0x14d: {  	[tilespmem:s19+$0x20] =	vst v0;
	(pc) =	sbr.rel @p1 .LBB2_6-.Ltmp2, $4  }
0x14e: {  	[tilespmem:s19+$0x10] =	vst v0  }
0x14f: {  	[tilespmem:s19+$0x0] =	vst v0  }
0x150: {  	[tilespmem:s19+$0xFFFFFFF0] =	vst v0  }
0x151: {  	[tilespmem:s19+$0xFFFFFFE0] =	vst v0  }
0x152: {  	[tilespmem:s19+$0xFFFFFFD0] =	vst v0;
	s10 =	simm.s32 $0x800  }
0x153: {  	[tilespmem:s15], [sflag:$0x1] =	stream.indirect.gather.add.f32 [spmem:s1], $0x80, s10, s8, $0xb8;
	[tilespmem:$0x1E880] =	vst v63  }
0x154: {  	s21 =	simm.s32 $0x880  }
0x155: {  	[tilespmem:s15], [sflag:$0x1] =	stream.indirect.gather.add.f32 [spmem:s1], $0x80, s21, s8, $0xb8;
	[tilespmem:$0x1E880] =	vst v63  }
0x156: {  	s19 =	simm.s32 $0x900  }
0x157: {  	[tilespmem:s15], [sflag:$0x1] =	stream.indirect.gather.add.f32 [spmem:s1], $0x80, s19, s8, $0xb8;
	[tilespmem:$0x1E880] =	vst v63  }
0x158: {  	s21 =	simm.s32 $0x980  }
0x159: {  	[tilespmem:s15], [sflag:$0x1] =	stream.indirect.gather.add.f32 [spmem:s1], $0x80, s21, s8, $0xb8;
	[tilespmem:$0x1E880] =	vst v63  }
0x15a: {  	s19 =	simm.s32 $0xA00  }
0x15b: {  	[tilespmem:s15], [sflag:$0x1] =	stream.indirect.gather.add.f32 [spmem:s1], $0x80, s19, s8, $0xb8;
	[tilespmem:$0x1E880] =	vst v63  }
0x15c: {  	s21 =	simm.s32 $0xA80  }
0x15d: {  	[tilespmem:s15], [sflag:$0x1] =	stream.indirect.gather.add.f32 [spmem:s1], $0x80, s21, s8, $0xb8;
	[tilespmem:$0x1E880] =	vst v63  }
0x15e: {  	s19 =	simm.s32 $0xB00  }
0x15f: {  	[tilespmem:s15], [sflag:$0x1] =	stream.indirect.gather.add.f32 [spmem:s1], $0x80, s19, s8, $0xb8;
	[tilespmem:$0x1E880] =	vst v63  }
0x160: {  	s21 =	simm.s32 $0xB80  }
0x161: {  	[tilespmem:s15], [sflag:$0x1] =	stream.indirect.gather.add.f32 [spmem:s1], $0x80, s21, s8, $0xb8;
	[tilespmem:$0x1E880] =	vst v63  }
0x162: {  	_ = 	snop  }
0x163: {  	[tilespmem:s15], [sflag:$0x1] =	stream.indirect.gather.add.f32 [spmem:s1], $0x80, s25, s8, $0xb8;
	[tilespmem:$0x1E880] =	vst v63  }
0x164: {  	s19 =	simm.s32 $0x1480  }
0x165: {  	[tilespmem:s15], [sflag:$0x1] =	stream.indirect.gather.add.f32 [spmem:s1], $0x80, s19, s8, $0xb8;
	[tilespmem:$0x1E880] =	vst v63  }
0x166: {  	s21 =	simm.s32 $0x1500  }
0x167: {  	[tilespmem:s15], [sflag:$0x1] =	stream.indirect.gather.add.f32 [spmem:s1], $0x80, s21, s8, $0xb8;
	[tilespmem:$0x1E880] =	vst v63  }
0x168: {  	s19 =	simm.s32 $0x1580  }
0x169: {  	[tilespmem:s15], [sflag:$0x1] =	stream.indirect.gather.add.f32 [spmem:s1], $0x80, s19, s8, $0xb8;
	[tilespmem:$0x1E880] =	vst v63  }
0x16a: {  	s21 =	simm.s32 $0x1600  }
0x16b: {  	[tilespmem:s15], [sflag:$0x1] =	stream.indirect.gather.add.f32 [spmem:s1], $0x80, s21, s8, $0xb8;
	[tilespmem:$0x1E880] =	vst v63  }
0x16c: {  	s19 =	simm.s32 $0x1680  }
0x16d: {  	[tilespmem:s15], [sflag:$0x1] =	stream.indirect.gather.add.f32 [spmem:s1], $0x80, s19, s8, $0xb8;
	[tilespmem:$0x1E880] =	vst v63  }
0x16e: {  	s21 =	simm.s32 $0x1700  }
0x16f: {  	[tilespmem:s15], [sflag:$0x1] =	stream.indirect.gather.add.f32 [spmem:s1], $0x80, s21, s8, $0xb8;
	[tilespmem:$0x1E880] =	vst v63  }
0x170: {  	s19 =	simm.s32 $0x1780  }
0x171: {  	[tilespmem:s15], [sflag:$0x1] =	stream.indirect.gather.add.f32 [spmem:s1], $0x80, s19, s8, $0xb8;
	[tilespmem:$0x1E880] =	vst v63  }
0x172: {  	_ = 	snop  }
0x173: {  	[tilespmem:s15], [sflag:$0x1] =	stream.indirect.gather.add.f32 [spmem:s1], $0x80, s29, s8, $0xb8;
	[tilespmem:$0x1E880] =	vst v63  }
0x174: {  	s21 =	simm.s32 $0x2080  }
0x175: {  	[tilespmem:s15], [sflag:$0x1] =	stream.indirect.gather.add.f32 [spmem:s1], $0x80, s21, s8, $0xb8;
	[tilespmem:$0x1E880] =	vst v63  }
0x176: {  	s19 =	simm.s32 $0x2100  }
0x177: {  	[tilespmem:s15], [sflag:$0x1] =	stream.indirect.gather.add.f32 [spmem:s1], $0x80, s19, s8, $0xb8;
	[tilespmem:$0x1E880] =	vst v63  }
0x178: {  	s21 =	simm.s32 $0x2180  }
0x179: {  	[tilespmem:s15], [sflag:$0x1] =	stream.indirect.gather.add.f32 [spmem:s1], $0x80, s21, s8, $0xb8;
	[tilespmem:$0x1E880] =	vst v63  }
0x17a: {  	s19 =	simm.s32 $0x2200  }
0x17b: {  	[tilespmem:s15], [sflag:$0x1] =	stream.indirect.gather.add.f32 [spmem:s1], $0x80, s19, s8, $0xb8;
	[tilespmem:$0x1E880] =	vst v63  }
0x17c: {  	s21 =	simm.s32 $0x2280  }
0x17d: {  	[tilespmem:s15], [sflag:$0x1] =	stream.indirect.gather.add.f32 [spmem:s1], $0x80, s21, s8, $0xb8;
	[tilespmem:$0x1E880] =	vst v63  }
0x17e: {  	s19 =	simm.s32 $0x2300  }
0x17f: {  	[tilespmem:s15], [sflag:$0x1] =	stream.indirect.gather.add.f32 [spmem:s1], $0x80, s19, s8, $0xb8;
	[tilespmem:$0x1E880] =	vst v63  }
0x180: {  	s21 =	simm.s32 $0x2380  }
0x181: {  	[tilespmem:s15], [sflag:$0x1] =	stream.indirect.gather.add.f32 [spmem:s1], $0x80, s21, s8, $0xb8;
	[tilespmem:$0x1E880] =	vst v63  }
0x182: {  	_ = 	snop  }
0x183: {  	[tilespmem:s15], [sflag:$0x1] =	stream.indirect.gather.add.f32 [spmem:s1], $0x80, s0, s8, $0xb8;
	[tilespmem:$0x1E880] =	vst v63  }
0x184: {  	s19 =	simm.s32 $0x2C80  }
0x185: {  	[tilespmem:s15], [sflag:$0x1] =	stream.indirect.gather.add.f32 [spmem:s1], $0x80, s19, s8, $0xb8;
	[tilespmem:$0x1E880] =	vst v63  }
0x186: {  	s21 =	simm.s32 $0x2D00  }
0x187: {  	[tilespmem:s15], [sflag:$0x1] =	stream.indirect.gather.add.f32 [spmem:s1], $0x80, s21, s8, $0xb8;
	[tilespmem:$0x1E880] =	vst v63  }
0x188: {  	s19 =	simm.s32 $0x2D80  }
0x189: {  	[tilespmem:s15], [sflag:$0x1] =	stream.indirect.gather.add.f32 [spmem:s1], $0x80, s19, s8, $0xb8;
	[tilespmem:$0x1E880] =	vst v63  }
0x18a: {  	s21 =	simm.s32 $0x2E00  }
0x18b: {  	[tilespmem:s15], [sflag:$0x1] =	stream.indirect.gather.add.f32 [spmem:s1], $0x80, s21, s8, $0xb8;
	[tilespmem:$0x1E880] =	vst v63  }
0x18c: {  	s19 =	simm.s32 $0x2E80  }
0x18d: {  	[tilespmem:s15], [sflag:$0x1] =	stream.indirect.gather.add.f32 [spmem:s1], $0x80, s19, s8, $0xb8;
	[tilespmem:$0x1E880] =	vst v63  }
0x18e: {  	s21 =	simm.s32 $0x2F00  }
0x18f: {  	[tilespmem:s15], [sflag:$0x1] =	stream.indirect.gather.add.f32 [spmem:s1], $0x80, s21, s8, $0xb8;
	[tilespmem:$0x1E880] =	vst v63  }
0x190: {  	s19 =	simm.s32 $0x2F80  }
0x191: {  	[tilespmem:s15], [sflag:$0x1] =	stream.indirect.gather.add.f32 [spmem:s1], $0x80, s19, s8, $0xb8;
	[tilespmem:$0x1E880] =	vst v63  }
0x192: {  	_ =	swait.ge [sflag:s17], $0x4000  }
0x193: {  	[sflag:s17] =	ssyncset.done $0x0  }
0x194: {  	[sflag:s17] =	ssyncadd.s32 $0xFFFFC000  }
0x195: {  	_ =	swait.ge [sflag:s17], $0x4000  }
0x196: {  	[sflag:s17] =	ssyncset.done $0x0  }
0x197: {  	[sflag:s17] =	ssyncadd.s32 $0xFFFFC000  }
0x198: {  	_ =	swait.ge [sflag:s17], $0x4000  }
0x199: {  	[sflag:s17] =	ssyncset.done $0x0  }
0x19a: {  	[sflag:s17] =	ssyncadd.s32 $0xFFFFC000  }
0x19b: {  	_ =	swait.ge [sflag:s17], $0x4000  }
0x19c: {  	[sflag:s17] =	ssyncset.done $0x0  }
0x19d: {  	[sflag:s17] =	ssyncadd.s32 $0xFFFFC000  }
0x19e: {  	_ =	swait.ge [sflag:s17], $0x4000  }
0x19f: {  	[sflag:s17] =	ssyncset.done $0x0  }
0x1a0: {  	[sflag:s17] =	ssyncadd.s32 $0xFFFFC000  }
0x1a1: {  	_ =	swait.ge [sflag:s17], $0x4000  }
0x1a2: {  	[sflag:s17] =	ssyncset.done $0x0  }
0x1a3: {  	[sflag:s17] =	ssyncadd.s32 $0xFFFFC000  }
0x1a4: {  	_ =	swait.ge [sflag:s17], $0x4000  }
0x1a5: {  	[sflag:s17] =	ssyncset.done $0x0  }
0x1a6: {  	[sflag:s17] =	ssyncadd.s32 $0xFFFFC000  }
0x1a7: {  	_ =	swait.ge [sflag:s17], $0x4000  }
0x1a8: {  	[sflag:s17] =	ssyncset.done $0x0  }
0x1a9: {  	[sflag:s17] =	ssyncadd.s32 $0xFFFFC000  }
0x1aa: {  	_ =	swait.ge [sflag:s17], $0x4000  }
0x1ab: {  	[sflag:s17] =	ssyncset.done $0x0  }
0x1ac: {  	[sflag:s17] =	ssyncadd.s32 $0xFFFFC000  }
0x1ad: {  	_ =	swait.ge [sflag:s17], $0x4000  }
0x1ae: {  	[sflag:s17] =	ssyncset.done $0x0  }
0x1af: {  	[sflag:s17] =	ssyncadd.s32 $0xFFFFC000  }
0x1b0: {  	_ =	swait.ge [sflag:s17], $0x4000  }
0x1b1: {  	[sflag:s17] =	ssyncset.done $0x0  }
0x1b2: {  	[sflag:s17] =	ssyncadd.s32 $0xFFFFC000  }
0x1b3: {  	_ =	swait.ge [sflag:s17], $0x4000  }
0x1b4: {  	[sflag:s17] =	ssyncset.done $0x0  }
0x1b5: {  	[sflag:s17] =	ssyncadd.s32 $0xFFFFC000  }
0x1b6: {  	_ =	swait.ge [sflag:s17], $0x4000  }
0x1b7: {  	[sflag:s17] =	ssyncset.done $0x0  }
0x1b8: {  	[sflag:s17] =	ssyncadd.s32 $0xFFFFC000  }
0x1b9: {  	_ =	swait.ge [sflag:s17], $0x4000  }
0x1ba: {  	[sflag:s17] =	ssyncset.done $0x0  }
0x1bb: {  	[sflag:s17] =	ssyncadd.s32 $0xFFFFC000  }
0x1bc: {  	_ =	swait.ge [sflag:s17], $0x4000  }
0x1bd: {  	[sflag:s17] =	ssyncset.done $0x0  }
0x1be: {  	[sflag:s17] =	ssyncadd.s32 $0xFFFFC000  }
0x1bf: {  	_ =	swait.ge [sflag:s17], $0x4000  }
0x1c0: {  	[sflag:s17] =	ssyncset.done $0x0  }
0x1c1: {  	[sflag:s17] =	ssyncadd.s32 $0xFFFFC000  }
0x1c2: {  	_ =	swait.ge [sflag:s17], $0x4000  }
0x1c3: {  	[sflag:s17] =	ssyncset.done $0x0  }
0x1c4: {  	[sflag:s17] =	ssyncadd.s32 $0xFFFFC000  }
0x1c5: {  	_ =	swait.ge [sflag:s17], $0x4000  }
0x1c6: {  	[sflag:s17] =	ssyncset.done $0x0  }
0x1c7: {  	[sflag:s17] =	ssyncadd.s32 $0xFFFFC000  }
0x1c8: {  	_ =	swait.ge [sflag:s17], $0x4000  }
0x1c9: {  	[sflag:s17] =	ssyncset.done $0x0  }
0x1ca: {  	[sflag:s17] =	ssyncadd.s32 $0xFFFFC000  }
0x1cb: {  	_ =	swait.ge [sflag:s17], $0x4000  }
0x1cc: {  	[sflag:s17] =	ssyncset.done $0x0  }
0x1cd: {  	[sflag:s17] =	ssyncadd.s32 $0xFFFFC000  }
0x1ce: {  	_ =	swait.ge [sflag:s17], $0x4000  }
0x1cf: {  	[sflag:s17] =	ssyncset.done $0x0  }
0x1d0: {  	[sflag:s17] =	ssyncadd.s32 $0xFFFFC000  }
0x1d1: {  	_ =	swait.ge [sflag:s17], $0x4000  }
0x1d2: {  	[sflag:s17] =	ssyncset.done $0x0  }
0x1d3: {  	[sflag:s17] =	ssyncadd.s32 $0xFFFFC000  }
0x1d4: {  	_ =	swait.ge [sflag:s17], $0x4000  }
0x1d5: {  	[sflag:s17] =	ssyncset.done $0x0  }
0x1d6: {  	[sflag:s17] =	ssyncadd.s32 $0xFFFFC000  }
0x1d7: {  	_ =	swait.ge [sflag:s17], $0x4000  }
0x1d8: {  	[sflag:s17] =	ssyncset.done $0x0  }
0x1d9: {  	[sflag:s17] =	ssyncadd.s32 $0xFFFFC000  }
0x1da: {  	_ =	swait.ge [sflag:s17], $0x4000  }
0x1db: {  	[sflag:s17] =	ssyncset.done $0x0  }
0x1dc: {  	[sflag:s17] =	ssyncadd.s32 $0xFFFFC000  }
0x1dd: {  	_ =	swait.ge [sflag:s17], $0x4000  }
0x1de: {  	[sflag:s17] =	ssyncset.done $0x0  }
0x1df: {  	[sflag:s17] =	ssyncadd.s32 $0xFFFFC000  }
0x1e0: {  	_ =	swait.ge [sflag:s17], $0x4000  }
0x1e1: {  	[sflag:s17] =	ssyncset.done $0x0  }
0x1e2: {  	[sflag:s17] =	ssyncadd.s32 $0xFFFFC000  }
0x1e3: {  	_ =	swait.ge [sflag:s17], $0x4000  }
0x1e4: {  	[sflag:s17] =	ssyncset.done $0x0  }
0x1e5: {  	[sflag:s17] =	ssyncadd.s32 $0xFFFFC000  }
0x1e6: {  	_ =	swait.ge [sflag:s17], $0x4000  }
0x1e7: {  	[sflag:s17] =	ssyncset.done $0x0  }
0x1e8: {  	[sflag:s17] =	ssyncadd.s32 $0xFFFFC000  }
0x1e9: {  	_ =	swait.ge [sflag:s17], $0x4000  }
0x1ea: {  	[sflag:s17] =	ssyncset.done $0x0  }
0x1eb: {  	[sflag:s17] =	ssyncadd.s32 $0xFFFFC000  }
0x1ec: {  	_ =	swait.ge [sflag:s17], $0x4000  }
0x1ed: {  	[sflag:s17] =	ssyncset.done $0x0  }
0x1ee: {  	[sflag:s17] =	ssyncadd.s32 $0xFFFFC000  }
0x1ef: {  	_ =	swait.ge [sflag:s17], $0x4000  }
0x1f0: {  	[sflag:s17] =	ssyncset.done $0x0  }
0x1f1: {  	s21 =	rddreg [dreg:$0x8];
	[sflag:s17] =	ssyncadd.s32 $0xFFFFC000  }
0x1f2: {  	[hbm4b:s21+s2] =	stream.linear.scatter [tilespmem:s4], [sflag:$0x3], $0x4000, $0x38;
	[tilespmem:$0x1E880] =	vst v63  }
0x1f3: {  	_ =	swait.ge [sflag:s5], $0x2000  }
0x1f4: {  	[sflag:s5] =	ssyncset.done $0x0  }
0x1f5: {  	[sflag:s5] =	ssyncadd.s32 $0xFFFFE000  }
0x1f6: {  	_ =	swait.ge [sflag:s5], $0x2000  }
0x1f7: {  	[sflag:s5] =	ssyncset.done $0x0  }
0x1f8: {  	[sflag:s5] =	ssyncadd.s32 $0xFFFFE000  }
0x1f9: {  	_ =	swait.ge [sflag:s5], $0x2000  }
0x1fa: {  	[sflag:s5] =	ssyncset.done $0x0  }
0x1fb: {  	[sflag:s5] =	ssyncadd.s32 $0xFFFFE000  }
0x1fc: {  	_ =	swait.ge [sflag:s5], $0x2000  }
0x1fd: {  	[sflag:s5] =	ssyncset.done $0x0  }
0x1fe: {  	[sflag:s5] =	ssyncadd.s32 $0xFFFFE000  }
0x1ff: {  	_ =	swait.ge [sflag:s5], $0x2000  }
0x200: {  	[sflag:s5] =	ssyncset.done $0x0  }
0x201: {  	[sflag:s5] =	ssyncadd.s32 $0xFFFFE000  }
0x202: {  	_ =	swait.ge [sflag:s5], $0x2000  }
0x203: {  	[sflag:s5] =	ssyncset.done $0x0  }
0x204: {  	[sflag:s5] =	ssyncadd.s32 $0xFFFFE000  }
0x205: {  	_ =	swait.ge [sflag:s5], $0x2000  }
0x206: {  	[sflag:s5] =	ssyncset.done $0x0  }
0x207: {  	[sflag:s5] =	ssyncadd.s32 $0xFFFFE000  }
0x208: {  	_ =	swait.ge [sflag:s5], $0x2000  }
0x209: {  	[sflag:s5] =	ssyncset.done $0x0  }
0x20a: {  	[sflag:s5] =	ssyncadd.s32 $0xFFFFE000  }
0x20b: {  	_ =	swait.ge [sflag:s5], $0x2000  }
0x20c: {  	[sflag:s5] =	ssyncset.done $0x0  }
0x20d: {  	[sflag:s5] =	ssyncadd.s32 $0xFFFFE000  }
0x20e: {  	_ =	swait.ge [sflag:s5], $0x2000  }
0x20f: {  	[sflag:s5] =	ssyncset.done $0x0  }
0x210: {  	[sflag:s5] =	ssyncadd.s32 $0xFFFFE000  }
0x211: {  	_ =	swait.ge [sflag:s5], $0x2000  }
0x212: {  	[sflag:s5] =	ssyncset.done $0x0  }
0x213: {  	[sflag:s5] =	ssyncadd.s32 $0xFFFFE000  }
0x214: {  	_ =	swait.ge [sflag:s5], $0x2000  }
0x215: {  	[sflag:s5] =	ssyncset.done $0x0  }
0x216: {  	[sflag:s5] =	ssyncadd.s32 $0xFFFFE000  }
0x217: {  	_ =	swait.ge [sflag:s5], $0x2000  }
0x218: {  	[sflag:s5] =	ssyncset.done $0x0  }
0x219: {  	[sflag:s5] =	ssyncadd.s32 $0xFFFFE000  }
0x21a: {  	_ =	swait.ge [sflag:s5], $0x2000  }
0x21b: {  	[sflag:s5] =	ssyncset.done $0x0  }
0x21c: {  	[sflag:s5] =	ssyncadd.s32 $0xFFFFE000  }
0x21d: {  	_ =	swait.ge [sflag:s5], $0x2000  }
0x21e: {  	[sflag:s5] =	ssyncset.done $0x0  }
0x21f: {  	[sflag:s5] =	ssyncadd.s32 $0xFFFFE000  }
0x220: {  	_ =	swait.ge [sflag:s5], $0x2000  }
0x221: {  	[sflag:s5] =	ssyncset.done $0x0  }
0x222: {  	[sflag:s5] =	ssyncadd.s32 $0xFFFFE000  }
0x223: {  	_ =	swait.ge [sflag:s5], $0x2000  }
0x224: {  	[sflag:s5] =	ssyncset.done $0x0  }
0x225: {  	[sflag:s5] =	ssyncadd.s32 $0xFFFFE000  }
0x226: {  	_ =	swait.ge [sflag:s5], $0x2000  }
0x227: {  	[sflag:s5] =	ssyncset.done $0x0  }
0x228: {  	[sflag:s5] =	ssyncadd.s32 $0xFFFFE000  }
0x229: {  	_ =	swait.ge [sflag:s5], $0x2000  }
0x22a: {  	[sflag:s5] =	ssyncset.done $0x0  }
0x22b: {  	[sflag:s5] =	ssyncadd.s32 $0xFFFFE000  }
0x22c: {  	_ =	swait.ge [sflag:s5], $0x2000  }
0x22d: {  	[sflag:s5] =	ssyncset.done $0x0  }
0x22e: {  	[sflag:s5] =	ssyncadd.s32 $0xFFFFE000  }
0x22f: {  	_ =	swait.ge [sflag:s5], $0x2000  }
0x230: {  	[sflag:s5] =	ssyncset.done $0x0  }
0x231: {  	[sflag:s5] =	ssyncadd.s32 $0xFFFFE000  }
0x232: {  	_ =	swait.ge [sflag:s5], $0x2000  }
0x233: {  	[sflag:s5] =	ssyncset.done $0x0  }
0x234: {  	[sflag:s5] =	ssyncadd.s32 $0xFFFFE000  }
0x235: {  	_ =	swait.ge [sflag:s5], $0x2000  }
0x236: {  	[sflag:s5] =	ssyncset.done $0x0  }
0x237: {  	[sflag:s5] =	ssyncadd.s32 $0xFFFFE000  }
0x238: {  	_ =	swait.ge [sflag:s5], $0x2000  }
0x239: {  	[sflag:s5] =	ssyncset.done $0x0  }
0x23a: {  	[sflag:s5] =	ssyncadd.s32 $0xFFFFE000  }
0x23b: {  	_ =	swait.ge [sflag:s5], $0x2000  }
0x23c: {  	[sflag:s5] =	ssyncset.done $0x0  }
0x23d: {  	[sflag:s5] =	ssyncadd.s32 $0xFFFFE000  }
0x23e: {  	_ =	swait.ge [sflag:s5], $0x2000  }
0x23f: {  	[sflag:s5] =	ssyncset.done $0x0  }
0x240: {  	[sflag:s5] =	ssyncadd.s32 $0xFFFFE000  }
0x241: {  	_ =	swait.ge [sflag:s5], $0x2000  }
0x242: {  	[sflag:s5] =	ssyncset.done $0x0  }
0x243: {  	[sflag:s5] =	ssyncadd.s32 $0xFFFFE000  }
0x244: {  	_ =	swait.ge [sflag:s5], $0x2000  }
0x245: {  	[sflag:s5] =	ssyncset.done $0x0  }
0x246: {  	[sflag:s5] =	ssyncadd.s32 $0xFFFFE000  }
0x247: {  	_ =	swait.ge [sflag:s5], $0x2000  }
0x248: {  	[sflag:s5] =	ssyncset.done $0x0  }
0x249: {  	[sflag:s5] =	ssyncadd.s32 $0xFFFFE000  }
0x24a: {  	_ =	swait.ge [sflag:s5], $0x2000  }
0x24b: {  	[sflag:s5] =	ssyncset.done $0x0  }
0x24c: {  	[sflag:s5] =	ssyncadd.s32 $0xFFFFE000  }
0x24d: {  	_ =	swait.ge [sflag:s5], $0x2000  }
0x24e: {  	[sflag:s5] =	ssyncset.done $0x0  }
0x24f: {  	[sflag:s5] =	ssyncadd.s32 $0xFFFFE000  }
0x250: {  	_ =	swait.ge [sflag:s5], $0x2000  }
0x251: {  	[sflag:s5] =	ssyncset.done $0x0  }
0x252: {  	s19 =	rddreg [dreg:$0x9];
	[sflag:s5] =	ssyncadd.s32 $0xFFFFE000  }
0x253: {  	[hbm4b:s19+s2] =	stream.linear.scatter [tilespmem:s15], [sflag:$0x3], $0x2000, $0x38;
	[tilespmem:$0x1E880] =	vst v63  }
0x254: {  	_ =	swait.ge [sflag:s7], $0x4000  }
0x255: {  	[sflag:s7] =	ssyncset.done $0x0  }
0x256: {  	[sflag:s7] =	ssyncadd.s32 $0xFFFFC000  }
0x257: {  	_ =	swait.ge [sflag:s7], $0x2000  }
0x258: {  	s9 =	sadd.s32 $0x1, s9;
	s21 =	rddreg [dreg:$0xa]  }
0x259: {  	p1 =	sne.s32 s9, s21  }
.Ltmp3:
0x25a: {  	_ = 	snop;
	(pc) =	sbr.rel @p1 .LBB2_1-.Ltmp3, $3  }
0x25b: {  	_ =	sdelay $0x1  }
0x25c: {  	[sflag:s7] =	ssyncset.done $0x0  }
0x25d: {  	[sflag:s7] =	ssyncadd.s32 $0xFFFFE000  }
0x25e: {  	_ =	sfence.sel $0x180000  }
0x25f: {  	[bflag:$0x0] =	sbarrier.arrive $0xFFFF  }
0x260: {  	_ =	strace $0x90000047  }
0x261: {  	s0 =	stileid.u32;
	[bflag:$0x2] =	sbarrier.arrive $0xFFFF  }
0x262: {  	p0 =	sne.s32 s0, $0x0;
	s0 =	rddreg [dreg:$0x4]  }
0x263: {  	s0 =	sadd.s32 @!p0 $0x100000, s0  }
0x264: {  	[sflag:s0] =	ssyncadd.tile.s32 @!p0 $0x1;
	_ =	shalt  }
.Lfunc_end2:
_tile_overlayer_lowered:
.L_overlay_start_2:
0x265: {  	(tag) =	ssettag $0x2  }
0x266: {  	s0 =	rddreg [dreg:$0x0];
	s2 =	stileid.u32  }
0x267: {  	s1 =	rddreg [dreg:$0x1];
	p0 =	sne.s32 s2, $0x0  }
0x268: {  	s3 =	rddreg [dreg:$0x2];
	[bflag:$0x3] =	sbarrier.arrive $0xFFFF;
	s2 =	simm.s32 @!p0 $0x1C04  }
0x269: {  	[timem:s3], [sflag:s2] =	dma.local @!p0 [hbm:s0], s1  }
0x26a: {  	s0 =	simm.s32 @!p0 $0x4  }
0x26b: {  	_ =	swait.ge @!p0 [sflag:s0], s1  }
0x26c: {  	s1 =	ssub.s32 @!p0 $0x0, s1;
	[sflag:s0] =	ssyncset.done @!p0 $0x0  }
0x26d: {  	[sflag:s0] =	ssyncadd.s32 @!p0 s1  }
0x26e: {  	[bflag:$0x3] =	sbarrier.arrive $0xFFFF  }
0x26f: {  	_ =	shalt  }

</sc_bundles>
